<compile_context>
chip_gen: v7x
topology: tpu7x:2x2x1
jax: 0.10.2.dev20260603
libtpu: 0.0.44.dev20260713+nightly
codegen_flags: <defaults>
</compile_context>

<pallas_src>
import functools

import jax
import jax.numpy as jnp
from jax import lax
from jax.experimental import pallas as pl
from jax.experimental.pallas import tpu as pltpu
from jax.experimental.pallas import tpu_sc as plsc

H = 32
NUM_SPATIAL = 512
EW_PAD = 1032
D = 4
T_ROWS = NUM_SPATIAL + D * EW_PAD
B, N = 16, 128
POS = B * N * N
ROWS = POS // N
NW = 32
ROWS_PER_W = ROWS // NW


def _prep_body(sw_ref, ew_ref, w4_ref, t_ref):
    sw_rows = lax.broadcasted_iota(jnp.int32, (NUM_SPATIAL, H), 0)
    sw0 = jnp.where(sw_rows == 0, 0.0, sw_ref[...])
    ew_rows = lax.broadcasted_iota(jnp.int32, (EW_PAD, H), 0)
    ew0 = jnp.where(ew_rows == 0, 0.0, ew_ref[...])
    t_ref[0:NUM_SPATIAL, :] = sw0
    for d in range(D):
        em = jnp.dot(ew0, w4_ref[d], preferred_element_type=jnp.float32)
        t_ref[NUM_SPATIAL + d * EW_PAD:NUM_SPATIAL + (d + 1) * EW_PAD, :] = em


def _build_table(spatial_w, ew_pad, w4):
    return pl.pallas_call(
        _prep_body,
        out_shape=jax.ShapeDtypeStruct((T_ROWS, H), jnp.float32),
    )(spatial_w, ew_pad, w4)


def _sc_body(t_hbm, sp_hbm, ei_hbm, out_hbm,
             spi0, spi1, ei0, ei1, srow0, srow1, erow0, erow1,
             inv0, inv1, outv0, outv1, sg0, sg1, so0, so1):
    wid = lax.axis_index("c") * 16 + lax.axis_index("s")
    base = wid * ROWS_PER_W
    spi_v, ei_v = (spi0, spi1), (ei0, ei1)
    srow_v, erow_v = (srow0, srow1), (erow0, erow1)
    inv_v, out_v = (inv0, inv1), (outv0, outv1)
    sg, so = (sg0, sg1), (so0, so1)

    def stage(b, r):
        pltpu.sync_copy(sp_hbm.at[r], spi_v[b])
        pltpu.sync_copy(ei_hbm.at[pl.ds(r * 4, 4)], ei_v[b])
        for t in range(8):
            sl = pl.ds(t * 16, 16)
            sp = spi_v[b][sl]
            sp = jnp.where(sp == 0, 1, sp)
            sp = jnp.where(sp > 1, sp - 1, sp)
            inv_v[b][sl] = 1.0 / (sp.astype(jnp.float32) + 1e-9)
        pltpu.async_copy(t_hbm.at[spi_v[b]], srow_v[b], sg[b])
        for j in range(4):
            pltpu.async_copy(
                t_hbm.at[ei_v[b].at[j]], erow_v[b].at[pl.ds(j * N, N)], sg[b])

    def wait_gathers(b):
        pltpu.make_async_copy(t_hbm.at[spi_v[b]], srow_v[b], sg[b]).wait()
        for j in range(4):
            pltpu.make_async_copy(
                t_hbm.at[ei_v[b].at[j]], erow_v[b].at[pl.ds(j * N, N)],
                sg[b]).wait()

    def combine(b):
        def group(g, carry):
            p0 = g * 16
            invg = inv_v[b][pl.ds(p0, 16)]
            for l in range(16):
                p = p0 + l
                iv = invg[l]
                q = 4 * p
                for h2 in range(2):
                    sl = pl.ds(h2 * 16, 16)
                    acc = (erow_v[b][q, sl] + erow_v[b][q + 1, sl]) + (
                        erow_v[b][q + 2, sl] + erow_v[b][q + 3, sl])
                    out_v[b][p, sl] = srow_v[b][p, sl] + acc * iv
            return carry

        lax.fori_loop(0, N // 16, group, 0)

    def fire_out(b, r):
        pltpu.async_copy(out_v[b], out_hbm.at[r], so[b])

    def wait_out(b, r):
        pltpu.make_async_copy(out_v[b], out_hbm.at[r], so[b]).wait()

    stage(0, base)

    def body(k, carry):
        r0 = base + 2 * k
        r1 = r0 + 1
        stage(1, r1)
        wait_gathers(0)

        @pl.when(k > 0)
        def _():
            wait_out(0, r0)

        combine(0)
        fire_out(0, r0)

        @pl.when(k < ROWS_PER_W // 2 - 1)
        def _():
            stage(0, r0 + 2)

        wait_gathers(1)

        @pl.when(k > 0)
        def _():
            wait_out(1, r1)

        combine(1)
        fire_out(1, r1)
        return carry

    lax.fori_loop(0, ROWS_PER_W // 2, body, 0)
    wait_out(0, base)
    wait_out(1, base)


def _sc_gather_combine(table, sp_flat, ei_flat):
    mesh = plsc.VectorSubcoreMesh(core_axis_name="c", subcore_axis_name="s")
    f = functools.partial(
        pl.kernel,
        mesh=mesh,
        compiler_params=pltpu.CompilerParams(use_tc_tiling_on_sc=False),
        out_type=jax.ShapeDtypeStruct((ROWS, N, H), jnp.float32),
        scratch_types=(
            [pltpu.VMEM((N,), jnp.int32)] * 2
            + [pltpu.VMEM((4, N), jnp.int32)] * 2
            + [pltpu.VMEM((N, H), jnp.float32)] * 2
            + [pltpu.VMEM((4 * N, H), jnp.float32)] * 2
            + [pltpu.VMEM((N,), jnp.float32)] * 2
            + [pltpu.VMEM((N, H), jnp.float32)] * 2
            + [pltpu.SemaphoreType.DMA] * 4
        ),
    )(_sc_body)
    return f(table, sp_flat, ei_flat)


def _assemble_body(core_ref, tok_ref, out_ref):
    i = pl.program_id(1)
    t_col = tok_ref[...].reshape(H, 1)
    xt = jnp.transpose(core_ref[0])
    out_ref[0, :, i + 1, :] = jnp.concatenate([t_col, xt], axis=1)

    @pl.when(i == 0)
    def _():
        cols = lax.broadcasted_iota(jnp.int32, (H, N + 1), 1)
        out_ref[0, :, 0, :] = jnp.where(
            cols == 0, 0.0, jnp.broadcast_to(t_col, (H, N + 1)))


def _assemble(core, tok):
    return pl.pallas_call(
        _assemble_body,
        grid=(B, N),
        in_specs=[
            pl.BlockSpec((1, N, H), lambda b, i: (b * N + i, 0, 0)),
            pl.BlockSpec((1, H), lambda b, i: (0, 0)),
        ],
        out_specs=pl.BlockSpec(
            (1, H, N + 1, N + 1), lambda b, i: (b, 0, 0, 0)),
        out_shape=jax.ShapeDtypeStruct((B, H, N + 1, N + 1), jnp.float32),
    )(core, tok)


def kernel(spatial_pos, edge_input, spatial_w, edge_w, edge_dis_w, graph_token):
    ew_pad = jnp.pad(edge_w, ((0, EW_PAD - edge_w.shape[0]), (0, 0)))
    w4 = edge_dis_w.reshape(-1, H, H)[:D]
    table = _build_table(spatial_w, ew_pad, w4)

    sp_flat = spatial_pos.astype(jnp.int32).reshape(ROWS, N)
    d_offs = NUM_SPATIAL + (jnp.arange(N, dtype=jnp.int32) % 4) * EW_PAD
    ei_flat = edge_input.astype(jnp.int32).reshape(ROWS * 4, N) + d_offs[None, :]

    core = _sc_gather_combine(table, sp_flat, ei_flat)

    return _assemble(core, graph_token.reshape(1, H))

# --- scband reference (transcript-rebuilt; emitter-appended) ---
"""Pipeline reference for scband-bias-encoder-42064909697835 (READ-ONLY COPY).

The authoritative reference and input builder live on the scoring server;
editing this copy changes nothing except your own understanding.
"""

import jax, jax.numpy as jnp
import numpy as np

H = 32
NUM_SPATIAL = 512
NUM_EDGE = 1024
MULTI_HOP_MAX_DIST = 4
NUM_EDGE_DIS = 128
B, N, D, K = 16, 128, 4, 1


def setup_inputs(seed: int = 0) -> dict:
    key = jax.random.key(seed)
    ks = jax.random.split(key, 6)
    spatial_pos = jax.random.randint(ks[0], (B, N, N), 0, NUM_SPATIAL)
    edge_input = jax.random.randint(ks[1], (B, N, N, D, K), 0, NUM_EDGE + 1)
    spatial_w = jax.random.normal(ks[2], (NUM_SPATIAL, H), dtype=jnp.float32) * 0.02
    edge_w = jax.random.normal(ks[3], (NUM_EDGE + 1, H), dtype=jnp.float32) * 0.02
    edge_dis_w = jax.random.normal(ks[4], (NUM_EDGE_DIS * H * H, 1), dtype=jnp.float32) * 0.02
    graph_token = jax.random.normal(ks[5], (1, H, 1), dtype=jnp.float32) * 0.02
    return {
        "spatial_pos": spatial_pos,
        "edge_input": edge_input,
        "spatial_w": spatial_w,
        "edge_w": edge_w,
        "edge_dis_w": edge_dis_w,
        "graph_token": graph_token,
    }


def reference(spatial_pos, edge_input, spatial_w, edge_w, edge_dis_w, graph_token):
    # padding_idx=0 semantics: row 0 is zero
    sw = spatial_w.at[0].set(0.0)
    ew = edge_w.at[0].set(0.0)

    # spatial bias: embedding gather [B,N,N] -> [B,N,N,H] -> [B,H,N,N]
    bias = jnp.transpose(jnp.take(sw, spatial_pos, axis=0), (0, 3, 1, 2))

    # multi_hop edge bias
    sp = jnp.where(spatial_pos == 0, 1, spatial_pos)
    sp = jnp.where(sp > 1, sp - 1, sp)
    ein = edge_input
    if MULTI_HOP_MAX_DIST > 0 and ein.shape[-2] > MULTI_HOP_MAX_DIST:
        ein = ein[:, :, :, :MULTI_HOP_MAX_DIST, :]
        sp = jnp.clip(sp, 0, MULTI_HOP_MAX_DIST)
    ein = jnp.clip(ein, 0, None)
    # embedding gather [B,N,N,D,K] -> [B,N,N,D,K,H], mean over K
    e = jnp.take(ew, ein, axis=0).mean(axis=-2)  # [B,N,N,D,H]
    Dd = e.shape[-2]
    e_flat = jnp.transpose(e, (3, 0, 1, 2, 4)).reshape(Dd, -1, H)  # [D, B*N*N, H]
    W = edge_dis_w.reshape(-1, H, H)[:Dd]  # [D, H, H]
    mixed = jnp.matmul(e_flat, W).reshape(Dd, B, N, N, H)
    mixed = jnp.transpose(mixed, (1, 2, 3, 0, 4))  # [B,N,N,D,H]
    edge_bias = mixed.sum(axis=-2) / (sp.astype(jnp.float32)[..., None] + 1e-09)
    edge_bias = jnp.transpose(edge_bias, (0, 3, 1, 2))  # [B,H,N,N]

    bias = bias + edge_bias

    # graph token: pad to [B,H,N+1,N+1] and add token bias on first row/col
    bias = jnp.pad(bias, ((0, 0), (0, 0), (1, 0), (1, 0)))
    t = graph_token.reshape(1, H, 1)
    bias = bias.at[:, :, 1:, 0].add(t)
    bias = bias.at[:, :, 0, 1:].add(t)
    return bias

if __name__ == "__main__":
    import jax
    _d = setup_inputs()
    print(jax.jit(kernel)(*tuple(_d.values())))

</pallas_src>

<mosaic_0001>
#map = affine_map<(d0, d1) -> (0, 0)>
#map1 = affine_map<(d0, d1) -> (0, 0, 0)>
module attributes {stable_mosaic.version = 14 : i64} {
  func.func @_sc_body(%arg0: i32, %arg1: i32, %arg2: memref<4640x32xf32, #tpu.memory_space<hbm>>, %arg3: memref<2048x128xi32, #tpu.memory_space<hbm>>, %arg4: memref<8192x128xi32, #tpu.memory_space<hbm>>, %arg5: memref<2048x128x32xf32, #tpu.memory_space<hbm>>, %arg6: memref<128xi32, #tpu.memory_space<vmem>>, %arg7: memref<128xi32, #tpu.memory_space<vmem>>, %arg8: memref<4x128xi32, #tpu.memory_space<vmem>>, %arg9: memref<4x128xi32, #tpu.memory_space<vmem>>, %arg10: memref<128x32xf32, #tpu.memory_space<vmem>>, %arg11: memref<128x32xf32, #tpu.memory_space<vmem>>, %arg12: memref<512x32xf32, #tpu.memory_space<vmem>>, %arg13: memref<512x32xf32, #tpu.memory_space<vmem>>, %arg14: memref<128xf32, #tpu.memory_space<vmem>>, %arg15: memref<128xf32, #tpu.memory_space<vmem>>, %arg16: memref<128x32xf32, #tpu.memory_space<vmem>>, %arg17: memref<128x32xf32, #tpu.memory_space<vmem>>, %arg18: memref<!tpu.dma_semaphore, #tpu.memory_space<semaphore_mem>>, %arg19: memref<!tpu.dma_semaphore, #tpu.memory_space<semaphore_mem>>, %arg20: memref<!tpu.dma_semaphore, #tpu.memory_space<semaphore_mem>>, %arg21: memref<!tpu.dma_semaphore, #tpu.memory_space<semaphore_mem>>) attributes {dimension_semantics = [#tpu.dimension_semantics<core_parallel>, #tpu.dimension_semantics<subcore_parallel>], iteration_bounds = array<i64: 2, 16>, scalar_prefetch = 0 : i64, scratch_operands = 16 : i64, tpu.core_type = #tpu.core_type<sc_vector_subcore>, window_params = [{transform_indices = #map}, {transform_indices = #map}, {transform_indices = #map}, {transform_indices = #map1}]} {
    %mul3A = arith.constant 16 : i32
    %mul3A_0 = arith.muli %arg0, %mul3A : i32
    %add3A = arith.addi %mul3A_0, %arg1 : i32
    %mul3A_1 = arith.constant 64 : i32
    %mul3A_2 = arith.muli %add3A, %mul3A_1 : i32
    "tpu.region"() ({
      %run_scoped3A = tpu.sem_alloc : memref<!tpu.dma_semaphore, #tpu.memory_space<semaphore_mem>>
      %dma_start3A_273 = arith.constant 0 : i32
      %dma_start3A_274 = tpu.memref_slice %arg3[%mul3A_2, %dma_start3A_273] : memref<2048x128xi32, #tpu.memory_space<hbm>> -> memref<1x128xi32, #tpu.memory_space<hbm>>
      %dma_start3A_275 = tpu.memref_squeeze %dma_start3A_274 : memref<1x128xi32, #tpu.memory_space<hbm>> -> memref<128xi32, #tpu.memory_space<hbm>>
      %dma_start3A_276 = arith.constant 0 : i32
      %dma_start3A_277 = tpu.memref_slice %arg3[%mul3A_2, %dma_start3A_276] : memref<2048x128xi32, #tpu.memory_space<hbm>> -> memref<1x128xi32, #tpu.memory_space<hbm>>
      %dma_start3A_278 = tpu.memref_squeeze %dma_start3A_277 : memref<1x128xi32, #tpu.memory_space<hbm>> -> memref<128xi32, #tpu.memory_space<hbm>>
      tpu.enqueue_dma source(%dma_start3A_278 : memref<128xi32, #tpu.memory_space<hbm>>) target(%arg6 : memref<128xi32, #tpu.memory_space<vmem>>) target_semaphore(%run_scoped3A : memref<!tpu.dma_semaphore, #tpu.memory_space<semaphore_mem>>)
      %dma_wait3A_279 = arith.constant 0 : i32
      %dma_wait3A_280 = tpu.memref_slice %arg3[%mul3A_2, %dma_wait3A_279] : memref<2048x128xi32, #tpu.memory_space<hbm>> -> memref<1x128xi32, #tpu.memory_space<hbm>>
      %dma_wait3A_281 = tpu.memref_squeeze %dma_wait3A_280 : memref<1x128xi32, #tpu.memory_space<hbm>> -> memref<128xi32, #tpu.memory_space<hbm>>
      %dma_wait3A_282 = arith.constant 0 : i32
      %dma_wait3A_283 = tpu.memref_slice %arg3[%mul3A_2, %dma_wait3A_282] : memref<2048x128xi32, #tpu.memory_space<hbm>> -> memref<1x128xi32, #tpu.memory_space<hbm>>
      %dma_wait3A_284 = tpu.memref_squeeze %dma_wait3A_283 : memref<1x128xi32, #tpu.memory_space<hbm>> -> memref<128xi32, #tpu.memory_space<hbm>>
      tpu.wait_dma2 semaphore(%run_scoped3A : memref<!tpu.dma_semaphore, #tpu.memory_space<semaphore_mem>>) src(%dma_wait3A_284 : memref<128xi32, #tpu.memory_space<hbm>>) dst(%arg6 : memref<128xi32, #tpu.memory_space<vmem>>)
      tpu.yield
    }) : () -> ()
    %mul3A_3 = arith.constant 4 : i32
    %mul3A_4 = arith.muli %mul3A_2, %mul3A_3 : i32
    "tpu.region"() ({
      %run_scoped3A = tpu.sem_alloc : memref<!tpu.dma_semaphore, #tpu.memory_space<semaphore_mem>>
      %dma_start3A_273 = arith.constant 0 : i32
      %dma_start3A_274 = tpu.memref_slice %arg4[%mul3A_4, %dma_start3A_273] : memref<8192x128xi32, #tpu.memory_space<hbm>> -> memref<4x128xi32, #tpu.memory_space<hbm>>
      %dma_start3A_275 = arith.constant 0 : i32
      %dma_start3A_276 = tpu.memref_slice %arg4[%mul3A_4, %dma_start3A_275] : memref<8192x128xi32, #tpu.memory_space<hbm>> -> memref<4x128xi32, #tpu.memory_space<hbm>>
      tpu.enqueue_dma source(%dma_start3A_276 : memref<4x128xi32, #tpu.memory_space<hbm>>) target(%arg8 : memref<4x128xi32, #tpu.memory_space<vmem>>) target_semaphore(%run_scoped3A : memref<!tpu.dma_semaphore, #tpu.memory_space<semaphore_mem>>)
      %dma_wait3A_277 = arith.constant 0 : i32
      %dma_wait3A_278 = tpu.memref_slice %arg4[%mul3A_4, %dma_wait3A_277] : memref<8192x128xi32, #tpu.memory_space<hbm>> -> memref<4x128xi32, #tpu.memory_space<hbm>>
      %dma_wait3A_279 = arith.constant 0 : i32
      %dma_wait3A_280 = tpu.memref_slice %arg4[%mul3A_4, %dma_wait3A_279] : memref<8192x128xi32, #tpu.memory_space<hbm>> -> memref<4x128xi32, #tpu.memory_space<hbm>>
      tpu.wait_dma2 semaphore(%run_scoped3A : memref<!tpu.dma_semaphore, #tpu.memory_space<semaphore_mem>>) src(%dma_wait3A_280 : memref<4x128xi32, #tpu.memory_space<hbm>>) dst(%arg8 : memref<4x128xi32, #tpu.memory_space<vmem>>)
      tpu.yield
    }) : () -> ()
    %get3A = arith.constant 0 : index
    %get3A_5 = tpu.vector_load %arg6[%get3A] {strides = array<i32>} : memref<128xi32, #tpu.memory_space<vmem>>, vector<16xi32>,
    %get3A_6 = vector.shape_cast %get3A_5 : vector<16xi32> to vector<16xi32>
    %eq3A = arith.constant 0 : i32
    %eq3A_7 = vector.broadcast %eq3A : i32 to vector<16xi32>
    %eq3A_8 = arith.cmpi eq, %get3A_6, %eq3A_7 : vector<16xi32>
    %jit3A = arith.constant 1 : i32
    %broadcast_in_dim3A = vector.broadcast %jit3A : i32 to vector<16xi32>
    %select_n3A = arith.select %eq3A_8, %broadcast_in_dim3A, %get3A_6 : vector<16xi1>, vector<16xi32>
    %gt3A = arith.constant 1 : i32
    %gt3A_9 = vector.broadcast %gt3A : i32 to vector<16xi32>
    %gt3A_10 = arith.cmpi sgt, %select_n3A, %gt3A_9 : vector<16xi32>
    %sub3A = arith.constant 1 : i32
    %sub3A_11 = vector.broadcast %sub3A : i32 to vector<16xi32>
    %sub3A_12 = arith.subi %select_n3A, %sub3A_11 : vector<16xi32>
    %select_n3A_13 = arith.select %gt3A_10, %sub3A_12, %select_n3A : vector<16xi1>, vector<16xi32>
    %convert_element_type3A = arith.sitofp %select_n3A_13 : vector<16xi32> to vector<16xf32>
    %add3A_14 = arith.constant 9.99999971E-10 : f32
    %add3A_15 = vector.broadcast %add3A_14 : f32 to vector<16xf32>
    %add3A_16 = arith.addf %convert_element_type3A, %add3A_15 : vector<16xf32>
    %div3A = arith.constant 1.000000e+00 : f32
    %div3A_17 = vector.broadcast %div3A : f32 to vector<16xf32>
    %div3A_18 = arith.divf %div3A_17, %add3A_16 : vector<16xf32>
    %swap3A = arith.constant 0 : index
    %swap3A_19 = tpu.vector_load %arg14[%swap3A] {strides = array<i32>} : memref<128xf32, #tpu.memory_space<vmem>>, vector<16xf32>,
    %swap3A_20 = vector.shape_cast %swap3A_19 : vector<16xf32> to vector<16xf32>
    %swap3A_21 = vector.shape_cast %div3A_18 : vector<16xf32> to vector<16xf32>
    tpu.vector_store %arg14[%swap3A], %swap3A_21 {strides = array<i32>} : memref<128xf32, #tpu.memory_space<vmem>>, vector<16xf32>,
    %get3A_22 = arith.constant 16 : index
    %get3A_23 = tpu.vector_load %arg6[%get3A_22] {strides = array<i32>} : memref<128xi32, #tpu.memory_space<vmem>>, vector<16xi32>,
    %get3A_24 = vector.shape_cast %get3A_23 : vector<16xi32> to vector<16xi32>
    %eq3A_25 = arith.constant 0 : i32
    %eq3A_26 = vector.broadcast %eq3A_25 : i32 to vector<16xi32>
    %eq3A_27 = arith.cmpi eq, %get3A_24, %eq3A_26 : vector<16xi32>
    %jit3A_28 = arith.constant 1 : i32
    %broadcast_in_dim3A_29 = vector.broadcast %jit3A_28 : i32 to vector<16xi32>
    %select_n3A_30 = arith.select %eq3A_27, %broadcast_in_dim3A_29, %get3A_24 : vector<16xi1>, vector<16xi32>
    %gt3A_31 = arith.constant 1 : i32
    %gt3A_32 = vector.broadcast %gt3A_31 : i32 to vector<16xi32>
    %gt3A_33 = arith.cmpi sgt, %select_n3A_30, %gt3A_32 : vector<16xi32>
    %sub3A_34 = arith.constant 1 : i32
    %sub3A_35 = vector.broadcast %sub3A_34 : i32 to vector<16xi32>
    %sub3A_36 = arith.subi %select_n3A_30, %sub3A_35 : vector<16xi32>
    %select_n3A_37 = arith.select %gt3A_33, %sub3A_36, %select_n3A_30 : vector<16xi1>, vector<16xi32>
    %convert_element_type3A_38 = arith.sitofp %select_n3A_37 : vector<16xi32> to vector<16xf32>
    %add3A_39 = arith.constant 9.99999971E-10 : f32
    %add3A_40 = vector.broadcast %add3A_39 : f32 to vector<16xf32>
    %add3A_41 = arith.addf %convert_element_type3A_38, %add3A_40 : vector<16xf32>
    %div3A_42 = arith.constant 1.000000e+00 : f32
    %div3A_43 = vector.broadcast %div3A_42 : f32 to vector<16xf32>
    %div3A_44 = arith.divf %div3A_43, %add3A_41 : vector<16xf32>
    %swap3A_45 = arith.constant 16 : index
    %swap3A_46 = tpu.vector_load %arg14[%swap3A_45] {strides = array<i32>} : memref<128xf32, #tpu.memory_space<vmem>>, vector<16xf32>,
    %swap3A_47 = vector.shape_cast %swap3A_46 : vector<16xf32> to vector<16xf32>
    %swap3A_48 = vector.shape_cast %div3A_44 : vector<16xf32> to vector<16xf32>
    tpu.vector_store %arg14[%swap3A_45], %swap3A_48 {strides = array<i32>} : memref<128xf32, #tpu.memory_space<vmem>>, vector<16xf32>,
    %get3A_49 = arith.constant 32 : index
    %get3A_50 = tpu.vector_load %arg6[%get3A_49] {strides = array<i32>} : memref<128xi32, #tpu.memory_space<vmem>>, vector<16xi32>,
    %get3A_51 = vector.shape_cast %get3A_50 : vector<16xi32> to vector<16xi32>
    %eq3A_52 = arith.constant 0 : i32
    %eq3A_53 = vector.broadcast %eq3A_52 : i32 to vector<16xi32>
    %eq3A_54 = arith.cmpi eq, %get3A_51, %eq3A_53 : vector<16xi32>
    %jit3A_55 = arith.constant 1 : i32
    %broadcast_in_dim3A_56 = vector.broadcast %jit3A_55 : i32 to vector<16xi32>
    %select_n3A_57 = arith.select %eq3A_54, %broadcast_in_dim3A_56, %get3A_51 : vector<16xi1>, vector<16xi32>
    %gt3A_58 = arith.constant 1 : i32
    %gt3A_59 = vector.broadcast %gt3A_58 : i32 to vector<16xi32>
    %gt3A_60 = arith.cmpi sgt, %select_n3A_57, %gt3A_59 : vector<16xi32>
    %sub3A_61 = arith.constant 1 : i32
    %sub3A_62 = vector.broadcast %sub3A_61 : i32 to vector<16xi32>
    %sub3A_63 = arith.subi %select_n3A_57, %sub3A_62 : vector<16xi32>
    %select_n3A_64 = arith.select %gt3A_60, %sub3A_63, %select_n3A_57 : vector<16xi1>, vector<16xi32>
    %convert_element_type3A_65 = arith.sitofp %select_n3A_64 : vector<16xi32> to vector<16xf32>
    %add3A_66 = arith.constant 9.99999971E-10 : f32
    %add3A_67 = vector.broadcast %add3A_66 : f32 to vector<16xf32>
    %add3A_68 = arith.addf %convert_element_type3A_65, %add3A_67 : vector<16xf32>
    %div3A_69 = arith.constant 1.000000e+00 : f32
    %div3A_70 = vector.broadcast %div3A_69 : f32 to vector<16xf32>
    %div3A_71 = arith.divf %div3A_70, %add3A_68 : vector<16xf32>
    %swap3A_72 = arith.constant 32 : index
    %swap3A_73 = tpu.vector_load %arg14[%swap3A_72] {strides = array<i32>} : memref<128xf32, #tpu.memory_space<vmem>>, vector<16xf32>,
    %swap3A_74 = vector.shape_cast %swap3A_73 : vector<16xf32> to vector<16xf32>
    %swap3A_75 = vector.shape_cast %div3A_71 : vector<16xf32> to vector<16xf32>
    tpu.vector_store %arg14[%swap3A_72], %swap3A_75 {strides = array<i32>} : memref<128xf32, #tpu.memory_space<vmem>>, vector<16xf32>,
    %get3A_76 = arith.constant 48 : index
    %get3A_77 = tpu.vector_load %arg6[%get3A_76] {strides = array<i32>} : memref<128xi32, #tpu.memory_space<vmem>>, vector<16xi32>,
    %get3A_78 = vector.shape_cast %get3A_77 : vector<16xi32> to vector<16xi32>
    %eq3A_79 = arith.constant 0 : i32
    %eq3A_80 = vector.broadcast %eq3A_79 : i32 to vector<16xi32>
    %eq3A_81 = arith.cmpi eq, %get3A_78, %eq3A_80 : vector<16xi32>
    %jit3A_82 = arith.constant 1 : i32
    %broadcast_in_dim3A_83 = vector.broadcast %jit3A_82 : i32 to vector<16xi32>
    %select_n3A_84 = arith.select %eq3A_81, %broadcast_in_dim3A_83, %get3A_78 : vector<16xi1>, vector<16xi32>
    %gt3A_85 = arith.constant 1 : i32
    %gt3A_86 = vector.broadcast %gt3A_85 : i32 to vector<16xi32>
    %gt3A_87 = arith.cmpi sgt, %select_n3A_84, %gt3A_86 : vector<16xi32>
    %sub3A_88 = arith.constant 1 : i32
    %sub3A_89 = vector.broadcast %sub3A_88 : i32 to vector<16xi32>
    %sub3A_90 = arith.subi %select_n3A_84, %sub3A_89 : vector<16xi32>
    %select_n3A_91 = arith.select %gt3A_87, %sub3A_90, %select_n3A_84 : vector<16xi1>, vector<16xi32>
    %convert_element_type3A_92 = arith.sitofp %select_n3A_91 : vector<16xi32> to vector<16xf32>
    %add3A_93 = arith.constant 9.99999971E-10 : f32
    %add3A_94 = vector.broadcast %add3A_93 : f32 to vector<16xf32>
    %add3A_95 = arith.addf %convert_element_type3A_92, %add3A_94 : vector<16xf32>
    %div3A_96 = arith.constant 1.000000e+00 : f32
    %div3A_97 = vector.broadcast %div3A_96 : f32 to vector<16xf32>
    %div3A_98 = arith.divf %div3A_97, %add3A_95 : vector<16xf32>
    %swap3A_99 = arith.constant 48 : index
    %swap3A_100 = tpu.vector_load %arg14[%swap3A_99] {strides = array<i32>} : memref<128xf32, #tpu.memory_space<vmem>>, vector<16xf32>,
    %swap3A_101 = vector.shape_cast %swap3A_100 : vector<16xf32> to vector<16xf32>
    %swap3A_102 = vector.shape_cast %div3A_98 : vector<16xf32> to vector<16xf32>
    tpu.vector_store %arg14[%swap3A_99], %swap3A_102 {strides = array<i32>} : memref<128xf32, #tpu.memory_space<vmem>>, vector<16xf32>,
    %get3A_103 = arith.constant 64 : index
    %get3A_104 = tpu.vector_load %arg6[%get3A_103] {strides = array<i32>} : memref<128xi32, #tpu.memory_space<vmem>>, vector<16xi32>,
    %get3A_105 = vector.shape_cast %get3A_104 : vector<16xi32> to vector<16xi32>
    %eq3A_106 = arith.constant 0 : i32
    %eq3A_107 = vector.broadcast %eq3A_106 : i32 to vector<16xi32>
    %eq3A_108 = arith.cmpi eq, %get3A_105, %eq3A_107 : vector<16xi32>
    %jit3A_109 = arith.constant 1 : i32
    %broadcast_in_dim3A_110 = vector.broadcast %jit3A_109 : i32 to vector<16xi32>
    %select_n3A_111 = arith.select %eq3A_108, %broadcast_in_dim3A_110, %get3A_105 : vector<16xi1>, vector<16xi32>
    %gt3A_112 = arith.constant 1 : i32
    %gt3A_113 = vector.broadcast %gt3A_112 : i32 to vector<16xi32>
    %gt3A_114 = arith.cmpi sgt, %select_n3A_111, %gt3A_113 : vector<16xi32>
    %sub3A_115 = arith.constant 1 : i32
    %sub3A_116 = vector.broadcast %sub3A_115 : i32 to vector<16xi32>
    %sub3A_117 = arith.subi %select_n3A_111, %sub3A_116 : vector<16xi32>
    %select_n3A_118 = arith.select %gt3A_114, %sub3A_117, %select_n3A_111 : vector<16xi1>, vector<16xi32>
    %convert_element_type3A_119 = arith.sitofp %select_n3A_118 : vector<16xi32> to vector<16xf32>
    %add3A_120 = arith.constant 9.99999971E-10 : f32
    %add3A_121 = vector.broadcast %add3A_120 : f32 to vector<16xf32>
    %add3A_122 = arith.addf %convert_element_type3A_119, %add3A_121 : vector<16xf32>
    %div3A_123 = arith.constant 1.000000e+00 : f32
    %div3A_124 = vector.broadcast %div3A_123 : f32 to vector<16xf32>
    %div3A_125 = arith.divf %div3A_124, %add3A_122 : vector<16xf32>
    %swap3A_126 = arith.constant 64 : index
    %swap3A_127 = tpu.vector_load %arg14[%swap3A_126] {strides = array<i32>} : memref<128xf32, #tpu.memory_space<vmem>>, vector<16xf32>,
    %swap3A_128 = vector.shape_cast %swap3A_127 : vector<16xf32> to vector<16xf32>
    %swap3A_129 = vector.shape_cast %div3A_125 : vector<16xf32> to vector<16xf32>
    tpu.vector_store %arg14[%swap3A_126], %swap3A_129 {strides = array<i32>} : memref<128xf32, #tpu.memory_space<vmem>>, vector<16xf32>,
    %get3A_130 = arith.constant 80 : index
    %get3A_131 = tpu.vector_load %arg6[%get3A_130] {strides = array<i32>} : memref<128xi32, #tpu.memory_space<vmem>>, vector<16xi32>,
    %get3A_132 = vector.shape_cast %get3A_131 : vector<16xi32> to vector<16xi32>
    %eq3A_133 = arith.constant 0 : i32
    %eq3A_134 = vector.broadcast %eq3A_133 : i32 to vector<16xi32>
    %eq3A_135 = arith.cmpi eq, %get3A_132, %eq3A_134 : vector<16xi32>
    %jit3A_136 = arith.constant 1 : i32
    %broadcast_in_dim3A_137 = vector.broadcast %jit3A_136 : i32 to vector<16xi32>
    %select_n3A_138 = arith.select %eq3A_135, %broadcast_in_dim3A_137, %get3A_132 : vector<16xi1>, vector<16xi32>
    %gt3A_139 = arith.constant 1 : i32
    %gt3A_140 = vector.broadcast %gt3A_139 : i32 to vector<16xi32>
    %gt3A_141 = arith.cmpi sgt, %select_n3A_138, %gt3A_140 : vector<16xi32>
    %sub3A_142 = arith.constant 1 : i32
    %sub3A_143 = vector.broadcast %sub3A_142 : i32 to vector<16xi32>
    %sub3A_144 = arith.subi %select_n3A_138, %sub3A_143 : vector<16xi32>
    %select_n3A_145 = arith.select %gt3A_141, %sub3A_144, %select_n3A_138 : vector<16xi1>, vector<16xi32>
    %convert_element_type3A_146 = arith.sitofp %select_n3A_145 : vector<16xi32> to vector<16xf32>
    %add3A_147 = arith.constant 9.99999971E-10 : f32
    %add3A_148 = vector.broadcast %add3A_147 : f32 to vector<16xf32>
    %add3A_149 = arith.addf %convert_element_type3A_146, %add3A_148 : vector<16xf32>
    %div3A_150 = arith.constant 1.000000e+00 : f32
    %div3A_151 = vector.broadcast %div3A_150 : f32 to vector<16xf32>
    %div3A_152 = arith.divf %div3A_151, %add3A_149 : vector<16xf32>
    %swap3A_153 = arith.constant 80 : index
    %swap3A_154 = tpu.vector_load %arg14[%swap3A_153] {strides = array<i32>} : memref<128xf32, #tpu.memory_space<vmem>>, vector<16xf32>,
    %swap3A_155 = vector.shape_cast %swap3A_154 : vector<16xf32> to vector<16xf32>
    %swap3A_156 = vector.shape_cast %div3A_152 : vector<16xf32> to vector<16xf32>
    tpu.vector_store %arg14[%swap3A_153], %swap3A_156 {strides = array<i32>} : memref<128xf32, #tpu.memory_space<vmem>>, vector<16xf32>,
    %get3A_157 = arith.constant 96 : index
    %get3A_158 = tpu.vector_load %arg6[%get3A_157] {strides = array<i32>} : memref<128xi32, #tpu.memory_space<vmem>>, vector<16xi32>,
    %get3A_159 = vector.shape_cast %get3A_158 : vector<16xi32> to vector<16xi32>
    %eq3A_160 = arith.constant 0 : i32
    %eq3A_161 = vector.broadcast %eq3A_160 : i32 to vector<16xi32>
    %eq3A_162 = arith.cmpi eq, %get3A_159, %eq3A_161 : vector<16xi32>
    %jit3A_163 = arith.constant 1 : i32
    %broadcast_in_dim3A_164 = vector.broadcast %jit3A_163 : i32 to vector<16xi32>
    %select_n3A_165 = arith.select %eq3A_162, %broadcast_in_dim3A_164, %get3A_159 : vector<16xi1>, vector<16xi32>
    %gt3A_166 = arith.constant 1 : i32
    %gt3A_167 = vector.broadcast %gt3A_166 : i32 to vector<16xi32>
    %gt3A_168 = arith.cmpi sgt, %select_n3A_165, %gt3A_167 : vector<16xi32>
    %sub3A_169 = arith.constant 1 : i32
    %sub3A_170 = vector.broadcast %sub3A_169 : i32 to vector<16xi32>
    %sub3A_171 = arith.subi %select_n3A_165, %sub3A_170 : vector<16xi32>
    %select_n3A_172 = arith.select %gt3A_168, %sub3A_171, %select_n3A_165 : vector<16xi1>, vector<16xi32>
    %convert_element_type3A_173 = arith.sitofp %select_n3A_172 : vector<16xi32> to vector<16xf32>
    %add3A_174 = arith.constant 9.99999971E-10 : f32
    %add3A_175 = vector.broadcast %add3A_174 : f32 to vector<16xf32>
    %add3A_176 = arith.addf %convert_element_type3A_173, %add3A_175 : vector<16xf32>
    %div3A_177 = arith.constant 1.000000e+00 : f32
    %div3A_178 = vector.broadcast %div3A_177 : f32 to vector<16xf32>
    %div3A_179 = arith.divf %div3A_178, %add3A_176 : vector<16xf32>
    %swap3A_180 = arith.constant 96 : index
    %swap3A_181 = tpu.vector_load %arg14[%swap3A_180] {strides = array<i32>} : memref<128xf32, #tpu.memory_space<vmem>>, vector<16xf32>,
    %swap3A_182 = vector.shape_cast %swap3A_181 : vector<16xf32> to vector<16xf32>
    %swap3A_183 = vector.shape_cast %div3A_179 : vector<16xf32> to vector<16xf32>
    tpu.vector_store %arg14[%swap3A_180], %swap3A_183 {strides = array<i32>} : memref<128xf32, #tpu.memory_space<vmem>>, vector<16xf32>,
    %get3A_184 = arith.constant 112 : index
    %get3A_185 = tpu.vector_load %arg6[%get3A_184] {strides = array<i32>} : memref<128xi32, #tpu.memory_space<vmem>>, vector<16xi32>,
    %get3A_186 = vector.shape_cast %get3A_185 : vector<16xi32> to vector<16xi32>
    %eq3A_187 = arith.constant 0 : i32
    %eq3A_188 = vector.broadcast %eq3A_187 : i32 to vector<16xi32>
    %eq3A_189 = arith.cmpi eq, %get3A_186, %eq3A_188 : vector<16xi32>
    %jit3A_190 = arith.constant 1 : i32
    %broadcast_in_dim3A_191 = vector.broadcast %jit3A_190 : i32 to vector<16xi32>
    %select_n3A_192 = arith.select %eq3A_189, %broadcast_in_dim3A_191, %get3A_186 : vector<16xi1>, vector<16xi32>
    %gt3A_193 = arith.constant 1 : i32
    %gt3A_194 = vector.broadcast %gt3A_193 : i32 to vector<16xi32>
    %gt3A_195 = arith.cmpi sgt, %select_n3A_192, %gt3A_194 : vector<16xi32>
    %sub3A_196 = arith.constant 1 : i32
    %sub3A_197 = vector.broadcast %sub3A_196 : i32 to vector<16xi32>
    %sub3A_198 = arith.subi %select_n3A_192, %sub3A_197 : vector<16xi32>
    %select_n3A_199 = arith.select %gt3A_195, %sub3A_198, %select_n3A_192 : vector<16xi1>, vector<16xi32>
    %convert_element_type3A_200 = arith.sitofp %select_n3A_199 : vector<16xi32> to vector<16xf32>
    %add3A_201 = arith.constant 9.99999971E-10 : f32
    %add3A_202 = vector.broadcast %add3A_201 : f32 to vector<16xf32>
    %add3A_203 = arith.addf %convert_element_type3A_200, %add3A_202 : vector<16xf32>
    %div3A_204 = arith.constant 1.000000e+00 : f32
    %div3A_205 = vector.broadcast %div3A_204 : f32 to vector<16xf32>
    %div3A_206 = arith.divf %div3A_205, %add3A_203 : vector<16xf32>
    %swap3A_207 = arith.constant 112 : index
    %swap3A_208 = tpu.vector_load %arg14[%swap3A_207] {strides = array<i32>} : memref<128xf32, #tpu.memory_space<vmem>>, vector<16xf32>,
    %swap3A_209 = vector.shape_cast %swap3A_208 : vector<16xf32> to vector<16xf32>
    %swap3A_210 = vector.shape_cast %div3A_206 : vector<16xf32> to vector<16xf32>
    tpu.vector_store %arg14[%swap3A_207], %swap3A_210 {strides = array<i32>} : memref<128xf32, #tpu.memory_space<vmem>>, vector<16xf32>,
    %dma_start3A = arith.constant 0 : i32
    %dma_start3A_211 = arith.constant 0 : i32
    %dma_start3A_212 = tpu.memref_slice %arg2[%dma_start3A, %dma_start3A_211] : memref<4640x32xf32, #tpu.memory_space<hbm>> -> memref<4640x32xf32, #tpu.memory_space<hbm>>
    tpu.enqueue_indirect_dma source(%dma_start3A_212 : memref<4640x32xf32, #tpu.memory_space<hbm>>) target(%arg10 : memref<128x32xf32, #tpu.memory_space<vmem>>) offsets(%arg6 : memref<128xi32, #tpu.memory_space<vmem>>) semaphore(%arg18 : memref<!tpu.dma_semaphore, #tpu.memory_space<semaphore_mem>>)
    %dma_start3A_213 = arith.constant 0 : i32
    %dma_start3A_214 = arith.constant 0 : i32
    %dma_start3A_215 = arith.constant 0 : i32
    %dma_start3A_216 = tpu.memref_slice %arg12[%dma_start3A_214, %dma_start3A_215] : memref<512x32xf32, #tpu.memory_space<vmem>> -> memref<128x32xf32, #tpu.memory_space<vmem>>
    %dma_start3A_217 = arith.constant 0 : i32
    %dma_start3A_218 = tpu.memref_slice %arg8[%dma_start3A_213, %dma_start3A_217] : memref<4x128xi32, #tpu.memory_space<vmem>> -> memref<1x128xi32, #tpu.memory_space<vmem>>
    %dma_start3A_219 = tpu.memref_squeeze %dma_start3A_218 : memref<1x128xi32, #tpu.memory_space<vmem>> -> memref<128xi32, #tpu.memory_space<vmem>>
    %dma_start3A_220 = arith.constant 0 : i32
    %dma_start3A_221 = arith.constant 0 : i32
    %dma_start3A_222 = tpu.memref_slice %arg2[%dma_start3A_220, %dma_start3A_221] : memref<4640x32xf32, #tpu.memory_space<hbm>> -> memref<4640x32xf32, #tpu.memory_space<hbm>>
    tpu.enqueue_indirect_dma source(%dma_start3A_222 : memref<4640x32xf32, #tpu.memory_space<hbm>>) target(%dma_start3A_216 : memref<128x32xf32, #tpu.memory_space<vmem>>) offsets(%dma_start3A_219 : memref<128xi32, #tpu.memory_space<vmem>>) semaphore(%arg18 : memref<!tpu.dma_semaphore, #tpu.memory_space<semaphore_mem>>)
    %dma_start3A_223 = arith.constant 1 : i32
    %dma_start3A_224 = arith.constant 128 : i32
    %dma_start3A_225 = arith.constant 0 : i32
    %dma_start3A_226 = tpu.memref_slice %arg12[%dma_start3A_224, %dma_start3A_225] : memref<512x32xf32, #tpu.memory_space<vmem>> -> memref<128x32xf32, #tpu.memory_space<vmem>>
    %dma_start3A_227 = arith.constant 0 : i32
    %dma_start3A_228 = tpu.memref_slice %arg8[%dma_start3A_223, %dma_start3A_227] : memref<4x128xi32, #tpu.memory_space<vmem>> -> memref<1x128xi32, #tpu.memory_space<vmem>>
    %dma_start3A_229 = tpu.memref_squeeze %dma_start3A_228 : memref<1x128xi32, #tpu.memory_space<vmem>> -> memref<128xi32, #tpu.memory_space<vmem>>
    %dma_start3A_230 = arith.constant 0 : i32
    %dma_start3A_231 = arith.constant 0 : i32
    %dma_start3A_232 = tpu.memref_slice %arg2[%dma_start3A_230, %dma_start3A_231] : memref<4640x32xf32, #tpu.memory_space<hbm>> -> memref<4640x32xf32, #tpu.memory_space<hbm>>
    tpu.enqueue_indirect_dma source(%dma_start3A_232 : memref<4640x32xf32, #tpu.memory_space<hbm>>) target(%dma_start3A_226 : memref<128x32xf32, #tpu.memory_space<vmem>>) offsets(%dma_start3A_229 : memref<128xi32, #tpu.memory_space<vmem>>) semaphore(%arg18 : memref<!tpu.dma_semaphore, #tpu.memory_space<semaphore_mem>>)
    %dma_start3A_233 = arith.constant 2 : i32
    %dma_start3A_234 = arith.constant 256 : i32
    %dma_start3A_235 = arith.constant 0 : i32
    %dma_start3A_236 = tpu.memref_slice %arg12[%dma_start3A_234, %dma_start3A_235] : memref<512x32xf32, #tpu.memory_space<vmem>> -> memref<128x32xf32, #tpu.memory_space<vmem>>
    %dma_start3A_237 = arith.constant 0 : i32
    %dma_start3A_238 = tpu.memref_slice %arg8[%dma_start3A_233, %dma_start3A_237] : memref<4x128xi32, #tpu.memory_space<vmem>> -> memref<1x128xi32, #tpu.memory_space<vmem>>
    %dma_start3A_239 = tpu.memref_squeeze %dma_start3A_238 : memref<1x128xi32, #tpu.memory_space<vmem>> -> memref<128xi32, #tpu.memory_space<vmem>>
    %dma_start3A_240 = arith.constant 0 : i32
    %dma_start3A_241 = arith.constant 0 : i32
    %dma_start3A_242 = tpu.memref_slice %arg2[%dma_start3A_240, %dma_start3A_241] : memref<4640x32xf32, #tpu.memory_space<hbm>> -> memref<4640x32xf32, #tpu.memory_space<hbm>>
    tpu.enqueue_indirect_dma source(%dma_start3A_242 : memref<4640x32xf32, #tpu.memory_space<hbm>>) target(%dma_start3A_236 : memref<128x32xf32, #tpu.memory_space<vmem>>) offsets(%dma_start3A_239 : memref<128xi32, #tpu.memory_space<vmem>>) semaphore(%arg18 : memref<!tpu.dma_semaphore, #tpu.memory_space<semaphore_mem>>)
    %dma_start3A_243 = arith.constant 3 : i32
    %dma_start3A_244 = arith.constant 384 : i32
    %dma_start3A_245 = arith.constant 0 : i32
    %dma_start3A_246 = tpu.memref_slice %arg12[%dma_start3A_244, %dma_start3A_245] : memref<512x32xf32, #tpu.memory_space<vmem>> -> memref<128x32xf32, #tpu.memory_space<vmem>>
    %dma_start3A_247 = arith.constant 0 : i32
    %dma_start3A_248 = tpu.memref_slice %arg8[%dma_start3A_243, %dma_start3A_247] : memref<4x128xi32, #tpu.memory_space<vmem>> -> memref<1x128xi32, #tpu.memory_space<vmem>>
    %dma_start3A_249 = tpu.memref_squeeze %dma_start3A_248 : memref<1x128xi32, #tpu.memory_space<vmem>> -> memref<128xi32, #tpu.memory_space<vmem>>
    %dma_start3A_250 = arith.constant 0 : i32
    %dma_start3A_251 = arith.constant 0 : i32
    %dma_start3A_252 = tpu.memref_slice %arg2[%dma_start3A_250, %dma_start3A_251] : memref<4640x32xf32, #tpu.memory_space<hbm>> -> memref<4640x32xf32, #tpu.memory_space<hbm>>
    tpu.enqueue_indirect_dma source(%dma_start3A_252 : memref<4640x32xf32, #tpu.memory_space<hbm>>) target(%dma_start3A_246 : memref<128x32xf32, #tpu.memory_space<vmem>>) offsets(%dma_start3A_249 : memref<128xi32, #tpu.memory_space<vmem>>) semaphore(%arg18 : memref<!tpu.dma_semaphore, #tpu.memory_space<semaphore_mem>>)
    %scan3A = arith.constant 0 : i32
    %scan3A_253 = arith.constant 0 : i32
    %scan3A_254 = arith.constant 32 : i32
    %scan3A_255 = arith.addi %scan3A_253, %scan3A_254 : i32
    %scan3A_256 = arith.constant 1 : i32
    scf.for %scan3A_273 = %scan3A_253 to %scan3A_255 step %scan3A_256  : i32 {
      %mul3A_274 = arith.constant 2 : i32
      %mul3A_275 = arith.muli %mul3A_274, %scan3A_273 : i32
      %add3A_276 = arith.addi %mul3A_2, %mul3A_275 : i32
      %add3A_277 = arith.constant 1 : i32
      %add3A_278 = arith.addi %add3A_276, %add3A_277 : i32
      "tpu.region"() ({
        %run_scoped3A = tpu.sem_alloc : memref<!tpu.dma_semaphore, #tpu.memory_space<semaphore_mem>>
        %dma_start3A_667 = arith.constant 0 : i32
        %dma_start3A_668 = tpu.memref_slice %arg3[%add3A_278, %dma_start3A_667] : memref<2048x128xi32, #tpu.memory_space<hbm>> -> memref<1x128xi32, #tpu.memory_space<hbm>>
        %dma_start3A_669 = tpu.memref_squeeze %dma_start3A_668 : memref<1x128xi32, #tpu.memory_space<hbm>> -> memref<128xi32, #tpu.memory_space<hbm>>
        %dma_start3A_670 = arith.constant 0 : i32
        %dma_start3A_671 = tpu.memref_slice %arg3[%add3A_278, %dma_start3A_670] : memref<2048x128xi32, #tpu.memory_space<hbm>> -> memref<1x128xi32, #tpu.memory_space<hbm>>
        %dma_start3A_672 = tpu.memref_squeeze %dma_start3A_671 : memref<1x128xi32, #tpu.memory_space<hbm>> -> memref<128xi32, #tpu.memory_space<hbm>>
        tpu.enqueue_dma source(%dma_start3A_672 : memref<128xi32, #tpu.memory_space<hbm>>) target(%arg7 : memref<128xi32, #tpu.memory_space<vmem>>) target_semaphore(%run_scoped3A : memref<!tpu.dma_semaphore, #tpu.memory_space<semaphore_mem>>)
        %dma_wait3A_673 = arith.constant 0 : i32
        %dma_wait3A_674 = tpu.memref_slice %arg3[%add3A_278, %dma_wait3A_673] : memref<2048x128xi32, #tpu.memory_space<hbm>> -> memref<1x128xi32, #tpu.memory_space<hbm>>
        %dma_wait3A_675 = tpu.memref_squeeze %dma_wait3A_674 : memref<1x128xi32, #tpu.memory_space<hbm>> -> memref<128xi32, #tpu.memory_space<hbm>>
        %dma_wait3A_676 = arith.constant 0 : i32
        %dma_wait3A_677 = tpu.memref_slice %arg3[%add3A_278, %dma_wait3A_676] : memref<2048x128xi32, #tpu.memory_space<hbm>> -> memref<1x128xi32, #tpu.memory_space<hbm>>
        %dma_wait3A_678 = tpu.memref_squeeze %dma_wait3A_677 : memref<1x128xi32, #tpu.memory_space<hbm>> -> memref<128xi32, #tpu.memory_space<hbm>>
        tpu.wait_dma2 semaphore(%run_scoped3A : memref<!tpu.dma_semaphore, #tpu.memory_space<semaphore_mem>>) src(%dma_wait3A_678 : memref<128xi32, #tpu.memory_space<hbm>>) dst(%arg7 : memref<128xi32, #tpu.memory_space<vmem>>)
        tpu.yield
      }) : () -> ()
      %mul3A_279 = arith.constant 4 : i32
      %mul3A_280 = arith.muli %add3A_278, %mul3A_279 : i32
      "tpu.region"() ({
        %run_scoped3A = tpu.sem_alloc : memref<!tpu.dma_semaphore, #tpu.memory_space<semaphore_mem>>
        %dma_start3A_667 = arith.constant 0 : i32
        %dma_start3A_668 = tpu.memref_slice %arg4[%mul3A_280, %dma_start3A_667] : memref<8192x128xi32, #tpu.memory_space<hbm>> -> memref<4x128xi32, #tpu.memory_space<hbm>>
        %dma_start3A_669 = arith.constant 0 : i32
        %dma_start3A_670 = tpu.memref_slice %arg4[%mul3A_280, %dma_start3A_669] : memref<8192x128xi32, #tpu.memory_space<hbm>> -> memref<4x128xi32, #tpu.memory_space<hbm>>
        tpu.enqueue_dma source(%dma_start3A_670 : memref<4x128xi32, #tpu.memory_space<hbm>>) target(%arg9 : memref<4x128xi32, #tpu.memory_space<vmem>>) target_semaphore(%run_scoped3A : memref<!tpu.dma_semaphore, #tpu.memory_space<semaphore_mem>>)
        %dma_wait3A_671 = arith.constant 0 : i32
        %dma_wait3A_672 = tpu.memref_slice %arg4[%mul3A_280, %dma_wait3A_671] : memref<8192x128xi32, #tpu.memory_space<hbm>> -> memref<4x128xi32, #tpu.memory_space<hbm>>
        %dma_wait3A_673 = arith.constant 0 : i32
        %dma_wait3A_674 = tpu.memref_slice %arg4[%mul3A_280, %dma_wait3A_673] : memref<8192x128xi32, #tpu.memory_space<hbm>> -> memref<4x128xi32, #tpu.memory_space<hbm>>
        tpu.wait_dma2 semaphore(%run_scoped3A : memref<!tpu.dma_semaphore, #tpu.memory_space<semaphore_mem>>) src(%dma_wait3A_674 : memref<4x128xi32, #tpu.memory_space<hbm>>) dst(%arg9 : memref<4x128xi32, #tpu.memory_space<vmem>>)
        tpu.yield
      }) : () -> ()
      %get3A_281 = arith.constant 0 : index
      %get3A_282 = tpu.vector_load %arg7[%get3A_281] {strides = array<i32>} : memref<128xi32, #tpu.memory_space<vmem>>, vector<16xi32>,
      %get3A_283 = vector.shape_cast %get3A_282 : vector<16xi32> to vector<16xi32>
      %eq3A_284 = arith.constant 0 : i32
      %eq3A_285 = vector.broadcast %eq3A_284 : i32 to vector<16xi32>
      %eq3A_286 = arith.cmpi eq, %get3A_283, %eq3A_285 : vector<16xi32>
      %jit3A_287 = arith.constant 1 : i32
      %broadcast_in_dim3A_288 = vector.broadcast %jit3A_287 : i32 to vector<16xi32>
      %select_n3A_289 = arith.select %eq3A_286, %broadcast_in_dim3A_288, %get3A_283 : vector<16xi1>, vector<16xi32>
      %gt3A_290 = arith.constant 1 : i32
      %gt3A_291 = vector.broadcast %gt3A_290 : i32 to vector<16xi32>
      %gt3A_292 = arith.cmpi sgt, %select_n3A_289, %gt3A_291 : vector<16xi32>
      %sub3A_293 = arith.constant 1 : i32
      %sub3A_294 = vector.broadcast %sub3A_293 : i32 to vector<16xi32>
      %sub3A_295 = arith.subi %select_n3A_289, %sub3A_294 : vector<16xi32>
      %select_n3A_296 = arith.select %gt3A_292, %sub3A_295, %select_n3A_289 : vector<16xi1>, vector<16xi32>
      %convert_element_type3A_297 = arith.sitofp %select_n3A_296 : vector<16xi32> to vector<16xf32>
      %add3A_298 = arith.constant 9.99999971E-10 : f32
      %add3A_299 = vector.broadcast %add3A_298 : f32 to vector<16xf32>
      %add3A_300 = arith.addf %convert_element_type3A_297, %add3A_299 : vector<16xf32>
      %div3A_301 = arith.constant 1.000000e+00 : f32
      %div3A_302 = vector.broadcast %div3A_301 : f32 to vector<16xf32>
      %div3A_303 = arith.divf %div3A_302, %add3A_300 : vector<16xf32>
      %swap3A_304 = arith.constant 0 : index
      %swap3A_305 = tpu.vector_load %arg15[%swap3A_304] {strides = array<i32>} : memref<128xf32, #tpu.memory_space<vmem>>, vector<16xf32>,
      %swap3A_306 = vector.shape_cast %swap3A_305 : vector<16xf32> to vector<16xf32>
      %swap3A_307 = vector.shape_cast %div3A_303 : vector<16xf32> to vector<16xf32>
      tpu.vector_store %arg15[%swap3A_304], %swap3A_307 {strides = array<i32>} : memref<128xf32, #tpu.memory_space<vmem>>, vector<16xf32>,
      %get3A_308 = arith.constant 16 : index
      %get3A_309 = tpu.vector_load %arg7[%get3A_308] {strides = array<i32>} : memref<128xi32, #tpu.memory_space<vmem>>, vector<16xi32>,
      %get3A_310 = vector.shape_cast %get3A_309 : vector<16xi32> to vector<16xi32>
      %eq3A_311 = arith.constant 0 : i32
      %eq3A_312 = vector.broadcast %eq3A_311 : i32 to vector<16xi32>
      %eq3A_313 = arith.cmpi eq, %get3A_310, %eq3A_312 : vector<16xi32>
      %jit3A_314 = arith.constant 1 : i32
      %broadcast_in_dim3A_315 = vector.broadcast %jit3A_314 : i32 to vector<16xi32>
      %select_n3A_316 = arith.select %eq3A_313, %broadcast_in_dim3A_315, %get3A_310 : vector<16xi1>, vector<16xi32>
      %gt3A_317 = arith.constant 1 : i32
      %gt3A_318 = vector.broadcast %gt3A_317 : i32 to vector<16xi32>
      %gt3A_319 = arith.cmpi sgt, %select_n3A_316, %gt3A_318 : vector<16xi32>
      %sub3A_320 = arith.constant 1 : i32
      %sub3A_321 = vector.broadcast %sub3A_320 : i32 to vector<16xi32>
      %sub3A_322 = arith.subi %select_n3A_316, %sub3A_321 : vector<16xi32>
      %select_n3A_323 = arith.select %gt3A_319, %sub3A_322, %select_n3A_316 : vector<16xi1>, vector<16xi32>
      %convert_element_type3A_324 = arith.sitofp %select_n3A_323 : vector<16xi32> to vector<16xf32>
      %add3A_325 = arith.constant 9.99999971E-10 : f32
      %add3A_326 = vector.broadcast %add3A_325 : f32 to vector<16xf32>
      %add3A_327 = arith.addf %convert_element_type3A_324, %add3A_326 : vector<16xf32>
      %div3A_328 = arith.constant 1.000000e+00 : f32
      %div3A_329 = vector.broadcast %div3A_328 : f32 to vector<16xf32>
      %div3A_330 = arith.divf %div3A_329, %add3A_327 : vector<16xf32>
      %swap3A_331 = arith.constant 16 : index
      %swap3A_332 = tpu.vector_load %arg15[%swap3A_331] {strides = array<i32>} : memref<128xf32, #tpu.memory_space<vmem>>, vector<16xf32>,
      %swap3A_333 = vector.shape_cast %swap3A_332 : vector<16xf32> to vector<16xf32>
      %swap3A_334 = vector.shape_cast %div3A_330 : vector<16xf32> to vector<16xf32>
      tpu.vector_store %arg15[%swap3A_331], %swap3A_334 {strides = array<i32>} : memref<128xf32, #tpu.memory_space<vmem>>, vector<16xf32>,
      %get3A_335 = arith.constant 32 : index
      %get3A_336 = tpu.vector_load %arg7[%get3A_335] {strides = array<i32>} : memref<128xi32, #tpu.memory_space<vmem>>, vector<16xi32>,
      %get3A_337 = vector.shape_cast %get3A_336 : vector<16xi32> to vector<16xi32>
      %eq3A_338 = arith.constant 0 : i32
      %eq3A_339 = vector.broadcast %eq3A_338 : i32 to vector<16xi32>
      %eq3A_340 = arith.cmpi eq, %get3A_337, %eq3A_339 : vector<16xi32>
      %jit3A_341 = arith.constant 1 : i32
      %broadcast_in_dim3A_342 = vector.broadcast %jit3A_341 : i32 to vector<16xi32>
      %select_n3A_343 = arith.select %eq3A_340, %broadcast_in_dim3A_342, %get3A_337 : vector<16xi1>, vector<16xi32>
      %gt3A_344 = arith.constant 1 : i32
      %gt3A_345 = vector.broadcast %gt3A_344 : i32 to vector<16xi32>
      %gt3A_346 = arith.cmpi sgt, %select_n3A_343, %gt3A_345 : vector<16xi32>
      %sub3A_347 = arith.constant 1 : i32
      %sub3A_348 = vector.broadcast %sub3A_347 : i32 to vector<16xi32>
      %sub3A_349 = arith.subi %select_n3A_343, %sub3A_348 : vector<16xi32>
      %select_n3A_350 = arith.select %gt3A_346, %sub3A_349, %select_n3A_343 : vector<16xi1>, vector<16xi32>
      %convert_element_type3A_351 = arith.sitofp %select_n3A_350 : vector<16xi32> to vector<16xf32>
      %add3A_352 = arith.constant 9.99999971E-10 : f32
      %add3A_353 = vector.broadcast %add3A_352 : f32 to vector<16xf32>
      %add3A_354 = arith.addf %convert_element_type3A_351, %add3A_353 : vector<16xf32>
      %div3A_355 = arith.constant 1.000000e+00 : f32
      %div3A_356 = vector.broadcast %div3A_355 : f32 to vector<16xf32>
      %div3A_357 = arith.divf %div3A_356, %add3A_354 : vector<16xf32>
      %swap3A_358 = arith.constant 32 : index
      %swap3A_359 = tpu.vector_load %arg15[%swap3A_358] {strides = array<i32>} : memref<128xf32, #tpu.memory_space<vmem>>, vector<16xf32>,
      %swap3A_360 = vector.shape_cast %swap3A_359 : vector<16xf32> to vector<16xf32>
      %swap3A_361 = vector.shape_cast %div3A_357 : vector<16xf32> to vector<16xf32>
      tpu.vector_store %arg15[%swap3A_358], %swap3A_361 {strides = array<i32>} : memref<128xf32, #tpu.memory_space<vmem>>, vector<16xf32>,
      %get3A_362 = arith.constant 48 : index
      %get3A_363 = tpu.vector_load %arg7[%get3A_362] {strides = array<i32>} : memref<128xi32, #tpu.memory_space<vmem>>, vector<16xi32>,
      %get3A_364 = vector.shape_cast %get3A_363 : vector<16xi32> to vector<16xi32>
      %eq3A_365 = arith.constant 0 : i32
      %eq3A_366 = vector.broadcast %eq3A_365 : i32 to vector<16xi32>
      %eq3A_367 = arith.cmpi eq, %get3A_364, %eq3A_366 : vector<16xi32>
      %jit3A_368 = arith.constant 1 : i32
      %broadcast_in_dim3A_369 = vector.broadcast %jit3A_368 : i32 to vector<16xi32>
      %select_n3A_370 = arith.select %eq3A_367, %broadcast_in_dim3A_369, %get3A_364 : vector<16xi1>, vector<16xi32>
      %gt3A_371 = arith.constant 1 : i32
      %gt3A_372 = vector.broadcast %gt3A_371 : i32 to vector<16xi32>
      %gt3A_373 = arith.cmpi sgt, %select_n3A_370, %gt3A_372 : vector<16xi32>
      %sub3A_374 = arith.constant 1 : i32
      %sub3A_375 = vector.broadcast %sub3A_374 : i32 to vector<16xi32>
      %sub3A_376 = arith.subi %select_n3A_370, %sub3A_375 : vector<16xi32>
      %select_n3A_377 = arith.select %gt3A_373, %sub3A_376, %select_n3A_370 : vector<16xi1>, vector<16xi32>
      %convert_element_type3A_378 = arith.sitofp %select_n3A_377 : vector<16xi32> to vector<16xf32>
      %add3A_379 = arith.constant 9.99999971E-10 : f32
      %add3A_380 = vector.broadcast %add3A_379 : f32 to vector<16xf32>
      %add3A_381 = arith.addf %convert_element_type3A_378, %add3A_380 : vector<16xf32>
      %div3A_382 = arith.constant 1.000000e+00 : f32
      %div3A_383 = vector.broadcast %div3A_382 : f32 to vector<16xf32>
      %div3A_384 = arith.divf %div3A_383, %add3A_381 : vector<16xf32>
      %swap3A_385 = arith.constant 48 : index
      %swap3A_386 = tpu.vector_load %arg15[%swap3A_385] {strides = array<i32>} : memref<128xf32, #tpu.memory_space<vmem>>, vector<16xf32>,
      %swap3A_387 = vector.shape_cast %swap3A_386 : vector<16xf32> to vector<16xf32>
      %swap3A_388 = vector.shape_cast %div3A_384 : vector<16xf32> to vector<16xf32>
      tpu.vector_store %arg15[%swap3A_385], %swap3A_388 {strides = array<i32>} : memref<128xf32, #tpu.memory_space<vmem>>, vector<16xf32>,
      %get3A_389 = arith.constant 64 : index
      %get3A_390 = tpu.vector_load %arg7[%get3A_389] {strides = array<i32>} : memref<128xi32, #tpu.memory_space<vmem>>, vector<16xi32>,
      %get3A_391 = vector.shape_cast %get3A_390 : vector<16xi32> to vector<16xi32>
      %eq3A_392 = arith.constant 0 : i32
      %eq3A_393 = vector.broadcast %eq3A_392 : i32 to vector<16xi32>
      %eq3A_394 = arith.cmpi eq, %get3A_391, %eq3A_393 : vector<16xi32>
      %jit3A_395 = arith.constant 1 : i32
      %broadcast_in_dim3A_396 = vector.broadcast %jit3A_395 : i32 to vector<16xi32>
      %select_n3A_397 = arith.select %eq3A_394, %broadcast_in_dim3A_396, %get3A_391 : vector<16xi1>, vector<16xi32>
      %gt3A_398 = arith.constant 1 : i32
      %gt3A_399 = vector.broadcast %gt3A_398 : i32 to vector<16xi32>
      %gt3A_400 = arith.cmpi sgt, %select_n3A_397, %gt3A_399 : vector<16xi32>
      %sub3A_401 = arith.constant 1 : i32
      %sub3A_402 = vector.broadcast %sub3A_401 : i32 to vector<16xi32>
      %sub3A_403 = arith.subi %select_n3A_397, %sub3A_402 : vector<16xi32>
      %select_n3A_404 = arith.select %gt3A_400, %sub3A_403, %select_n3A_397 : vector<16xi1>, vector<16xi32>
      %convert_element_type3A_405 = arith.sitofp %select_n3A_404 : vector<16xi32> to vector<16xf32>
      %add3A_406 = arith.constant 9.99999971E-10 : f32
      %add3A_407 = vector.broadcast %add3A_406 : f32 to vector<16xf32>
      %add3A_408 = arith.addf %convert_element_type3A_405, %add3A_407 : vector<16xf32>
      %div3A_409 = arith.constant 1.000000e+00 : f32
      %div3A_410 = vector.broadcast %div3A_409 : f32 to vector<16xf32>
      %div3A_411 = arith.divf %div3A_410, %add3A_408 : vector<16xf32>
      %swap3A_412 = arith.constant 64 : index
      %swap3A_413 = tpu.vector_load %arg15[%swap3A_412] {strides = array<i32>} : memref<128xf32, #tpu.memory_space<vmem>>, vector<16xf32>,
      %swap3A_414 = vector.shape_cast %swap3A_413 : vector<16xf32> to vector<16xf32>
      %swap3A_415 = vector.shape_cast %div3A_411 : vector<16xf32> to vector<16xf32>
      tpu.vector_store %arg15[%swap3A_412], %swap3A_415 {strides = array<i32>} : memref<128xf32, #tpu.memory_space<vmem>>, vector<16xf32>,
      %get3A_416 = arith.constant 80 : index
      %get3A_417 = tpu.vector_load %arg7[%get3A_416] {strides = array<i32>} : memref<128xi32, #tpu.memory_space<vmem>>, vector<16xi32>,
      %get3A_418 = vector.shape_cast %get3A_417 : vector<16xi32> to vector<16xi32>
      %eq3A_419 = arith.constant 0 : i32
      %eq3A_420 = vector.broadcast %eq3A_419 : i32 to vector<16xi32>
      %eq3A_421 = arith.cmpi eq, %get3A_418, %eq3A_420 : vector<16xi32>
      %jit3A_422 = arith.constant 1 : i32
      %broadcast_in_dim3A_423 = vector.broadcast %jit3A_422 : i32 to vector<16xi32>
      %select_n3A_424 = arith.select %eq3A_421, %broadcast_in_dim3A_423, %get3A_418 : vector<16xi1>, vector<16xi32>
      %gt3A_425 = arith.constant 1 : i32
      %gt3A_426 = vector.broadcast %gt3A_425 : i32 to vector<16xi32>
      %gt3A_427 = arith.cmpi sgt, %select_n3A_424, %gt3A_426 : vector<16xi32>
      %sub3A_428 = arith.constant 1 : i32
      %sub3A_429 = vector.broadcast %sub3A_428 : i32 to vector<16xi32>
      %sub3A_430 = arith.subi %select_n3A_424, %sub3A_429 : vector<16xi32>
      %select_n3A_431 = arith.select %gt3A_427, %sub3A_430, %select_n3A_424 : vector<16xi1>, vector<16xi32>
      %convert_element_type3A_432 = arith.sitofp %select_n3A_431 : vector<16xi32> to vector<16xf32>
      %add3A_433 = arith.constant 9.99999971E-10 : f32
      %add3A_434 = vector.broadcast %add3A_433 : f32 to vector<16xf32>
      %add3A_435 = arith.addf %convert_element_type3A_432, %add3A_434 : vector<16xf32>
      %div3A_436 = arith.constant 1.000000e+00 : f32
      %div3A_437 = vector.broadcast %div3A_436 : f32 to vector<16xf32>
      %div3A_438 = arith.divf %div3A_437, %add3A_435 : vector<16xf32>
      %swap3A_439 = arith.constant 80 : index
      %swap3A_440 = tpu.vector_load %arg15[%swap3A_439] {strides = array<i32>} : memref<128xf32, #tpu.memory_space<vmem>>, vector<16xf32>,
      %swap3A_441 = vector.shape_cast %swap3A_440 : vector<16xf32> to vector<16xf32>
      %swap3A_442 = vector.shape_cast %div3A_438 : vector<16xf32> to vector<16xf32>
      tpu.vector_store %arg15[%swap3A_439], %swap3A_442 {strides = array<i32>} : memref<128xf32, #tpu.memory_space<vmem>>, vector<16xf32>,
      %get3A_443 = arith.constant 96 : index
      %get3A_444 = tpu.vector_load %arg7[%get3A_443] {strides = array<i32>} : memref<128xi32, #tpu.memory_space<vmem>>, vector<16xi32>,
      %get3A_445 = vector.shape_cast %get3A_444 : vector<16xi32> to vector<16xi32>
      %eq3A_446 = arith.constant 0 : i32
      %eq3A_447 = vector.broadcast %eq3A_446 : i32 to vector<16xi32>
      %eq3A_448 = arith.cmpi eq, %get3A_445, %eq3A_447 : vector<16xi32>
      %jit3A_449 = arith.constant 1 : i32
      %broadcast_in_dim3A_450 = vector.broadcast %jit3A_449 : i32 to vector<16xi32>
      %select_n3A_451 = arith.select %eq3A_448, %broadcast_in_dim3A_450, %get3A_445 : vector<16xi1>, vector<16xi32>
      %gt3A_452 = arith.constant 1 : i32
      %gt3A_453 = vector.broadcast %gt3A_452 : i32 to vector<16xi32>
      %gt3A_454 = arith.cmpi sgt, %select_n3A_451, %gt3A_453 : vector<16xi32>
      %sub3A_455 = arith.constant 1 : i32
      %sub3A_456 = vector.broadcast %sub3A_455 : i32 to vector<16xi32>
      %sub3A_457 = arith.subi %select_n3A_451, %sub3A_456 : vector<16xi32>
      %select_n3A_458 = arith.select %gt3A_454, %sub3A_457, %select_n3A_451 : vector<16xi1>, vector<16xi32>
      %convert_element_type3A_459 = arith.sitofp %select_n3A_458 : vector<16xi32> to vector<16xf32>
      %add3A_460 = arith.constant 9.99999971E-10 : f32
      %add3A_461 = vector.broadcast %add3A_460 : f32 to vector<16xf32>
      %add3A_462 = arith.addf %convert_element_type3A_459, %add3A_461 : vector<16xf32>
      %div3A_463 = arith.constant 1.000000e+00 : f32
      %div3A_464 = vector.broadcast %div3A_463 : f32 to vector<16xf32>
      %div3A_465 = arith.divf %div3A_464, %add3A_462 : vector<16xf32>
      %swap3A_466 = arith.constant 96 : index
      %swap3A_467 = tpu.vector_load %arg15[%swap3A_466] {strides = array<i32>} : memref<128xf32, #tpu.memory_space<vmem>>, vector<16xf32>,
      %swap3A_468 = vector.shape_cast %swap3A_467 : vector<16xf32> to vector<16xf32>
      %swap3A_469 = vector.shape_cast %div3A_465 : vector<16xf32> to vector<16xf32>
      tpu.vector_store %arg15[%swap3A_466], %swap3A_469 {strides = array<i32>} : memref<128xf32, #tpu.memory_space<vmem>>, vector<16xf32>,
      %get3A_470 = arith.constant 112 : index
      %get3A_471 = tpu.vector_load %arg7[%get3A_470] {strides = array<i32>} : memref<128xi32, #tpu.memory_space<vmem>>, vector<16xi32>,
      %get3A_472 = vector.shape_cast %get3A_471 : vector<16xi32> to vector<16xi32>
      %eq3A_473 = arith.constant 0 : i32
      %eq3A_474 = vector.broadcast %eq3A_473 : i32 to vector<16xi32>
      %eq3A_475 = arith.cmpi eq, %get3A_472, %eq3A_474 : vector<16xi32>
      %jit3A_476 = arith.constant 1 : i32
      %broadcast_in_dim3A_477 = vector.broadcast %jit3A_476 : i32 to vector<16xi32>
      %select_n3A_478 = arith.select %eq3A_475, %broadcast_in_dim3A_477, %get3A_472 : vector<16xi1>, vector<16xi32>
      %gt3A_479 = arith.constant 1 : i32
      %gt3A_480 = vector.broadcast %gt3A_479 : i32 to vector<16xi32>
      %gt3A_481 = arith.cmpi sgt, %select_n3A_478, %gt3A_480 : vector<16xi32>
      %sub3A_482 = arith.constant 1 : i32
      %sub3A_483 = vector.broadcast %sub3A_482 : i32 to vector<16xi32>
      %sub3A_484 = arith.subi %select_n3A_478, %sub3A_483 : vector<16xi32>
      %select_n3A_485 = arith.select %gt3A_481, %sub3A_484, %select_n3A_478 : vector<16xi1>, vector<16xi32>
      %convert_element_type3A_486 = arith.sitofp %select_n3A_485 : vector<16xi32> to vector<16xf32>
      %add3A_487 = arith.constant 9.99999971E-10 : f32
      %add3A_488 = vector.broadcast %add3A_487 : f32 to vector<16xf32>
      %add3A_489 = arith.addf %convert_element_type3A_486, %add3A_488 : vector<16xf32>
      %div3A_490 = arith.constant 1.000000e+00 : f32
      %div3A_491 = vector.broadcast %div3A_490 : f32 to vector<16xf32>
      %div3A_492 = arith.divf %div3A_491, %add3A_489 : vector<16xf32>
      %swap3A_493 = arith.constant 112 : index
      %swap3A_494 = tpu.vector_load %arg15[%swap3A_493] {strides = array<i32>} : memref<128xf32, #tpu.memory_space<vmem>>, vector<16xf32>,
      %swap3A_495 = vector.shape_cast %swap3A_494 : vector<16xf32> to vector<16xf32>
      %swap3A_496 = vector.shape_cast %div3A_492 : vector<16xf32> to vector<16xf32>
      tpu.vector_store %arg15[%swap3A_493], %swap3A_496 {strides = array<i32>} : memref<128xf32, #tpu.memory_space<vmem>>, vector<16xf32>,
      %dma_start3A_497 = arith.constant 0 : i32
      %dma_start3A_498 = arith.constant 0 : i32
      %dma_start3A_499 = tpu.memref_slice %arg2[%dma_start3A_497, %dma_start3A_498] : memref<4640x32xf32, #tpu.memory_space<hbm>> -> memref<4640x32xf32, #tpu.memory_space<hbm>>
      tpu.enqueue_indirect_dma source(%dma_start3A_499 : memref<4640x32xf32, #tpu.memory_space<hbm>>) target(%arg11 : memref<128x32xf32, #tpu.memory_space<vmem>>) offsets(%arg7 : memref<128xi32, #tpu.memory_space<vmem>>) semaphore(%arg19 : memref<!tpu.dma_semaphore, #tpu.memory_space<semaphore_mem>>)
      %dma_start3A_500 = arith.constant 0 : i32
      %dma_start3A_501 = arith.constant 0 : i32
      %dma_start3A_502 = arith.constant 0 : i32
      %dma_start3A_503 = tpu.memref_slice %arg13[%dma_start3A_501, %dma_start3A_502] : memref<512x32xf32, #tpu.memory_space<vmem>> -> memref<128x32xf32, #tpu.memory_space<vmem>>
      %dma_start3A_504 = arith.constant 0 : i32
      %dma_start3A_505 = tpu.memref_slice %arg9[%dma_start3A_500, %dma_start3A_504] : memref<4x128xi32, #tpu.memory_space<vmem>> -> memref<1x128xi32, #tpu.memory_space<vmem>>
      %dma_start3A_506 = tpu.memref_squeeze %dma_start3A_505 : memref<1x128xi32, #tpu.memory_space<vmem>> -> memref<128xi32, #tpu.memory_space<vmem>>
      %dma_start3A_507 = arith.constant 0 : i32
      %dma_start3A_508 = arith.constant 0 : i32
      %dma_start3A_509 = tpu.memref_slice %arg2[%dma_start3A_507, %dma_start3A_508] : memref<4640x32xf32, #tpu.memory_space<hbm>> -> memref<4640x32xf32, #tpu.memory_space<hbm>>
      tpu.enqueue_indirect_dma source(%dma_start3A_509 : memref<4640x32xf32, #tpu.memory_space<hbm>>) target(%dma_start3A_503 : memref<128x32xf32, #tpu.memory_space<vmem>>) offsets(%dma_start3A_506 : memref<128xi32, #tpu.memory_space<vmem>>) semaphore(%arg19 : memref<!tpu.dma_semaphore, #tpu.memory_space<semaphore_mem>>)
      %dma_start3A_510 = arith.constant 1 : i32
      %dma_start3A_511 = arith.constant 128 : i32
      %dma_start3A_512 = arith.constant 0 : i32
      %dma_start3A_513 = tpu.memref_slice %arg13[%dma_start3A_511, %dma_start3A_512] : memref<512x32xf32, #tpu.memory_space<vmem>> -> memref<128x32xf32, #tpu.memory_space<vmem>>
      %dma_start3A_514 = arith.constant 0 : i32
      %dma_start3A_515 = tpu.memref_slice %arg9[%dma_start3A_510, %dma_start3A_514] : memref<4x128xi32, #tpu.memory_space<vmem>> -> memref<1x128xi32, #tpu.memory_space<vmem>>
      %dma_start3A_516 = tpu.memref_squeeze %dma_start3A_515 : memref<1x128xi32, #tpu.memory_space<vmem>> -> memref<128xi32, #tpu.memory_space<vmem>>
      %dma_start3A_517 = arith.constant 0 : i32
      %dma_start3A_518 = arith.constant 0 : i32
      %dma_start3A_519 = tpu.memref_slice %arg2[%dma_start3A_517, %dma_start3A_518] : memref<4640x32xf32, #tpu.memory_space<hbm>> -> memref<4640x32xf32, #tpu.memory_space<hbm>>
      tpu.enqueue_indirect_dma source(%dma_start3A_519 : memref<4640x32xf32, #tpu.memory_space<hbm>>) target(%dma_start3A_513 : memref<128x32xf32, #tpu.memory_space<vmem>>) offsets(%dma_start3A_516 : memref<128xi32, #tpu.memory_space<vmem>>) semaphore(%arg19 : memref<!tpu.dma_semaphore, #tpu.memory_space<semaphore_mem>>)
      %dma_start3A_520 = arith.constant 2 : i32
      %dma_start3A_521 = arith.constant 256 : i32
      %dma_start3A_522 = arith.constant 0 : i32
      %dma_start3A_523 = tpu.memref_slice %arg13[%dma_start3A_521, %dma_start3A_522] : memref<512x32xf32, #tpu.memory_space<vmem>> -> memref<128x32xf32, #tpu.memory_space<vmem>>
      %dma_start3A_524 = arith.constant 0 : i32
      %dma_start3A_525 = tpu.memref_slice %arg9[%dma_start3A_520, %dma_start3A_524] : memref<4x128xi32, #tpu.memory_space<vmem>> -> memref<1x128xi32, #tpu.memory_space<vmem>>
      %dma_start3A_526 = tpu.memref_squeeze %dma_start3A_525 : memref<1x128xi32, #tpu.memory_space<vmem>> -> memref<128xi32, #tpu.memory_space<vmem>>
      %dma_start3A_527 = arith.constant 0 : i32
      %dma_start3A_528 = arith.constant 0 : i32
      %dma_start3A_529 = tpu.memref_slice %arg2[%dma_start3A_527, %dma_start3A_528] : memref<4640x32xf32, #tpu.memory_space<hbm>> -> memref<4640x32xf32, #tpu.memory_space<hbm>>
      tpu.enqueue_indirect_dma source(%dma_start3A_529 : memref<4640x32xf32, #tpu.memory_space<hbm>>) target(%dma_start3A_523 : memref<128x32xf32, #tpu.memory_space<vmem>>) offsets(%dma_start3A_526 : memref<128xi32, #tpu.memory_space<vmem>>) semaphore(%arg19 : memref<!tpu.dma_semaphore, #tpu.memory_space<semaphore_mem>>)
      %dma_start3A_530 = arith.constant 3 : i32
      %dma_start3A_531 = arith.constant 384 : i32
      %dma_start3A_532 = arith.constant 0 : i32
      %dma_start3A_533 = tpu.memref_slice %arg13[%dma_start3A_531, %dma_start3A_532] : memref<512x32xf32, #tpu.memory_space<vmem>> -> memref<128x32xf32, #tpu.memory_space<vmem>>
      %dma_start3A_534 = arith.constant 0 : i32
      %dma_start3A_535 = tpu.memref_slice %arg9[%dma_start3A_530, %dma_start3A_534] : memref<4x128xi32, #tpu.memory_space<vmem>> -> memref<1x128xi32, #tpu.memory_space<vmem>>
      %dma_start3A_536 = tpu.memref_squeeze %dma_start3A_535 : memref<1x128xi32, #tpu.memory_space<vmem>> -> memref<128xi32, #tpu.memory_space<vmem>>
      %dma_start3A_537 = arith.constant 0 : i32
      %dma_start3A_538 = arith.constant 0 : i32
      %dma_start3A_539 = tpu.memref_slice %arg2[%dma_start3A_537, %dma_start3A_538] : memref<4640x32xf32, #tpu.memory_space<hbm>> -> memref<4640x32xf32, #tpu.memory_space<hbm>>
      tpu.enqueue_indirect_dma source(%dma_start3A_539 : memref<4640x32xf32, #tpu.memory_space<hbm>>) target(%dma_start3A_533 : memref<128x32xf32, #tpu.memory_space<vmem>>) offsets(%dma_start3A_536 : memref<128xi32, #tpu.memory_space<vmem>>) semaphore(%arg19 : memref<!tpu.dma_semaphore, #tpu.memory_space<semaphore_mem>>)
      %dma_wait3A_540 = arith.constant 0 : i32
      %dma_wait3A_541 = arith.constant 0 : i32
      %dma_wait3A_542 = tpu.memref_slice %arg2[%dma_wait3A_540, %dma_wait3A_541] : memref<4640x32xf32, #tpu.memory_space<hbm>> -> memref<4640x32xf32, #tpu.memory_space<hbm>>
      tpu.wait_indirect_dma semaphore(%arg18 : memref<!tpu.dma_semaphore, #tpu.memory_space<semaphore_mem>>) src(%dma_wait3A_542 : memref<4640x32xf32, #tpu.memory_space<hbm>>) dst(%arg10 : memref<128x32xf32, #tpu.memory_space<vmem>>)
      %dma_wait3A_543 = arith.constant 0 : i32
      %dma_wait3A_544 = arith.constant 0 : i32
      %dma_wait3A_545 = arith.constant 0 : i32
      %dma_wait3A_546 = tpu.memref_slice %arg12[%dma_wait3A_544, %dma_wait3A_545] : memref<512x32xf32, #tpu.memory_space<vmem>> -> memref<128x32xf32, #tpu.memory_space<vmem>>
      %dma_wait3A_547 = arith.constant 0 : i32
      %dma_wait3A_548 = tpu.memref_slice %arg8[%dma_wait3A_543, %dma_wait3A_547] : memref<4x128xi32, #tpu.memory_space<vmem>> -> memref<1x128xi32, #tpu.memory_space<vmem>>
      %dma_wait3A_549 = tpu.memref_squeeze %dma_wait3A_548 : memref<1x128xi32, #tpu.memory_space<vmem>> -> memref<128xi32, #tpu.memory_space<vmem>>
      %dma_wait3A_550 = arith.constant 0 : i32
      %dma_wait3A_551 = arith.constant 0 : i32
      %dma_wait3A_552 = tpu.memref_slice %arg2[%dma_wait3A_550, %dma_wait3A_551] : memref<4640x32xf32, #tpu.memory_space<hbm>> -> memref<4640x32xf32, #tpu.memory_space<hbm>>
      tpu.wait_indirect_dma semaphore(%arg18 : memref<!tpu.dma_semaphore, #tpu.memory_space<semaphore_mem>>) src(%dma_wait3A_552 : memref<4640x32xf32, #tpu.memory_space<hbm>>) dst(%dma_wait3A_546 : memref<128x32xf32, #tpu.memory_space<vmem>>)
      %dma_wait3A_553 = arith.constant 1 : i32
      %dma_wait3A_554 = arith.constant 128 : i32
      %dma_wait3A_555 = arith.constant 0 : i32
      %dma_wait3A_556 = tpu.memref_slice %arg12[%dma_wait3A_554, %dma_wait3A_555] : memref<512x32xf32, #tpu.memory_space<vmem>> -> memref<128x32xf32, #tpu.memory_space<vmem>>
      %dma_wait3A_557 = arith.constant 0 : i32
      %dma_wait3A_558 = tpu.memref_slice %arg8[%dma_wait3A_553, %dma_wait3A_557] : memref<4x128xi32, #tpu.memory_space<vmem>> -> memref<1x128xi32, #tpu.memory_space<vmem>>
      %dma_wait3A_559 = tpu.memref_squeeze %dma_wait3A_558 : memref<1x128xi32, #tpu.memory_space<vmem>> -> memref<128xi32, #tpu.memory_space<vmem>>
      %dma_wait3A_560 = arith.constant 0 : i32
      %dma_wait3A_561 = arith.constant 0 : i32
      %dma_wait3A_562 = tpu.memref_slice %arg2[%dma_wait3A_560, %dma_wait3A_561] : memref<4640x32xf32, #tpu.memory_space<hbm>> -> memref<4640x32xf32, #tpu.memory_space<hbm>>
      tpu.wait_indirect_dma semaphore(%arg18 : memref<!tpu.dma_semaphore, #tpu.memory_space<semaphore_mem>>) src(%dma_wait3A_562 : memref<4640x32xf32, #tpu.memory_space<hbm>>) dst(%dma_wait3A_556 : memref<128x32xf32, #tpu.memory_space<vmem>>)
      %dma_wait3A_563 = arith.constant 2 : i32
      %dma_wait3A_564 = arith.constant 256 : i32
      %dma_wait3A_565 = arith.constant 0 : i32
      %dma_wait3A_566 = tpu.memref_slice %arg12[%dma_wait3A_564, %dma_wait3A_565] : memref<512x32xf32, #tpu.memory_space<vmem>> -> memref<128x32xf32, #tpu.memory_space<vmem>>
      %dma_wait3A_567 = arith.constant 0 : i32
      %dma_wait3A_568 = tpu.memref_slice %arg8[%dma_wait3A_563, %dma_wait3A_567] : memref<4x128xi32, #tpu.memory_space<vmem>> -> memref<1x128xi32, #tpu.memory_space<vmem>>
      %dma_wait3A_569 = tpu.memref_squeeze %dma_wait3A_568 : memref<1x128xi32, #tpu.memory_space<vmem>> -> memref<128xi32, #tpu.memory_space<vmem>>
      %dma_wait3A_570 = arith.constant 0 : i32
      %dma_wait3A_571 = arith.constant 0 : i32
      %dma_wait3A_572 = tpu.memref_slice %arg2[%dma_wait3A_570, %dma_wait3A_571] : memref<4640x32xf32, #tpu.memory_space<hbm>> -> memref<4640x32xf32, #tpu.memory_space<hbm>>
      tpu.wait_indirect_dma semaphore(%arg18 : memref<!tpu.dma_semaphore, #tpu.memory_space<semaphore_mem>>) src(%dma_wait3A_572 : memref<4640x32xf32, #tpu.memory_space<hbm>>) dst(%dma_wait3A_566 : memref<128x32xf32, #tpu.memory_space<vmem>>)
      %dma_wait3A_573 = arith.constant 3 : i32
      %dma_wait3A_574 = arith.constant 384 : i32
      %dma_wait3A_575 = arith.constant 0 : i32
      %dma_wait3A_576 = tpu.memref_slice %arg12[%dma_wait3A_574, %dma_wait3A_575] : memref<512x32xf32, #tpu.memory_space<vmem>> -> memref<128x32xf32, #tpu.memory_space<vmem>>
      %dma_wait3A_577 = arith.constant 0 : i32
      %dma_wait3A_578 = tpu.memref_slice %arg8[%dma_wait3A_573, %dma_wait3A_577] : memref<4x128xi32, #tpu.memory_space<vmem>> -> memref<1x128xi32, #tpu.memory_space<vmem>>
      %dma_wait3A_579 = tpu.memref_squeeze %dma_wait3A_578 : memref<1x128xi32, #tpu.memory_space<vmem>> -> memref<128xi32, #tpu.memory_space<vmem>>
      %dma_wait3A_580 = arith.constant 0 : i32
      %dma_wait3A_581 = arith.constant 0 : i32
      %dma_wait3A_582 = tpu.memref_slice %arg2[%dma_wait3A_580, %dma_wait3A_581] : memref<4640x32xf32, #tpu.memory_space<hbm>> -> memref<4640x32xf32, #tpu.memory_space<hbm>>
      tpu.wait_indirect_dma semaphore(%arg18 : memref<!tpu.dma_semaphore, #tpu.memory_space<semaphore_mem>>) src(%dma_wait3A_582 : memref<4640x32xf32, #tpu.memory_space<hbm>>) dst(%dma_wait3A_576 : memref<128x32xf32, #tpu.memory_space<vmem>>)
      %gt3A_583 = arith.constant 0 : i32
      %gt3A_584 = arith.cmpi sgt, %scan3A_273, %gt3A_583 : i32
      %convert_element_type3A_585 = arith.extui %gt3A_584 : i1 to i32
      %cond3A = arith.constant 0 : i32
      %cond3A_586 = arith.cmpi ne, %convert_element_type3A_585, %cond3A : i32
      scf.if %cond3A_586 {
        %dma_wait3A_667 = arith.constant 0 : i32
        %dma_wait3A_668 = arith.constant 0 : i32
        %dma_wait3A_669 = tpu.memref_slice %arg5[%add3A_276, %dma_wait3A_667, %dma_wait3A_668] : memref<2048x128x32xf32, #tpu.memory_space<hbm>> -> memref<1x128x32xf32, #tpu.memory_space<hbm>>
        %dma_wait3A_670 = tpu.memref_squeeze %dma_wait3A_669 : memref<1x128x32xf32, #tpu.memory_space<hbm>> -> memref<128x32xf32, #tpu.memory_space<hbm>>
        %dma_wait3A_671 = arith.constant 0 : i32
        %dma_wait3A_672 = arith.constant 0 : i32
        %dma_wait3A_673 = tpu.memref_slice %arg5[%add3A_276, %dma_wait3A_671, %dma_wait3A_672] : memref<2048x128x32xf32, #tpu.memory_space<hbm>> -> memref<1x128x32xf32, #tpu.memory_space<hbm>>
        %dma_wait3A_674 = tpu.memref_squeeze %dma_wait3A_673 : memref<1x128x32xf32, #tpu.memory_space<hbm>> -> memref<128x32xf32, #tpu.memory_space<hbm>>
        tpu.wait_dma2 semaphore(%arg20 : memref<!tpu.dma_semaphore, #tpu.memory_space<semaphore_mem>>) src(%arg16 : memref<128x32xf32, #tpu.memory_space<vmem>>) dst(%dma_wait3A_674 : memref<128x32xf32, #tpu.memory_space<hbm>>)
      } else {
      }
      %scan3A_587 = arith.constant 0 : i32
      %scan3A_588 = arith.constant 0 : i32
      %scan3A_589 = arith.constant 8 : i32
      %scan3A_590 = arith.addi %scan3A_588, %scan3A_589 : i32
      %scan3A_591 = arith.constant 1 : i32
      scf.for %scan3A_667 = %scan3A_588 to %scan3A_590 step %scan3A_591  : i32 {
        %mul3A_668 = arith.constant 16 : i32
        %mul3A_669 = arith.muli %scan3A_667, %mul3A_668 : i32
        %get3A_670 = arith.index_cast %mul3A_669 : i32 to index
        %get3A_671 = tpu.vector_load %arg14[%get3A_670] {strides = array<i32>} : memref<128xf32, #tpu.memory_space<vmem>>, vector<16xf32>,
        %get3A_672 = vector.shape_cast %get3A_671 : vector<16xf32> to vector<16xf32>
        %add3A_673 = arith.constant 0 : i32
        %add3A_674 = arith.addi %mul3A_669, %add3A_673 : i32
        %slice3A = vector.extract_strided_slice %get3A_672 {offsets = [0], sizes = [1], strides = [1]} : vector<16xf32> to vector<1xf32>
        %squeeze3A = vector.extract %slice3A[0] : f32 from vector<1xf32>
        %mul3A_675 = arith.constant 4 : i32
        %mul3A_676 = arith.muli %mul3A_675, %add3A_674 : i32
        %get3A_677 = arith.index_cast %mul3A_676 : i32 to index
        %get3A_678 = arith.constant 0 : index
        %get3A_679 = tpu.vector_load %arg12[%get3A_677, %get3A_678] {strides = array<i32>} : memref<512x32xf32, #tpu.memory_space<vmem>>, vector<1x16xf32>,
        %get3A_680 = vector.shape_cast %get3A_679 : vector<1x16xf32> to vector<16xf32>
        %add3A_681 = arith.constant 1 : i32
        %add3A_682 = arith.addi %mul3A_676, %add3A_681 : i32
        %get3A_683 = arith.index_cast %add3A_682 : i32 to index
        %get3A_684 = arith.constant 0 : index
        %get3A_685 = tpu.vector_load %arg12[%get3A_683, %get3A_684] {strides = array<i32>} : memref<512x32xf32, #tpu.memory_space<vmem>>, vector<1x16xf32>,
        %get3A_686 = vector.shape_cast %get3A_685 : vector<1x16xf32> to vector<16xf32>
        %add3A_687 = arith.addf %get3A_680, %get3A_686 : vector<16xf32>
        %add3A_688 = arith.constant 2 : i32
        %add3A_689 = arith.addi %mul3A_676, %add3A_688 : i32
        %get3A_690 = arith.index_cast %add3A_689 : i32 to index
        %get3A_691 = arith.constant 0 : index
        %get3A_692 = tpu.vector_load %arg12[%get3A_690, %get3A_691] {strides = array<i32>} : memref<512x32xf32, #tpu.memory_space<vmem>>, vector<1x16xf32>,
        %get3A_693 = vector.shape_cast %get3A_692 : vector<1x16xf32> to vector<16xf32>
        %add3A_694 = arith.constant 3 : i32
        %add3A_695 = arith.addi %mul3A_676, %add3A_694 : i32
        %get3A_696 = arith.index_cast %add3A_695 : i32 to index
        %get3A_697 = arith.constant 0 : index
        %get3A_698 = tpu.vector_load %arg12[%get3A_696, %get3A_697] {strides = array<i32>} : memref<512x32xf32, #tpu.memory_space<vmem>>, vector<1x16xf32>,
        %get3A_699 = vector.shape_cast %get3A_698 : vector<1x16xf32> to vector<16xf32>
        %add3A_700 = arith.addf %get3A_693, %get3A_699 : vector<16xf32>
        %add3A_701 = arith.addf %add3A_687, %add3A_700 : vector<16xf32>
        %get3A_702 = arith.index_cast %add3A_674 : i32 to index
        %get3A_703 = arith.constant 0 : index
        %get3A_704 = tpu.vector_load %arg10[%get3A_702, %get3A_703] {strides = array<i32>} : memref<128x32xf32, #tpu.memory_space<vmem>>, vector<1x16xf32>,
        %get3A_705 = vector.shape_cast %get3A_704 : vector<1x16xf32> to vector<16xf32>
        %mul3A_706 = vector.broadcast %squeeze3A : f32 to vector<16xf32>
        %mul3A_707 = arith.mulf %add3A_701, %mul3A_706 : vector<16xf32>
        %add3A_708 = arith.addf %get3A_705, %mul3A_707 : vector<16xf32>
        %swap3A_709 = arith.index_cast %add3A_674 : i32 to index
        %swap3A_710 = arith.constant 0 : index
        %swap3A_711 = tpu.vector_load %arg16[%swap3A_709, %swap3A_710] {strides = array<i32>} : memref<128x32xf32, #tpu.memory_space<vmem>>, vector<1x16xf32>,
        %swap3A_712 = vector.shape_cast %swap3A_711 : vector<1x16xf32> to vector<16xf32>
        %swap3A_713 = vector.shape_cast %add3A_708 : vector<16xf32> to vector<1x16xf32>
        tpu.vector_store %arg16[%swap3A_709, %swap3A_710], %swap3A_713 {strides = array<i32>} : memref<128x32xf32, #tpu.memory_space<vmem>>, vector<1x16xf32>,
        %get3A_714 = arith.index_cast %mul3A_676 : i32 to index
        %get3A_715 = arith.constant 16 : index
        %get3A_716 = tpu.vector_load %arg12[%get3A_714, %get3A_715] {strides = array<i32>} : memref<512x32xf32, #tpu.memory_space<vmem>>, vector<1x16xf32>,
        %get3A_717 = vector.shape_cast %get3A_716 : vector<1x16xf32> to vector<16xf32>
        %add3A_718 = arith.constant 1 : i32
        %add3A_719 = arith.addi %mul3A_676, %add3A_718 : i32
        %get3A_720 = arith.index_cast %add3A_719 : i32 to index
        %get3A_721 = arith.constant 16 : index
        %get3A_722 = tpu.vector_load %arg12[%get3A_720, %get3A_721] {strides = array<i32>} : memref<512x32xf32, #tpu.memory_space<vmem>>, vector<1x16xf32>,
        %get3A_723 = vector.shape_cast %get3A_722 : vector<1x16xf32> to vector<16xf32>
        %add3A_724 = arith.addf %get3A_717, %get3A_723 : vector<16xf32>
        %add3A_725 = arith.constant 2 : i32
        %add3A_726 = arith.addi %mul3A_676, %add3A_725 : i32
        %get3A_727 = arith.index_cast %add3A_726 : i32 to index
        %get3A_728 = arith.constant 16 : index
        %get3A_729 = tpu.vector_load %arg12[%get3A_727, %get3A_728] {strides = array<i32>} : memref<512x32xf32, #tpu.memory_space<vmem>>, vector<1x16xf32>,
        %get3A_730 = vector.shape_cast %get3A_729 : vector<1x16xf32> to vector<16xf32>
        %add3A_731 = arith.constant 3 : i32
        %add3A_732 = arith.addi %mul3A_676, %add3A_731 : i32
        %get3A_733 = arith.index_cast %add3A_732 : i32 to index
        %get3A_734 = arith.constant 16 : index
        %get3A_735 = tpu.vector_load %arg12[%get3A_733, %get3A_734] {strides = array<i32>} : memref<512x32xf32, #tpu.memory_space<vmem>>, vector<1x16xf32>,
        %get3A_736 = vector.shape_cast %get3A_735 : vector<1x16xf32> to vector<16xf32>
        %add3A_737 = arith.addf %get3A_730, %get3A_736 : vector<16xf32>
        %add3A_738 = arith.addf %add3A_724, %add3A_737 : vector<16xf32>
        %get3A_739 = arith.index_cast %add3A_674 : i32 to index
        %get3A_740 = arith.constant 16 : index
        %get3A_741 = tpu.vector_load %arg10[%get3A_739, %get3A_740] {strides = array<i32>} : memref<128x32xf32, #tpu.memory_space<vmem>>, vector<1x16xf32>,
        %get3A_742 = vector.shape_cast %get3A_741 : vector<1x16xf32> to vector<16xf32>
        %mul3A_743 = vector.broadcast %squeeze3A : f32 to vector<16xf32>
        %mul3A_744 = arith.mulf %add3A_738, %mul3A_743 : vector<16xf32>
        %add3A_745 = arith.addf %get3A_742, %mul3A_744 : vector<16xf32>
        %swap3A_746 = arith.index_cast %add3A_674 : i32 to index
        %swap3A_747 = arith.constant 16 : index
        %swap3A_748 = tpu.vector_load %arg16[%swap3A_746, %swap3A_747] {strides = array<i32>} : memref<128x32xf32, #tpu.memory_space<vmem>>, vector<1x16xf32>,
        %swap3A_749 = vector.shape_cast %swap3A_748 : vector<1x16xf32> to vector<16xf32>
        %swap3A_750 = vector.shape_cast %add3A_745 : vector<16xf32> to vector<1x16xf32>
        tpu.vector_store %arg16[%swap3A_746, %swap3A_747], %swap3A_750 {strides = array<i32>} : memref<128x32xf32, #tpu.memory_space<vmem>>, vector<1x16xf32>,
        %add3A_751 = arith.constant 1 : i32
        %add3A_752 = arith.addi %mul3A_669, %add3A_751 : i32
        %slice3A_753 = vector.extract_strided_slice %get3A_672 {offsets = [1], sizes = [1], strides = [1]} : vector<16xf32> to vector<1xf32>
        %squeeze3A_754 = vector.extract %slice3A_753[0] : f32 from vector<1xf32>
        %mul3A_755 = arith.constant 4 : i32
        %mul3A_756 = arith.muli %mul3A_755, %add3A_752 : i32
        %get3A_757 = arith.index_cast %mul3A_756 : i32 to index
        %get3A_758 = arith.constant 0 : index
        %get3A_759 = tpu.vector_load %arg12[%get3A_757, %get3A_758] {strides = array<i32>} : memref<512x32xf32, #tpu.memory_space<vmem>>, vector<1x16xf32>,
        %get3A_760 = vector.shape_cast %get3A_759 : vector<1x16xf32> to vector<16xf32>
        %add3A_761 = arith.constant 1 : i32
        %add3A_762 = arith.addi %mul3A_756, %add3A_761 : i32
        %get3A_763 = arith.index_cast %add3A_762 : i32 to index
        %get3A_764 = arith.constant 0 : index
        %get3A_765 = tpu.vector_load %arg12[%get3A_763, %get3A_764] {strides = array<i32>} : memref<512x32xf32, #tpu.memory_space<vmem>>, vector<1x16xf32>,
        %get3A_766 = vector.shape_cast %get3A_765 : vector<1x16xf32> to vector<16xf32>
        %add3A_767 = arith.addf %get3A_760, %get3A_766 : vector<16xf32>
        %add3A_768 = arith.constant 2 : i32
        %add3A_769 = arith.addi %mul3A_756, %add3A_768 : i32
        %get3A_770 = arith.index_cast %add3A_769 : i32 to index
        %get3A_771 = arith.constant 0 : index
        %get3A_772 = tpu.vector_load %arg12[%get3A_770, %get3A_771] {strides = array<i32>} : memref<512x32xf32, #tpu.memory_space<vmem>>, vector<1x16xf32>,
        %get3A_773 = vector.shape_cast %get3A_772 : vector<1x16xf32> to vector<16xf32>
        %add3A_774 = arith.constant 3 : i32
        %add3A_775 = arith.addi %mul3A_756, %add3A_774 : i32
        %get3A_776 = arith.index_cast %add3A_775 : i32 to index
        %get3A_777 = arith.constant 0 : index
        %get3A_778 = tpu.vector_load %arg12[%get3A_776, %get3A_777] {strides = array<i32>} : memref<512x32xf32, #tpu.memory_space<vmem>>, vector<1x16xf32>,
        %get3A_779 = vector.shape_cast %get3A_778 : vector<1x16xf32> to vector<16xf32>
        %add3A_780 = arith.addf %get3A_773, %get3A_779 : vector<16xf32>
        %add3A_781 = arith.addf %add3A_767, %add3A_780 : vector<16xf32>
        %get3A_782 = arith.index_cast %add3A_752 : i32 to index
        %get3A_783 = arith.constant 0 : index
        %get3A_784 = tpu.vector_load %arg10[%get3A_782, %get3A_783] {strides = array<i32>} : memref<128x32xf32, #tpu.memory_space<vmem>>, vector<1x16xf32>,
        %get3A_785 = vector.shape_cast %get3A_784 : vector<1x16xf32> to vector<16xf32>
        %mul3A_786 = vector.broadcast %squeeze3A_754 : f32 to vector<16xf32>
        %mul3A_787 = arith.mulf %add3A_781, %mul3A_786 : vector<16xf32>
        %add3A_788 = arith.addf %get3A_785, %mul3A_787 : vector<16xf32>
        %swap3A_789 = arith.index_cast %add3A_752 : i32 to index
        %swap3A_790 = arith.constant 0 : index
        %swap3A_791 = tpu.vector_load %arg16[%swap3A_789, %swap3A_790] {strides = array<i32>} : memref<128x32xf32, #tpu.memory_space<vmem>>, vector<1x16xf32>,
        %swap3A_792 = vector.shape_cast %swap3A_791 : vector<1x16xf32> to vector<16xf32>
        %swap3A_793 = vector.shape_cast %add3A_788 : vector<16xf32> to vector<1x16xf32>
        tpu.vector_store %arg16[%swap3A_789, %swap3A_790], %swap3A_793 {strides = array<i32>} : memref<128x32xf32, #tpu.memory_space<vmem>>, vector<1x16xf32>,
        %get3A_794 = arith.index_cast %mul3A_756 : i32 to index
        %get3A_795 = arith.constant 16 : index
        %get3A_796 = tpu.vector_load %arg12[%get3A_794, %get3A_795] {strides = array<i32>} : memref<512x32xf32, #tpu.memory_space<vmem>>, vector<1x16xf32>,
        %get3A_797 = vector.shape_cast %get3A_796 : vector<1x16xf32> to vector<16xf32>
        %add3A_798 = arith.constant 1 : i32
        %add3A_799 = arith.addi %mul3A_756, %add3A_798 : i32
        %get3A_800 = arith.index_cast %add3A_799 : i32 to index
        %get3A_801 = arith.constant 16 : index
        %get3A_802 = tpu.vector_load %arg12[%get3A_800, %get3A_801] {strides = array<i32>} : memref<512x32xf32, #tpu.memory_space<vmem>>, vector<1x16xf32>,
        %get3A_803 = vector.shape_cast %get3A_802 : vector<1x16xf32> to vector<16xf32>
        %add3A_804 = arith.addf %get3A_797, %get3A_803 : vector<16xf32>
        %add3A_805 = arith.constant 2 : i32
        %add3A_806 = arith.addi %mul3A_756, %add3A_805 : i32
        %get3A_807 = arith.index_cast %add3A_806 : i32 to index
        %get3A_808 = arith.constant 16 : index
        %get3A_809 = tpu.vector_load %arg12[%get3A_807, %get3A_808] {strides = array<i32>} : memref<512x32xf32, #tpu.memory_space<vmem>>, vector<1x16xf32>,
        %get3A_810 = vector.shape_cast %get3A_809 : vector<1x16xf32> to vector<16xf32>
        %add3A_811 = arith.constant 3 : i32
        %add3A_812 = arith.addi %mul3A_756, %add3A_811 : i32
        %get3A_813 = arith.index_cast %add3A_812 : i32 to index
        %get3A_814 = arith.constant 16 : index
        %get3A_815 = tpu.vector_load %arg12[%get3A_813, %get3A_814] {strides = array<i32>} : memref<512x32xf32, #tpu.memory_space<vmem>>, vector<1x16xf32>,
        %get3A_816 = vector.shape_cast %get3A_815 : vector<1x16xf32> to vector<16xf32>
        %add3A_817 = arith.addf %get3A_810, %get3A_816 : vector<16xf32>
        %add3A_818 = arith.addf %add3A_804, %add3A_817 : vector<16xf32>
        %get3A_819 = arith.index_cast %add3A_752 : i32 to index
        %get3A_820 = arith.constant 16 : index
        %get3A_821 = tpu.vector_load %arg10[%get3A_819, %get3A_820] {strides = array<i32>} : memref<128x32xf32, #tpu.memory_space<vmem>>, vector<1x16xf32>,
        %get3A_822 = vector.shape_cast %get3A_821 : vector<1x16xf32> to vector<16xf32>
        %mul3A_823 = vector.broadcast %squeeze3A_754 : f32 to vector<16xf32>
        %mul3A_824 = arith.mulf %add3A_818, %mul3A_823 : vector<16xf32>
        %add3A_825 = arith.addf %get3A_822, %mul3A_824 : vector<16xf32>
        %swap3A_826 = arith.index_cast %add3A_752 : i32 to index
        %swap3A_827 = arith.constant 16 : index
        %swap3A_828 = tpu.vector_load %arg16[%swap3A_826, %swap3A_827] {strides = array<i32>} : memref<128x32xf32, #tpu.memory_space<vmem>>, vector<1x16xf32>,
        %swap3A_829 = vector.shape_cast %swap3A_828 : vector<1x16xf32> to vector<16xf32>
        %swap3A_830 = vector.shape_cast %add3A_825 : vector<16xf32> to vector<1x16xf32>
        tpu.vector_store %arg16[%swap3A_826, %swap3A_827], %swap3A_830 {strides = array<i32>} : memref<128x32xf32, #tpu.memory_space<vmem>>, vector<1x16xf32>,
        %add3A_831 = arith.constant 2 : i32
        %add3A_832 = arith.addi %mul3A_669, %add3A_831 : i32
        %slice3A_833 = vector.extract_strided_slice %get3A_672 {offsets = [2], sizes = [1], strides = [1]} : vector<16xf32> to vector<1xf32>
        %squeeze3A_834 = vector.extract %slice3A_833[0] : f32 from vector<1xf32>
        %mul3A_835 = arith.constant 4 : i32
        %mul3A_836 = arith.muli %mul3A_835, %add3A_832 : i32
        %get3A_837 = arith.index_cast %mul3A_836 : i32 to index
        %get3A_838 = arith.constant 0 : index
        %get3A_839 = tpu.vector_load %arg12[%get3A_837, %get3A_838] {strides = array<i32>} : memref<512x32xf32, #tpu.memory_space<vmem>>, vector<1x16xf32>,
        %get3A_840 = vector.shape_cast %get3A_839 : vector<1x16xf32> to vector<16xf32>
        %add3A_841 = arith.constant 1 : i32
        %add3A_842 = arith.addi %mul3A_836, %add3A_841 : i32
        %get3A_843 = arith.index_cast %add3A_842 : i32 to index
        %get3A_844 = arith.constant 0 : index
        %get3A_845 = tpu.vector_load %arg12[%get3A_843, %get3A_844] {strides = array<i32>} : memref<512x32xf32, #tpu.memory_space<vmem>>, vector<1x16xf32>,
        %get3A_846 = vector.shape_cast %get3A_845 : vector<1x16xf32> to vector<16xf32>
        %add3A_847 = arith.addf %get3A_840, %get3A_846 : vector<16xf32>
        %add3A_848 = arith.constant 2 : i32
        %add3A_849 = arith.addi %mul3A_836, %add3A_848 : i32
        %get3A_850 = arith.index_cast %add3A_849 : i32 to index
        %get3A_851 = arith.constant 0 : index
        %get3A_852 = tpu.vector_load %arg12[%get3A_850, %get3A_851] {strides = array<i32>} : memref<512x32xf32, #tpu.memory_space<vmem>>, vector<1x16xf32>,
        %get3A_853 = vector.shape_cast %get3A_852 : vector<1x16xf32> to vector<16xf32>
        %add3A_854 = arith.constant 3 : i32
        %add3A_855 = arith.addi %mul3A_836, %add3A_854 : i32
        %get3A_856 = arith.index_cast %add3A_855 : i32 to index
        %get3A_857 = arith.constant 0 : index
        %get3A_858 = tpu.vector_load %arg12[%get3A_856, %get3A_857] {strides = array<i32>} : memref<512x32xf32, #tpu.memory_space<vmem>>, vector<1x16xf32>,
        %get3A_859 = vector.shape_cast %get3A_858 : vector<1x16xf32> to vector<16xf32>
        %add3A_860 = arith.addf %get3A_853, %get3A_859 : vector<16xf32>
        %add3A_861 = arith.addf %add3A_847, %add3A_860 : vector<16xf32>
        %get3A_862 = arith.index_cast %add3A_832 : i32 to index
        %get3A_863 = arith.constant 0 : index
        %get3A_864 = tpu.vector_load %arg10[%get3A_862, %get3A_863] {strides = array<i32>} : memref<128x32xf32, #tpu.memory_space<vmem>>, vector<1x16xf32>,
        %get3A_865 = vector.shape_cast %get3A_864 : vector<1x16xf32> to vector<16xf32>
        %mul3A_866 = vector.broadcast %squeeze3A_834 : f32 to vector<16xf32>
        %mul3A_867 = arith.mulf %add3A_861, %mul3A_866 : vector<16xf32>
        %add3A_868 = arith.addf %get3A_865, %mul3A_867 : vector<16xf32>
        %swap3A_869 = arith.index_cast %add3A_832 : i32 to index
        %swap3A_870 = arith.constant 0 : index
        %swap3A_871 = tpu.vector_load %arg16[%swap3A_869, %swap3A_870] {strides = array<i32>} : memref<128x32xf32, #tpu.memory_space<vmem>>, vector<1x16xf32>,
        %swap3A_872 = vector.shape_cast %swap3A_871 : vector<1x16xf32> to vector<16xf32>
        %swap3A_873 = vector.shape_cast %add3A_868 : vector<16xf32> to vector<1x16xf32>
        tpu.vector_store %arg16[%swap3A_869, %swap3A_870], %swap3A_873 {strides = array<i32>} : memref<128x32xf32, #tpu.memory_space<vmem>>, vector<1x16xf32>,
        %get3A_874 = arith.index_cast %mul3A_836 : i32 to index
        %get3A_875 = arith.constant 16 : index
        %get3A_876 = tpu.vector_load %arg12[%get3A_874, %get3A_875] {strides = array<i32>} : memref<512x32xf32, #tpu.memory_space<vmem>>, vector<1x16xf32>,
        %get3A_877 = vector.shape_cast %get3A_876 : vector<1x16xf32> to vector<16xf32>
        %add3A_878 = arith.constant 1 : i32
        %add3A_879 = arith.addi %mul3A_836, %add3A_878 : i32
        %get3A_880 = arith.index_cast %add3A_879 : i32 to index
        %get3A_881 = arith.constant 16 : index
        %get3A_882 = tpu.vector_load %arg12[%get3A_880, %get3A_881] {strides = array<i32>} : memref<512x32xf32, #tpu.memory_space<vmem>>, vector<1x16xf32>,
        %get3A_883 = vector.shape_cast %get3A_882 : vector<1x16xf32> to vector<16xf32>
        %add3A_884 = arith.addf %get3A_877, %get3A_883 : vector<16xf32>
        %add3A_885 = arith.constant 2 : i32
        %add3A_886 = arith.addi %mul3A_836, %add3A_885 : i32
        %get3A_887 = arith.index_cast %add3A_886 : i32 to index
        %get3A_888 = arith.constant 16 : index
        %get3A_889 = tpu.vector_load %arg12[%get3A_887, %get3A_888] {strides = array<i32>} : memref<512x32xf32, #tpu.memory_space<vmem>>, vector<1x16xf32>,
        %get3A_890 = vector.shape_cast %get3A_889 : vector<1x16xf32> to vector<16xf32>
        %add3A_891 = arith.constant 3 : i32
        %add3A_892 = arith.addi %mul3A_836, %add3A_891 : i32
        %get3A_893 = arith.index_cast %add3A_892 : i32 to index
        %get3A_894 = arith.constant 16 : index
        %get3A_895 = tpu.vector_load %arg12[%get3A_893, %get3A_894] {strides = array<i32>} : memref<512x32xf32, #tpu.memory_space<vmem>>, vector<1x16xf32>,
        %get3A_896 = vector.shape_cast %get3A_895 : vector<1x16xf32> to vector<16xf32>
        %add3A_897 = arith.addf %get3A_890, %get3A_896 : vector<16xf32>
        %add3A_898 = arith.addf %add3A_884, %add3A_897 : vector<16xf32>
        %get3A_899 = arith.index_cast %add3A_832 : i32 to index
        %get3A_900 = arith.constant 16 : index
        %get3A_901 = tpu.vector_load %arg10[%get3A_899, %get3A_900] {strides = array<i32>} : memref<128x32xf32, #tpu.memory_space<vmem>>, vector<1x16xf32>,
        %get3A_902 = vector.shape_cast %get3A_901 : vector<1x16xf32> to vector<16xf32>
        %mul3A_903 = vector.broadcast %squeeze3A_834 : f32 to vector<16xf32>
        %mul3A_904 = arith.mulf %add3A_898, %mul3A_903 : vector<16xf32>
        %add3A_905 = arith.addf %get3A_902, %mul3A_904 : vector<16xf32>
        %swap3A_906 = arith.index_cast %add3A_832 : i32 to index
        %swap3A_907 = arith.constant 16 : index
        %swap3A_908 = tpu.vector_load %arg16[%swap3A_906, %swap3A_907] {strides = array<i32>} : memref<128x32xf32, #tpu.memory_space<vmem>>, vector<1x16xf32>,
        %swap3A_909 = vector.shape_cast %swap3A_908 : vector<1x16xf32> to vector<16xf32>
        %swap3A_910 = vector.shape_cast %add3A_905 : vector<16xf32> to vector<1x16xf32>
        tpu.vector_store %arg16[%swap3A_906, %swap3A_907], %swap3A_910 {strides = array<i32>} : memref<128x32xf32, #tpu.memory_space<vmem>>, vector<1x16xf32>,
        %add3A_911 = arith.constant 3 : i32
        %add3A_912 = arith.addi %mul3A_669, %add3A_911 : i32
        %slice3A_913 = vector.extract_strided_slice %get3A_672 {offsets = [3], sizes = [1], strides = [1]} : vector<16xf32> to vector<1xf32>
        %squeeze3A_914 = vector.extract %slice3A_913[0] : f32 from vector<1xf32>
        %mul3A_915 = arith.constant 4 : i32
        %mul3A_916 = arith.muli %mul3A_915, %add3A_912 : i32
        %get3A_917 = arith.index_cast %mul3A_916 : i32 to index
        %get3A_918 = arith.constant 0 : index
        %get3A_919 = tpu.vector_load %arg12[%get3A_917, %get3A_918] {strides = array<i32>} : memref<512x32xf32, #tpu.memory_space<vmem>>, vector<1x16xf32>,
        %get3A_920 = vector.shape_cast %get3A_919 : vector<1x16xf32> to vector<16xf32>
        %add3A_921 = arith.constant 1 : i32
        %add3A_922 = arith.addi %mul3A_916, %add3A_921 : i32
        %get3A_923 = arith.index_cast %add3A_922 : i32 to index
        %get3A_924 = arith.constant 0 : index
        %get3A_925 = tpu.vector_load %arg12[%get3A_923, %get3A_924] {strides = array<i32>} : memref<512x32xf32, #tpu.memory_space<vmem>>, vector<1x16xf32>,
        %get3A_926 = vector.shape_cast %get3A_925 : vector<1x16xf32> to vector<16xf32>
        %add3A_927 = arith.addf %get3A_920, %get3A_926 : vector<16xf32>
        %add3A_928 = arith.constant 2 : i32
        %add3A_929 = arith.addi %mul3A_916, %add3A_928 : i32
        %get3A_930 = arith.index_cast %add3A_929 : i32 to index
        %get3A_931 = arith.constant 0 : index
        %get3A_932 = tpu.vector_load %arg12[%get3A_930, %get3A_931] {strides = array<i32>} : memref<512x32xf32, #tpu.memory_space<vmem>>, vector<1x16xf32>,
        %get3A_933 = vector.shape_cast %get3A_932 : vector<1x16xf32> to vector<16xf32>
        %add3A_934 = arith.constant 3 : i32
        %add3A_935 = arith.addi %mul3A_916, %add3A_934 : i32
        %get3A_936 = arith.index_cast %add3A_935 : i32 to index
        %get3A_937 = arith.constant 0 : index
        %get3A_938 = tpu.vector_load %arg12[%get3A_936, %get3A_937] {strides = array<i32>} : memref<512x32xf32, #tpu.memory_space<vmem>>, vector<1x16xf32>,
        %get3A_939 = vector.shape_cast %get3A_938 : vector<1x16xf32> to vector<16xf32>
        %add3A_940 = arith.addf %get3A_933, %get3A_939 : vector<16xf32>
        %add3A_941 = arith.addf %add3A_927, %add3A_940 : vector<16xf32>
        %get3A_942 = arith.index_cast %add3A_912 : i32 to index
        %get3A_943 = arith.constant 0 : index
        %get3A_944 = tpu.vector_load %arg10[%get3A_942, %get3A_943] {strides = array<i32>} : memref<128x32xf32, #tpu.memory_space<vmem>>, vector<1x16xf32>,
        %get3A_945 = vector.shape_cast %get3A_944 : vector<1x16xf32> to vector<16xf32>
        %mul3A_946 = vector.broadcast %squeeze3A_914 : f32 to vector<16xf32>
        %mul3A_947 = arith.mulf %add3A_941, %mul3A_946 : vector<16xf32>
        %add3A_948 = arith.addf %get3A_945, %mul3A_947 : vector<16xf32>
        %swap3A_949 = arith.index_cast %add3A_912 : i32 to index
        %swap3A_950 = arith.constant 0 : index
        %swap3A_951 = tpu.vector_load %arg16[%swap3A_949, %swap3A_950] {strides = array<i32>} : memref<128x32xf32, #tpu.memory_space<vmem>>, vector<1x16xf32>,
        %swap3A_952 = vector.shape_cast %swap3A_951 : vector<1x16xf32> to vector<16xf32>
        %swap3A_953 = vector.shape_cast %add3A_948 : vector<16xf32> to vector<1x16xf32>
        tpu.vector_store %arg16[%swap3A_949, %swap3A_950], %swap3A_953 {strides = array<i32>} : memref<128x32xf32, #tpu.memory_space<vmem>>, vector<1x16xf32>,
        %get3A_954 = arith.index_cast %mul3A_916 : i32 to index
        %get3A_955 = arith.constant 16 : index
        %get3A_956 = tpu.vector_load %arg12[%get3A_954, %get3A_955] {strides = array<i32>} : memref<512x32xf32, #tpu.memory_space<vmem>>, vector<1x16xf32>,
        %get3A_957 = vector.shape_cast %get3A_956 : vector<1x16xf32> to vector<16xf32>
        %add3A_958 = arith.constant 1 : i32
        %add3A_959 = arith.addi %mul3A_916, %add3A_958 : i32
        %get3A_960 = arith.index_cast %add3A_959 : i32 to index
        %get3A_961 = arith.constant 16 : index
        %get3A_962 = tpu.vector_load %arg12[%get3A_960, %get3A_961] {strides = array<i32>} : memref<512x32xf32, #tpu.memory_space<vmem>>, vector<1x16xf32>,
        %get3A_963 = vector.shape_cast %get3A_962 : vector<1x16xf32> to vector<16xf32>
        %add3A_964 = arith.addf %get3A_957, %get3A_963 : vector<16xf32>
        %add3A_965 = arith.constant 2 : i32
        %add3A_966 = arith.addi %mul3A_916, %add3A_965 : i32
        %get3A_967 = arith.index_cast %add3A_966 : i32 to index
        %get3A_968 = arith.constant 16 : index
        %get3A_969 = tpu.vector_load %arg12[%get3A_967, %get3A_968] {strides = array<i32>} : memref<512x32xf32, #tpu.memory_space<vmem>>, vector<1x16xf32>,
        %get3A_970 = vector.shape_cast %get3A_969 : vector<1x16xf32> to vector<16xf32>
        %add3A_971 = arith.constant 3 : i32
        %add3A_972 = arith.addi %mul3A_916, %add3A_971 : i32
        %get3A_973 = arith.index_cast %add3A_972 : i32 to index
        %get3A_974 = arith.constant 16 : index
        %get3A_975 = tpu.vector_load %arg12[%get3A_973, %get3A_974] {strides = array<i32>} : memref<512x32xf32, #tpu.memory_space<vmem>>, vector<1x16xf32>,
        %get3A_976 = vector.shape_cast %get3A_975 : vector<1x16xf32> to vector<16xf32>
        %add3A_977 = arith.addf %get3A_970, %get3A_976 : vector<16xf32>
        %add3A_978 = arith.addf %add3A_964, %add3A_977 : vector<16xf32>
        %get3A_979 = arith.index_cast %add3A_912 : i32 to index
        %get3A_980 = arith.constant 16 : index
        %get3A_981 = tpu.vector_load %arg10[%get3A_979, %get3A_980] {strides = array<i32>} : memref<128x32xf32, #tpu.memory_space<vmem>>, vector<1x16xf32>,
        %get3A_982 = vector.shape_cast %get3A_981 : vector<1x16xf32> to vector<16xf32>
        %mul3A_983 = vector.broadcast %squeeze3A_914 : f32 to vector<16xf32>
        %mul3A_984 = arith.mulf %add3A_978, %mul3A_983 : vector<16xf32>
        %add3A_985 = arith.addf %get3A_982, %mul3A_984 : vector<16xf32>
        %swap3A_986 = arith.index_cast %add3A_912 : i32 to index
        %swap3A_987 = arith.constant 16 : index
        %swap3A_988 = tpu.vector_load %arg16[%swap3A_986, %swap3A_987] {strides = array<i32>} : memref<128x32xf32, #tpu.memory_space<vmem>>, vector<1x16xf32>,
        %swap3A_989 = vector.shape_cast %swap3A_988 : vector<1x16xf32> to vector<16xf32>
        %swap3A_990 = vector.shape_cast %add3A_985 : vector<16xf32> to vector<1x16xf32>
        tpu.vector_store %arg16[%swap3A_986, %swap3A_987], %swap3A_990 {strides = array<i32>} : memref<128x32xf32, #tpu.memory_space<vmem>>, vector<1x16xf32>,
        %add3A_991 = arith.constant 4 : i32
        %add3A_992 = arith.addi %mul3A_669, %add3A_991 : i32
        %slice3A_993 = vector.extract_strided_slice %get3A_672 {offsets = [4], sizes = [1], strides = [1]} : vector<16xf32> to vector<1xf32>
        %squeeze3A_994 = vector.extract %slice3A_993[0] : f32 from vector<1xf32>
        %mul3A_995 = arith.constant 4 : i32
        %mul3A_996 = arith.muli %mul3A_995, %add3A_992 : i32
        %get3A_997 = arith.index_cast %mul3A_996 : i32 to index
        %get3A_998 = arith.constant 0 : index
        %get3A_999 = tpu.vector_load %arg12[%get3A_997, %get3A_998] {strides = array<i32>} : memref<512x32xf32, #tpu.memory_space<vmem>>, vector<1x16xf32>,
        %get3A_1000 = vector.shape_cast %get3A_999 : vector<1x16xf32> to vector<16xf32>
        %add3A_1001 = arith.constant 1 : i32
        %add3A_1002 = arith.addi %mul3A_996, %add3A_1001 : i32
        %get3A_1003 = arith.index_cast %add3A_1002 : i32 to index
        %get3A_1004 = arith.constant 0 : index
        %get3A_1005 = tpu.vector_load %arg12[%get3A_1003, %get3A_1004] {strides = array<i32>} : memref<512x32xf32, #tpu.memory_space<vmem>>, vector<1x16xf32>,
        %get3A_1006 = vector.shape_cast %get3A_1005 : vector<1x16xf32> to vector<16xf32>
        %add3A_1007 = arith.addf %get3A_1000, %get3A_1006 : vector<16xf32>
        %add3A_1008 = arith.constant 2 : i32
        %add3A_1009 = arith.addi %mul3A_996, %add3A_1008 : i32
        %get3A_1010 = arith.index_cast %add3A_1009 : i32 to index
        %get3A_1011 = arith.constant 0 : index
        %get3A_1012 = tpu.vector_load %arg12[%get3A_1010, %get3A_1011] {strides = array<i32>} : memref<512x32xf32, #tpu.memory_space<vmem>>, vector<1x16xf32>,
        %get3A_1013 = vector.shape_cast %get3A_1012 : vector<1x16xf32> to vector<16xf32>
        %add3A_1014 = arith.constant 3 : i32
        %add3A_1015 = arith.addi %mul3A_996, %add3A_1014 : i32
        %get3A_1016 = arith.index_cast %add3A_1015 : i32 to index
        %get3A_1017 = arith.constant 0 : index
        %get3A_1018 = tpu.vector_load %arg12[%get3A_1016, %get3A_1017] {strides = array<i32>} : memref<512x32xf32, #tpu.memory_space<vmem>>, vector<1x16xf32>,
        %get3A_1019 = vector.shape_cast %get3A_1018 : vector<1x16xf32> to vector<16xf32>
        %add3A_1020 = arith.addf %get3A_1013, %get3A_1019 : vector<16xf32>
        %add3A_1021 = arith.addf %add3A_1007, %add3A_1020 : vector<16xf32>
        %get3A_1022 = arith.index_cast %add3A_992 : i32 to index
        %get3A_1023 = arith.constant 0 : index
        %get3A_1024 = tpu.vector_load %arg10[%get3A_1022, %get3A_1023] {strides = array<i32>} : memref<128x32xf32, #tpu.memory_space<vmem>>, vector<1x16xf32>,
        %get3A_1025 = vector.shape_cast %get3A_1024 : vector<1x16xf32> to vector<16xf32>
        %mul3A_1026 = vector.broadcast %squeeze3A_994 : f32 to vector<16xf32>
        %mul3A_1027 = arith.mulf %add3A_1021, %mul3A_1026 : vector<16xf32>
        %add3A_1028 = arith.addf %get3A_1025, %mul3A_1027 : vector<16xf32>
        %swap3A_1029 = arith.index_cast %add3A_992 : i32 to index
        %swap3A_1030 = arith.constant 0 : index
        %swap3A_1031 = tpu.vector_load %arg16[%swap3A_1029, %swap3A_1030] {strides = array<i32>} : memref<128x32xf32, #tpu.memory_space<vmem>>, vector<1x16xf32>,
        %swap3A_1032 = vector.shape_cast %swap3A_1031 : vector<1x16xf32> to vector<16xf32>
        %swap3A_1033 = vector.shape_cast %add3A_1028 : vector<16xf32> to vector<1x16xf32>
        tpu.vector_store %arg16[%swap3A_1029, %swap3A_1030], %swap3A_1033 {strides = array<i32>} : memref<128x32xf32, #tpu.memory_space<vmem>>, vector<1x16xf32>,
        %get3A_1034 = arith.index_cast %mul3A_996 : i32 to index
        %get3A_1035 = arith.constant 16 : index
        %get3A_1036 = tpu.vector_load %arg12[%get3A_1034, %get3A_1035] {strides = array<i32>} : memref<512x32xf32, #tpu.memory_space<vmem>>, vector<1x16xf32>,
        %get3A_1037 = vector.shape_cast %get3A_1036 : vector<1x16xf32> to vector<16xf32>
        %add3A_1038 = arith.constant 1 : i32
        %add3A_1039 = arith.addi %mul3A_996, %add3A_1038 : i32
        %get3A_1040 = arith.index_cast %add3A_1039 : i32 to index
        %get3A_1041 = arith.constant 16 : index
        %get3A_1042 = tpu.vector_load %arg12[%get3A_1040, %get3A_1041] {strides = array<i32>} : memref<512x32xf32, #tpu.memory_space<vmem>>, vector<1x16xf32>,
        %get3A_1043 = vector.shape_cast %get3A_1042 : vector<1x16xf32> to vector<16xf32>
        %add3A_1044 = arith.addf %get3A_1037, %get3A_1043 : vector<16xf32>
        %add3A_1045 = arith.constant 2 : i32
        %add3A_1046 = arith.addi %mul3A_996, %add3A_1045 : i32
        %get3A_1047 = arith.index_cast %add3A_1046 : i32 to index
        %get3A_1048 = arith.constant 16 : index
        %get3A_1049 = tpu.vector_load %arg12[%get3A_1047, %get3A_1048] {strides = array<i32>} : memref<512x32xf32, #tpu.memory_space<vmem>>, vector<1x16xf32>,
        %get3A_1050 = vector.shape_cast %get3A_1049 : vector<1x16xf32> to vector<16xf32>
        %add3A_1051 = arith.constant 3 : i32
        %add3A_1052 = arith.addi %mul3A_996, %add3A_1051 : i32
        %get3A_1053 = arith.index_cast %add3A_1052 : i32 to index
        %get3A_1054 = arith.constant 16 : index
        %get3A_1055 = tpu.vector_load %arg12[%get3A_1053, %get3A_1054] {strides = array<i32>} : memref<512x32xf32, #tpu.memory_space<vmem>>, vector<1x16xf32>,
        %get3A_1056 = vector.shape_cast %get3A_1055 : vector<1x16xf32> to vector<16xf32>
        %add3A_1057 = arith.addf %get3A_1050, %get3A_1056 : vector<16xf32>
        %add3A_1058 = arith.addf %add3A_1044, %add3A_1057 : vector<16xf32>
        %get3A_1059 = arith.index_cast %add3A_992 : i32 to index
        %get3A_1060 = arith.constant 16 : index
        %get3A_1061 = tpu.vector_load %arg10[%get3A_1059, %get3A_1060] {strides = array<i32>} : memref<128x32xf32, #tpu.memory_space<vmem>>, vector<1x16xf32>,
        %get3A_1062 = vector.shape_cast %get3A_1061 : vector<1x16xf32> to vector<16xf32>
        %mul3A_1063 = vector.broadcast %squeeze3A_994 : f32 to vector<16xf32>
        %mul3A_1064 = arith.mulf %add3A_1058, %mul3A_1063 : vector<16xf32>
        %add3A_1065 = arith.addf %get3A_1062, %mul3A_1064 : vector<16xf32>
        %swap3A_1066 = arith.index_cast %add3A_992 : i32 to index
        %swap3A_1067 = arith.constant 16 : index
        %swap3A_1068 = tpu.vector_load %arg16[%swap3A_1066, %swap3A_1067] {strides = array<i32>} : memref<128x32xf32, #tpu.memory_space<vmem>>, vector<1x16xf32>,
        %swap3A_1069 = vector.shape_cast %swap3A_1068 : vector<1x16xf32> to vector<16xf32>
        %swap3A_1070 = vector.shape_cast %add3A_1065 : vector<16xf32> to vector<1x16xf32>
        tpu.vector_store %arg16[%swap3A_1066, %swap3A_1067], %swap3A_1070 {strides = array<i32>} : memref<128x32xf32, #tpu.memory_space<vmem>>, vector<1x16xf32>,
        %add3A_1071 = arith.constant 5 : i32
        %add3A_1072 = arith.addi %mul3A_669, %add3A_1071 : i32
        %slice3A_1073 = vector.extract_strided_slice %get3A_672 {offsets = [5], sizes = [1], strides = [1]} : vector<16xf32> to vector<1xf32>
        %squeeze3A_1074 = vector.extract %slice3A_1073[0] : f32 from vector<1xf32>
        %mul3A_1075 = arith.constant 4 : i32
        %mul3A_1076 = arith.muli %mul3A_1075, %add3A_1072 : i32
        %get3A_1077 = arith.index_cast %mul3A_1076 : i32 to index
        %get3A_1078 = arith.constant 0 : index
        %get3A_1079 = tpu.vector_load %arg12[%get3A_1077, %get3A_1078] {strides = array<i32>} : memref<512x32xf32, #tpu.memory_space<vmem>>, vector<1x16xf32>,
        %get3A_1080 = vector.shape_cast %get3A_1079 : vector<1x16xf32> to vector<16xf32>
        %add3A_1081 = arith.constant 1 : i32
        %add3A_1082 = arith.addi %mul3A_1076, %add3A_1081 : i32
        %get3A_1083 = arith.index_cast %add3A_1082 : i32 to index
        %get3A_1084 = arith.constant 0 : index
        %get3A_1085 = tpu.vector_load %arg12[%get3A_1083, %get3A_1084] {strides = array<i32>} : memref<512x32xf32, #tpu.memory_space<vmem>>, vector<1x16xf32>,
        %get3A_1086 = vector.shape_cast %get3A_1085 : vector<1x16xf32> to vector<16xf32>
        %add3A_1087 = arith.addf %get3A_1080, %get3A_1086 : vector<16xf32>
        %add3A_1088 = arith.constant 2 : i32
        %add3A_1089 = arith.addi %mul3A_1076, %add3A_1088 : i32
        %get3A_1090 = arith.index_cast %add3A_1089 : i32 to index
        %get3A_1091 = arith.constant 0 : index
        %get3A_1092 = tpu.vector_load %arg12[%get3A_1090, %get3A_1091] {strides = array<i32>} : memref<512x32xf32, #tpu.memory_space<vmem>>, vector<1x16xf32>,
        %get3A_1093 = vector.shape_cast %get3A_1092 : vector<1x16xf32> to vector<16xf32>
        %add3A_1094 = arith.constant 3 : i32
        %add3A_1095 = arith.addi %mul3A_1076, %add3A_1094 : i32
        %get3A_1096 = arith.index_cast %add3A_1095 : i32 to index
        %get3A_1097 = arith.constant 0 : index
        %get3A_1098 = tpu.vector_load %arg12[%get3A_1096, %get3A_1097] {strides = array<i32>} : memref<512x32xf32, #tpu.memory_space<vmem>>, vector<1x16xf32>,
        %get3A_1099 = vector.shape_cast %get3A_1098 : vector<1x16xf32> to vector<16xf32>
        %add3A_1100 = arith.addf %get3A_1093, %get3A_1099 : vector<16xf32>
        %add3A_1101 = arith.addf %add3A_1087, %add3A_1100 : vector<16xf32>
        %get3A_1102 = arith.index_cast %add3A_1072 : i32 to index
        %get3A_1103 = arith.constant 0 : index
        %get3A_1104 = tpu.vector_load %arg10[%get3A_1102, %get3A_1103] {strides = array<i32>} : memref<128x32xf32, #tpu.memory_space<vmem>>, vector<1x16xf32>,
        %get3A_1105 = vector.shape_cast %get3A_1104 : vector<1x16xf32> to vector<16xf32>
        %mul3A_1106 = vector.broadcast %squeeze3A_1074 : f32 to vector<16xf32>
        %mul3A_1107 = arith.mulf %add3A_1101, %mul3A_1106 : vector<16xf32>
        %add3A_1108 = arith.addf %get3A_1105, %mul3A_1107 : vector<16xf32>
        %swap3A_1109 = arith.index_cast %add3A_1072 : i32 to index
        %swap3A_1110 = arith.constant 0 : index
        %swap3A_1111 = tpu.vector_load %arg16[%swap3A_1109, %swap3A_1110] {strides = array<i32>} : memref<128x32xf32, #tpu.memory_space<vmem>>, vector<1x16xf32>,
        %swap3A_1112 = vector.shape_cast %swap3A_1111 : vector<1x16xf32> to vector<16xf32>
        %swap3A_1113 = vector.shape_cast %add3A_1108 : vector<16xf32> to vector<1x16xf32>
        tpu.vector_store %arg16[%swap3A_1109, %swap3A_1110], %swap3A_1113 {strides = array<i32>} : memref<128x32xf32, #tpu.memory_space<vmem>>, vector<1x16xf32>,
        %get3A_1114 = arith.index_cast %mul3A_1076 : i32 to index
        %get3A_1115 = arith.constant 16 : index
        %get3A_1116 = tpu.vector_load %arg12[%get3A_1114, %get3A_1115] {strides = array<i32>} : memref<512x32xf32, #tpu.memory_space<vmem>>, vector<1x16xf32>,
        %get3A_1117 = vector.shape_cast %get3A_1116 : vector<1x16xf32> to vector<16xf32>
        %add3A_1118 = arith.constant 1 : i32
        %add3A_1119 = arith.addi %mul3A_1076, %add3A_1118 : i32
        %get3A_1120 = arith.index_cast %add3A_1119 : i32 to index
        %get3A_1121 = arith.constant 16 : index
        %get3A_1122 = tpu.vector_load %arg12[%get3A_1120, %get3A_1121] {strides = array<i32>} : memref<512x32xf32, #tpu.memory_space<vmem>>, vector<1x16xf32>,
        %get3A_1123 = vector.shape_cast %get3A_1122 : vector<1x16xf32> to vector<16xf32>
        %add3A_1124 = arith.addf %get3A_1117, %get3A_1123 : vector<16xf32>
        %add3A_1125 = arith.constant 2 : i32
        %add3A_1126 = arith.addi %mul3A_1076, %add3A_1125 : i32
        %get3A_1127 = arith.index_cast %add3A_1126 : i32 to index
        %get3A_1128 = arith.constant 16 : index
        %get3A_1129 = tpu.vector_load %arg12[%get3A_1127, %get3A_1128] {strides = array<i32>} : memref<512x32xf32, #tpu.memory_space<vmem>>, vector<1x16xf32>,
        %get3A_1130 = vector.shape_cast %get3A_1129 : vector<1x16xf32> to vector<16xf32>
        %add3A_1131 = arith.constant 3 : i32
        %add3A_1132 = arith.addi %mul3A_1076, %add3A_1131 : i32
        %get3A_1133 = arith.index_cast %add3A_1132 : i32 to index
        %get3A_1134 = arith.constant 16 : index
        %get3A_1135 = tpu.vector_load %arg12[%get3A_1133, %get3A_1134] {strides = array<i32>} : memref<512x32xf32, #tpu.memory_space<vmem>>, vector<1x16xf32>,
        %get3A_1136 = vector.shape_cast %get3A_1135 : vector<1x16xf32> to vector<16xf32>
        %add3A_1137 = arith.addf %get3A_1130, %get3A_1136 : vector<16xf32>
        %add3A_1138 = arith.addf %add3A_1124, %add3A_1137 : vector<16xf32>
        %get3A_1139 = arith.index_cast %add3A_1072 : i32 to index
        %get3A_1140 = arith.constant 16 : index
        %get3A_1141 = tpu.vector_load %arg10[%get3A_1139, %get3A_1140] {strides = array<i32>} : memref<128x32xf32, #tpu.memory_space<vmem>>, vector<1x16xf32>,
        %get3A_1142 = vector.shape_cast %get3A_1141 : vector<1x16xf32> to vector<16xf32>
        %mul3A_1143 = vector.broadcast %squeeze3A_1074 : f32 to vector<16xf32>
        %mul3A_1144 = arith.mulf %add3A_1138, %mul3A_1143 : vector<16xf32>
        %add3A_1145 = arith.addf %get3A_1142, %mul3A_1144 : vector<16xf32>
        %swap3A_1146 = arith.index_cast %add3A_1072 : i32 to index
        %swap3A_1147 = arith.constant 16 : index
        %swap3A_1148 = tpu.vector_load %arg16[%swap3A_1146, %swap3A_1147] {strides = array<i32>} : memref<128x32xf32, #tpu.memory_space<vmem>>, vector<1x16xf32>,
        %swap3A_1149 = vector.shape_cast %swap3A_1148 : vector<1x16xf32> to vector<16xf32>
        %swap3A_1150 = vector.shape_cast %add3A_1145 : vector<16xf32> to vector<1x16xf32>
        tpu.vector_store %arg16[%swap3A_1146, %swap3A_1147], %swap3A_1150 {strides = array<i32>} : memref<128x32xf32, #tpu.memory_space<vmem>>, vector<1x16xf32>,
        %add3A_1151 = arith.constant 6 : i32
        %add3A_1152 = arith.addi %mul3A_669, %add3A_1151 : i32
        %slice3A_1153 = vector.extract_strided_slice %get3A_672 {offsets = [6], sizes = [1], strides = [1]} : vector<16xf32> to vector<1xf32>
        %squeeze3A_1154 = vector.extract %slice3A_1153[0] : f32 from vector<1xf32>
        %mul3A_1155 = arith.constant 4 : i32
        %mul3A_1156 = arith.muli %mul3A_1155, %add3A_1152 : i32
        %get3A_1157 = arith.index_cast %mul3A_1156 : i32 to index
        %get3A_1158 = arith.constant 0 : index
        %get3A_1159 = tpu.vector_load %arg12[%get3A_1157, %get3A_1158] {strides = array<i32>} : memref<512x32xf32, #tpu.memory_space<vmem>>, vector<1x16xf32>,
        %get3A_1160 = vector.shape_cast %get3A_1159 : vector<1x16xf32> to vector<16xf32>
        %add3A_1161 = arith.constant 1 : i32
        %add3A_1162 = arith.addi %mul3A_1156, %add3A_1161 : i32
        %get3A_1163 = arith.index_cast %add3A_1162 : i32 to index
        %get3A_1164 = arith.constant 0 : index
        %get3A_1165 = tpu.vector_load %arg12[%get3A_1163, %get3A_1164] {strides = array<i32>} : memref<512x32xf32, #tpu.memory_space<vmem>>, vector<1x16xf32>,
        %get3A_1166 = vector.shape_cast %get3A_1165 : vector<1x16xf32> to vector<16xf32>
        %add3A_1167 = arith.addf %get3A_1160, %get3A_1166 : vector<16xf32>
        %add3A_1168 = arith.constant 2 : i32
        %add3A_1169 = arith.addi %mul3A_1156, %add3A_1168 : i32
        %get3A_1170 = arith.index_cast %add3A_1169 : i32 to index
        %get3A_1171 = arith.constant 0 : index
        %get3A_1172 = tpu.vector_load %arg12[%get3A_1170, %get3A_1171] {strides = array<i32>} : memref<512x32xf32, #tpu.memory_space<vmem>>, vector<1x16xf32>,
        %get3A_1173 = vector.shape_cast %get3A_1172 : vector<1x16xf32> to vector<16xf32>
        %add3A_1174 = arith.constant 3 : i32
        %add3A_1175 = arith.addi %mul3A_1156, %add3A_1174 : i32
        %get3A_1176 = arith.index_cast %add3A_1175 : i32 to index
        %get3A_1177 = arith.constant 0 : index
        %get3A_1178 = tpu.vector_load %arg12[%get3A_1176, %get3A_1177] {strides = array<i32>} : memref<512x32xf32, #tpu.memory_space<vmem>>, vector<1x16xf32>,
        %get3A_1179 = vector.shape_cast %get3A_1178 : vector<1x16xf32> to vector<16xf32>
        %add3A_1180 = arith.addf %get3A_1173, %get3A_1179 : vector<16xf32>
        %add3A_1181 = arith.addf %add3A_1167, %add3A_1180 : vector<16xf32>
        %get3A_1182 = arith.index_cast %add3A_1152 : i32 to index
        %get3A_1183 = arith.constant 0 : index
        %get3A_1184 = tpu.vector_load %arg10[%get3A_1182, %get3A_1183] {strides = array<i32>} : memref<128x32xf32, #tpu.memory_space<vmem>>, vector<1x16xf32>,
        %get3A_1185 = vector.shape_cast %get3A_1184 : vector<1x16xf32> to vector<16xf32>
        %mul3A_1186 = vector.broadcast %squeeze3A_1154 : f32 to vector<16xf32>
        %mul3A_1187 = arith.mulf %add3A_1181, %mul3A_1186 : vector<16xf32>
        %add3A_1188 = arith.addf %get3A_1185, %mul3A_1187 : vector<16xf32>
        %swap3A_1189 = arith.index_cast %add3A_1152 : i32 to index
        %swap3A_1190 = arith.constant 0 : index
        %swap3A_1191 = tpu.vector_load %arg16[%swap3A_1189, %swap3A_1190] {strides = array<i32>} : memref<128x32xf32, #tpu.memory_space<vmem>>, vector<1x16xf32>,
        %swap3A_1192 = vector.shape_cast %swap3A_1191 : vector<1x16xf32> to vector<16xf32>
        %swap3A_1193 = vector.shape_cast %add3A_1188 : vector<16xf32> to vector<1x16xf32>
        tpu.vector_store %arg16[%swap3A_1189, %swap3A_1190], %swap3A_1193 {strides = array<i32>} : memref<128x32xf32, #tpu.memory_space<vmem>>, vector<1x16xf32>,
        %get3A_1194 = arith.index_cast %mul3A_1156 : i32 to index
        %get3A_1195 = arith.constant 16 : index
        %get3A_1196 = tpu.vector_load %arg12[%get3A_1194, %get3A_1195] {strides = array<i32>} : memref<512x32xf32, #tpu.memory_space<vmem>>, vector<1x16xf32>,
        %get3A_1197 = vector.shape_cast %get3A_1196 : vector<1x16xf32> to vector<16xf32>
        %add3A_1198 = arith.constant 1 : i32
        %add3A_1199 = arith.addi %mul3A_1156, %add3A_1198 : i32
        %get3A_1200 = arith.index_cast %add3A_1199 : i32 to index
        %get3A_1201 = arith.constant 16 : index
        %get3A_1202 = tpu.vector_load %arg12[%get3A_1200, %get3A_1201] {strides = array<i32>} : memref<512x32xf32, #tpu.memory_space<vmem>>, vector<1x16xf32>,
        %get3A_1203 = vector.shape_cast %get3A_1202 : vector<1x16xf32> to vector<16xf32>
        %add3A_1204 = arith.addf %get3A_1197, %get3A_1203 : vector<16xf32>
        %add3A_1205 = arith.constant 2 : i32
        %add3A_1206 = arith.addi %mul3A_1156, %add3A_1205 : i32
        %get3A_1207 = arith.index_cast %add3A_1206 : i32 to index
        %get3A_1208 = arith.constant 16 : index
        %get3A_1209 = tpu.vector_load %arg12[%get3A_1207, %get3A_1208] {strides = array<i32>} : memref<512x32xf32, #tpu.memory_space<vmem>>, vector<1x16xf32>,
        %get3A_1210 = vector.shape_cast %get3A_1209 : vector<1x16xf32> to vector<16xf32>
        %add3A_1211 = arith.constant 3 : i32
        %add3A_1212 = arith.addi %mul3A_1156, %add3A_1211 : i32
        %get3A_1213 = arith.index_cast %add3A_1212 : i32 to index
        %get3A_1214 = arith.constant 16 : index
        %get3A_1215 = tpu.vector_load %arg12[%get3A_1213, %get3A_1214] {strides = array<i32>} : memref<512x32xf32, #tpu.memory_space<vmem>>, vector<1x16xf32>,
        %get3A_1216 = vector.shape_cast %get3A_1215 : vector<1x16xf32> to vector<16xf32>
        %add3A_1217 = arith.addf %get3A_1210, %get3A_1216 : vector<16xf32>
        %add3A_1218 = arith.addf %add3A_1204, %add3A_1217 : vector<16xf32>
        %get3A_1219 = arith.index_cast %add3A_1152 : i32 to index
        %get3A_1220 = arith.constant 16 : index
        %get3A_1221 = tpu.vector_load %arg10[%get3A_1219, %get3A_1220] {strides = array<i32>} : memref<128x32xf32, #tpu.memory_space<vmem>>, vector<1x16xf32>,
        %get3A_1222 = vector.shape_cast %get3A_1221 : vector<1x16xf32> to vector<16xf32>
        %mul3A_1223 = vector.broadcast %squeeze3A_1154 : f32 to vector<16xf32>
        %mul3A_1224 = arith.mulf %add3A_1218, %mul3A_1223 : vector<16xf32>
        %add3A_1225 = arith.addf %get3A_1222, %mul3A_1224 : vector<16xf32>
        %swap3A_1226 = arith.index_cast %add3A_1152 : i32 to index
        %swap3A_1227 = arith.constant 16 : index
        %swap3A_1228 = tpu.vector_load %arg16[%swap3A_1226, %swap3A_1227] {strides = array<i32>} : memref<128x32xf32, #tpu.memory_space<vmem>>, vector<1x16xf32>,
        %swap3A_1229 = vector.shape_cast %swap3A_1228 : vector<1x16xf32> to vector<16xf32>
        %swap3A_1230 = vector.shape_cast %add3A_1225 : vector<16xf32> to vector<1x16xf32>
        tpu.vector_store %arg16[%swap3A_1226, %swap3A_1227], %swap3A_1230 {strides = array<i32>} : memref<128x32xf32, #tpu.memory_space<vmem>>, vector<1x16xf32>,
        %add3A_1231 = arith.constant 7 : i32
        %add3A_1232 = arith.addi %mul3A_669, %add3A_1231 : i32
        %slice3A_1233 = vector.extract_strided_slice %get3A_672 {offsets = [7], sizes = [1], strides = [1]} : vector<16xf32> to vector<1xf32>
        %squeeze3A_1234 = vector.extract %slice3A_1233[0] : f32 from vector<1xf32>
        %mul3A_1235 = arith.constant 4 : i32
        %mul3A_1236 = arith.muli %mul3A_1235, %add3A_1232 : i32
        %get3A_1237 = arith.index_cast %mul3A_1236 : i32 to index
        %get3A_1238 = arith.constant 0 : index
        %get3A_1239 = tpu.vector_load %arg12[%get3A_1237, %get3A_1238] {strides = array<i32>} : memref<512x32xf32, #tpu.memory_space<vmem>>, vector<1x16xf32>,
        %get3A_1240 = vector.shape_cast %get3A_1239 : vector<1x16xf32> to vector<16xf32>
        %add3A_1241 = arith.constant 1 : i32
        %add3A_1242 = arith.addi %mul3A_1236, %add3A_1241 : i32
        %get3A_1243 = arith.index_cast %add3A_1242 : i32 to index
        %get3A_1244 = arith.constant 0 : index
        %get3A_1245 = tpu.vector_load %arg12[%get3A_1243, %get3A_1244] {strides = array<i32>} : memref<512x32xf32, #tpu.memory_space<vmem>>, vector<1x16xf32>,
        %get3A_1246 = vector.shape_cast %get3A_1245 : vector<1x16xf32> to vector<16xf32>
        %add3A_1247 = arith.addf %get3A_1240, %get3A_1246 : vector<16xf32>
        %add3A_1248 = arith.constant 2 : i32
        %add3A_1249 = arith.addi %mul3A_1236, %add3A_1248 : i32
        %get3A_1250 = arith.index_cast %add3A_1249 : i32 to index
        %get3A_1251 = arith.constant 0 : index
        %get3A_1252 = tpu.vector_load %arg12[%get3A_1250, %get3A_1251] {strides = array<i32>} : memref<512x32xf32, #tpu.memory_space<vmem>>, vector<1x16xf32>,
        %get3A_1253 = vector.shape_cast %get3A_1252 : vector<1x16xf32> to vector<16xf32>
        %add3A_1254 = arith.constant 3 : i32
        %add3A_1255 = arith.addi %mul3A_1236, %add3A_1254 : i32
        %get3A_1256 = arith.index_cast %add3A_1255 : i32 to index
        %get3A_1257 = arith.constant 0 : index
        %get3A_1258 = tpu.vector_load %arg12[%get3A_1256, %get3A_1257] {strides = array<i32>} : memref<512x32xf32, #tpu.memory_space<vmem>>, vector<1x16xf32>,
        %get3A_1259 = vector.shape_cast %get3A_1258 : vector<1x16xf32> to vector<16xf32>
        %add3A_1260 = arith.addf %get3A_1253, %get3A_1259 : vector<16xf32>
        %add3A_1261 = arith.addf %add3A_1247, %add3A_1260 : vector<16xf32>
        %get3A_1262 = arith.index_cast %add3A_1232 : i32 to index
        %get3A_1263 = arith.constant 0 : index
        %get3A_1264 = tpu.vector_load %arg10[%get3A_1262, %get3A_1263] {strides = array<i32>} : memref<128x32xf32, #tpu.memory_space<vmem>>, vector<1x16xf32>,
        %get3A_1265 = vector.shape_cast %get3A_1264 : vector<1x16xf32> to vector<16xf32>
        %mul3A_1266 = vector.broadcast %squeeze3A_1234 : f32 to vector<16xf32>
        %mul3A_1267 = arith.mulf %add3A_1261, %mul3A_1266 : vector<16xf32>
        %add3A_1268 = arith.addf %get3A_1265, %mul3A_1267 : vector<16xf32>
        %swap3A_1269 = arith.index_cast %add3A_1232 : i32 to index
        %swap3A_1270 = arith.constant 0 : index
        %swap3A_1271 = tpu.vector_load %arg16[%swap3A_1269, %swap3A_1270] {strides = array<i32>} : memref<128x32xf32, #tpu.memory_space<vmem>>, vector<1x16xf32>,
        %swap3A_1272 = vector.shape_cast %swap3A_1271 : vector<1x16xf32> to vector<16xf32>
        %swap3A_1273 = vector.shape_cast %add3A_1268 : vector<16xf32> to vector<1x16xf32>
        tpu.vector_store %arg16[%swap3A_1269, %swap3A_1270], %swap3A_1273 {strides = array<i32>} : memref<128x32xf32, #tpu.memory_space<vmem>>, vector<1x16xf32>,
        %get3A_1274 = arith.index_cast %mul3A_1236 : i32 to index
        %get3A_1275 = arith.constant 16 : index
        %get3A_1276 = tpu.vector_load %arg12[%get3A_1274, %get3A_1275] {strides = array<i32>} : memref<512x32xf32, #tpu.memory_space<vmem>>, vector<1x16xf32>,
        %get3A_1277 = vector.shape_cast %get3A_1276 : vector<1x16xf32> to vector<16xf32>
        %add3A_1278 = arith.constant 1 : i32
        %add3A_1279 = arith.addi %mul3A_1236, %add3A_1278 : i32
        %get3A_1280 = arith.index_cast %add3A_1279 : i32 to index
        %get3A_1281 = arith.constant 16 : index
        %get3A_1282 = tpu.vector_load %arg12[%get3A_1280, %get3A_1281] {strides = array<i32>} : memref<512x32xf32, #tpu.memory_space<vmem>>, vector<1x16xf32>,
        %get3A_1283 = vector.shape_cast %get3A_1282 : vector<1x16xf32> to vector<16xf32>
        %add3A_1284 = arith.addf %get3A_1277, %get3A_1283 : vector<16xf32>
        %add3A_1285 = arith.constant 2 : i32
        %add3A_1286 = arith.addi %mul3A_1236, %add3A_1285 : i32
        %get3A_1287 = arith.index_cast %add3A_1286 : i32 to index
        %get3A_1288 = arith.constant 16 : index
        %get3A_1289 = tpu.vector_load %arg12[%get3A_1287, %get3A_1288] {strides = array<i32>} : memref<512x32xf32, #tpu.memory_space<vmem>>, vector<1x16xf32>,
        %get3A_1290 = vector.shape_cast %get3A_1289 : vector<1x16xf32> to vector<16xf32>
        %add3A_1291 = arith.constant 3 : i32
        %add3A_1292 = arith.addi %mul3A_1236, %add3A_1291 : i32
        %get3A_1293 = arith.index_cast %add3A_1292 : i32 to index
        %get3A_1294 = arith.constant 16 : index
        %get3A_1295 = tpu.vector_load %arg12[%get3A_1293, %get3A_1294] {strides = array<i32>} : memref<512x32xf32, #tpu.memory_space<vmem>>, vector<1x16xf32>,
        %get3A_1296 = vector.shape_cast %get3A_1295 : vector<1x16xf32> to vector<16xf32>
        %add3A_1297 = arith.addf %get3A_1290, %get3A_1296 : vector<16xf32>
        %add3A_1298 = arith.addf %add3A_1284, %add3A_1297 : vector<16xf32>
        %get3A_1299 = arith.index_cast %add3A_1232 : i32 to index
        %get3A_1300 = arith.constant 16 : index
        %get3A_1301 = tpu.vector_load %arg10[%get3A_1299, %get3A_1300] {strides = array<i32>} : memref<128x32xf32, #tpu.memory_space<vmem>>, vector<1x16xf32>,
        %get3A_1302 = vector.shape_cast %get3A_1301 : vector<1x16xf32> to vector<16xf32>
        %mul3A_1303 = vector.broadcast %squeeze3A_1234 : f32 to vector<16xf32>
        %mul3A_1304 = arith.mulf %add3A_1298, %mul3A_1303 : vector<16xf32>
        %add3A_1305 = arith.addf %get3A_1302, %mul3A_1304 : vector<16xf32>
        %swap3A_1306 = arith.index_cast %add3A_1232 : i32 to index
        %swap3A_1307 = arith.constant 16 : index
        %swap3A_1308 = tpu.vector_load %arg16[%swap3A_1306, %swap3A_1307] {strides = array<i32>} : memref<128x32xf32, #tpu.memory_space<vmem>>, vector<1x16xf32>,
        %swap3A_1309 = vector.shape_cast %swap3A_1308 : vector<1x16xf32> to vector<16xf32>
        %swap3A_1310 = vector.shape_cast %add3A_1305 : vector<16xf32> to vector<1x16xf32>
        tpu.vector_store %arg16[%swap3A_1306, %swap3A_1307], %swap3A_1310 {strides = array<i32>} : memref<128x32xf32, #tpu.memory_space<vmem>>, vector<1x16xf32>,
        %add3A_1311 = arith.constant 8 : i32
        %add3A_1312 = arith.addi %mul3A_669, %add3A_1311 : i32
        %slice3A_1313 = vector.extract_strided_slice %get3A_672 {offsets = [8], sizes = [1], strides = [1]} : vector<16xf32> to vector<1xf32>
        %squeeze3A_1314 = vector.extract %slice3A_1313[0] : f32 from vector<1xf32>
        %mul3A_1315 = arith.constant 4 : i32
        %mul3A_1316 = arith.muli %mul3A_1315, %add3A_1312 : i32
        %get3A_1317 = arith.index_cast %mul3A_1316 : i32 to index
        %get3A_1318 = arith.constant 0 : index
        %get3A_1319 = tpu.vector_load %arg12[%get3A_1317, %get3A_1318] {strides = array<i32>} : memref<512x32xf32, #tpu.memory_space<vmem>>, vector<1x16xf32>,
        %get3A_1320 = vector.shape_cast %get3A_1319 : vector<1x16xf32> to vector<16xf32>
        %add3A_1321 = arith.constant 1 : i32
        %add3A_1322 = arith.addi %mul3A_1316, %add3A_1321 : i32
        %get3A_1323 = arith.index_cast %add3A_1322 : i32 to index
        %get3A_1324 = arith.constant 0 : index
        %get3A_1325 = tpu.vector_load %arg12[%get3A_1323, %get3A_1324] {strides = array<i32>} : memref<512x32xf32, #tpu.memory_space<vmem>>, vector<1x16xf32>,
        %get3A_1326 = vector.shape_cast %get3A_1325 : vector<1x16xf32> to vector<16xf32>
        %add3A_1327 = arith.addf %get3A_1320, %get3A_1326 : vector<16xf32>
        %add3A_1328 = arith.constant 2 : i32
        %add3A_1329 = arith.addi %mul3A_1316, %add3A_1328 : i32
        %get3A_1330 = arith.index_cast %add3A_1329 : i32 to index
        %get3A_1331 = arith.constant 0 : index
        %get3A_1332 = tpu.vector_load %arg12[%get3A_1330, %get3A_1331] {strides = array<i32>} : memref<512x32xf32, #tpu.memory_space<vmem>>, vector<1x16xf32>,
        %get3A_1333 = vector.shape_cast %get3A_1332 : vector<1x16xf32> to vector<16xf32>
        %add3A_1334 = arith.constant 3 : i32
        %add3A_1335 = arith.addi %mul3A_1316, %add3A_1334 : i32
        %get3A_1336 = arith.index_cast %add3A_1335 : i32 to index
        %get3A_1337 = arith.constant 0 : index
        %get3A_1338 = tpu.vector_load %arg12[%get3A_1336, %get3A_1337] {strides = array<i32>} : memref<512x32xf32, #tpu.memory_space<vmem>>, vector<1x16xf32>,
        %get3A_1339 = vector.shape_cast %get3A_1338 : vector<1x16xf32> to vector<16xf32>
        %add3A_1340 = arith.addf %get3A_1333, %get3A_1339 : vector<16xf32>
        %add3A_1341 = arith.addf %add3A_1327, %add3A_1340 : vector<16xf32>
        %get3A_1342 = arith.index_cast %add3A_1312 : i32 to index
        %get3A_1343 = arith.constant 0 : index
        %get3A_1344 = tpu.vector_load %arg10[%get3A_1342, %get3A_1343] {strides = array<i32>} : memref<128x32xf32, #tpu.memory_space<vmem>>, vector<1x16xf32>,
        %get3A_1345 = vector.shape_cast %get3A_1344 : vector<1x16xf32> to vector<16xf32>
        %mul3A_1346 = vector.broadcast %squeeze3A_1314 : f32 to vector<16xf32>
        %mul3A_1347 = arith.mulf %add3A_1341, %mul3A_1346 : vector<16xf32>
        %add3A_1348 = arith.addf %get3A_1345, %mul3A_1347 : vector<16xf32>
        %swap3A_1349 = arith.index_cast %add3A_1312 : i32 to index
        %swap3A_1350 = arith.constant 0 : index
        %swap3A_1351 = tpu.vector_load %arg16[%swap3A_1349, %swap3A_1350] {strides = array<i32>} : memref<128x32xf32, #tpu.memory_space<vmem>>, vector<1x16xf32>,
        %swap3A_1352 = vector.shape_cast %swap3A_1351 : vector<1x16xf32> to vector<16xf32>
        %swap3A_1353 = vector.shape_cast %add3A_1348 : vector<16xf32> to vector<1x16xf32>
        tpu.vector_store %arg16[%swap3A_1349, %swap3A_1350], %swap3A_1353 {strides = array<i32>} : memref<128x32xf32, #tpu.memory_space<vmem>>, vector<1x16xf32>,
        %get3A_1354 = arith.index_cast %mul3A_1316 : i32 to index
        %get3A_1355 = arith.constant 16 : index
        %get3A_1356 = tpu.vector_load %arg12[%get3A_1354, %get3A_1355] {strides = array<i32>} : memref<512x32xf32, #tpu.memory_space<vmem>>, vector<1x16xf32>,
        %get3A_1357 = vector.shape_cast %get3A_1356 : vector<1x16xf32> to vector<16xf32>
        %add3A_1358 = arith.constant 1 : i32
        %add3A_1359 = arith.addi %mul3A_1316, %add3A_1358 : i32
        %get3A_1360 = arith.index_cast %add3A_1359 : i32 to index
        %get3A_1361 = arith.constant 16 : index
        %get3A_1362 = tpu.vector_load %arg12[%get3A_1360, %get3A_1361] {strides = array<i32>} : memref<512x32xf32, #tpu.memory_space<vmem>>, vector<1x16xf32>,
        %get3A_1363 = vector.shape_cast %get3A_1362 : vector<1x16xf32> to vector<16xf32>
        %add3A_1364 = arith.addf %get3A_1357, %get3A_1363 : vector<16xf32>
        %add3A_1365 = arith.constant 2 : i32
        %add3A_1366 = arith.addi %mul3A_1316, %add3A_1365 : i32
        %get3A_1367 = arith.index_cast %add3A_1366 : i32 to index
        %get3A_1368 = arith.constant 16 : index
        %get3A_1369 = tpu.vector_load %arg12[%get3A_1367, %get3A_1368] {strides = array<i32>} : memref<512x32xf32, #tpu.memory_space<vmem>>, vector<1x16xf32>,
        %get3A_1370 = vector.shape_cast %get3A_1369 : vector<1x16xf32> to vector<16xf32>
        %add3A_1371 = arith.constant 3 : i32
        %add3A_1372 = arith.addi %mul3A_1316, %add3A_1371 : i32
        %get3A_1373 = arith.index_cast %add3A_1372 : i32 to index
        %get3A_1374 = arith.constant 16 : index
        %get3A_1375 = tpu.vector_load %arg12[%get3A_1373, %get3A_1374] {strides = array<i32>} : memref<512x32xf32, #tpu.memory_space<vmem>>, vector<1x16xf32>,
        %get3A_1376 = vector.shape_cast %get3A_1375 : vector<1x16xf32> to vector<16xf32>
        %add3A_1377 = arith.addf %get3A_1370, %get3A_1376 : vector<16xf32>
        %add3A_1378 = arith.addf %add3A_1364, %add3A_1377 : vector<16xf32>
        %get3A_1379 = arith.index_cast %add3A_1312 : i32 to index
        %get3A_1380 = arith.constant 16 : index
        %get3A_1381 = tpu.vector_load %arg10[%get3A_1379, %get3A_1380] {strides = array<i32>} : memref<128x32xf32, #tpu.memory_space<vmem>>, vector<1x16xf32>,
        %get3A_1382 = vector.shape_cast %get3A_1381 : vector<1x16xf32> to vector<16xf32>
        %mul3A_1383 = vector.broadcast %squeeze3A_1314 : f32 to vector<16xf32>
        %mul3A_1384 = arith.mulf %add3A_1378, %mul3A_1383 : vector<16xf32>
        %add3A_1385 = arith.addf %get3A_1382, %mul3A_1384 : vector<16xf32>
        %swap3A_1386 = arith.index_cast %add3A_1312 : i32 to index
        %swap3A_1387 = arith.constant 16 : index
        %swap3A_1388 = tpu.vector_load %arg16[%swap3A_1386, %swap3A_1387] {strides = array<i32>} : memref<128x32xf32, #tpu.memory_space<vmem>>, vector<1x16xf32>,
        %swap3A_1389 = vector.shape_cast %swap3A_1388 : vector<1x16xf32> to vector<16xf32>
        %swap3A_1390 = vector.shape_cast %add3A_1385 : vector<16xf32> to vector<1x16xf32>
        tpu.vector_store %arg16[%swap3A_1386, %swap3A_1387], %swap3A_1390 {strides = array<i32>} : memref<128x32xf32, #tpu.memory_space<vmem>>, vector<1x16xf32>,
        %add3A_1391 = arith.constant 9 : i32
        %add3A_1392 = arith.addi %mul3A_669, %add3A_1391 : i32
        %slice3A_1393 = vector.extract_strided_slice %get3A_672 {offsets = [9], sizes = [1], strides = [1]} : vector<16xf32> to vector<1xf32>
        %squeeze3A_1394 = vector.extract %slice3A_1393[0] : f32 from vector<1xf32>
        %mul3A_1395 = arith.constant 4 : i32
        %mul3A_1396 = arith.muli %mul3A_1395, %add3A_1392 : i32
        %get3A_1397 = arith.index_cast %mul3A_1396 : i32 to index
        %get3A_1398 = arith.constant 0 : index
        %get3A_1399 = tpu.vector_load %arg12[%get3A_1397, %get3A_1398] {strides = array<i32>} : memref<512x32xf32, #tpu.memory_space<vmem>>, vector<1x16xf32>,
        %get3A_1400 = vector.shape_cast %get3A_1399 : vector<1x16xf32> to vector<16xf32>
        %add3A_1401 = arith.constant 1 : i32
        %add3A_1402 = arith.addi %mul3A_1396, %add3A_1401 : i32
        %get3A_1403 = arith.index_cast %add3A_1402 : i32 to index
        %get3A_1404 = arith.constant 0 : index
        %get3A_1405 = tpu.vector_load %arg12[%get3A_1403, %get3A_1404] {strides = array<i32>} : memref<512x32xf32, #tpu.memory_space<vmem>>, vector<1x16xf32>,
        %get3A_1406 = vector.shape_cast %get3A_1405 : vector<1x16xf32> to vector<16xf32>
        %add3A_1407 = arith.addf %get3A_1400, %get3A_1406 : vector<16xf32>
        %add3A_1408 = arith.constant 2 : i32
        %add3A_1409 = arith.addi %mul3A_1396, %add3A_1408 : i32
        %get3A_1410 = arith.index_cast %add3A_1409 : i32 to index
        %get3A_1411 = arith.constant 0 : index
        %get3A_1412 = tpu.vector_load %arg12[%get3A_1410, %get3A_1411] {strides = array<i32>} : memref<512x32xf32, #tpu.memory_space<vmem>>, vector<1x16xf32>,
        %get3A_1413 = vector.shape_cast %get3A_1412 : vector<1x16xf32> to vector<16xf32>
        %add3A_1414 = arith.constant 3 : i32
        %add3A_1415 = arith.addi %mul3A_1396, %add3A_1414 : i32
        %get3A_1416 = arith.index_cast %add3A_1415 : i32 to index
        %get3A_1417 = arith.constant 0 : index
        %get3A_1418 = tpu.vector_load %arg12[%get3A_1416, %get3A_1417] {strides = array<i32>} : memref<512x32xf32, #tpu.memory_space<vmem>>, vector<1x16xf32>,
        %get3A_1419 = vector.shape_cast %get3A_1418 : vector<1x16xf32> to vector<16xf32>
        %add3A_1420 = arith.addf %get3A_1413, %get3A_1419 : vector<16xf32>
        %add3A_1421 = arith.addf %add3A_1407, %add3A_1420 : vector<16xf32>
        %get3A_1422 = arith.index_cast %add3A_1392 : i32 to index
        %get3A_1423 = arith.constant 0 : index
        %get3A_1424 = tpu.vector_load %arg10[%get3A_1422, %get3A_1423] {strides = array<i32>} : memref<128x32xf32, #tpu.memory_space<vmem>>, vector<1x16xf32>,
        %get3A_1425 = vector.shape_cast %get3A_1424 : vector<1x16xf32> to vector<16xf32>
        %mul3A_1426 = vector.broadcast %squeeze3A_1394 : f32 to vector<16xf32>
        %mul3A_1427 = arith.mulf %add3A_1421, %mul3A_1426 : vector<16xf32>
        %add3A_1428 = arith.addf %get3A_1425, %mul3A_1427 : vector<16xf32>
        %swap3A_1429 = arith.index_cast %add3A_1392 : i32 to index
        %swap3A_1430 = arith.constant 0 : index
        %swap3A_1431 = tpu.vector_load %arg16[%swap3A_1429, %swap3A_1430] {strides = array<i32>} : memref<128x32xf32, #tpu.memory_space<vmem>>, vector<1x16xf32>,
        %swap3A_1432 = vector.shape_cast %swap3A_1431 : vector<1x16xf32> to vector<16xf32>
        %swap3A_1433 = vector.shape_cast %add3A_1428 : vector<16xf32> to vector<1x16xf32>
        tpu.vector_store %arg16[%swap3A_1429, %swap3A_1430], %swap3A_1433 {strides = array<i32>} : memref<128x32xf32, #tpu.memory_space<vmem>>, vector<1x16xf32>,
        %get3A_1434 = arith.index_cast %mul3A_1396 : i32 to index
        %get3A_1435 = arith.constant 16 : index
        %get3A_1436 = tpu.vector_load %arg12[%get3A_1434, %get3A_1435] {strides = array<i32>} : memref<512x32xf32, #tpu.memory_space<vmem>>, vector<1x16xf32>,
        %get3A_1437 = vector.shape_cast %get3A_1436 : vector<1x16xf32> to vector<16xf32>
        %add3A_1438 = arith.constant 1 : i32
        %add3A_1439 = arith.addi %mul3A_1396, %add3A_1438 : i32
        %get3A_1440 = arith.index_cast %add3A_1439 : i32 to index
        %get3A_1441 = arith.constant 16 : index
        %get3A_1442 = tpu.vector_load %arg12[%get3A_1440, %get3A_1441] {strides = array<i32>} : memref<512x32xf32, #tpu.memory_space<vmem>>, vector<1x16xf32>,
        %get3A_1443 = vector.shape_cast %get3A_1442 : vector<1x16xf32> to vector<16xf32>
        %add3A_1444 = arith.addf %get3A_1437, %get3A_1443 : vector<16xf32>
        %add3A_1445 = arith.constant 2 : i32
        %add3A_1446 = arith.addi %mul3A_1396, %add3A_1445 : i32
        %get3A_1447 = arith.index_cast %add3A_1446 : i32 to index
        %get3A_1448 = arith.constant 16 : index
        %get3A_1449 = tpu.vector_load %arg12[%get3A_1447, %get3A_1448] {strides = array<i32>} : memref<512x32xf32, #tpu.memory_space<vmem>>, vector<1x16xf32>,
        %get3A_1450 = vector.shape_cast %get3A_1449 : vector<1x16xf32> to vector<16xf32>
        %add3A_1451 = arith.constant 3 : i32
        %add3A_1452 = arith.addi %mul3A_1396, %add3A_1451 : i32
        %get3A_1453 = arith.index_cast %add3A_1452 : i32 to index
        %get3A_1454 = arith.constant 16 : index
        %get3A_1455 = tpu.vector_load %arg12[%get3A_1453, %get3A_1454] {strides = array<i32>} : memref<512x32xf32, #tpu.memory_space<vmem>>, vector<1x16xf32>,
        %get3A_1456 = vector.shape_cast %get3A_1455 : vector<1x16xf32> to vector<16xf32>
        %add3A_1457 = arith.addf %get3A_1450, %get3A_1456 : vector<16xf32>
        %add3A_1458 = arith.addf %add3A_1444, %add3A_1457 : vector<16xf32>
        %get3A_1459 = arith.index_cast %add3A_1392 : i32 to index
        %get3A_1460 = arith.constant 16 : index
        %get3A_1461 = tpu.vector_load %arg10[%get3A_1459, %get3A_1460] {strides = array<i32>} : memref<128x32xf32, #tpu.memory_space<vmem>>, vector<1x16xf32>,
        %get3A_1462 = vector.shape_cast %get3A_1461 : vector<1x16xf32> to vector<16xf32>
        %mul3A_1463 = vector.broadcast %squeeze3A_1394 : f32 to vector<16xf32>
        %mul3A_1464 = arith.mulf %add3A_1458, %mul3A_1463 : vector<16xf32>
        %add3A_1465 = arith.addf %get3A_1462, %mul3A_1464 : vector<16xf32>
        %swap3A_1466 = arith.index_cast %add3A_1392 : i32 to index
        %swap3A_1467 = arith.constant 16 : index
        %swap3A_1468 = tpu.vector_load %arg16[%swap3A_1466, %swap3A_1467] {strides = array<i32>} : memref<128x32xf32, #tpu.memory_space<vmem>>, vector<1x16xf32>,
        %swap3A_1469 = vector.shape_cast %swap3A_1468 : vector<1x16xf32> to vector<16xf32>
        %swap3A_1470 = vector.shape_cast %add3A_1465 : vector<16xf32> to vector<1x16xf32>
        tpu.vector_store %arg16[%swap3A_1466, %swap3A_1467], %swap3A_1470 {strides = array<i32>} : memref<128x32xf32, #tpu.memory_space<vmem>>, vector<1x16xf32>,
        %add3A_1471 = arith.constant 10 : i32
        %add3A_1472 = arith.addi %mul3A_669, %add3A_1471 : i32
        %slice3A_1473 = vector.extract_strided_slice %get3A_672 {offsets = [10], sizes = [1], strides = [1]} : vector<16xf32> to vector<1xf32>
        %squeeze3A_1474 = vector.extract %slice3A_1473[0] : f32 from vector<1xf32>
        %mul3A_1475 = arith.constant 4 : i32
        %mul3A_1476 = arith.muli %mul3A_1475, %add3A_1472 : i32
        %get3A_1477 = arith.index_cast %mul3A_1476 : i32 to index
        %get3A_1478 = arith.constant 0 : index
        %get3A_1479 = tpu.vector_load %arg12[%get3A_1477, %get3A_1478] {strides = array<i32>} : memref<512x32xf32, #tpu.memory_space<vmem>>, vector<1x16xf32>,
        %get3A_1480 = vector.shape_cast %get3A_1479 : vector<1x16xf32> to vector<16xf32>
        %add3A_1481 = arith.constant 1 : i32
        %add3A_1482 = arith.addi %mul3A_1476, %add3A_1481 : i32
        %get3A_1483 = arith.index_cast %add3A_1482 : i32 to index
        %get3A_1484 = arith.constant 0 : index
        %get3A_1485 = tpu.vector_load %arg12[%get3A_1483, %get3A_1484] {strides = array<i32>} : memref<512x32xf32, #tpu.memory_space<vmem>>, vector<1x16xf32>,
        %get3A_1486 = vector.shape_cast %get3A_1485 : vector<1x16xf32> to vector<16xf32>
        %add3A_1487 = arith.addf %get3A_1480, %get3A_1486 : vector<16xf32>
        %add3A_1488 = arith.constant 2 : i32
        %add3A_1489 = arith.addi %mul3A_1476, %add3A_1488 : i32
        %get3A_1490 = arith.index_cast %add3A_1489 : i32 to index
        %get3A_1491 = arith.constant 0 : index
        %get3A_1492 = tpu.vector_load %arg12[%get3A_1490, %get3A_1491] {strides = array<i32>} : memref<512x32xf32, #tpu.memory_space<vmem>>, vector<1x16xf32>,
        %get3A_1493 = vector.shape_cast %get3A_1492 : vector<1x16xf32> to vector<16xf32>
        %add3A_1494 = arith.constant 3 : i32
        %add3A_1495 = arith.addi %mul3A_1476, %add3A_1494 : i32
        %get3A_1496 = arith.index_cast %add3A_1495 : i32 to index
        %get3A_1497 = arith.constant 0 : index
        %get3A_1498 = tpu.vector_load %arg12[%get3A_1496, %get3A_1497] {strides = array<i32>} : memref<512x32xf32, #tpu.memory_space<vmem>>, vector<1x16xf32>,
        %get3A_1499 = vector.shape_cast %get3A_1498 : vector<1x16xf32> to vector<16xf32>
        %add3A_1500 = arith.addf %get3A_1493, %get3A_1499 : vector<16xf32>
        %add3A_1501 = arith.addf %add3A_1487, %add3A_1500 : vector<16xf32>
        %get3A_1502 = arith.index_cast %add3A_1472 : i32 to index
        %get3A_1503 = arith.constant 0 : index
        %get3A_1504 = tpu.vector_load %arg10[%get3A_1502, %get3A_1503] {strides = array<i32>} : memref<128x32xf32, #tpu.memory_space<vmem>>, vector<1x16xf32>,
        %get3A_1505 = vector.shape_cast %get3A_1504 : vector<1x16xf32> to vector<16xf32>
        %mul3A_1506 = vector.broadcast %squeeze3A_1474 : f32 to vector<16xf32>
        %mul3A_1507 = arith.mulf %add3A_1501, %mul3A_1506 : vector<16xf32>
        %add3A_1508 = arith.addf %get3A_1505, %mul3A_1507 : vector<16xf32>
        %swap3A_1509 = arith.index_cast %add3A_1472 : i32 to index
        %swap3A_1510 = arith.constant 0 : index
        %swap3A_1511 = tpu.vector_load %arg16[%swap3A_1509, %swap3A_1510] {strides = array<i32>} : memref<128x32xf32, #tpu.memory_space<vmem>>, vector<1x16xf32>,
        %swap3A_1512 = vector.shape_cast %swap3A_1511 : vector<1x16xf32> to vector<16xf32>
        %swap3A_1513 = vector.shape_cast %add3A_1508 : vector<16xf32> to vector<1x16xf32>
        tpu.vector_store %arg16[%swap3A_1509, %swap3A_1510], %swap3A_1513 {strides = array<i32>} : memref<128x32xf32, #tpu.memory_space<vmem>>, vector<1x16xf32>,
        %get3A_1514 = arith.index_cast %mul3A_1476 : i32 to index
        %get3A_1515 = arith.constant 16 : index
        %get3A_1516 = tpu.vector_load %arg12[%get3A_1514, %get3A_1515] {strides = array<i32>} : memref<512x32xf32, #tpu.memory_space<vmem>>, vector<1x16xf32>,
        %get3A_1517 = vector.shape_cast %get3A_1516 : vector<1x16xf32> to vector<16xf32>
        %add3A_1518 = arith.constant 1 : i32
        %add3A_1519 = arith.addi %mul3A_1476, %add3A_1518 : i32
        %get3A_1520 = arith.index_cast %add3A_1519 : i32 to index
        %get3A_1521 = arith.constant 16 : index
        %get3A_1522 = tpu.vector_load %arg12[%get3A_1520, %get3A_1521] {strides = array<i32>} : memref<512x32xf32, #tpu.memory_space<vmem>>, vector<1x16xf32>,
        %get3A_1523 = vector.shape_cast %get3A_1522 : vector<1x16xf32> to vector<16xf32>
        %add3A_1524 = arith.addf %get3A_1517, %get3A_1523 : vector<16xf32>
        %add3A_1525 = arith.constant 2 : i32
        %add3A_1526 = arith.addi %mul3A_1476, %add3A_1525 : i32
        %get3A_1527 = arith.index_cast %add3A_1526 : i32 to index
        %get3A_1528 = arith.constant 16 : index
        %get3A_1529 = tpu.vector_load %arg12[%get3A_1527, %get3A_1528] {strides = array<i32>} : memref<512x32xf32, #tpu.memory_space<vmem>>, vector<1x16xf32>,
        %get3A_1530 = vector.shape_cast %get3A_1529 : vector<1x16xf32> to vector<16xf32>
        %add3A_1531 = arith.constant 3 : i32
        %add3A_1532 = arith.addi %mul3A_1476, %add3A_1531 : i32
        %get3A_1533 = arith.index_cast %add3A_1532 : i32 to index
        %get3A_1534 = arith.constant 16 : index
        %get3A_1535 = tpu.vector_load %arg12[%get3A_1533, %get3A_1534] {strides = array<i32>} : memref<512x32xf32, #tpu.memory_space<vmem>>, vector<1x16xf32>,
        %get3A_1536 = vector.shape_cast %get3A_1535 : vector<1x16xf32> to vector<16xf32>
        %add3A_1537 = arith.addf %get3A_1530, %get3A_1536 : vector<16xf32>
        %add3A_1538 = arith.addf %add3A_1524, %add3A_1537 : vector<16xf32>
        %get3A_1539 = arith.index_cast %add3A_1472 : i32 to index
        %get3A_1540 = arith.constant 16 : index
        %get3A_1541 = tpu.vector_load %arg10[%get3A_1539, %get3A_1540] {strides = array<i32>} : memref<128x32xf32, #tpu.memory_space<vmem>>, vector<1x16xf32>,
        %get3A_1542 = vector.shape_cast %get3A_1541 : vector<1x16xf32> to vector<16xf32>
        %mul3A_1543 = vector.broadcast %squeeze3A_1474 : f32 to vector<16xf32>
        %mul3A_1544 = arith.mulf %add3A_1538, %mul3A_1543 : vector<16xf32>
        %add3A_1545 = arith.addf %get3A_1542, %mul3A_1544 : vector<16xf32>
        %swap3A_1546 = arith.index_cast %add3A_1472 : i32 to index
        %swap3A_1547 = arith.constant 16 : index
        %swap3A_1548 = tpu.vector_load %arg16[%swap3A_1546, %swap3A_1547] {strides = array<i32>} : memref<128x32xf32, #tpu.memory_space<vmem>>, vector<1x16xf32>,
        %swap3A_1549 = vector.shape_cast %swap3A_1548 : vector<1x16xf32> to vector<16xf32>
        %swap3A_1550 = vector.shape_cast %add3A_1545 : vector<16xf32> to vector<1x16xf32>
        tpu.vector_store %arg16[%swap3A_1546, %swap3A_1547], %swap3A_1550 {strides = array<i32>} : memref<128x32xf32, #tpu.memory_space<vmem>>, vector<1x16xf32>,
        %add3A_1551 = arith.constant 11 : i32
        %add3A_1552 = arith.addi %mul3A_669, %add3A_1551 : i32
        %slice3A_1553 = vector.extract_strided_slice %get3A_672 {offsets = [11], sizes = [1], strides = [1]} : vector<16xf32> to vector<1xf32>
        %squeeze3A_1554 = vector.extract %slice3A_1553[0] : f32 from vector<1xf32>
        %mul3A_1555 = arith.constant 4 : i32
        %mul3A_1556 = arith.muli %mul3A_1555, %add3A_1552 : i32
        %get3A_1557 = arith.index_cast %mul3A_1556 : i32 to index
        %get3A_1558 = arith.constant 0 : index
        %get3A_1559 = tpu.vector_load %arg12[%get3A_1557, %get3A_1558] {strides = array<i32>} : memref<512x32xf32, #tpu.memory_space<vmem>>, vector<1x16xf32>,
        %get3A_1560 = vector.shape_cast %get3A_1559 : vector<1x16xf32> to vector<16xf32>
        %add3A_1561 = arith.constant 1 : i32
        %add3A_1562 = arith.addi %mul3A_1556, %add3A_1561 : i32
        %get3A_1563 = arith.index_cast %add3A_1562 : i32 to index
        %get3A_1564 = arith.constant 0 : index
        %get3A_1565 = tpu.vector_load %arg12[%get3A_1563, %get3A_1564] {strides = array<i32>} : memref<512x32xf32, #tpu.memory_space<vmem>>, vector<1x16xf32>,
        %get3A_1566 = vector.shape_cast %get3A_1565 : vector<1x16xf32> to vector<16xf32>
        %add3A_1567 = arith.addf %get3A_1560, %get3A_1566 : vector<16xf32>
        %add3A_1568 = arith.constant 2 : i32
        %add3A_1569 = arith.addi %mul3A_1556, %add3A_1568 : i32
        %get3A_1570 = arith.index_cast %add3A_1569 : i32 to index
        %get3A_1571 = arith.constant 0 : index
        %get3A_1572 = tpu.vector_load %arg12[%get3A_1570, %get3A_1571] {strides = array<i32>} : memref<512x32xf32, #tpu.memory_space<vmem>>, vector<1x16xf32>,
        %get3A_1573 = vector.shape_cast %get3A_1572 : vector<1x16xf32> to vector<16xf32>
        %add3A_1574 = arith.constant 3 : i32
        %add3A_1575 = arith.addi %mul3A_1556, %add3A_1574 : i32
        %get3A_1576 = arith.index_cast %add3A_1575 : i32 to index
        %get3A_1577 = arith.constant 0 : index
        %get3A_1578 = tpu.vector_load %arg12[%get3A_1576, %get3A_1577] {strides = array<i32>} : memref<512x32xf32, #tpu.memory_space<vmem>>, vector<1x16xf32>,
        %get3A_1579 = vector.shape_cast %get3A_1578 : vector<1x16xf32> to vector<16xf32>
        %add3A_1580 = arith.addf %get3A_1573, %get3A_1579 : vector<16xf32>
        %add3A_1581 = arith.addf %add3A_1567, %add3A_1580 : vector<16xf32>
        %get3A_1582 = arith.index_cast %add3A_1552 : i32 to index
        %get3A_1583 = arith.constant 0 : index
        %get3A_1584 = tpu.vector_load %arg10[%get3A_1582, %get3A_1583] {strides = array<i32>} : memref<128x32xf32, #tpu.memory_space<vmem>>, vector<1x16xf32>,
        %get3A_1585 = vector.shape_cast %get3A_1584 : vector<1x16xf32> to vector<16xf32>
        %mul3A_1586 = vector.broadcast %squeeze3A_1554 : f32 to vector<16xf32>
        %mul3A_1587 = arith.mulf %add3A_1581, %mul3A_1586 : vector<16xf32>
        %add3A_1588 = arith.addf %get3A_1585, %mul3A_1587 : vector<16xf32>
        %swap3A_1589 = arith.index_cast %add3A_1552 : i32 to index
        %swap3A_1590 = arith.constant 0 : index
        %swap3A_1591 = tpu.vector_load %arg16[%swap3A_1589, %swap3A_1590] {strides = array<i32>} : memref<128x32xf32, #tpu.memory_space<vmem>>, vector<1x16xf32>,
        %swap3A_1592 = vector.shape_cast %swap3A_1591 : vector<1x16xf32> to vector<16xf32>
        %swap3A_1593 = vector.shape_cast %add3A_1588 : vector<16xf32> to vector<1x16xf32>
        tpu.vector_store %arg16[%swap3A_1589, %swap3A_1590], %swap3A_1593 {strides = array<i32>} : memref<128x32xf32, #tpu.memory_space<vmem>>, vector<1x16xf32>,
        %get3A_1594 = arith.index_cast %mul3A_1556 : i32 to index
        %get3A_1595 = arith.constant 16 : index
        %get3A_1596 = tpu.vector_load %arg12[%get3A_1594, %get3A_1595] {strides = array<i32>} : memref<512x32xf32, #tpu.memory_space<vmem>>, vector<1x16xf32>,
        %get3A_1597 = vector.shape_cast %get3A_1596 : vector<1x16xf32> to vector<16xf32>
        %add3A_1598 = arith.constant 1 : i32
        %add3A_1599 = arith.addi %mul3A_1556, %add3A_1598 : i32
        %get3A_1600 = arith.index_cast %add3A_1599 : i32 to index
        %get3A_1601 = arith.constant 16 : index
        %get3A_1602 = tpu.vector_load %arg12[%get3A_1600, %get3A_1601] {strides = array<i32>} : memref<512x32xf32, #tpu.memory_space<vmem>>, vector<1x16xf32>,
        %get3A_1603 = vector.shape_cast %get3A_1602 : vector<1x16xf32> to vector<16xf32>
        %add3A_1604 = arith.addf %get3A_1597, %get3A_1603 : vector<16xf32>
        %add3A_1605 = arith.constant 2 : i32
        %add3A_1606 = arith.addi %mul3A_1556, %add3A_1605 : i32
        %get3A_1607 = arith.index_cast %add3A_1606 : i32 to index
        %get3A_1608 = arith.constant 16 : index
        %get3A_1609 = tpu.vector_load %arg12[%get3A_1607, %get3A_1608] {strides = array<i32>} : memref<512x32xf32, #tpu.memory_space<vmem>>, vector<1x16xf32>,
        %get3A_1610 = vector.shape_cast %get3A_1609 : vector<1x16xf32> to vector<16xf32>
        %add3A_1611 = arith.constant 3 : i32
        %add3A_1612 = arith.addi %mul3A_1556, %add3A_1611 : i32
        %get3A_1613 = arith.index_cast %add3A_1612 : i32 to index
        %get3A_1614 = arith.constant 16 : index
        %get3A_1615 = tpu.vector_load %arg12[%get3A_1613, %get3A_1614] {strides = array<i32>} : memref<512x32xf32, #tpu.memory_space<vmem>>, vector<1x16xf32>,
        %get3A_1616 = vector.shape_cast %get3A_1615 : vector<1x16xf32> to vector<16xf32>
        %add3A_1617 = arith.addf %get3A_1610, %get3A_1616 : vector<16xf32>
        %add3A_1618 = arith.addf %add3A_1604, %add3A_1617 : vector<16xf32>
        %get3A_1619 = arith.index_cast %add3A_1552 : i32 to index
        %get3A_1620 = arith.constant 16 : index
        %get3A_1621 = tpu.vector_load %arg10[%get3A_1619, %get3A_1620] {strides = array<i32>} : memref<128x32xf32, #tpu.memory_space<vmem>>, vector<1x16xf32>,
        %get3A_1622 = vector.shape_cast %get3A_1621 : vector<1x16xf32> to vector<16xf32>
        %mul3A_1623 = vector.broadcast %squeeze3A_1554 : f32 to vector<16xf32>
        %mul3A_1624 = arith.mulf %add3A_1618, %mul3A_1623 : vector<16xf32>
        %add3A_1625 = arith.addf %get3A_1622, %mul3A_1624 : vector<16xf32>
        %swap3A_1626 = arith.index_cast %add3A_1552 : i32 to index
        %swap3A_1627 = arith.constant 16 : index
        %swap3A_1628 = tpu.vector_load %arg16[%swap3A_1626, %swap3A_1627] {strides = array<i32>} : memref<128x32xf32, #tpu.memory_space<vmem>>, vector<1x16xf32>,
        %swap3A_1629 = vector.shape_cast %swap3A_1628 : vector<1x16xf32> to vector<16xf32>
        %swap3A_1630 = vector.shape_cast %add3A_1625 : vector<16xf32> to vector<1x16xf32>
        tpu.vector_store %arg16[%swap3A_1626, %swap3A_1627], %swap3A_1630 {strides = array<i32>} : memref<128x32xf32, #tpu.memory_space<vmem>>, vector<1x16xf32>,
        %add3A_1631 = arith.constant 12 : i32
        %add3A_1632 = arith.addi %mul3A_669, %add3A_1631 : i32
        %slice3A_1633 = vector.extract_strided_slice %get3A_672 {offsets = [12], sizes = [1], strides = [1]} : vector<16xf32> to vector<1xf32>
        %squeeze3A_1634 = vector.extract %slice3A_1633[0] : f32 from vector<1xf32>
        %mul3A_1635 = arith.constant 4 : i32
        %mul3A_1636 = arith.muli %mul3A_1635, %add3A_1632 : i32
        %get3A_1637 = arith.index_cast %mul3A_1636 : i32 to index
        %get3A_1638 = arith.constant 0 : index
        %get3A_1639 = tpu.vector_load %arg12[%get3A_1637, %get3A_1638] {strides = array<i32>} : memref<512x32xf32, #tpu.memory_space<vmem>>, vector<1x16xf32>,
        %get3A_1640 = vector.shape_cast %get3A_1639 : vector<1x16xf32> to vector<16xf32>
        %add3A_1641 = arith.constant 1 : i32
        %add3A_1642 = arith.addi %mul3A_1636, %add3A_1641 : i32
        %get3A_1643 = arith.index_cast %add3A_1642 : i32 to index
        %get3A_1644 = arith.constant 0 : index
        %get3A_1645 = tpu.vector_load %arg12[%get3A_1643, %get3A_1644] {strides = array<i32>} : memref<512x32xf32, #tpu.memory_space<vmem>>, vector<1x16xf32>,
        %get3A_1646 = vector.shape_cast %get3A_1645 : vector<1x16xf32> to vector<16xf32>
        %add3A_1647 = arith.addf %get3A_1640, %get3A_1646 : vector<16xf32>
        %add3A_1648 = arith.constant 2 : i32
        %add3A_1649 = arith.addi %mul3A_1636, %add3A_1648 : i32
        %get3A_1650 = arith.index_cast %add3A_1649 : i32 to index
        %get3A_1651 = arith.constant 0 : index
        %get3A_1652 = tpu.vector_load %arg12[%get3A_1650, %get3A_1651] {strides = array<i32>} : memref<512x32xf32, #tpu.memory_space<vmem>>, vector<1x16xf32>,
        %get3A_1653 = vector.shape_cast %get3A_1652 : vector<1x16xf32> to vector<16xf32>
        %add3A_1654 = arith.constant 3 : i32
        %add3A_1655 = arith.addi %mul3A_1636, %add3A_1654 : i32
        %get3A_1656 = arith.index_cast %add3A_1655 : i32 to index
        %get3A_1657 = arith.constant 0 : index
        %get3A_1658 = tpu.vector_load %arg12[%get3A_1656, %get3A_1657] {strides = array<i32>} : memref<512x32xf32, #tpu.memory_space<vmem>>, vector<1x16xf32>,
        %get3A_1659 = vector.shape_cast %get3A_1658 : vector<1x16xf32> to vector<16xf32>
        %add3A_1660 = arith.addf %get3A_1653, %get3A_1659 : vector<16xf32>
        %add3A_1661 = arith.addf %add3A_1647, %add3A_1660 : vector<16xf32>
        %get3A_1662 = arith.index_cast %add3A_1632 : i32 to index
        %get3A_1663 = arith.constant 0 : index
        %get3A_1664 = tpu.vector_load %arg10[%get3A_1662, %get3A_1663] {strides = array<i32>} : memref<128x32xf32, #tpu.memory_space<vmem>>, vector<1x16xf32>,
        %get3A_1665 = vector.shape_cast %get3A_1664 : vector<1x16xf32> to vector<16xf32>
        %mul3A_1666 = vector.broadcast %squeeze3A_1634 : f32 to vector<16xf32>
        %mul3A_1667 = arith.mulf %add3A_1661, %mul3A_1666 : vector<16xf32>
        %add3A_1668 = arith.addf %get3A_1665, %mul3A_1667 : vector<16xf32>
        %swap3A_1669 = arith.index_cast %add3A_1632 : i32 to index
        %swap3A_1670 = arith.constant 0 : index
        %swap3A_1671 = tpu.vector_load %arg16[%swap3A_1669, %swap3A_1670] {strides = array<i32>} : memref<128x32xf32, #tpu.memory_space<vmem>>, vector<1x16xf32>,
        %swap3A_1672 = vector.shape_cast %swap3A_1671 : vector<1x16xf32> to vector<16xf32>
        %swap3A_1673 = vector.shape_cast %add3A_1668 : vector<16xf32> to vector<1x16xf32>
        tpu.vector_store %arg16[%swap3A_1669, %swap3A_1670], %swap3A_1673 {strides = array<i32>} : memref<128x32xf32, #tpu.memory_space<vmem>>, vector<1x16xf32>,
        %get3A_1674 = arith.index_cast %mul3A_1636 : i32 to index
        %get3A_1675 = arith.constant 16 : index
        %get3A_1676 = tpu.vector_load %arg12[%get3A_1674, %get3A_1675] {strides = array<i32>} : memref<512x32xf32, #tpu.memory_space<vmem>>, vector<1x16xf32>,
        %get3A_1677 = vector.shape_cast %get3A_1676 : vector<1x16xf32> to vector<16xf32>
        %add3A_1678 = arith.constant 1 : i32
        %add3A_1679 = arith.addi %mul3A_1636, %add3A_1678 : i32
        %get3A_1680 = arith.index_cast %add3A_1679 : i32 to index
        %get3A_1681 = arith.constant 16 : index
        %get3A_1682 = tpu.vector_load %arg12[%get3A_1680, %get3A_1681] {strides = array<i32>} : memref<512x32xf32, #tpu.memory_space<vmem>>, vector<1x16xf32>,
        %get3A_1683 = vector.shape_cast %get3A_1682 : vector<1x16xf32> to vector<16xf32>
        %add3A_1684 = arith.addf %get3A_1677, %get3A_1683 : vector<16xf32>
        %add3A_1685 = arith.constant 2 : i32
        %add3A_1686 = arith.addi %mul3A_1636, %add3A_1685 : i32
        %get3A_1687 = arith.index_cast %add3A_1686 : i32 to index
        %get3A_1688 = arith.constant 16 : index
        %get3A_1689 = tpu.vector_load %arg12[%get3A_1687, %get3A_1688] {strides = array<i32>} : memref<512x32xf32, #tpu.memory_space<vmem>>, vector<1x16xf32>,
        %get3A_1690 = vector.shape_cast %get3A_1689 : vector<1x16xf32> to vector<16xf32>
        %add3A_1691 = arith.constant 3 : i32
        %add3A_1692 = arith.addi %mul3A_1636, %add3A_1691 : i32
        %get3A_1693 = arith.index_cast %add3A_1692 : i32 to index
        %get3A_1694 = arith.constant 16 : index
        %get3A_1695 = tpu.vector_load %arg12[%get3A_1693, %get3A_1694] {strides = array<i32>} : memref<512x32xf32, #tpu.memory_space<vmem>>, vector<1x16xf32>,
        %get3A_1696 = vector.shape_cast %get3A_1695 : vector<1x16xf32> to vector<16xf32>
        %add3A_1697 = arith.addf %get3A_1690, %get3A_1696 : vector<16xf32>
        %add3A_1698 = arith.addf %add3A_1684, %add3A_1697 : vector<16xf32>
        %get3A_1699 = arith.index_cast %add3A_1632 : i32 to index
        %get3A_1700 = arith.constant 16 : index
        %get3A_1701 = tpu.vector_load %arg10[%get3A_1699, %get3A_1700] {strides = array<i32>} : memref<128x32xf32, #tpu.memory_space<vmem>>, vector<1x16xf32>,
        %get3A_1702 = vector.shape_cast %get3A_1701 : vector<1x16xf32> to vector<16xf32>
        %mul3A_1703 = vector.broadcast %squeeze3A_1634 : f32 to vector<16xf32>
        %mul3A_1704 = arith.mulf %add3A_1698, %mul3A_1703 : vector<16xf32>
        %add3A_1705 = arith.addf %get3A_1702, %mul3A_1704 : vector<16xf32>
        %swap3A_1706 = arith.index_cast %add3A_1632 : i32 to index
        %swap3A_1707 = arith.constant 16 : index
        %swap3A_1708 = tpu.vector_load %arg16[%swap3A_1706, %swap3A_1707] {strides = array<i32>} : memref<128x32xf32, #tpu.memory_space<vmem>>, vector<1x16xf32>,
        %swap3A_1709 = vector.shape_cast %swap3A_1708 : vector<1x16xf32> to vector<16xf32>
        %swap3A_1710 = vector.shape_cast %add3A_1705 : vector<16xf32> to vector<1x16xf32>
        tpu.vector_store %arg16[%swap3A_1706, %swap3A_1707], %swap3A_1710 {strides = array<i32>} : memref<128x32xf32, #tpu.memory_space<vmem>>, vector<1x16xf32>,
        %add3A_1711 = arith.constant 13 : i32
        %add3A_1712 = arith.addi %mul3A_669, %add3A_1711 : i32
        %slice3A_1713 = vector.extract_strided_slice %get3A_672 {offsets = [13], sizes = [1], strides = [1]} : vector<16xf32> to vector<1xf32>
        %squeeze3A_1714 = vector.extract %slice3A_1713[0] : f32 from vector<1xf32>
        %mul3A_1715 = arith.constant 4 : i32
        %mul3A_1716 = arith.muli %mul3A_1715, %add3A_1712 : i32
        %get3A_1717 = arith.index_cast %mul3A_1716 : i32 to index
        %get3A_1718 = arith.constant 0 : index
        %get3A_1719 = tpu.vector_load %arg12[%get3A_1717, %get3A_1718] {strides = array<i32>} : memref<512x32xf32, #tpu.memory_space<vmem>>, vector<1x16xf32>,
        %get3A_1720 = vector.shape_cast %get3A_1719 : vector<1x16xf32> to vector<16xf32>
        %add3A_1721 = arith.constant 1 : i32
        %add3A_1722 = arith.addi %mul3A_1716, %add3A_1721 : i32
        %get3A_1723 = arith.index_cast %add3A_1722 : i32 to index
        %get3A_1724 = arith.constant 0 : index
        %get3A_1725 = tpu.vector_load %arg12[%get3A_1723, %get3A_1724] {strides = array<i32>} : memref<512x32xf32, #tpu.memory_space<vmem>>, vector<1x16xf32>,
        %get3A_1726 = vector.shape_cast %get3A_1725 : vector<1x16xf32> to vector<16xf32>
        %add3A_1727 = arith.addf %get3A_1720, %get3A_1726 : vector<16xf32>
        %add3A_1728 = arith.constant 2 : i32
        %add3A_1729 = arith.addi %mul3A_1716, %add3A_1728 : i32
        %get3A_1730 = arith.index_cast %add3A_1729 : i32 to index
        %get3A_1731 = arith.constant 0 : index
        %get3A_1732 = tpu.vector_load %arg12[%get3A_1730, %get3A_1731] {strides = array<i32>} : memref<512x32xf32, #tpu.memory_space<vmem>>, vector<1x16xf32>,
        %get3A_1733 = vector.shape_cast %get3A_1732 : vector<1x16xf32> to vector<16xf32>
        %add3A_1734 = arith.constant 3 : i32
        %add3A_1735 = arith.addi %mul3A_1716, %add3A_1734 : i32
        %get3A_1736 = arith.index_cast %add3A_1735 : i32 to index
        %get3A_1737 = arith.constant 0 : index
        %get3A_1738 = tpu.vector_load %arg12[%get3A_1736, %get3A_1737] {strides = array<i32>} : memref<512x32xf32, #tpu.memory_space<vmem>>, vector<1x16xf32>,
        %get3A_1739 = vector.shape_cast %get3A_1738 : vector<1x16xf32> to vector<16xf32>
        %add3A_1740 = arith.addf %get3A_1733, %get3A_1739 : vector<16xf32>
        %add3A_1741 = arith.addf %add3A_1727, %add3A_1740 : vector<16xf32>
        %get3A_1742 = arith.index_cast %add3A_1712 : i32 to index
        %get3A_1743 = arith.constant 0 : index
        %get3A_1744 = tpu.vector_load %arg10[%get3A_1742, %get3A_1743] {strides = array<i32>} : memref<128x32xf32, #tpu.memory_space<vmem>>, vector<1x16xf32>,
        %get3A_1745 = vector.shape_cast %get3A_1744 : vector<1x16xf32> to vector<16xf32>
        %mul3A_1746 = vector.broadcast %squeeze3A_1714 : f32 to vector<16xf32>
        %mul3A_1747 = arith.mulf %add3A_1741, %mul3A_1746 : vector<16xf32>
        %add3A_1748 = arith.addf %get3A_1745, %mul3A_1747 : vector<16xf32>
        %swap3A_1749 = arith.index_cast %add3A_1712 : i32 to index
        %swap3A_1750 = arith.constant 0 : index
        %swap3A_1751 = tpu.vector_load %arg16[%swap3A_1749, %swap3A_1750] {strides = array<i32>} : memref<128x32xf32, #tpu.memory_space<vmem>>, vector<1x16xf32>,
        %swap3A_1752 = vector.shape_cast %swap3A_1751 : vector<1x16xf32> to vector<16xf32>
        %swap3A_1753 = vector.shape_cast %add3A_1748 : vector<16xf32> to vector<1x16xf32>
        tpu.vector_store %arg16[%swap3A_1749, %swap3A_1750], %swap3A_1753 {strides = array<i32>} : memref<128x32xf32, #tpu.memory_space<vmem>>, vector<1x16xf32>,
        %get3A_1754 = arith.index_cast %mul3A_1716 : i32 to index
        %get3A_1755 = arith.constant 16 : index
        %get3A_1756 = tpu.vector_load %arg12[%get3A_1754, %get3A_1755] {strides = array<i32>} : memref<512x32xf32, #tpu.memory_space<vmem>>, vector<1x16xf32>,
        %get3A_1757 = vector.shape_cast %get3A_1756 : vector<1x16xf32> to vector<16xf32>
        %add3A_1758 = arith.constant 1 : i32
        %add3A_1759 = arith.addi %mul3A_1716, %add3A_1758 : i32
        %get3A_1760 = arith.index_cast %add3A_1759 : i32 to index
        %get3A_1761 = arith.constant 16 : index
        %get3A_1762 = tpu.vector_load %arg12[%get3A_1760, %get3A_1761] {strides = array<i32>} : memref<512x32xf32, #tpu.memory_space<vmem>>, vector<1x16xf32>,
        %get3A_1763 = vector.shape_cast %get3A_1762 : vector<1x16xf32> to vector<16xf32>
        %add3A_1764 = arith.addf %get3A_1757, %get3A_1763 : vector<16xf32>
        %add3A_1765 = arith.constant 2 : i32
        %add3A_1766 = arith.addi %mul3A_1716, %add3A_1765 : i32
        %get3A_1767 = arith.index_cast %add3A_1766 : i32 to index
        %get3A_1768 = arith.constant 16 : index
        %get3A_1769 = tpu.vector_load %arg12[%get3A_1767, %get3A_1768] {strides = array<i32>} : memref<512x32xf32, #tpu.memory_space<vmem>>, vector<1x16xf32>,
        %get3A_1770 = vector.shape_cast %get3A_1769 : vector<1x16xf32> to vector<16xf32>
        %add3A_1771 = arith.constant 3 : i32
        %add3A_1772 = arith.addi %mul3A_1716, %add3A_1771 : i32
        %get3A_1773 = arith.index_cast %add3A_1772 : i32 to index
        %get3A_1774 = arith.constant 16 : index
        %get3A_1775 = tpu.vector_load %arg12[%get3A_1773, %get3A_1774] {strides = array<i32>} : memref<512x32xf32, #tpu.memory_space<vmem>>, vector<1x16xf32>,
        %get3A_1776 = vector.shape_cast %get3A_1775 : vector<1x16xf32> to vector<16xf32>
        %add3A_1777 = arith.addf %get3A_1770, %get3A_1776 : vector<16xf32>
        %add3A_1778 = arith.addf %add3A_1764, %add3A_1777 : vector<16xf32>
        %get3A_1779 = arith.index_cast %add3A_1712 : i32 to index
        %get3A_1780 = arith.constant 16 : index
        %get3A_1781 = tpu.vector_load %arg10[%get3A_1779, %get3A_1780] {strides = array<i32>} : memref<128x32xf32, #tpu.memory_space<vmem>>, vector<1x16xf32>,
        %get3A_1782 = vector.shape_cast %get3A_1781 : vector<1x16xf32> to vector<16xf32>
        %mul3A_1783 = vector.broadcast %squeeze3A_1714 : f32 to vector<16xf32>
        %mul3A_1784 = arith.mulf %add3A_1778, %mul3A_1783 : vector<16xf32>
        %add3A_1785 = arith.addf %get3A_1782, %mul3A_1784 : vector<16xf32>
        %swap3A_1786 = arith.index_cast %add3A_1712 : i32 to index
        %swap3A_1787 = arith.constant 16 : index
        %swap3A_1788 = tpu.vector_load %arg16[%swap3A_1786, %swap3A_1787] {strides = array<i32>} : memref<128x32xf32, #tpu.memory_space<vmem>>, vector<1x16xf32>,
        %swap3A_1789 = vector.shape_cast %swap3A_1788 : vector<1x16xf32> to vector<16xf32>
        %swap3A_1790 = vector.shape_cast %add3A_1785 : vector<16xf32> to vector<1x16xf32>
        tpu.vector_store %arg16[%swap3A_1786, %swap3A_1787], %swap3A_1790 {strides = array<i32>} : memref<128x32xf32, #tpu.memory_space<vmem>>, vector<1x16xf32>,
        %add3A_1791 = arith.constant 14 : i32
        %add3A_1792 = arith.addi %mul3A_669, %add3A_1791 : i32
        %slice3A_1793 = vector.extract_strided_slice %get3A_672 {offsets = [14], sizes = [1], strides = [1]} : vector<16xf32> to vector<1xf32>
        %squeeze3A_1794 = vector.extract %slice3A_1793[0] : f32 from vector<1xf32>
        %mul3A_1795 = arith.constant 4 : i32
        %mul3A_1796 = arith.muli %mul3A_1795, %add3A_1792 : i32
        %get3A_1797 = arith.index_cast %mul3A_1796 : i32 to index
        %get3A_1798 = arith.constant 0 : index
        %get3A_1799 = tpu.vector_load %arg12[%get3A_1797, %get3A_1798] {strides = array<i32>} : memref<512x32xf32, #tpu.memory_space<vmem>>, vector<1x16xf32>,
        %get3A_1800 = vector.shape_cast %get3A_1799 : vector<1x16xf32> to vector<16xf32>
        %add3A_1801 = arith.constant 1 : i32
        %add3A_1802 = arith.addi %mul3A_1796, %add3A_1801 : i32
        %get3A_1803 = arith.index_cast %add3A_1802 : i32 to index
        %get3A_1804 = arith.constant 0 : index
        %get3A_1805 = tpu.vector_load %arg12[%get3A_1803, %get3A_1804] {strides = array<i32>} : memref<512x32xf32, #tpu.memory_space<vmem>>, vector<1x16xf32>,
        %get3A_1806 = vector.shape_cast %get3A_1805 : vector<1x16xf32> to vector<16xf32>
        %add3A_1807 = arith.addf %get3A_1800, %get3A_1806 : vector<16xf32>
        %add3A_1808 = arith.constant 2 : i32
        %add3A_1809 = arith.addi %mul3A_1796, %add3A_1808 : i32
        %get3A_1810 = arith.index_cast %add3A_1809 : i32 to index
        %get3A_1811 = arith.constant 0 : index
        %get3A_1812 = tpu.vector_load %arg12[%get3A_1810, %get3A_1811] {strides = array<i32>} : memref<512x32xf32, #tpu.memory_space<vmem>>, vector<1x16xf32>,
        %get3A_1813 = vector.shape_cast %get3A_1812 : vector<1x16xf32> to vector<16xf32>
        %add3A_1814 = arith.constant 3 : i32
        %add3A_1815 = arith.addi %mul3A_1796, %add3A_1814 : i32
        %get3A_1816 = arith.index_cast %add3A_1815 : i32 to index
        %get3A_1817 = arith.constant 0 : index
        %get3A_1818 = tpu.vector_load %arg12[%get3A_1816, %get3A_1817] {strides = array<i32>} : memref<512x32xf32, #tpu.memory_space<vmem>>, vector<1x16xf32>,
        %get3A_1819 = vector.shape_cast %get3A_1818 : vector<1x16xf32> to vector<16xf32>
        %add3A_1820 = arith.addf %get3A_1813, %get3A_1819 : vector<16xf32>
        %add3A_1821 = arith.addf %add3A_1807, %add3A_1820 : vector<16xf32>
        %get3A_1822 = arith.index_cast %add3A_1792 : i32 to index
        %get3A_1823 = arith.constant 0 : index
        %get3A_1824 = tpu.vector_load %arg10[%get3A_1822, %get3A_1823] {strides = array<i32>} : memref<128x32xf32, #tpu.memory_space<vmem>>, vector<1x16xf32>,
        %get3A_1825 = vector.shape_cast %get3A_1824 : vector<1x16xf32> to vector<16xf32>
        %mul3A_1826 = vector.broadcast %squeeze3A_1794 : f32 to vector<16xf32>
        %mul3A_1827 = arith.mulf %add3A_1821, %mul3A_1826 : vector<16xf32>
        %add3A_1828 = arith.addf %get3A_1825, %mul3A_1827 : vector<16xf32>
        %swap3A_1829 = arith.index_cast %add3A_1792 : i32 to index
        %swap3A_1830 = arith.constant 0 : index
        %swap3A_1831 = tpu.vector_load %arg16[%swap3A_1829, %swap3A_1830] {strides = array<i32>} : memref<128x32xf32, #tpu.memory_space<vmem>>, vector<1x16xf32>,
        %swap3A_1832 = vector.shape_cast %swap3A_1831 : vector<1x16xf32> to vector<16xf32>
        %swap3A_1833 = vector.shape_cast %add3A_1828 : vector<16xf32> to vector<1x16xf32>
        tpu.vector_store %arg16[%swap3A_1829, %swap3A_1830], %swap3A_1833 {strides = array<i32>} : memref<128x32xf32, #tpu.memory_space<vmem>>, vector<1x16xf32>,
        %get3A_1834 = arith.index_cast %mul3A_1796 : i32 to index
        %get3A_1835 = arith.constant 16 : index
        %get3A_1836 = tpu.vector_load %arg12[%get3A_1834, %get3A_1835] {strides = array<i32>} : memref<512x32xf32, #tpu.memory_space<vmem>>, vector<1x16xf32>,
        %get3A_1837 = vector.shape_cast %get3A_1836 : vector<1x16xf32> to vector<16xf32>
        %add3A_1838 = arith.constant 1 : i32
        %add3A_1839 = arith.addi %mul3A_1796, %add3A_1838 : i32
        %get3A_1840 = arith.index_cast %add3A_1839 : i32 to index
        %get3A_1841 = arith.constant 16 : index
        %get3A_1842 = tpu.vector_load %arg12[%get3A_1840, %get3A_1841] {strides = array<i32>} : memref<512x32xf32, #tpu.memory_space<vmem>>, vector<1x16xf32>,
        %get3A_1843 = vector.shape_cast %get3A_1842 : vector<1x16xf32> to vector<16xf32>
        %add3A_1844 = arith.addf %get3A_1837, %get3A_1843 : vector<16xf32>
        %add3A_1845 = arith.constant 2 : i32
        %add3A_1846 = arith.addi %mul3A_1796, %add3A_1845 : i32
        %get3A_1847 = arith.index_cast %add3A_1846 : i32 to index
        %get3A_1848 = arith.constant 16 : index
        %get3A_1849 = tpu.vector_load %arg12[%get3A_1847, %get3A_1848] {strides = array<i32>} : memref<512x32xf32, #tpu.memory_space<vmem>>, vector<1x16xf32>,
        %get3A_1850 = vector.shape_cast %get3A_1849 : vector<1x16xf32> to vector<16xf32>
        %add3A_1851 = arith.constant 3 : i32
        %add3A_1852 = arith.addi %mul3A_1796, %add3A_1851 : i32
        %get3A_1853 = arith.index_cast %add3A_1852 : i32 to index
        %get3A_1854 = arith.constant 16 : index
        %get3A_1855 = tpu.vector_load %arg12[%get3A_1853, %get3A_1854] {strides = array<i32>} : memref<512x32xf32, #tpu.memory_space<vmem>>, vector<1x16xf32>,
        %get3A_1856 = vector.shape_cast %get3A_1855 : vector<1x16xf32> to vector<16xf32>
        %add3A_1857 = arith.addf %get3A_1850, %get3A_1856 : vector<16xf32>
        %add3A_1858 = arith.addf %add3A_1844, %add3A_1857 : vector<16xf32>
        %get3A_1859 = arith.index_cast %add3A_1792 : i32 to index
        %get3A_1860 = arith.constant 16 : index
        %get3A_1861 = tpu.vector_load %arg10[%get3A_1859, %get3A_1860] {strides = array<i32>} : memref<128x32xf32, #tpu.memory_space<vmem>>, vector<1x16xf32>,
        %get3A_1862 = vector.shape_cast %get3A_1861 : vector<1x16xf32> to vector<16xf32>
        %mul3A_1863 = vector.broadcast %squeeze3A_1794 : f32 to vector<16xf32>
        %mul3A_1864 = arith.mulf %add3A_1858, %mul3A_1863 : vector<16xf32>
        %add3A_1865 = arith.addf %get3A_1862, %mul3A_1864 : vector<16xf32>
        %swap3A_1866 = arith.index_cast %add3A_1792 : i32 to index
        %swap3A_1867 = arith.constant 16 : index
        %swap3A_1868 = tpu.vector_load %arg16[%swap3A_1866, %swap3A_1867] {strides = array<i32>} : memref<128x32xf32, #tpu.memory_space<vmem>>, vector<1x16xf32>,
        %swap3A_1869 = vector.shape_cast %swap3A_1868 : vector<1x16xf32> to vector<16xf32>
        %swap3A_1870 = vector.shape_cast %add3A_1865 : vector<16xf32> to vector<1x16xf32>
        tpu.vector_store %arg16[%swap3A_1866, %swap3A_1867], %swap3A_1870 {strides = array<i32>} : memref<128x32xf32, #tpu.memory_space<vmem>>, vector<1x16xf32>,
        %add3A_1871 = arith.constant 15 : i32
        %add3A_1872 = arith.addi %mul3A_669, %add3A_1871 : i32
        %slice3A_1873 = vector.extract_strided_slice %get3A_672 {offsets = [15], sizes = [1], strides = [1]} : vector<16xf32> to vector<1xf32>
        %squeeze3A_1874 = vector.extract %slice3A_1873[0] : f32 from vector<1xf32>
        %mul3A_1875 = arith.constant 4 : i32
        %mul3A_1876 = arith.muli %mul3A_1875, %add3A_1872 : i32
        %get3A_1877 = arith.index_cast %mul3A_1876 : i32 to index
        %get3A_1878 = arith.constant 0 : index
        %get3A_1879 = tpu.vector_load %arg12[%get3A_1877, %get3A_1878] {strides = array<i32>} : memref<512x32xf32, #tpu.memory_space<vmem>>, vector<1x16xf32>,
        %get3A_1880 = vector.shape_cast %get3A_1879 : vector<1x16xf32> to vector<16xf32>
        %add3A_1881 = arith.constant 1 : i32
        %add3A_1882 = arith.addi %mul3A_1876, %add3A_1881 : i32
        %get3A_1883 = arith.index_cast %add3A_1882 : i32 to index
        %get3A_1884 = arith.constant 0 : index
        %get3A_1885 = tpu.vector_load %arg12[%get3A_1883, %get3A_1884] {strides = array<i32>} : memref<512x32xf32, #tpu.memory_space<vmem>>, vector<1x16xf32>,
        %get3A_1886 = vector.shape_cast %get3A_1885 : vector<1x16xf32> to vector<16xf32>
        %add3A_1887 = arith.addf %get3A_1880, %get3A_1886 : vector<16xf32>
        %add3A_1888 = arith.constant 2 : i32
        %add3A_1889 = arith.addi %mul3A_1876, %add3A_1888 : i32
        %get3A_1890 = arith.index_cast %add3A_1889 : i32 to index
        %get3A_1891 = arith.constant 0 : index
        %get3A_1892 = tpu.vector_load %arg12[%get3A_1890, %get3A_1891] {strides = array<i32>} : memref<512x32xf32, #tpu.memory_space<vmem>>, vector<1x16xf32>,
        %get3A_1893 = vector.shape_cast %get3A_1892 : vector<1x16xf32> to vector<16xf32>
        %add3A_1894 = arith.constant 3 : i32
        %add3A_1895 = arith.addi %mul3A_1876, %add3A_1894 : i32
        %get3A_1896 = arith.index_cast %add3A_1895 : i32 to index
        %get3A_1897 = arith.constant 0 : index
        %get3A_1898 = tpu.vector_load %arg12[%get3A_1896, %get3A_1897] {strides = array<i32>} : memref<512x32xf32, #tpu.memory_space<vmem>>, vector<1x16xf32>,
        %get3A_1899 = vector.shape_cast %get3A_1898 : vector<1x16xf32> to vector<16xf32>
        %add3A_1900 = arith.addf %get3A_1893, %get3A_1899 : vector<16xf32>
        %add3A_1901 = arith.addf %add3A_1887, %add3A_1900 : vector<16xf32>
        %get3A_1902 = arith.index_cast %add3A_1872 : i32 to index
        %get3A_1903 = arith.constant 0 : index
        %get3A_1904 = tpu.vector_load %arg10[%get3A_1902, %get3A_1903] {strides = array<i32>} : memref<128x32xf32, #tpu.memory_space<vmem>>, vector<1x16xf32>,
        %get3A_1905 = vector.shape_cast %get3A_1904 : vector<1x16xf32> to vector<16xf32>
        %mul3A_1906 = vector.broadcast %squeeze3A_1874 : f32 to vector<16xf32>
        %mul3A_1907 = arith.mulf %add3A_1901, %mul3A_1906 : vector<16xf32>
        %add3A_1908 = arith.addf %get3A_1905, %mul3A_1907 : vector<16xf32>
        %swap3A_1909 = arith.index_cast %add3A_1872 : i32 to index
        %swap3A_1910 = arith.constant 0 : index
        %swap3A_1911 = tpu.vector_load %arg16[%swap3A_1909, %swap3A_1910] {strides = array<i32>} : memref<128x32xf32, #tpu.memory_space<vmem>>, vector<1x16xf32>,
        %swap3A_1912 = vector.shape_cast %swap3A_1911 : vector<1x16xf32> to vector<16xf32>
        %swap3A_1913 = vector.shape_cast %add3A_1908 : vector<16xf32> to vector<1x16xf32>
        tpu.vector_store %arg16[%swap3A_1909, %swap3A_1910], %swap3A_1913 {strides = array<i32>} : memref<128x32xf32, #tpu.memory_space<vmem>>, vector<1x16xf32>,
        %get3A_1914 = arith.index_cast %mul3A_1876 : i32 to index
        %get3A_1915 = arith.constant 16 : index
        %get3A_1916 = tpu.vector_load %arg12[%get3A_1914, %get3A_1915] {strides = array<i32>} : memref<512x32xf32, #tpu.memory_space<vmem>>, vector<1x16xf32>,
        %get3A_1917 = vector.shape_cast %get3A_1916 : vector<1x16xf32> to vector<16xf32>
        %add3A_1918 = arith.constant 1 : i32
        %add3A_1919 = arith.addi %mul3A_1876, %add3A_1918 : i32
        %get3A_1920 = arith.index_cast %add3A_1919 : i32 to index
        %get3A_1921 = arith.constant 16 : index
        %get3A_1922 = tpu.vector_load %arg12[%get3A_1920, %get3A_1921] {strides = array<i32>} : memref<512x32xf32, #tpu.memory_space<vmem>>, vector<1x16xf32>,
        %get3A_1923 = vector.shape_cast %get3A_1922 : vector<1x16xf32> to vector<16xf32>
        %add3A_1924 = arith.addf %get3A_1917, %get3A_1923 : vector<16xf32>
        %add3A_1925 = arith.constant 2 : i32
        %add3A_1926 = arith.addi %mul3A_1876, %add3A_1925 : i32
        %get3A_1927 = arith.index_cast %add3A_1926 : i32 to index
        %get3A_1928 = arith.constant 16 : index
        %get3A_1929 = tpu.vector_load %arg12[%get3A_1927, %get3A_1928] {strides = array<i32>} : memref<512x32xf32, #tpu.memory_space<vmem>>, vector<1x16xf32>,
        %get3A_1930 = vector.shape_cast %get3A_1929 : vector<1x16xf32> to vector<16xf32>
        %add3A_1931 = arith.constant 3 : i32
        %add3A_1932 = arith.addi %mul3A_1876, %add3A_1931 : i32
        %get3A_1933 = arith.index_cast %add3A_1932 : i32 to index
        %get3A_1934 = arith.constant 16 : index
        %get3A_1935 = tpu.vector_load %arg12[%get3A_1933, %get3A_1934] {strides = array<i32>} : memref<512x32xf32, #tpu.memory_space<vmem>>, vector<1x16xf32>,
        %get3A_1936 = vector.shape_cast %get3A_1935 : vector<1x16xf32> to vector<16xf32>
        %add3A_1937 = arith.addf %get3A_1930, %get3A_1936 : vector<16xf32>
        %add3A_1938 = arith.addf %add3A_1924, %add3A_1937 : vector<16xf32>
        %get3A_1939 = arith.index_cast %add3A_1872 : i32 to index
        %get3A_1940 = arith.constant 16 : index
        %get3A_1941 = tpu.vector_load %arg10[%get3A_1939, %get3A_1940] {strides = array<i32>} : memref<128x32xf32, #tpu.memory_space<vmem>>, vector<1x16xf32>,
        %get3A_1942 = vector.shape_cast %get3A_1941 : vector<1x16xf32> to vector<16xf32>
        %mul3A_1943 = vector.broadcast %squeeze3A_1874 : f32 to vector<16xf32>
        %mul3A_1944 = arith.mulf %add3A_1938, %mul3A_1943 : vector<16xf32>
        %add3A_1945 = arith.addf %get3A_1942, %mul3A_1944 : vector<16xf32>
        %swap3A_1946 = arith.index_cast %add3A_1872 : i32 to index
        %swap3A_1947 = arith.constant 16 : index
        %swap3A_1948 = tpu.vector_load %arg16[%swap3A_1946, %swap3A_1947] {strides = array<i32>} : memref<128x32xf32, #tpu.memory_space<vmem>>, vector<1x16xf32>,
        %swap3A_1949 = vector.shape_cast %swap3A_1948 : vector<1x16xf32> to vector<16xf32>
        %swap3A_1950 = vector.shape_cast %add3A_1945 : vector<16xf32> to vector<1x16xf32>
        tpu.vector_store %arg16[%swap3A_1946, %swap3A_1947], %swap3A_1950 {strides = array<i32>} : memref<128x32xf32, #tpu.memory_space<vmem>>, vector<1x16xf32>,
      }
      %scan3A_592 = arith.constant 8 : i32
      %dma_start3A_593 = arith.constant 0 : i32
      %dma_start3A_594 = arith.constant 0 : i32
      %dma_start3A_595 = tpu.memref_slice %arg5[%add3A_276, %dma_start3A_593, %dma_start3A_594] : memref<2048x128x32xf32, #tpu.memory_space<hbm>> -> memref<1x128x32xf32, #tpu.memory_space<hbm>>
      %dma_start3A_596 = tpu.memref_squeeze %dma_start3A_595 : memref<1x128x32xf32, #tpu.memory_space<hbm>> -> memref<128x32xf32, #tpu.memory_space<hbm>>
      %dma_start3A_597 = arith.constant 0 : i32
      %dma_start3A_598 = arith.constant 0 : i32
      %dma_start3A_599 = tpu.memref_slice %arg5[%add3A_276, %dma_start3A_597, %dma_start3A_598] : memref<2048x128x32xf32, #tpu.memory_space<hbm>> -> memref<1x128x32xf32, #tpu.memory_space<hbm>>
      %dma_start3A_600 = tpu.memref_squeeze %dma_start3A_599 : memref<1x128x32xf32, #tpu.memory_space<hbm>> -> memref<128x32xf32, #tpu.memory_space<hbm>>
      tpu.enqueue_dma source(%arg16 : memref<128x32xf32, #tpu.memory_space<vmem>>) target(%dma_start3A_600 : memref<128x32xf32, #tpu.memory_space<hbm>>) target_semaphore(%arg20 : memref<!tpu.dma_semaphore, #tpu.memory_space<semaphore_mem>>)
      %lt3A = arith.constant 31 : i32
      %lt3A_601 = arith.cmpi slt, %scan3A_273, %lt3A : i32
      %convert_element_type3A_602 = arith.extui %lt3A_601 : i1 to i32
      %cond3A_603 = arith.constant 0 : i32
      %cond3A_604 = arith.cmpi ne, %convert_element_type3A_602, %cond3A_603 : i32
      scf.if %cond3A_604 {
        %add3A_667 = arith.constant 2 : i32
        %add3A_668 = arith.addi %add3A_276, %add3A_667 : i32
        "tpu.region"() ({
          %run_scoped3A = tpu.sem_alloc : memref<!tpu.dma_semaphore, #tpu.memory_space<semaphore_mem>>
          %dma_start3A_930 = arith.constant 0 : i32
          %dma_start3A_931 = tpu.memref_slice %arg3[%add3A_668, %dma_start3A_930] : memref<2048x128xi32, #tpu.memory_space<hbm>> -> memref<1x128xi32, #tpu.memory_space<hbm>>
          %dma_start3A_932 = tpu.memref_squeeze %dma_start3A_931 : memref<1x128xi32, #tpu.memory_space<hbm>> -> memref<128xi32, #tpu.memory_space<hbm>>
          %dma_start3A_933 = arith.constant 0 : i32
          %dma_start3A_934 = tpu.memref_slice %arg3[%add3A_668, %dma_start3A_933] : memref<2048x128xi32, #tpu.memory_space<hbm>> -> memref<1x128xi32, #tpu.memory_space<hbm>>
          %dma_start3A_935 = tpu.memref_squeeze %dma_start3A_934 : memref<1x128xi32, #tpu.memory_space<hbm>> -> memref<128xi32, #tpu.memory_space<hbm>>
          tpu.enqueue_dma source(%dma_start3A_935 : memref<128xi32, #tpu.memory_space<hbm>>) target(%arg6 : memref<128xi32, #tpu.memory_space<vmem>>) target_semaphore(%run_scoped3A : memref<!tpu.dma_semaphore, #tpu.memory_space<semaphore_mem>>)
          %dma_wait3A_936 = arith.constant 0 : i32
          %dma_wait3A_937 = tpu.memref_slice %arg3[%add3A_668, %dma_wait3A_936] : memref<2048x128xi32, #tpu.memory_space<hbm>> -> memref<1x128xi32, #tpu.memory_space<hbm>>
          %dma_wait3A_938 = tpu.memref_squeeze %dma_wait3A_937 : memref<1x128xi32, #tpu.memory_space<hbm>> -> memref<128xi32, #tpu.memory_space<hbm>>
          %dma_wait3A_939 = arith.constant 0 : i32
          %dma_wait3A_940 = tpu.memref_slice %arg3[%add3A_668, %dma_wait3A_939] : memref<2048x128xi32, #tpu.memory_space<hbm>> -> memref<1x128xi32, #tpu.memory_space<hbm>>
          %dma_wait3A_941 = tpu.memref_squeeze %dma_wait3A_940 : memref<1x128xi32, #tpu.memory_space<hbm>> -> memref<128xi32, #tpu.memory_space<hbm>>
          tpu.wait_dma2 semaphore(%run_scoped3A : memref<!tpu.dma_semaphore, #tpu.memory_space<semaphore_mem>>) src(%dma_wait3A_941 : memref<128xi32, #tpu.memory_space<hbm>>) dst(%arg6 : memref<128xi32, #tpu.memory_space<vmem>>)
          tpu.yield
        }) : () -> ()
        %mul3A_669 = arith.constant 4 : i32
        %mul3A_670 = arith.muli %add3A_668, %mul3A_669 : i32
        "tpu.region"() ({
          %run_scoped3A = tpu.sem_alloc : memref<!tpu.dma_semaphore, #tpu.memory_space<semaphore_mem>>
          %dma_start3A_930 = arith.constant 0 : i32
          %dma_start3A_931 = tpu.memref_slice %arg4[%mul3A_670, %dma_start3A_930] : memref<8192x128xi32, #tpu.memory_space<hbm>> -> memref<4x128xi32, #tpu.memory_space<hbm>>
          %dma_start3A_932 = arith.constant 0 : i32
          %dma_start3A_933 = tpu.memref_slice %arg4[%mul3A_670, %dma_start3A_932] : memref<8192x128xi32, #tpu.memory_space<hbm>> -> memref<4x128xi32, #tpu.memory_space<hbm>>
          tpu.enqueue_dma source(%dma_start3A_933 : memref<4x128xi32, #tpu.memory_space<hbm>>) target(%arg8 : memref<4x128xi32, #tpu.memory_space<vmem>>) target_semaphore(%run_scoped3A : memref<!tpu.dma_semaphore, #tpu.memory_space<semaphore_mem>>)
          %dma_wait3A_934 = arith.constant 0 : i32
          %dma_wait3A_935 = tpu.memref_slice %arg4[%mul3A_670, %dma_wait3A_934] : memref<8192x128xi32, #tpu.memory_space<hbm>> -> memref<4x128xi32, #tpu.memory_space<hbm>>
          %dma_wait3A_936 = arith.constant 0 : i32
          %dma_wait3A_937 = tpu.memref_slice %arg4[%mul3A_670, %dma_wait3A_936] : memref<8192x128xi32, #tpu.memory_space<hbm>> -> memref<4x128xi32, #tpu.memory_space<hbm>>
          tpu.wait_dma2 semaphore(%run_scoped3A : memref<!tpu.dma_semaphore, #tpu.memory_space<semaphore_mem>>) src(%dma_wait3A_937 : memref<4x128xi32, #tpu.memory_space<hbm>>) dst(%arg8 : memref<4x128xi32, #tpu.memory_space<vmem>>)
          tpu.yield
        }) : () -> ()
        %get3A_671 = arith.constant 0 : index
        %get3A_672 = tpu.vector_load %arg6[%get3A_671] {strides = array<i32>} : memref<128xi32, #tpu.memory_space<vmem>>, vector<16xi32>,
        %get3A_673 = vector.shape_cast %get3A_672 : vector<16xi32> to vector<16xi32>
        %eq3A_674 = arith.constant 0 : i32
        %eq3A_675 = vector.broadcast %eq3A_674 : i32 to vector<16xi32>
        %eq3A_676 = arith.cmpi eq, %get3A_673, %eq3A_675 : vector<16xi32>
        %jit3A_677 = arith.constant 1 : i32
        %broadcast_in_dim3A_678 = vector.broadcast %jit3A_677 : i32 to vector<16xi32>
        %select_n3A_679 = arith.select %eq3A_676, %broadcast_in_dim3A_678, %get3A_673 : vector<16xi1>, vector<16xi32>
        %gt3A_680 = arith.constant 1 : i32
        %gt3A_681 = vector.broadcast %gt3A_680 : i32 to vector<16xi32>
        %gt3A_682 = arith.cmpi sgt, %select_n3A_679, %gt3A_681 : vector<16xi32>
        %sub3A_683 = arith.constant 1 : i32
        %sub3A_684 = vector.broadcast %sub3A_683 : i32 to vector<16xi32>
        %sub3A_685 = arith.subi %select_n3A_679, %sub3A_684 : vector<16xi32>
        %select_n3A_686 = arith.select %gt3A_682, %sub3A_685, %select_n3A_679 : vector<16xi1>, vector<16xi32>
        %convert_element_type3A_687 = arith.sitofp %select_n3A_686 : vector<16xi32> to vector<16xf32>
        %add3A_688 = arith.constant 9.99999971E-10 : f32
        %add3A_689 = vector.broadcast %add3A_688 : f32 to vector<16xf32>
        %add3A_690 = arith.addf %convert_element_type3A_687, %add3A_689 : vector<16xf32>
        %div3A_691 = arith.constant 1.000000e+00 : f32
        %div3A_692 = vector.broadcast %div3A_691 : f32 to vector<16xf32>
        %div3A_693 = arith.divf %div3A_692, %add3A_690 : vector<16xf32>
        %swap3A_694 = arith.constant 0 : index
        %swap3A_695 = tpu.vector_load %arg14[%swap3A_694] {strides = array<i32>} : memref<128xf32, #tpu.memory_space<vmem>>, vector<16xf32>,
        %swap3A_696 = vector.shape_cast %swap3A_695 : vector<16xf32> to vector<16xf32>
        %swap3A_697 = vector.shape_cast %div3A_693 : vector<16xf32> to vector<16xf32>
        tpu.vector_store %arg14[%swap3A_694], %swap3A_697 {strides = array<i32>} : memref<128xf32, #tpu.memory_space<vmem>>, vector<16xf32>,
        %get3A_698 = arith.constant 16 : index
        %get3A_699 = tpu.vector_load %arg6[%get3A_698] {strides = array<i32>} : memref<128xi32, #tpu.memory_space<vmem>>, vector<16xi32>,
        %get3A_700 = vector.shape_cast %get3A_699 : vector<16xi32> to vector<16xi32>
        %eq3A_701 = arith.constant 0 : i32
        %eq3A_702 = vector.broadcast %eq3A_701 : i32 to vector<16xi32>
        %eq3A_703 = arith.cmpi eq, %get3A_700, %eq3A_702 : vector<16xi32>
        %jit3A_704 = arith.constant 1 : i32
        %broadcast_in_dim3A_705 = vector.broadcast %jit3A_704 : i32 to vector<16xi32>
        %select_n3A_706 = arith.select %eq3A_703, %broadcast_in_dim3A_705, %get3A_700 : vector<16xi1>, vector<16xi32>
        %gt3A_707 = arith.constant 1 : i32
        %gt3A_708 = vector.broadcast %gt3A_707 : i32 to vector<16xi32>
        %gt3A_709 = arith.cmpi sgt, %select_n3A_706, %gt3A_708 : vector<16xi32>
        %sub3A_710 = arith.constant 1 : i32
        %sub3A_711 = vector.broadcast %sub3A_710 : i32 to vector<16xi32>
        %sub3A_712 = arith.subi %select_n3A_706, %sub3A_711 : vector<16xi32>
        %select_n3A_713 = arith.select %gt3A_709, %sub3A_712, %select_n3A_706 : vector<16xi1>, vector<16xi32>
        %convert_element_type3A_714 = arith.sitofp %select_n3A_713 : vector<16xi32> to vector<16xf32>
        %add3A_715 = arith.constant 9.99999971E-10 : f32
        %add3A_716 = vector.broadcast %add3A_715 : f32 to vector<16xf32>
        %add3A_717 = arith.addf %convert_element_type3A_714, %add3A_716 : vector<16xf32>
        %div3A_718 = arith.constant 1.000000e+00 : f32
        %div3A_719 = vector.broadcast %div3A_718 : f32 to vector<16xf32>
        %div3A_720 = arith.divf %div3A_719, %add3A_717 : vector<16xf32>
        %swap3A_721 = arith.constant 16 : index
        %swap3A_722 = tpu.vector_load %arg14[%swap3A_721] {strides = array<i32>} : memref<128xf32, #tpu.memory_space<vmem>>, vector<16xf32>,
        %swap3A_723 = vector.shape_cast %swap3A_722 : vector<16xf32> to vector<16xf32>
        %swap3A_724 = vector.shape_cast %div3A_720 : vector<16xf32> to vector<16xf32>
        tpu.vector_store %arg14[%swap3A_721], %swap3A_724 {strides = array<i32>} : memref<128xf32, #tpu.memory_space<vmem>>, vector<16xf32>,
        %get3A_725 = arith.constant 32 : index
        %get3A_726 = tpu.vector_load %arg6[%get3A_725] {strides = array<i32>} : memref<128xi32, #tpu.memory_space<vmem>>, vector<16xi32>,
        %get3A_727 = vector.shape_cast %get3A_726 : vector<16xi32> to vector<16xi32>
        %eq3A_728 = arith.constant 0 : i32
        %eq3A_729 = vector.broadcast %eq3A_728 : i32 to vector<16xi32>
        %eq3A_730 = arith.cmpi eq, %get3A_727, %eq3A_729 : vector<16xi32>
        %jit3A_731 = arith.constant 1 : i32
        %broadcast_in_dim3A_732 = vector.broadcast %jit3A_731 : i32 to vector<16xi32>
        %select_n3A_733 = arith.select %eq3A_730, %broadcast_in_dim3A_732, %get3A_727 : vector<16xi1>, vector<16xi32>
        %gt3A_734 = arith.constant 1 : i32
        %gt3A_735 = vector.broadcast %gt3A_734 : i32 to vector<16xi32>
        %gt3A_736 = arith.cmpi sgt, %select_n3A_733, %gt3A_735 : vector<16xi32>
        %sub3A_737 = arith.constant 1 : i32
        %sub3A_738 = vector.broadcast %sub3A_737 : i32 to vector<16xi32>
        %sub3A_739 = arith.subi %select_n3A_733, %sub3A_738 : vector<16xi32>
        %select_n3A_740 = arith.select %gt3A_736, %sub3A_739, %select_n3A_733 : vector<16xi1>, vector<16xi32>
        %convert_element_type3A_741 = arith.sitofp %select_n3A_740 : vector<16xi32> to vector<16xf32>
        %add3A_742 = arith.constant 9.99999971E-10 : f32
        %add3A_743 = vector.broadcast %add3A_742 : f32 to vector<16xf32>
        %add3A_744 = arith.addf %convert_element_type3A_741, %add3A_743 : vector<16xf32>
        %div3A_745 = arith.constant 1.000000e+00 : f32
        %div3A_746 = vector.broadcast %div3A_745 : f32 to vector<16xf32>
        %div3A_747 = arith.divf %div3A_746, %add3A_744 : vector<16xf32>
        %swap3A_748 = arith.constant 32 : index
        %swap3A_749 = tpu.vector_load %arg14[%swap3A_748] {strides = array<i32>} : memref<128xf32, #tpu.memory_space<vmem>>, vector<16xf32>,
        %swap3A_750 = vector.shape_cast %swap3A_749 : vector<16xf32> to vector<16xf32>
        %swap3A_751 = vector.shape_cast %div3A_747 : vector<16xf32> to vector<16xf32>
        tpu.vector_store %arg14[%swap3A_748], %swap3A_751 {strides = array<i32>} : memref<128xf32, #tpu.memory_space<vmem>>, vector<16xf32>,
        %get3A_752 = arith.constant 48 : index
        %get3A_753 = tpu.vector_load %arg6[%get3A_752] {strides = array<i32>} : memref<128xi32, #tpu.memory_space<vmem>>, vector<16xi32>,
        %get3A_754 = vector.shape_cast %get3A_753 : vector<16xi32> to vector<16xi32>
        %eq3A_755 = arith.constant 0 : i32
        %eq3A_756 = vector.broadcast %eq3A_755 : i32 to vector<16xi32>
        %eq3A_757 = arith.cmpi eq, %get3A_754, %eq3A_756 : vector<16xi32>
        %jit3A_758 = arith.constant 1 : i32
        %broadcast_in_dim3A_759 = vector.broadcast %jit3A_758 : i32 to vector<16xi32>
        %select_n3A_760 = arith.select %eq3A_757, %broadcast_in_dim3A_759, %get3A_754 : vector<16xi1>, vector<16xi32>
        %gt3A_761 = arith.constant 1 : i32
        %gt3A_762 = vector.broadcast %gt3A_761 : i32 to vector<16xi32>
        %gt3A_763 = arith.cmpi sgt, %select_n3A_760, %gt3A_762 : vector<16xi32>
        %sub3A_764 = arith.constant 1 : i32
        %sub3A_765 = vector.broadcast %sub3A_764 : i32 to vector<16xi32>
        %sub3A_766 = arith.subi %select_n3A_760, %sub3A_765 : vector<16xi32>
        %select_n3A_767 = arith.select %gt3A_763, %sub3A_766, %select_n3A_760 : vector<16xi1>, vector<16xi32>
        %convert_element_type3A_768 = arith.sitofp %select_n3A_767 : vector<16xi32> to vector<16xf32>
        %add3A_769 = arith.constant 9.99999971E-10 : f32
        %add3A_770 = vector.broadcast %add3A_769 : f32 to vector<16xf32>
        %add3A_771 = arith.addf %convert_element_type3A_768, %add3A_770 : vector<16xf32>
        %div3A_772 = arith.constant 1.000000e+00 : f32
        %div3A_773 = vector.broadcast %div3A_772 : f32 to vector<16xf32>
        %div3A_774 = arith.divf %div3A_773, %add3A_771 : vector<16xf32>
        %swap3A_775 = arith.constant 48 : index
        %swap3A_776 = tpu.vector_load %arg14[%swap3A_775] {strides = array<i32>} : memref<128xf32, #tpu.memory_space<vmem>>, vector<16xf32>,
        %swap3A_777 = vector.shape_cast %swap3A_776 : vector<16xf32> to vector<16xf32>
        %swap3A_778 = vector.shape_cast %div3A_774 : vector<16xf32> to vector<16xf32>
        tpu.vector_store %arg14[%swap3A_775], %swap3A_778 {strides = array<i32>} : memref<128xf32, #tpu.memory_space<vmem>>, vector<16xf32>,
        %get3A_779 = arith.constant 64 : index
        %get3A_780 = tpu.vector_load %arg6[%get3A_779] {strides = array<i32>} : memref<128xi32, #tpu.memory_space<vmem>>, vector<16xi32>,
        %get3A_781 = vector.shape_cast %get3A_780 : vector<16xi32> to vector<16xi32>
        %eq3A_782 = arith.constant 0 : i32
        %eq3A_783 = vector.broadcast %eq3A_782 : i32 to vector<16xi32>
        %eq3A_784 = arith.cmpi eq, %get3A_781, %eq3A_783 : vector<16xi32>
        %jit3A_785 = arith.constant 1 : i32
        %broadcast_in_dim3A_786 = vector.broadcast %jit3A_785 : i32 to vector<16xi32>
        %select_n3A_787 = arith.select %eq3A_784, %broadcast_in_dim3A_786, %get3A_781 : vector<16xi1>, vector<16xi32>
        %gt3A_788 = arith.constant 1 : i32
        %gt3A_789 = vector.broadcast %gt3A_788 : i32 to vector<16xi32>
        %gt3A_790 = arith.cmpi sgt, %select_n3A_787, %gt3A_789 : vector<16xi32>
        %sub3A_791 = arith.constant 1 : i32
        %sub3A_792 = vector.broadcast %sub3A_791 : i32 to vector<16xi32>
        %sub3A_793 = arith.subi %select_n3A_787, %sub3A_792 : vector<16xi32>
        %select_n3A_794 = arith.select %gt3A_790, %sub3A_793, %select_n3A_787 : vector<16xi1>, vector<16xi32>
        %convert_element_type3A_795 = arith.sitofp %select_n3A_794 : vector<16xi32> to vector<16xf32>
        %add3A_796 = arith.constant 9.99999971E-10 : f32
        %add3A_797 = vector.broadcast %add3A_796 : f32 to vector<16xf32>
        %add3A_798 = arith.addf %convert_element_type3A_795, %add3A_797 : vector<16xf32>
        %div3A_799 = arith.constant 1.000000e+00 : f32
        %div3A_800 = vector.broadcast %div3A_799 : f32 to vector<16xf32>
        %div3A_801 = arith.divf %div3A_800, %add3A_798 : vector<16xf32>
        %swap3A_802 = arith.constant 64 : index
        %swap3A_803 = tpu.vector_load %arg14[%swap3A_802] {strides = array<i32>} : memref<128xf32, #tpu.memory_space<vmem>>, vector<16xf32>,
        %swap3A_804 = vector.shape_cast %swap3A_803 : vector<16xf32> to vector<16xf32>
        %swap3A_805 = vector.shape_cast %div3A_801 : vector<16xf32> to vector<16xf32>
        tpu.vector_store %arg14[%swap3A_802], %swap3A_805 {strides = array<i32>} : memref<128xf32, #tpu.memory_space<vmem>>, vector<16xf32>,
        %get3A_806 = arith.constant 80 : index
        %get3A_807 = tpu.vector_load %arg6[%get3A_806] {strides = array<i32>} : memref<128xi32, #tpu.memory_space<vmem>>, vector<16xi32>,
        %get3A_808 = vector.shape_cast %get3A_807 : vector<16xi32> to vector<16xi32>
        %eq3A_809 = arith.constant 0 : i32
        %eq3A_810 = vector.broadcast %eq3A_809 : i32 to vector<16xi32>
        %eq3A_811 = arith.cmpi eq, %get3A_808, %eq3A_810 : vector<16xi32>
        %jit3A_812 = arith.constant 1 : i32
        %broadcast_in_dim3A_813 = vector.broadcast %jit3A_812 : i32 to vector<16xi32>
        %select_n3A_814 = arith.select %eq3A_811, %broadcast_in_dim3A_813, %get3A_808 : vector<16xi1>, vector<16xi32>
        %gt3A_815 = arith.constant 1 : i32
        %gt3A_816 = vector.broadcast %gt3A_815 : i32 to vector<16xi32>
        %gt3A_817 = arith.cmpi sgt, %select_n3A_814, %gt3A_816 : vector<16xi32>
        %sub3A_818 = arith.constant 1 : i32
        %sub3A_819 = vector.broadcast %sub3A_818 : i32 to vector<16xi32>
        %sub3A_820 = arith.subi %select_n3A_814, %sub3A_819 : vector<16xi32>
        %select_n3A_821 = arith.select %gt3A_817, %sub3A_820, %select_n3A_814 : vector<16xi1>, vector<16xi32>
        %convert_element_type3A_822 = arith.sitofp %select_n3A_821 : vector<16xi32> to vector<16xf32>
        %add3A_823 = arith.constant 9.99999971E-10 : f32
        %add3A_824 = vector.broadcast %add3A_823 : f32 to vector<16xf32>
        %add3A_825 = arith.addf %convert_element_type3A_822, %add3A_824 : vector<16xf32>
        %div3A_826 = arith.constant 1.000000e+00 : f32
        %div3A_827 = vector.broadcast %div3A_826 : f32 to vector<16xf32>
        %div3A_828 = arith.divf %div3A_827, %add3A_825 : vector<16xf32>
        %swap3A_829 = arith.constant 80 : index
        %swap3A_830 = tpu.vector_load %arg14[%swap3A_829] {strides = array<i32>} : memref<128xf32, #tpu.memory_space<vmem>>, vector<16xf32>,
        %swap3A_831 = vector.shape_cast %swap3A_830 : vector<16xf32> to vector<16xf32>
        %swap3A_832 = vector.shape_cast %div3A_828 : vector<16xf32> to vector<16xf32>
        tpu.vector_store %arg14[%swap3A_829], %swap3A_832 {strides = array<i32>} : memref<128xf32, #tpu.memory_space<vmem>>, vector<16xf32>,
        %get3A_833 = arith.constant 96 : index
        %get3A_834 = tpu.vector_load %arg6[%get3A_833] {strides = array<i32>} : memref<128xi32, #tpu.memory_space<vmem>>, vector<16xi32>,
        %get3A_835 = vector.shape_cast %get3A_834 : vector<16xi32> to vector<16xi32>
        %eq3A_836 = arith.constant 0 : i32
        %eq3A_837 = vector.broadcast %eq3A_836 : i32 to vector<16xi32>
        %eq3A_838 = arith.cmpi eq, %get3A_835, %eq3A_837 : vector<16xi32>
        %jit3A_839 = arith.constant 1 : i32
        %broadcast_in_dim3A_840 = vector.broadcast %jit3A_839 : i32 to vector<16xi32>
        %select_n3A_841 = arith.select %eq3A_838, %broadcast_in_dim3A_840, %get3A_835 : vector<16xi1>, vector<16xi32>
        %gt3A_842 = arith.constant 1 : i32
        %gt3A_843 = vector.broadcast %gt3A_842 : i32 to vector<16xi32>
        %gt3A_844 = arith.cmpi sgt, %select_n3A_841, %gt3A_843 : vector<16xi32>
        %sub3A_845 = arith.constant 1 : i32
        %sub3A_846 = vector.broadcast %sub3A_845 : i32 to vector<16xi32>
        %sub3A_847 = arith.subi %select_n3A_841, %sub3A_846 : vector<16xi32>
        %select_n3A_848 = arith.select %gt3A_844, %sub3A_847, %select_n3A_841 : vector<16xi1>, vector<16xi32>
        %convert_element_type3A_849 = arith.sitofp %select_n3A_848 : vector<16xi32> to vector<16xf32>
        %add3A_850 = arith.constant 9.99999971E-10 : f32
        %add3A_851 = vector.broadcast %add3A_850 : f32 to vector<16xf32>
        %add3A_852 = arith.addf %convert_element_type3A_849, %add3A_851 : vector<16xf32>
        %div3A_853 = arith.constant 1.000000e+00 : f32
        %div3A_854 = vector.broadcast %div3A_853 : f32 to vector<16xf32>
        %div3A_855 = arith.divf %div3A_854, %add3A_852 : vector<16xf32>
        %swap3A_856 = arith.constant 96 : index
        %swap3A_857 = tpu.vector_load %arg14[%swap3A_856] {strides = array<i32>} : memref<128xf32, #tpu.memory_space<vmem>>, vector<16xf32>,
        %swap3A_858 = vector.shape_cast %swap3A_857 : vector<16xf32> to vector<16xf32>
        %swap3A_859 = vector.shape_cast %div3A_855 : vector<16xf32> to vector<16xf32>
        tpu.vector_store %arg14[%swap3A_856], %swap3A_859 {strides = array<i32>} : memref<128xf32, #tpu.memory_space<vmem>>, vector<16xf32>,
        %get3A_860 = arith.constant 112 : index
        %get3A_861 = tpu.vector_load %arg6[%get3A_860] {strides = array<i32>} : memref<128xi32, #tpu.memory_space<vmem>>, vector<16xi32>,
        %get3A_862 = vector.shape_cast %get3A_861 : vector<16xi32> to vector<16xi32>
        %eq3A_863 = arith.constant 0 : i32
        %eq3A_864 = vector.broadcast %eq3A_863 : i32 to vector<16xi32>
        %eq3A_865 = arith.cmpi eq, %get3A_862, %eq3A_864 : vector<16xi32>
        %jit3A_866 = arith.constant 1 : i32
        %broadcast_in_dim3A_867 = vector.broadcast %jit3A_866 : i32 to vector<16xi32>
        %select_n3A_868 = arith.select %eq3A_865, %broadcast_in_dim3A_867, %get3A_862 : vector<16xi1>, vector<16xi32>
        %gt3A_869 = arith.constant 1 : i32
        %gt3A_870 = vector.broadcast %gt3A_869 : i32 to vector<16xi32>
        %gt3A_871 = arith.cmpi sgt, %select_n3A_868, %gt3A_870 : vector<16xi32>
        %sub3A_872 = arith.constant 1 : i32
        %sub3A_873 = vector.broadcast %sub3A_872 : i32 to vector<16xi32>
        %sub3A_874 = arith.subi %select_n3A_868, %sub3A_873 : vector<16xi32>
        %select_n3A_875 = arith.select %gt3A_871, %sub3A_874, %select_n3A_868 : vector<16xi1>, vector<16xi32>
        %convert_element_type3A_876 = arith.sitofp %select_n3A_875 : vector<16xi32> to vector<16xf32>
        %add3A_877 = arith.constant 9.99999971E-10 : f32
        %add3A_878 = vector.broadcast %add3A_877 : f32 to vector<16xf32>
        %add3A_879 = arith.addf %convert_element_type3A_876, %add3A_878 : vector<16xf32>
        %div3A_880 = arith.constant 1.000000e+00 : f32
        %div3A_881 = vector.broadcast %div3A_880 : f32 to vector<16xf32>
        %div3A_882 = arith.divf %div3A_881, %add3A_879 : vector<16xf32>
        %swap3A_883 = arith.constant 112 : index
        %swap3A_884 = tpu.vector_load %arg14[%swap3A_883] {strides = array<i32>} : memref<128xf32, #tpu.memory_space<vmem>>, vector<16xf32>,
        %swap3A_885 = vector.shape_cast %swap3A_884 : vector<16xf32> to vector<16xf32>
        %swap3A_886 = vector.shape_cast %div3A_882 : vector<16xf32> to vector<16xf32>
        tpu.vector_store %arg14[%swap3A_883], %swap3A_886 {strides = array<i32>} : memref<128xf32, #tpu.memory_space<vmem>>, vector<16xf32>,
        %dma_start3A_887 = arith.constant 0 : i32
        %dma_start3A_888 = arith.constant 0 : i32
        %dma_start3A_889 = tpu.memref_slice %arg2[%dma_start3A_887, %dma_start3A_888] : memref<4640x32xf32, #tpu.memory_space<hbm>> -> memref<4640x32xf32, #tpu.memory_space<hbm>>
        tpu.enqueue_indirect_dma source(%dma_start3A_889 : memref<4640x32xf32, #tpu.memory_space<hbm>>) target(%arg10 : memref<128x32xf32, #tpu.memory_space<vmem>>) offsets(%arg6 : memref<128xi32, #tpu.memory_space<vmem>>) semaphore(%arg18 : memref<!tpu.dma_semaphore, #tpu.memory_space<semaphore_mem>>)
        %dma_start3A_890 = arith.constant 0 : i32
        %dma_start3A_891 = arith.constant 0 : i32
        %dma_start3A_892 = arith.constant 0 : i32
        %dma_start3A_893 = tpu.memref_slice %arg12[%dma_start3A_891, %dma_start3A_892] : memref<512x32xf32, #tpu.memory_space<vmem>> -> memref<128x32xf32, #tpu.memory_space<vmem>>
        %dma_start3A_894 = arith.constant 0 : i32
        %dma_start3A_895 = tpu.memref_slice %arg8[%dma_start3A_890, %dma_start3A_894] : memref<4x128xi32, #tpu.memory_space<vmem>> -> memref<1x128xi32, #tpu.memory_space<vmem>>
        %dma_start3A_896 = tpu.memref_squeeze %dma_start3A_895 : memref<1x128xi32, #tpu.memory_space<vmem>> -> memref<128xi32, #tpu.memory_space<vmem>>
        %dma_start3A_897 = arith.constant 0 : i32
        %dma_start3A_898 = arith.constant 0 : i32
        %dma_start3A_899 = tpu.memref_slice %arg2[%dma_start3A_897, %dma_start3A_898] : memref<4640x32xf32, #tpu.memory_space<hbm>> -> memref<4640x32xf32, #tpu.memory_space<hbm>>
        tpu.enqueue_indirect_dma source(%dma_start3A_899 : memref<4640x32xf32, #tpu.memory_space<hbm>>) target(%dma_start3A_893 : memref<128x32xf32, #tpu.memory_space<vmem>>) offsets(%dma_start3A_896 : memref<128xi32, #tpu.memory_space<vmem>>) semaphore(%arg18 : memref<!tpu.dma_semaphore, #tpu.memory_space<semaphore_mem>>)
        %dma_start3A_900 = arith.constant 1 : i32
        %dma_start3A_901 = arith.constant 128 : i32
        %dma_start3A_902 = arith.constant 0 : i32
        %dma_start3A_903 = tpu.memref_slice %arg12[%dma_start3A_901, %dma_start3A_902] : memref<512x32xf32, #tpu.memory_space<vmem>> -> memref<128x32xf32, #tpu.memory_space<vmem>>
        %dma_start3A_904 = arith.constant 0 : i32
        %dma_start3A_905 = tpu.memref_slice %arg8[%dma_start3A_900, %dma_start3A_904] : memref<4x128xi32, #tpu.memory_space<vmem>> -> memref<1x128xi32, #tpu.memory_space<vmem>>
        %dma_start3A_906 = tpu.memref_squeeze %dma_start3A_905 : memref<1x128xi32, #tpu.memory_space<vmem>> -> memref<128xi32, #tpu.memory_space<vmem>>
        %dma_start3A_907 = arith.constant 0 : i32
        %dma_start3A_908 = arith.constant 0 : i32
        %dma_start3A_909 = tpu.memref_slice %arg2[%dma_start3A_907, %dma_start3A_908] : memref<4640x32xf32, #tpu.memory_space<hbm>> -> memref<4640x32xf32, #tpu.memory_space<hbm>>
        tpu.enqueue_indirect_dma source(%dma_start3A_909 : memref<4640x32xf32, #tpu.memory_space<hbm>>) target(%dma_start3A_903 : memref<128x32xf32, #tpu.memory_space<vmem>>) offsets(%dma_start3A_906 : memref<128xi32, #tpu.memory_space<vmem>>) semaphore(%arg18 : memref<!tpu.dma_semaphore, #tpu.memory_space<semaphore_mem>>)
        %dma_start3A_910 = arith.constant 2 : i32
        %dma_start3A_911 = arith.constant 256 : i32
        %dma_start3A_912 = arith.constant 0 : i32
        %dma_start3A_913 = tpu.memref_slice %arg12[%dma_start3A_911, %dma_start3A_912] : memref<512x32xf32, #tpu.memory_space<vmem>> -> memref<128x32xf32, #tpu.memory_space<vmem>>
        %dma_start3A_914 = arith.constant 0 : i32
        %dma_start3A_915 = tpu.memref_slice %arg8[%dma_start3A_910, %dma_start3A_914] : memref<4x128xi32, #tpu.memory_space<vmem>> -> memref<1x128xi32, #tpu.memory_space<vmem>>
        %dma_start3A_916 = tpu.memref_squeeze %dma_start3A_915 : memref<1x128xi32, #tpu.memory_space<vmem>> -> memref<128xi32, #tpu.memory_space<vmem>>
        %dma_start3A_917 = arith.constant 0 : i32
        %dma_start3A_918 = arith.constant 0 : i32
        %dma_start3A_919 = tpu.memref_slice %arg2[%dma_start3A_917, %dma_start3A_918] : memref<4640x32xf32, #tpu.memory_space<hbm>> -> memref<4640x32xf32, #tpu.memory_space<hbm>>
        tpu.enqueue_indirect_dma source(%dma_start3A_919 : memref<4640x32xf32, #tpu.memory_space<hbm>>) target(%dma_start3A_913 : memref<128x32xf32, #tpu.memory_space<vmem>>) offsets(%dma_start3A_916 : memref<128xi32, #tpu.memory_space<vmem>>) semaphore(%arg18 : memref<!tpu.dma_semaphore, #tpu.memory_space<semaphore_mem>>)
        %dma_start3A_920 = arith.constant 3 : i32
        %dma_start3A_921 = arith.constant 384 : i32
        %dma_start3A_922 = arith.constant 0 : i32
        %dma_start3A_923 = tpu.memref_slice %arg12[%dma_start3A_921, %dma_start3A_922] : memref<512x32xf32, #tpu.memory_space<vmem>> -> memref<128x32xf32, #tpu.memory_space<vmem>>
        %dma_start3A_924 = arith.constant 0 : i32
        %dma_start3A_925 = tpu.memref_slice %arg8[%dma_start3A_920, %dma_start3A_924] : memref<4x128xi32, #tpu.memory_space<vmem>> -> memref<1x128xi32, #tpu.memory_space<vmem>>
        %dma_start3A_926 = tpu.memref_squeeze %dma_start3A_925 : memref<1x128xi32, #tpu.memory_space<vmem>> -> memref<128xi32, #tpu.memory_space<vmem>>
        %dma_start3A_927 = arith.constant 0 : i32
        %dma_start3A_928 = arith.constant 0 : i32
        %dma_start3A_929 = tpu.memref_slice %arg2[%dma_start3A_927, %dma_start3A_928] : memref<4640x32xf32, #tpu.memory_space<hbm>> -> memref<4640x32xf32, #tpu.memory_space<hbm>>
        tpu.enqueue_indirect_dma source(%dma_start3A_929 : memref<4640x32xf32, #tpu.memory_space<hbm>>) target(%dma_start3A_923 : memref<128x32xf32, #tpu.memory_space<vmem>>) offsets(%dma_start3A_926 : memref<128xi32, #tpu.memory_space<vmem>>) semaphore(%arg18 : memref<!tpu.dma_semaphore, #tpu.memory_space<semaphore_mem>>)
      } else {
      }
      %dma_wait3A_605 = arith.constant 0 : i32
      %dma_wait3A_606 = arith.constant 0 : i32
      %dma_wait3A_607 = tpu.memref_slice %arg2[%dma_wait3A_605, %dma_wait3A_606] : memref<4640x32xf32, #tpu.memory_space<hbm>> -> memref<4640x32xf32, #tpu.memory_space<hbm>>
      tpu.wait_indirect_dma semaphore(%arg19 : memref<!tpu.dma_semaphore, #tpu.memory_space<semaphore_mem>>) src(%dma_wait3A_607 : memref<4640x32xf32, #tpu.memory_space<hbm>>) dst(%arg11 : memref<128x32xf32, #tpu.memory_space<vmem>>)
      %dma_wait3A_608 = arith.constant 0 : i32
      %dma_wait3A_609 = arith.constant 0 : i32
      %dma_wait3A_610 = arith.constant 0 : i32
      %dma_wait3A_611 = tpu.memref_slice %arg13[%dma_wait3A_609, %dma_wait3A_610] : memref<512x32xf32, #tpu.memory_space<vmem>> -> memref<128x32xf32, #tpu.memory_space<vmem>>
      %dma_wait3A_612 = arith.constant 0 : i32
      %dma_wait3A_613 = tpu.memref_slice %arg9[%dma_wait3A_608, %dma_wait3A_612] : memref<4x128xi32, #tpu.memory_space<vmem>> -> memref<1x128xi32, #tpu.memory_space<vmem>>
      %dma_wait3A_614 = tpu.memref_squeeze %dma_wait3A_613 : memref<1x128xi32, #tpu.memory_space<vmem>> -> memref<128xi32, #tpu.memory_space<vmem>>
      %dma_wait3A_615 = arith.constant 0 : i32
      %dma_wait3A_616 = arith.constant 0 : i32
      %dma_wait3A_617 = tpu.memref_slice %arg2[%dma_wait3A_615, %dma_wait3A_616] : memref<4640x32xf32, #tpu.memory_space<hbm>> -> memref<4640x32xf32, #tpu.memory_space<hbm>>
      tpu.wait_indirect_dma semaphore(%arg19 : memref<!tpu.dma_semaphore, #tpu.memory_space<semaphore_mem>>) src(%dma_wait3A_617 : memref<4640x32xf32, #tpu.memory_space<hbm>>) dst(%dma_wait3A_611 : memref<128x32xf32, #tpu.memory_space<vmem>>)
      %dma_wait3A_618 = arith.constant 1 : i32
      %dma_wait3A_619 = arith.constant 128 : i32
      %dma_wait3A_620 = arith.constant 0 : i32
      %dma_wait3A_621 = tpu.memref_slice %arg13[%dma_wait3A_619, %dma_wait3A_620] : memref<512x32xf32, #tpu.memory_space<vmem>> -> memref<128x32xf32, #tpu.memory_space<vmem>>
      %dma_wait3A_622 = arith.constant 0 : i32
      %dma_wait3A_623 = tpu.memref_slice %arg9[%dma_wait3A_618, %dma_wait3A_622] : memref<4x128xi32, #tpu.memory_space<vmem>> -> memref<1x128xi32, #tpu.memory_space<vmem>>
      %dma_wait3A_624 = tpu.memref_squeeze %dma_wait3A_623 : memref<1x128xi32, #tpu.memory_space<vmem>> -> memref<128xi32, #tpu.memory_space<vmem>>
      %dma_wait3A_625 = arith.constant 0 : i32
      %dma_wait3A_626 = arith.constant 0 : i32
      %dma_wait3A_627 = tpu.memref_slice %arg2[%dma_wait3A_625, %dma_wait3A_626] : memref<4640x32xf32, #tpu.memory_space<hbm>> -> memref<4640x32xf32, #tpu.memory_space<hbm>>
      tpu.wait_indirect_dma semaphore(%arg19 : memref<!tpu.dma_semaphore, #tpu.memory_space<semaphore_mem>>) src(%dma_wait3A_627 : memref<4640x32xf32, #tpu.memory_space<hbm>>) dst(%dma_wait3A_621 : memref<128x32xf32, #tpu.memory_space<vmem>>)
      %dma_wait3A_628 = arith.constant 2 : i32
      %dma_wait3A_629 = arith.constant 256 : i32
      %dma_wait3A_630 = arith.constant 0 : i32
      %dma_wait3A_631 = tpu.memref_slice %arg13[%dma_wait3A_629, %dma_wait3A_630] : memref<512x32xf32, #tpu.memory_space<vmem>> -> memref<128x32xf32, #tpu.memory_space<vmem>>
      %dma_wait3A_632 = arith.constant 0 : i32
      %dma_wait3A_633 = tpu.memref_slice %arg9[%dma_wait3A_628, %dma_wait3A_632] : memref<4x128xi32, #tpu.memory_space<vmem>> -> memref<1x128xi32, #tpu.memory_space<vmem>>
      %dma_wait3A_634 = tpu.memref_squeeze %dma_wait3A_633 : memref<1x128xi32, #tpu.memory_space<vmem>> -> memref<128xi32, #tpu.memory_space<vmem>>
      %dma_wait3A_635 = arith.constant 0 : i32
      %dma_wait3A_636 = arith.constant 0 : i32
      %dma_wait3A_637 = tpu.memref_slice %arg2[%dma_wait3A_635, %dma_wait3A_636] : memref<4640x32xf32, #tpu.memory_space<hbm>> -> memref<4640x32xf32, #tpu.memory_space<hbm>>
      tpu.wait_indirect_dma semaphore(%arg19 : memref<!tpu.dma_semaphore, #tpu.memory_space<semaphore_mem>>) src(%dma_wait3A_637 : memref<4640x32xf32, #tpu.memory_space<hbm>>) dst(%dma_wait3A_631 : memref<128x32xf32, #tpu.memory_space<vmem>>)
      %dma_wait3A_638 = arith.constant 3 : i32
      %dma_wait3A_639 = arith.constant 384 : i32
      %dma_wait3A_640 = arith.constant 0 : i32
      %dma_wait3A_641 = tpu.memref_slice %arg13[%dma_wait3A_639, %dma_wait3A_640] : memref<512x32xf32, #tpu.memory_space<vmem>> -> memref<128x32xf32, #tpu.memory_space<vmem>>
      %dma_wait3A_642 = arith.constant 0 : i32
      %dma_wait3A_643 = tpu.memref_slice %arg9[%dma_wait3A_638, %dma_wait3A_642] : memref<4x128xi32, #tpu.memory_space<vmem>> -> memref<1x128xi32, #tpu.memory_space<vmem>>
      %dma_wait3A_644 = tpu.memref_squeeze %dma_wait3A_643 : memref<1x128xi32, #tpu.memory_space<vmem>> -> memref<128xi32, #tpu.memory_space<vmem>>
      %dma_wait3A_645 = arith.constant 0 : i32
      %dma_wait3A_646 = arith.constant 0 : i32
      %dma_wait3A_647 = tpu.memref_slice %arg2[%dma_wait3A_645, %dma_wait3A_646] : memref<4640x32xf32, #tpu.memory_space<hbm>> -> memref<4640x32xf32, #tpu.memory_space<hbm>>
      tpu.wait_indirect_dma semaphore(%arg19 : memref<!tpu.dma_semaphore, #tpu.memory_space<semaphore_mem>>) src(%dma_wait3A_647 : memref<4640x32xf32, #tpu.memory_space<hbm>>) dst(%dma_wait3A_641 : memref<128x32xf32, #tpu.memory_space<vmem>>)
      %gt3A_648 = arith.constant 0 : i32
      %gt3A_649 = arith.cmpi sgt, %scan3A_273, %gt3A_648 : i32
      %convert_element_type3A_650 = arith.extui %gt3A_649 : i1 to i32
      %cond3A_651 = arith.constant 0 : i32
      %cond3A_652 = arith.cmpi ne, %convert_element_type3A_650, %cond3A_651 : i32
      scf.if %cond3A_652 {
        %dma_wait3A_667 = arith.constant 0 : i32
        %dma_wait3A_668 = arith.constant 0 : i32
        %dma_wait3A_669 = tpu.memref_slice %arg5[%add3A_278, %dma_wait3A_667, %dma_wait3A_668] : memref<2048x128x32xf32, #tpu.memory_space<hbm>> -> memref<1x128x32xf32, #tpu.memory_space<hbm>>
        %dma_wait3A_670 = tpu.memref_squeeze %dma_wait3A_669 : memref<1x128x32xf32, #tpu.memory_space<hbm>> -> memref<128x32xf32, #tpu.memory_space<hbm>>
        %dma_wait3A_671 = arith.constant 0 : i32
        %dma_wait3A_672 = arith.constant 0 : i32
        %dma_wait3A_673 = tpu.memref_slice %arg5[%add3A_278, %dma_wait3A_671, %dma_wait3A_672] : memref<2048x128x32xf32, #tpu.memory_space<hbm>> -> memref<1x128x32xf32, #tpu.memory_space<hbm>>
        %dma_wait3A_674 = tpu.memref_squeeze %dma_wait3A_673 : memref<1x128x32xf32, #tpu.memory_space<hbm>> -> memref<128x32xf32, #tpu.memory_space<hbm>>
        tpu.wait_dma2 semaphore(%arg21 : memref<!tpu.dma_semaphore, #tpu.memory_space<semaphore_mem>>) src(%arg17 : memref<128x32xf32, #tpu.memory_space<vmem>>) dst(%dma_wait3A_674 : memref<128x32xf32, #tpu.memory_space<hbm>>)
      } else {
      }
      %scan3A_653 = arith.constant 0 : i32
      %scan3A_654 = arith.constant 0 : i32
      %scan3A_655 = arith.constant 8 : i32
      %scan3A_656 = arith.addi %scan3A_654, %scan3A_655 : i32
      %scan3A_657 = arith.constant 1 : i32
      scf.for %scan3A_667 = %scan3A_654 to %scan3A_656 step %scan3A_657  : i32 {
        %mul3A_668 = arith.constant 16 : i32
        %mul3A_669 = arith.muli %scan3A_667, %mul3A_668 : i32
        %get3A_670 = arith.index_cast %mul3A_669 : i32 to index
        %get3A_671 = tpu.vector_load %arg15[%get3A_670] {strides = array<i32>} : memref<128xf32, #tpu.memory_space<vmem>>, vector<16xf32>,
        %get3A_672 = vector.shape_cast %get3A_671 : vector<16xf32> to vector<16xf32>
        %add3A_673 = arith.constant 0 : i32
        %add3A_674 = arith.addi %mul3A_669, %add3A_673 : i32
        %slice3A = vector.extract_strided_slice %get3A_672 {offsets = [0], sizes = [1], strides = [1]} : vector<16xf32> to vector<1xf32>
        %squeeze3A = vector.extract %slice3A[0] : f32 from vector<1xf32>
        %mul3A_675 = arith.constant 4 : i32
        %mul3A_676 = arith.muli %mul3A_675, %add3A_674 : i32
        %get3A_677 = arith.index_cast %mul3A_676 : i32 to index
        %get3A_678 = arith.constant 0 : index
        %get3A_679 = tpu.vector_load %arg13[%get3A_677, %get3A_678] {strides = array<i32>} : memref<512x32xf32, #tpu.memory_space<vmem>>, vector<1x16xf32>,
        %get3A_680 = vector.shape_cast %get3A_679 : vector<1x16xf32> to vector<16xf32>
        %add3A_681 = arith.constant 1 : i32
        %add3A_682 = arith.addi %mul3A_676, %add3A_681 : i32
        %get3A_683 = arith.index_cast %add3A_682 : i32 to index
        %get3A_684 = arith.constant 0 : index
        %get3A_685 = tpu.vector_load %arg13[%get3A_683, %get3A_684] {strides = array<i32>} : memref<512x32xf32, #tpu.memory_space<vmem>>, vector<1x16xf32>,
        %get3A_686 = vector.shape_cast %get3A_685 : vector<1x16xf32> to vector<16xf32>
        %add3A_687 = arith.addf %get3A_680, %get3A_686 : vector<16xf32>
        %add3A_688 = arith.constant 2 : i32
        %add3A_689 = arith.addi %mul3A_676, %add3A_688 : i32
        %get3A_690 = arith.index_cast %add3A_689 : i32 to index
        %get3A_691 = arith.constant 0 : index
        %get3A_692 = tpu.vector_load %arg13[%get3A_690, %get3A_691] {strides = array<i32>} : memref<512x32xf32, #tpu.memory_space<vmem>>, vector<1x16xf32>,
        %get3A_693 = vector.shape_cast %get3A_692 : vector<1x16xf32> to vector<16xf32>
        %add3A_694 = arith.constant 3 : i32
        %add3A_695 = arith.addi %mul3A_676, %add3A_694 : i32
        %get3A_696 = arith.index_cast %add3A_695 : i32 to index
        %get3A_697 = arith.constant 0 : index
        %get3A_698 = tpu.vector_load %arg13[%get3A_696, %get3A_697] {strides = array<i32>} : memref<512x32xf32, #tpu.memory_space<vmem>>, vector<1x16xf32>,
        %get3A_699 = vector.shape_cast %get3A_698 : vector<1x16xf32> to vector<16xf32>
        %add3A_700 = arith.addf %get3A_693, %get3A_699 : vector<16xf32>
        %add3A_701 = arith.addf %add3A_687, %add3A_700 : vector<16xf32>
        %get3A_702 = arith.index_cast %add3A_674 : i32 to index
        %get3A_703 = arith.constant 0 : index
        %get3A_704 = tpu.vector_load %arg11[%get3A_702, %get3A_703] {strides = array<i32>} : memref<128x32xf32, #tpu.memory_space<vmem>>, vector<1x16xf32>,
        %get3A_705 = vector.shape_cast %get3A_704 : vector<1x16xf32> to vector<16xf32>
        %mul3A_706 = vector.broadcast %squeeze3A : f32 to vector<16xf32>
        %mul3A_707 = arith.mulf %add3A_701, %mul3A_706 : vector<16xf32>
        %add3A_708 = arith.addf %get3A_705, %mul3A_707 : vector<16xf32>
        %swap3A_709 = arith.index_cast %add3A_674 : i32 to index
        %swap3A_710 = arith.constant 0 : index
        %swap3A_711 = tpu.vector_load %arg17[%swap3A_709, %swap3A_710] {strides = array<i32>} : memref<128x32xf32, #tpu.memory_space<vmem>>, vector<1x16xf32>,
        %swap3A_712 = vector.shape_cast %swap3A_711 : vector<1x16xf32> to vector<16xf32>
        %swap3A_713 = vector.shape_cast %add3A_708 : vector<16xf32> to vector<1x16xf32>
        tpu.vector_store %arg17[%swap3A_709, %swap3A_710], %swap3A_713 {strides = array<i32>} : memref<128x32xf32, #tpu.memory_space<vmem>>, vector<1x16xf32>,
        %get3A_714 = arith.index_cast %mul3A_676 : i32 to index
        %get3A_715 = arith.constant 16 : index
        %get3A_716 = tpu.vector_load %arg13[%get3A_714, %get3A_715] {strides = array<i32>} : memref<512x32xf32, #tpu.memory_space<vmem>>, vector<1x16xf32>,
        %get3A_717 = vector.shape_cast %get3A_716 : vector<1x16xf32> to vector<16xf32>
        %add3A_718 = arith.constant 1 : i32
        %add3A_719 = arith.addi %mul3A_676, %add3A_718 : i32
        %get3A_720 = arith.index_cast %add3A_719 : i32 to index
        %get3A_721 = arith.constant 16 : index
        %get3A_722 = tpu.vector_load %arg13[%get3A_720, %get3A_721] {strides = array<i32>} : memref<512x32xf32, #tpu.memory_space<vmem>>, vector<1x16xf32>,
        %get3A_723 = vector.shape_cast %get3A_722 : vector<1x16xf32> to vector<16xf32>
        %add3A_724 = arith.addf %get3A_717, %get3A_723 : vector<16xf32>
        %add3A_725 = arith.constant 2 : i32
        %add3A_726 = arith.addi %mul3A_676, %add3A_725 : i32
        %get3A_727 = arith.index_cast %add3A_726 : i32 to index
        %get3A_728 = arith.constant 16 : index
        %get3A_729 = tpu.vector_load %arg13[%get3A_727, %get3A_728] {strides = array<i32>} : memref<512x32xf32, #tpu.memory_space<vmem>>, vector<1x16xf32>,
        %get3A_730 = vector.shape_cast %get3A_729 : vector<1x16xf32> to vector<16xf32>
        %add3A_731 = arith.constant 3 : i32
        %add3A_732 = arith.addi %mul3A_676, %add3A_731 : i32
        %get3A_733 = arith.index_cast %add3A_732 : i32 to index
        %get3A_734 = arith.constant 16 : index
        %get3A_735 = tpu.vector_load %arg13[%get3A_733, %get3A_734] {strides = array<i32>} : memref<512x32xf32, #tpu.memory_space<vmem>>, vector<1x16xf32>,
        %get3A_736 = vector.shape_cast %get3A_735 : vector<1x16xf32> to vector<16xf32>
        %add3A_737 = arith.addf %get3A_730, %get3A_736 : vector<16xf32>
        %add3A_738 = arith.addf %add3A_724, %add3A_737 : vector<16xf32>
        %get3A_739 = arith.index_cast %add3A_674 : i32 to index
        %get3A_740 = arith.constant 16 : index
        %get3A_741 = tpu.vector_load %arg11[%get3A_739, %get3A_740] {strides = array<i32>} : memref<128x32xf32, #tpu.memory_space<vmem>>, vector<1x16xf32>,
        %get3A_742 = vector.shape_cast %get3A_741 : vector<1x16xf32> to vector<16xf32>
        %mul3A_743 = vector.broadcast %squeeze3A : f32 to vector<16xf32>
        %mul3A_744 = arith.mulf %add3A_738, %mul3A_743 : vector<16xf32>
        %add3A_745 = arith.addf %get3A_742, %mul3A_744 : vector<16xf32>
        %swap3A_746 = arith.index_cast %add3A_674 : i32 to index
        %swap3A_747 = arith.constant 16 : index
        %swap3A_748 = tpu.vector_load %arg17[%swap3A_746, %swap3A_747] {strides = array<i32>} : memref<128x32xf32, #tpu.memory_space<vmem>>, vector<1x16xf32>,
        %swap3A_749 = vector.shape_cast %swap3A_748 : vector<1x16xf32> to vector<16xf32>
        %swap3A_750 = vector.shape_cast %add3A_745 : vector<16xf32> to vector<1x16xf32>
        tpu.vector_store %arg17[%swap3A_746, %swap3A_747], %swap3A_750 {strides = array<i32>} : memref<128x32xf32, #tpu.memory_space<vmem>>, vector<1x16xf32>,
        %add3A_751 = arith.constant 1 : i32
        %add3A_752 = arith.addi %mul3A_669, %add3A_751 : i32
        %slice3A_753 = vector.extract_strided_slice %get3A_672 {offsets = [1], sizes = [1], strides = [1]} : vector<16xf32> to vector<1xf32>
        %squeeze3A_754 = vector.extract %slice3A_753[0] : f32 from vector<1xf32>
        %mul3A_755 = arith.constant 4 : i32
        %mul3A_756 = arith.muli %mul3A_755, %add3A_752 : i32
        %get3A_757 = arith.index_cast %mul3A_756 : i32 to index
        %get3A_758 = arith.constant 0 : index
        %get3A_759 = tpu.vector_load %arg13[%get3A_757, %get3A_758] {strides = array<i32>} : memref<512x32xf32, #tpu.memory_space<vmem>>, vector<1x16xf32>,
        %get3A_760 = vector.shape_cast %get3A_759 : vector<1x16xf32> to vector<16xf32>
        %add3A_761 = arith.constant 1 : i32
        %add3A_762 = arith.addi %mul3A_756, %add3A_761 : i32
        %get3A_763 = arith.index_cast %add3A_762 : i32 to index
        %get3A_764 = arith.constant 0 : index
        %get3A_765 = tpu.vector_load %arg13[%get3A_763, %get3A_764] {strides = array<i32>} : memref<512x32xf32, #tpu.memory_space<vmem>>, vector<1x16xf32>,
        %get3A_766 = vector.shape_cast %get3A_765 : vector<1x16xf32> to vector<16xf32>
        %add3A_767 = arith.addf %get3A_760, %get3A_766 : vector<16xf32>
        %add3A_768 = arith.constant 2 : i32
        %add3A_769 = arith.addi %mul3A_756, %add3A_768 : i32
        %get3A_770 = arith.index_cast %add3A_769 : i32 to index
        %get3A_771 = arith.constant 0 : index
        %get3A_772 = tpu.vector_load %arg13[%get3A_770, %get3A_771] {strides = array<i32>} : memref<512x32xf32, #tpu.memory_space<vmem>>, vector<1x16xf32>,
        %get3A_773 = vector.shape_cast %get3A_772 : vector<1x16xf32> to vector<16xf32>
        %add3A_774 = arith.constant 3 : i32
        %add3A_775 = arith.addi %mul3A_756, %add3A_774 : i32
        %get3A_776 = arith.index_cast %add3A_775 : i32 to index
        %get3A_777 = arith.constant 0 : index
        %get3A_778 = tpu.vector_load %arg13[%get3A_776, %get3A_777] {strides = array<i32>} : memref<512x32xf32, #tpu.memory_space<vmem>>, vector<1x16xf32>,
        %get3A_779 = vector.shape_cast %get3A_778 : vector<1x16xf32> to vector<16xf32>
        %add3A_780 = arith.addf %get3A_773, %get3A_779 : vector<16xf32>
        %add3A_781 = arith.addf %add3A_767, %add3A_780 : vector<16xf32>
        %get3A_782 = arith.index_cast %add3A_752 : i32 to index
        %get3A_783 = arith.constant 0 : index
        %get3A_784 = tpu.vector_load %arg11[%get3A_782, %get3A_783] {strides = array<i32>} : memref<128x32xf32, #tpu.memory_space<vmem>>, vector<1x16xf32>,
        %get3A_785 = vector.shape_cast %get3A_784 : vector<1x16xf32> to vector<16xf32>
        %mul3A_786 = vector.broadcast %squeeze3A_754 : f32 to vector<16xf32>
        %mul3A_787 = arith.mulf %add3A_781, %mul3A_786 : vector<16xf32>
        %add3A_788 = arith.addf %get3A_785, %mul3A_787 : vector<16xf32>
        %swap3A_789 = arith.index_cast %add3A_752 : i32 to index
        %swap3A_790 = arith.constant 0 : index
        %swap3A_791 = tpu.vector_load %arg17[%swap3A_789, %swap3A_790] {strides = array<i32>} : memref<128x32xf32, #tpu.memory_space<vmem>>, vector<1x16xf32>,
        %swap3A_792 = vector.shape_cast %swap3A_791 : vector<1x16xf32> to vector<16xf32>
        %swap3A_793 = vector.shape_cast %add3A_788 : vector<16xf32> to vector<1x16xf32>
        tpu.vector_store %arg17[%swap3A_789, %swap3A_790], %swap3A_793 {strides = array<i32>} : memref<128x32xf32, #tpu.memory_space<vmem>>, vector<1x16xf32>,
        %get3A_794 = arith.index_cast %mul3A_756 : i32 to index
        %get3A_795 = arith.constant 16 : index
        %get3A_796 = tpu.vector_load %arg13[%get3A_794, %get3A_795] {strides = array<i32>} : memref<512x32xf32, #tpu.memory_space<vmem>>, vector<1x16xf32>,
        %get3A_797 = vector.shape_cast %get3A_796 : vector<1x16xf32> to vector<16xf32>
        %add3A_798 = arith.constant 1 : i32
        %add3A_799 = arith.addi %mul3A_756, %add3A_798 : i32
        %get3A_800 = arith.index_cast %add3A_799 : i32 to index
        %get3A_801 = arith.constant 16 : index
        %get3A_802 = tpu.vector_load %arg13[%get3A_800, %get3A_801] {strides = array<i32>} : memref<512x32xf32, #tpu.memory_space<vmem>>, vector<1x16xf32>,
        %get3A_803 = vector.shape_cast %get3A_802 : vector<1x16xf32> to vector<16xf32>
        %add3A_804 = arith.addf %get3A_797, %get3A_803 : vector<16xf32>
        %add3A_805 = arith.constant 2 : i32
        %add3A_806 = arith.addi %mul3A_756, %add3A_805 : i32
        %get3A_807 = arith.index_cast %add3A_806 : i32 to index
        %get3A_808 = arith.constant 16 : index
        %get3A_809 = tpu.vector_load %arg13[%get3A_807, %get3A_808] {strides = array<i32>} : memref<512x32xf32, #tpu.memory_space<vmem>>, vector<1x16xf32>,
        %get3A_810 = vector.shape_cast %get3A_809 : vector<1x16xf32> to vector<16xf32>
        %add3A_811 = arith.constant 3 : i32
        %add3A_812 = arith.addi %mul3A_756, %add3A_811 : i32
        %get3A_813 = arith.index_cast %add3A_812 : i32 to index
        %get3A_814 = arith.constant 16 : index
        %get3A_815 = tpu.vector_load %arg13[%get3A_813, %get3A_814] {strides = array<i32>} : memref<512x32xf32, #tpu.memory_space<vmem>>, vector<1x16xf32>,
        %get3A_816 = vector.shape_cast %get3A_815 : vector<1x16xf32> to vector<16xf32>
        %add3A_817 = arith.addf %get3A_810, %get3A_816 : vector<16xf32>
        %add3A_818 = arith.addf %add3A_804, %add3A_817 : vector<16xf32>
        %get3A_819 = arith.index_cast %add3A_752 : i32 to index
        %get3A_820 = arith.constant 16 : index
        %get3A_821 = tpu.vector_load %arg11[%get3A_819, %get3A_820] {strides = array<i32>} : memref<128x32xf32, #tpu.memory_space<vmem>>, vector<1x16xf32>,
        %get3A_822 = vector.shape_cast %get3A_821 : vector<1x16xf32> to vector<16xf32>
        %mul3A_823 = vector.broadcast %squeeze3A_754 : f32 to vector<16xf32>
        %mul3A_824 = arith.mulf %add3A_818, %mul3A_823 : vector<16xf32>
        %add3A_825 = arith.addf %get3A_822, %mul3A_824 : vector<16xf32>
        %swap3A_826 = arith.index_cast %add3A_752 : i32 to index
        %swap3A_827 = arith.constant 16 : index
        %swap3A_828 = tpu.vector_load %arg17[%swap3A_826, %swap3A_827] {strides = array<i32>} : memref<128x32xf32, #tpu.memory_space<vmem>>, vector<1x16xf32>,
        %swap3A_829 = vector.shape_cast %swap3A_828 : vector<1x16xf32> to vector<16xf32>
        %swap3A_830 = vector.shape_cast %add3A_825 : vector<16xf32> to vector<1x16xf32>
        tpu.vector_store %arg17[%swap3A_826, %swap3A_827], %swap3A_830 {strides = array<i32>} : memref<128x32xf32, #tpu.memory_space<vmem>>, vector<1x16xf32>,
        %add3A_831 = arith.constant 2 : i32
        %add3A_832 = arith.addi %mul3A_669, %add3A_831 : i32
        %slice3A_833 = vector.extract_strided_slice %get3A_672 {offsets = [2], sizes = [1], strides = [1]} : vector<16xf32> to vector<1xf32>
        %squeeze3A_834 = vector.extract %slice3A_833[0] : f32 from vector<1xf32>
        %mul3A_835 = arith.constant 4 : i32
        %mul3A_836 = arith.muli %mul3A_835, %add3A_832 : i32
        %get3A_837 = arith.index_cast %mul3A_836 : i32 to index
        %get3A_838 = arith.constant 0 : index
        %get3A_839 = tpu.vector_load %arg13[%get3A_837, %get3A_838] {strides = array<i32>} : memref<512x32xf32, #tpu.memory_space<vmem>>, vector<1x16xf32>,
        %get3A_840 = vector.shape_cast %get3A_839 : vector<1x16xf32> to vector<16xf32>
        %add3A_841 = arith.constant 1 : i32
        %add3A_842 = arith.addi %mul3A_836, %add3A_841 : i32
        %get3A_843 = arith.index_cast %add3A_842 : i32 to index
        %get3A_844 = arith.constant 0 : index
        %get3A_845 = tpu.vector_load %arg13[%get3A_843, %get3A_844] {strides = array<i32>} : memref<512x32xf32, #tpu.memory_space<vmem>>, vector<1x16xf32>,
        %get3A_846 = vector.shape_cast %get3A_845 : vector<1x16xf32> to vector<16xf32>
        %add3A_847 = arith.addf %get3A_840, %get3A_846 : vector<16xf32>
        %add3A_848 = arith.constant 2 : i32
        %add3A_849 = arith.addi %mul3A_836, %add3A_848 : i32
        %get3A_850 = arith.index_cast %add3A_849 : i32 to index
        %get3A_851 = arith.constant 0 : index
        %get3A_852 = tpu.vector_load %arg13[%get3A_850, %get3A_851] {strides = array<i32>} : memref<512x32xf32, #tpu.memory_space<vmem>>, vector<1x16xf32>,
        %get3A_853 = vector.shape_cast %get3A_852 : vector<1x16xf32> to vector<16xf32>
        %add3A_854 = arith.constant 3 : i32
        %add3A_855 = arith.addi %mul3A_836, %add3A_854 : i32
        %get3A_856 = arith.index_cast %add3A_855 : i32 to index
        %get3A_857 = arith.constant 0 : index
        %get3A_858 = tpu.vector_load %arg13[%get3A_856, %get3A_857] {strides = array<i32>} : memref<512x32xf32, #tpu.memory_space<vmem>>, vector<1x16xf32>,
        %get3A_859 = vector.shape_cast %get3A_858 : vector<1x16xf32> to vector<16xf32>
        %add3A_860 = arith.addf %get3A_853, %get3A_859 : vector<16xf32>
        %add3A_861 = arith.addf %add3A_847, %add3A_860 : vector<16xf32>
        %get3A_862 = arith.index_cast %add3A_832 : i32 to index
        %get3A_863 = arith.constant 0 : index
        %get3A_864 = tpu.vector_load %arg11[%get3A_862, %get3A_863] {strides = array<i32>} : memref<128x32xf32, #tpu.memory_space<vmem>>, vector<1x16xf32>,
        %get3A_865 = vector.shape_cast %get3A_864 : vector<1x16xf32> to vector<16xf32>
        %mul3A_866 = vector.broadcast %squeeze3A_834 : f32 to vector<16xf32>
        %mul3A_867 = arith.mulf %add3A_861, %mul3A_866 : vector<16xf32>
        %add3A_868 = arith.addf %get3A_865, %mul3A_867 : vector<16xf32>
        %swap3A_869 = arith.index_cast %add3A_832 : i32 to index
        %swap3A_870 = arith.constant 0 : index
        %swap3A_871 = tpu.vector_load %arg17[%swap3A_869, %swap3A_870] {strides = array<i32>} : memref<128x32xf32, #tpu.memory_space<vmem>>, vector<1x16xf32>,
        %swap3A_872 = vector.shape_cast %swap3A_871 : vector<1x16xf32> to vector<16xf32>
        %swap3A_873 = vector.shape_cast %add3A_868 : vector<16xf32> to vector<1x16xf32>
        tpu.vector_store %arg17[%swap3A_869, %swap3A_870], %swap3A_873 {strides = array<i32>} : memref<128x32xf32, #tpu.memory_space<vmem>>, vector<1x16xf32>,
        %get3A_874 = arith.index_cast %mul3A_836 : i32 to index
        %get3A_875 = arith.constant 16 : index
        %get3A_876 = tpu.vector_load %arg13[%get3A_874, %get3A_875] {strides = array<i32>} : memref<512x32xf32, #tpu.memory_space<vmem>>, vector<1x16xf32>,
        %get3A_877 = vector.shape_cast %get3A_876 : vector<1x16xf32> to vector<16xf32>
        %add3A_878 = arith.constant 1 : i32
        %add3A_879 = arith.addi %mul3A_836, %add3A_878 : i32
        %get3A_880 = arith.index_cast %add3A_879 : i32 to index
        %get3A_881 = arith.constant 16 : index
        %get3A_882 = tpu.vector_load %arg13[%get3A_880, %get3A_881] {strides = array<i32>} : memref<512x32xf32, #tpu.memory_space<vmem>>, vector<1x16xf32>,
        %get3A_883 = vector.shape_cast %get3A_882 : vector<1x16xf32> to vector<16xf32>
        %add3A_884 = arith.addf %get3A_877, %get3A_883 : vector<16xf32>
        %add3A_885 = arith.constant 2 : i32
        %add3A_886 = arith.addi %mul3A_836, %add3A_885 : i32
        %get3A_887 = arith.index_cast %add3A_886 : i32 to index
        %get3A_888 = arith.constant 16 : index
        %get3A_889 = tpu.vector_load %arg13[%get3A_887, %get3A_888] {strides = array<i32>} : memref<512x32xf32, #tpu.memory_space<vmem>>, vector<1x16xf32>,
        %get3A_890 = vector.shape_cast %get3A_889 : vector<1x16xf32> to vector<16xf32>
        %add3A_891 = arith.constant 3 : i32
        %add3A_892 = arith.addi %mul3A_836, %add3A_891 : i32
        %get3A_893 = arith.index_cast %add3A_892 : i32 to index
        %get3A_894 = arith.constant 16 : index
        %get3A_895 = tpu.vector_load %arg13[%get3A_893, %get3A_894] {strides = array<i32>} : memref<512x32xf32, #tpu.memory_space<vmem>>, vector<1x16xf32>,
        %get3A_896 = vector.shape_cast %get3A_895 : vector<1x16xf32> to vector<16xf32>
        %add3A_897 = arith.addf %get3A_890, %get3A_896 : vector<16xf32>
        %add3A_898 = arith.addf %add3A_884, %add3A_897 : vector<16xf32>
        %get3A_899 = arith.index_cast %add3A_832 : i32 to index
        %get3A_900 = arith.constant 16 : index
        %get3A_901 = tpu.vector_load %arg11[%get3A_899, %get3A_900] {strides = array<i32>} : memref<128x32xf32, #tpu.memory_space<vmem>>, vector<1x16xf32>,
        %get3A_902 = vector.shape_cast %get3A_901 : vector<1x16xf32> to vector<16xf32>
        %mul3A_903 = vector.broadcast %squeeze3A_834 : f32 to vector<16xf32>
        %mul3A_904 = arith.mulf %add3A_898, %mul3A_903 : vector<16xf32>
        %add3A_905 = arith.addf %get3A_902, %mul3A_904 : vector<16xf32>
        %swap3A_906 = arith.index_cast %add3A_832 : i32 to index
        %swap3A_907 = arith.constant 16 : index
        %swap3A_908 = tpu.vector_load %arg17[%swap3A_906, %swap3A_907] {strides = array<i32>} : memref<128x32xf32, #tpu.memory_space<vmem>>, vector<1x16xf32>,
        %swap3A_909 = vector.shape_cast %swap3A_908 : vector<1x16xf32> to vector<16xf32>
        %swap3A_910 = vector.shape_cast %add3A_905 : vector<16xf32> to vector<1x16xf32>
        tpu.vector_store %arg17[%swap3A_906, %swap3A_907], %swap3A_910 {strides = array<i32>} : memref<128x32xf32, #tpu.memory_space<vmem>>, vector<1x16xf32>,
        %add3A_911 = arith.constant 3 : i32
        %add3A_912 = arith.addi %mul3A_669, %add3A_911 : i32
        %slice3A_913 = vector.extract_strided_slice %get3A_672 {offsets = [3], sizes = [1], strides = [1]} : vector<16xf32> to vector<1xf32>
        %squeeze3A_914 = vector.extract %slice3A_913[0] : f32 from vector<1xf32>
        %mul3A_915 = arith.constant 4 : i32
        %mul3A_916 = arith.muli %mul3A_915, %add3A_912 : i32
        %get3A_917 = arith.index_cast %mul3A_916 : i32 to index
        %get3A_918 = arith.constant 0 : index
        %get3A_919 = tpu.vector_load %arg13[%get3A_917, %get3A_918] {strides = array<i32>} : memref<512x32xf32, #tpu.memory_space<vmem>>, vector<1x16xf32>,
        %get3A_920 = vector.shape_cast %get3A_919 : vector<1x16xf32> to vector<16xf32>
        %add3A_921 = arith.constant 1 : i32
        %add3A_922 = arith.addi %mul3A_916, %add3A_921 : i32
        %get3A_923 = arith.index_cast %add3A_922 : i32 to index
        %get3A_924 = arith.constant 0 : index
        %get3A_925 = tpu.vector_load %arg13[%get3A_923, %get3A_924] {strides = array<i32>} : memref<512x32xf32, #tpu.memory_space<vmem>>, vector<1x16xf32>,
        %get3A_926 = vector.shape_cast %get3A_925 : vector<1x16xf32> to vector<16xf32>
        %add3A_927 = arith.addf %get3A_920, %get3A_926 : vector<16xf32>
        %add3A_928 = arith.constant 2 : i32
        %add3A_929 = arith.addi %mul3A_916, %add3A_928 : i32
        %get3A_930 = arith.index_cast %add3A_929 : i32 to index
        %get3A_931 = arith.constant 0 : index
        %get3A_932 = tpu.vector_load %arg13[%get3A_930, %get3A_931] {strides = array<i32>} : memref<512x32xf32, #tpu.memory_space<vmem>>, vector<1x16xf32>,
        %get3A_933 = vector.shape_cast %get3A_932 : vector<1x16xf32> to vector<16xf32>
        %add3A_934 = arith.constant 3 : i32
        %add3A_935 = arith.addi %mul3A_916, %add3A_934 : i32
        %get3A_936 = arith.index_cast %add3A_935 : i32 to index
        %get3A_937 = arith.constant 0 : index
        %get3A_938 = tpu.vector_load %arg13[%get3A_936, %get3A_937] {strides = array<i32>} : memref<512x32xf32, #tpu.memory_space<vmem>>, vector<1x16xf32>,
        %get3A_939 = vector.shape_cast %get3A_938 : vector<1x16xf32> to vector<16xf32>
        %add3A_940 = arith.addf %get3A_933, %get3A_939 : vector<16xf32>
        %add3A_941 = arith.addf %add3A_927, %add3A_940 : vector<16xf32>
        %get3A_942 = arith.index_cast %add3A_912 : i32 to index
        %get3A_943 = arith.constant 0 : index
        %get3A_944 = tpu.vector_load %arg11[%get3A_942, %get3A_943] {strides = array<i32>} : memref<128x32xf32, #tpu.memory_space<vmem>>, vector<1x16xf32>,
        %get3A_945 = vector.shape_cast %get3A_944 : vector<1x16xf32> to vector<16xf32>
        %mul3A_946 = vector.broadcast %squeeze3A_914 : f32 to vector<16xf32>
        %mul3A_947 = arith.mulf %add3A_941, %mul3A_946 : vector<16xf32>
        %add3A_948 = arith.addf %get3A_945, %mul3A_947 : vector<16xf32>
        %swap3A_949 = arith.index_cast %add3A_912 : i32 to index
        %swap3A_950 = arith.constant 0 : index
        %swap3A_951 = tpu.vector_load %arg17[%swap3A_949, %swap3A_950] {strides = array<i32>} : memref<128x32xf32, #tpu.memory_space<vmem>>, vector<1x16xf32>,
        %swap3A_952 = vector.shape_cast %swap3A_951 : vector<1x16xf32> to vector<16xf32>
        %swap3A_953 = vector.shape_cast %add3A_948 : vector<16xf32> to vector<1x16xf32>
        tpu.vector_store %arg17[%swap3A_949, %swap3A_950], %swap3A_953 {strides = array<i32>} : memref<128x32xf32, #tpu.memory_space<vmem>>, vector<1x16xf32>,
        %get3A_954 = arith.index_cast %mul3A_916 : i32 to index
        %get3A_955 = arith.constant 16 : index
        %get3A_956 = tpu.vector_load %arg13[%get3A_954, %get3A_955] {strides = array<i32>} : memref<512x32xf32, #tpu.memory_space<vmem>>, vector<1x16xf32>,
        %get3A_957 = vector.shape_cast %get3A_956 : vector<1x16xf32> to vector<16xf32>
        %add3A_958 = arith.constant 1 : i32
        %add3A_959 = arith.addi %mul3A_916, %add3A_958 : i32
        %get3A_960 = arith.index_cast %add3A_959 : i32 to index
        %get3A_961 = arith.constant 16 : index
        %get3A_962 = tpu.vector_load %arg13[%get3A_960, %get3A_961] {strides = array<i32>} : memref<512x32xf32, #tpu.memory_space<vmem>>, vector<1x16xf32>,
        %get3A_963 = vector.shape_cast %get3A_962 : vector<1x16xf32> to vector<16xf32>
        %add3A_964 = arith.addf %get3A_957, %get3A_963 : vector<16xf32>
        %add3A_965 = arith.constant 2 : i32
        %add3A_966 = arith.addi %mul3A_916, %add3A_965 : i32
        %get3A_967 = arith.index_cast %add3A_966 : i32 to index
        %get3A_968 = arith.constant 16 : index
        %get3A_969 = tpu.vector_load %arg13[%get3A_967, %get3A_968] {strides = array<i32>} : memref<512x32xf32, #tpu.memory_space<vmem>>, vector<1x16xf32>,
        %get3A_970 = vector.shape_cast %get3A_969 : vector<1x16xf32> to vector<16xf32>
        %add3A_971 = arith.constant 3 : i32
        %add3A_972 = arith.addi %mul3A_916, %add3A_971 : i32
        %get3A_973 = arith.index_cast %add3A_972 : i32 to index
        %get3A_974 = arith.constant 16 : index
        %get3A_975 = tpu.vector_load %arg13[%get3A_973, %get3A_974] {strides = array<i32>} : memref<512x32xf32, #tpu.memory_space<vmem>>, vector<1x16xf32>,
        %get3A_976 = vector.shape_cast %get3A_975 : vector<1x16xf32> to vector<16xf32>
        %add3A_977 = arith.addf %get3A_970, %get3A_976 : vector<16xf32>
        %add3A_978 = arith.addf %add3A_964, %add3A_977 : vector<16xf32>
        %get3A_979 = arith.index_cast %add3A_912 : i32 to index
        %get3A_980 = arith.constant 16 : index
        %get3A_981 = tpu.vector_load %arg11[%get3A_979, %get3A_980] {strides = array<i32>} : memref<128x32xf32, #tpu.memory_space<vmem>>, vector<1x16xf32>,
        %get3A_982 = vector.shape_cast %get3A_981 : vector<1x16xf32> to vector<16xf32>
        %mul3A_983 = vector.broadcast %squeeze3A_914 : f32 to vector<16xf32>
        %mul3A_984 = arith.mulf %add3A_978, %mul3A_983 : vector<16xf32>
        %add3A_985 = arith.addf %get3A_982, %mul3A_984 : vector<16xf32>
        %swap3A_986 = arith.index_cast %add3A_912 : i32 to index
        %swap3A_987 = arith.constant 16 : index
        %swap3A_988 = tpu.vector_load %arg17[%swap3A_986, %swap3A_987] {strides = array<i32>} : memref<128x32xf32, #tpu.memory_space<vmem>>, vector<1x16xf32>,
        %swap3A_989 = vector.shape_cast %swap3A_988 : vector<1x16xf32> to vector<16xf32>
        %swap3A_990 = vector.shape_cast %add3A_985 : vector<16xf32> to vector<1x16xf32>
        tpu.vector_store %arg17[%swap3A_986, %swap3A_987], %swap3A_990 {strides = array<i32>} : memref<128x32xf32, #tpu.memory_space<vmem>>, vector<1x16xf32>,
        %add3A_991 = arith.constant 4 : i32
        %add3A_992 = arith.addi %mul3A_669, %add3A_991 : i32
        %slice3A_993 = vector.extract_strided_slice %get3A_672 {offsets = [4], sizes = [1], strides = [1]} : vector<16xf32> to vector<1xf32>
        %squeeze3A_994 = vector.extract %slice3A_993[0] : f32 from vector<1xf32>
        %mul3A_995 = arith.constant 4 : i32
        %mul3A_996 = arith.muli %mul3A_995, %add3A_992 : i32
        %get3A_997 = arith.index_cast %mul3A_996 : i32 to index
        %get3A_998 = arith.constant 0 : index
        %get3A_999 = tpu.vector_load %arg13[%get3A_997, %get3A_998] {strides = array<i32>} : memref<512x32xf32, #tpu.memory_space<vmem>>, vector<1x16xf32>,
        %get3A_1000 = vector.shape_cast %get3A_999 : vector<1x16xf32> to vector<16xf32>
        %add3A_1001 = arith.constant 1 : i32
        %add3A_1002 = arith.addi %mul3A_996, %add3A_1001 : i32
        %get3A_1003 = arith.index_cast %add3A_1002 : i32 to index
        %get3A_1004 = arith.constant 0 : index
        %get3A_1005 = tpu.vector_load %arg13[%get3A_1003, %get3A_1004] {strides = array<i32>} : memref<512x32xf32, #tpu.memory_space<vmem>>, vector<1x16xf32>,
        %get3A_1006 = vector.shape_cast %get3A_1005 : vector<1x16xf32> to vector<16xf32>
        %add3A_1007 = arith.addf %get3A_1000, %get3A_1006 : vector<16xf32>
        %add3A_1008 = arith.constant 2 : i32
        %add3A_1009 = arith.addi %mul3A_996, %add3A_1008 : i32
        %get3A_1010 = arith.index_cast %add3A_1009 : i32 to index
        %get3A_1011 = arith.constant 0 : index
        %get3A_1012 = tpu.vector_load %arg13[%get3A_1010, %get3A_1011] {strides = array<i32>} : memref<512x32xf32, #tpu.memory_space<vmem>>, vector<1x16xf32>,
        %get3A_1013 = vector.shape_cast %get3A_1012 : vector<1x16xf32> to vector<16xf32>
        %add3A_1014 = arith.constant 3 : i32
        %add3A_1015 = arith.addi %mul3A_996, %add3A_1014 : i32
        %get3A_1016 = arith.index_cast %add3A_1015 : i32 to index
        %get3A_1017 = arith.constant 0 : index
        %get3A_1018 = tpu.vector_load %arg13[%get3A_1016, %get3A_1017] {strides = array<i32>} : memref<512x32xf32, #tpu.memory_space<vmem>>, vector<1x16xf32>,
        %get3A_1019 = vector.shape_cast %get3A_1018 : vector<1x16xf32> to vector<16xf32>
        %add3A_1020 = arith.addf %get3A_1013, %get3A_1019 : vector<16xf32>
        %add3A_1021 = arith.addf %add3A_1007, %add3A_1020 : vector<16xf32>
        %get3A_1022 = arith.index_cast %add3A_992 : i32 to index
        %get3A_1023 = arith.constant 0 : index
        %get3A_1024 = tpu.vector_load %arg11[%get3A_1022, %get3A_1023] {strides = array<i32>} : memref<128x32xf32, #tpu.memory_space<vmem>>, vector<1x16xf32>,
        %get3A_1025 = vector.shape_cast %get3A_1024 : vector<1x16xf32> to vector<16xf32>
        %mul3A_1026 = vector.broadcast %squeeze3A_994 : f32 to vector<16xf32>
        %mul3A_1027 = arith.mulf %add3A_1021, %mul3A_1026 : vector<16xf32>
        %add3A_1028 = arith.addf %get3A_1025, %mul3A_1027 : vector<16xf32>
        %swap3A_1029 = arith.index_cast %add3A_992 : i32 to index
        %swap3A_1030 = arith.constant 0 : index
        %swap3A_1031 = tpu.vector_load %arg17[%swap3A_1029, %swap3A_1030] {strides = array<i32>} : memref<128x32xf32, #tpu.memory_space<vmem>>, vector<1x16xf32>,
        %swap3A_1032 = vector.shape_cast %swap3A_1031 : vector<1x16xf32> to vector<16xf32>
        %swap3A_1033 = vector.shape_cast %add3A_1028 : vector<16xf32> to vector<1x16xf32>
        tpu.vector_store %arg17[%swap3A_1029, %swap3A_1030], %swap3A_1033 {strides = array<i32>} : memref<128x32xf32, #tpu.memory_space<vmem>>, vector<1x16xf32>,
        %get3A_1034 = arith.index_cast %mul3A_996 : i32 to index
        %get3A_1035 = arith.constant 16 : index
        %get3A_1036 = tpu.vector_load %arg13[%get3A_1034, %get3A_1035] {strides = array<i32>} : memref<512x32xf32, #tpu.memory_space<vmem>>, vector<1x16xf32>,
        %get3A_1037 = vector.shape_cast %get3A_1036 : vector<1x16xf32> to vector<16xf32>
        %add3A_1038 = arith.constant 1 : i32
        %add3A_1039 = arith.addi %mul3A_996, %add3A_1038 : i32
        %get3A_1040 = arith.index_cast %add3A_1039 : i32 to index
        %get3A_1041 = arith.constant 16 : index
        %get3A_1042 = tpu.vector_load %arg13[%get3A_1040, %get3A_1041] {strides = array<i32>} : memref<512x32xf32, #tpu.memory_space<vmem>>, vector<1x16xf32>,
        %get3A_1043 = vector.shape_cast %get3A_1042 : vector<1x16xf32> to vector<16xf32>
        %add3A_1044 = arith.addf %get3A_1037, %get3A_1043 : vector<16xf32>
        %add3A_1045 = arith.constant 2 : i32
        %add3A_1046 = arith.addi %mul3A_996, %add3A_1045 : i32
        %get3A_1047 = arith.index_cast %add3A_1046 : i32 to index
        %get3A_1048 = arith.constant 16 : index
        %get3A_1049 = tpu.vector_load %arg13[%get3A_1047, %get3A_1048] {strides = array<i32>} : memref<512x32xf32, #tpu.memory_space<vmem>>, vector<1x16xf32>,
        %get3A_1050 = vector.shape_cast %get3A_1049 : vector<1x16xf32> to vector<16xf32>
        %add3A_1051 = arith.constant 3 : i32
        %add3A_1052 = arith.addi %mul3A_996, %add3A_1051 : i32
        %get3A_1053 = arith.index_cast %add3A_1052 : i32 to index
        %get3A_1054 = arith.constant 16 : index
        %get3A_1055 = tpu.vector_load %arg13[%get3A_1053, %get3A_1054] {strides = array<i32>} : memref<512x32xf32, #tpu.memory_space<vmem>>, vector<1x16xf32>,
        %get3A_1056 = vector.shape_cast %get3A_1055 : vector<1x16xf32> to vector<16xf32>
        %add3A_1057 = arith.addf %get3A_1050, %get3A_1056 : vector<16xf32>
        %add3A_1058 = arith.addf %add3A_1044, %add3A_1057 : vector<16xf32>
        %get3A_1059 = arith.index_cast %add3A_992 : i32 to index
        %get3A_1060 = arith.constant 16 : index
        %get3A_1061 = tpu.vector_load %arg11[%get3A_1059, %get3A_1060] {strides = array<i32>} : memref<128x32xf32, #tpu.memory_space<vmem>>, vector<1x16xf32>,
        %get3A_1062 = vector.shape_cast %get3A_1061 : vector<1x16xf32> to vector<16xf32>
        %mul3A_1063 = vector.broadcast %squeeze3A_994 : f32 to vector<16xf32>
        %mul3A_1064 = arith.mulf %add3A_1058, %mul3A_1063 : vector<16xf32>
        %add3A_1065 = arith.addf %get3A_1062, %mul3A_1064 : vector<16xf32>
        %swap3A_1066 = arith.index_cast %add3A_992 : i32 to index
        %swap3A_1067 = arith.constant 16 : index
        %swap3A_1068 = tpu.vector_load %arg17[%swap3A_1066, %swap3A_1067] {strides = array<i32>} : memref<128x32xf32, #tpu.memory_space<vmem>>, vector<1x16xf32>,
        %swap3A_1069 = vector.shape_cast %swap3A_1068 : vector<1x16xf32> to vector<16xf32>
        %swap3A_1070 = vector.shape_cast %add3A_1065 : vector<16xf32> to vector<1x16xf32>
        tpu.vector_store %arg17[%swap3A_1066, %swap3A_1067], %swap3A_1070 {strides = array<i32>} : memref<128x32xf32, #tpu.memory_space<vmem>>, vector<1x16xf32>,
        %add3A_1071 = arith.constant 5 : i32
        %add3A_1072 = arith.addi %mul3A_669, %add3A_1071 : i32
        %slice3A_1073 = vector.extract_strided_slice %get3A_672 {offsets = [5], sizes = [1], strides = [1]} : vector<16xf32> to vector<1xf32>
        %squeeze3A_1074 = vector.extract %slice3A_1073[0] : f32 from vector<1xf32>
        %mul3A_1075 = arith.constant 4 : i32
        %mul3A_1076 = arith.muli %mul3A_1075, %add3A_1072 : i32
        %get3A_1077 = arith.index_cast %mul3A_1076 : i32 to index
        %get3A_1078 = arith.constant 0 : index
        %get3A_1079 = tpu.vector_load %arg13[%get3A_1077, %get3A_1078] {strides = array<i32>} : memref<512x32xf32, #tpu.memory_space<vmem>>, vector<1x16xf32>,
        %get3A_1080 = vector.shape_cast %get3A_1079 : vector<1x16xf32> to vector<16xf32>
        %add3A_1081 = arith.constant 1 : i32
        %add3A_1082 = arith.addi %mul3A_1076, %add3A_1081 : i32
        %get3A_1083 = arith.index_cast %add3A_1082 : i32 to index
        %get3A_1084 = arith.constant 0 : index
        %get3A_1085 = tpu.vector_load %arg13[%get3A_1083, %get3A_1084] {strides = array<i32>} : memref<512x32xf32, #tpu.memory_space<vmem>>, vector<1x16xf32>,
        %get3A_1086 = vector.shape_cast %get3A_1085 : vector<1x16xf32> to vector<16xf32>
        %add3A_1087 = arith.addf %get3A_1080, %get3A_1086 : vector<16xf32>
        %add3A_1088 = arith.constant 2 : i32
        %add3A_1089 = arith.addi %mul3A_1076, %add3A_1088 : i32
        %get3A_1090 = arith.index_cast %add3A_1089 : i32 to index
        %get3A_1091 = arith.constant 0 : index
        %get3A_1092 = tpu.vector_load %arg13[%get3A_1090, %get3A_1091] {strides = array<i32>} : memref<512x32xf32, #tpu.memory_space<vmem>>, vector<1x16xf32>,
        %get3A_1093 = vector.shape_cast %get3A_1092 : vector<1x16xf32> to vector<16xf32>
        %add3A_1094 = arith.constant 3 : i32
        %add3A_1095 = arith.addi %mul3A_1076, %add3A_1094 : i32
        %get3A_1096 = arith.index_cast %add3A_1095 : i32 to index
        %get3A_1097 = arith.constant 0 : index
        %get3A_1098 = tpu.vector_load %arg13[%get3A_1096, %get3A_1097] {strides = array<i32>} : memref<512x32xf32, #tpu.memory_space<vmem>>, vector<1x16xf32>,
        %get3A_1099 = vector.shape_cast %get3A_1098 : vector<1x16xf32> to vector<16xf32>
        %add3A_1100 = arith.addf %get3A_1093, %get3A_1099 : vector<16xf32>
        %add3A_1101 = arith.addf %add3A_1087, %add3A_1100 : vector<16xf32>
        %get3A_1102 = arith.index_cast %add3A_1072 : i32 to index
        %get3A_1103 = arith.constant 0 : index
        %get3A_1104 = tpu.vector_load %arg11[%get3A_1102, %get3A_1103] {strides = array<i32>} : memref<128x32xf32, #tpu.memory_space<vmem>>, vector<1x16xf32>,
        %get3A_1105 = vector.shape_cast %get3A_1104 : vector<1x16xf32> to vector<16xf32>
        %mul3A_1106 = vector.broadcast %squeeze3A_1074 : f32 to vector<16xf32>
        %mul3A_1107 = arith.mulf %add3A_1101, %mul3A_1106 : vector<16xf32>
        %add3A_1108 = arith.addf %get3A_1105, %mul3A_1107 : vector<16xf32>
        %swap3A_1109 = arith.index_cast %add3A_1072 : i32 to index
        %swap3A_1110 = arith.constant 0 : index
        %swap3A_1111 = tpu.vector_load %arg17[%swap3A_1109, %swap3A_1110] {strides = array<i32>} : memref<128x32xf32, #tpu.memory_space<vmem>>, vector<1x16xf32>,
        %swap3A_1112 = vector.shape_cast %swap3A_1111 : vector<1x16xf32> to vector<16xf32>
        %swap3A_1113 = vector.shape_cast %add3A_1108 : vector<16xf32> to vector<1x16xf32>
        tpu.vector_store %arg17[%swap3A_1109, %swap3A_1110], %swap3A_1113 {strides = array<i32>} : memref<128x32xf32, #tpu.memory_space<vmem>>, vector<1x16xf32>,
        %get3A_1114 = arith.index_cast %mul3A_1076 : i32 to index
        %get3A_1115 = arith.constant 16 : index
        %get3A_1116 = tpu.vector_load %arg13[%get3A_1114, %get3A_1115] {strides = array<i32>} : memref<512x32xf32, #tpu.memory_space<vmem>>, vector<1x16xf32>,
        %get3A_1117 = vector.shape_cast %get3A_1116 : vector<1x16xf32> to vector<16xf32>
        %add3A_1118 = arith.constant 1 : i32
        %add3A_1119 = arith.addi %mul3A_1076, %add3A_1118 : i32
        %get3A_1120 = arith.index_cast %add3A_1119 : i32 to index
        %get3A_1121 = arith.constant 16 : index
        %get3A_1122 = tpu.vector_load %arg13[%get3A_1120, %get3A_1121] {strides = array<i32>} : memref<512x32xf32, #tpu.memory_space<vmem>>, vector<1x16xf32>,
        %get3A_1123 = vector.shape_cast %get3A_1122 : vector<1x16xf32> to vector<16xf32>
        %add3A_1124 = arith.addf %get3A_1117, %get3A_1123 : vector<16xf32>
        %add3A_1125 = arith.constant 2 : i32
        %add3A_1126 = arith.addi %mul3A_1076, %add3A_1125 : i32
        %get3A_1127 = arith.index_cast %add3A_1126 : i32 to index
        %get3A_1128 = arith.constant 16 : index
        %get3A_1129 = tpu.vector_load %arg13[%get3A_1127, %get3A_1128] {strides = array<i32>} : memref<512x32xf32, #tpu.memory_space<vmem>>, vector<1x16xf32>,
        %get3A_1130 = vector.shape_cast %get3A_1129 : vector<1x16xf32> to vector<16xf32>
        %add3A_1131 = arith.constant 3 : i32
        %add3A_1132 = arith.addi %mul3A_1076, %add3A_1131 : i32
        %get3A_1133 = arith.index_cast %add3A_1132 : i32 to index
        %get3A_1134 = arith.constant 16 : index
        %get3A_1135 = tpu.vector_load %arg13[%get3A_1133, %get3A_1134] {strides = array<i32>} : memref<512x32xf32, #tpu.memory_space<vmem>>, vector<1x16xf32>,
        %get3A_1136 = vector.shape_cast %get3A_1135 : vector<1x16xf32> to vector<16xf32>
        %add3A_1137 = arith.addf %get3A_1130, %get3A_1136 : vector<16xf32>
        %add3A_1138 = arith.addf %add3A_1124, %add3A_1137 : vector<16xf32>
        %get3A_1139 = arith.index_cast %add3A_1072 : i32 to index
        %get3A_1140 = arith.constant 16 : index
        %get3A_1141 = tpu.vector_load %arg11[%get3A_1139, %get3A_1140] {strides = array<i32>} : memref<128x32xf32, #tpu.memory_space<vmem>>, vector<1x16xf32>,
        %get3A_1142 = vector.shape_cast %get3A_1141 : vector<1x16xf32> to vector<16xf32>
        %mul3A_1143 = vector.broadcast %squeeze3A_1074 : f32 to vector<16xf32>
        %mul3A_1144 = arith.mulf %add3A_1138, %mul3A_1143 : vector<16xf32>
        %add3A_1145 = arith.addf %get3A_1142, %mul3A_1144 : vector<16xf32>
        %swap3A_1146 = arith.index_cast %add3A_1072 : i32 to index
        %swap3A_1147 = arith.constant 16 : index
        %swap3A_1148 = tpu.vector_load %arg17[%swap3A_1146, %swap3A_1147] {strides = array<i32>} : memref<128x32xf32, #tpu.memory_space<vmem>>, vector<1x16xf32>,
        %swap3A_1149 = vector.shape_cast %swap3A_1148 : vector<1x16xf32> to vector<16xf32>
        %swap3A_1150 = vector.shape_cast %add3A_1145 : vector<16xf32> to vector<1x16xf32>
        tpu.vector_store %arg17[%swap3A_1146, %swap3A_1147], %swap3A_1150 {strides = array<i32>} : memref<128x32xf32, #tpu.memory_space<vmem>>, vector<1x16xf32>,
        %add3A_1151 = arith.constant 6 : i32
        %add3A_1152 = arith.addi %mul3A_669, %add3A_1151 : i32
        %slice3A_1153 = vector.extract_strided_slice %get3A_672 {offsets = [6], sizes = [1], strides = [1]} : vector<16xf32> to vector<1xf32>
        %squeeze3A_1154 = vector.extract %slice3A_1153[0] : f32 from vector<1xf32>
        %mul3A_1155 = arith.constant 4 : i32
        %mul3A_1156 = arith.muli %mul3A_1155, %add3A_1152 : i32
        %get3A_1157 = arith.index_cast %mul3A_1156 : i32 to index
        %get3A_1158 = arith.constant 0 : index
        %get3A_1159 = tpu.vector_load %arg13[%get3A_1157, %get3A_1158] {strides = array<i32>} : memref<512x32xf32, #tpu.memory_space<vmem>>, vector<1x16xf32>,
        %get3A_1160 = vector.shape_cast %get3A_1159 : vector<1x16xf32> to vector<16xf32>
        %add3A_1161 = arith.constant 1 : i32
        %add3A_1162 = arith.addi %mul3A_1156, %add3A_1161 : i32
        %get3A_1163 = arith.index_cast %add3A_1162 : i32 to index
        %get3A_1164 = arith.constant 0 : index
        %get3A_1165 = tpu.vector_load %arg13[%get3A_1163, %get3A_1164] {strides = array<i32>} : memref<512x32xf32, #tpu.memory_space<vmem>>, vector<1x16xf32>,
        %get3A_1166 = vector.shape_cast %get3A_1165 : vector<1x16xf32> to vector<16xf32>
        %add3A_1167 = arith.addf %get3A_1160, %get3A_1166 : vector<16xf32>
        %add3A_1168 = arith.constant 2 : i32
        %add3A_1169 = arith.addi %mul3A_1156, %add3A_1168 : i32
        %get3A_1170 = arith.index_cast %add3A_1169 : i32 to index
        %get3A_1171 = arith.constant 0 : index
        %get3A_1172 = tpu.vector_load %arg13[%get3A_1170, %get3A_1171] {strides = array<i32>} : memref<512x32xf32, #tpu.memory_space<vmem>>, vector<1x16xf32>,
        %get3A_1173 = vector.shape_cast %get3A_1172 : vector<1x16xf32> to vector<16xf32>
        %add3A_1174 = arith.constant 3 : i32
        %add3A_1175 = arith.addi %mul3A_1156, %add3A_1174 : i32
        %get3A_1176 = arith.index_cast %add3A_1175 : i32 to index
        %get3A_1177 = arith.constant 0 : index
        %get3A_1178 = tpu.vector_load %arg13[%get3A_1176, %get3A_1177] {strides = array<i32>} : memref<512x32xf32, #tpu.memory_space<vmem>>, vector<1x16xf32>,
        %get3A_1179 = vector.shape_cast %get3A_1178 : vector<1x16xf32> to vector<16xf32>
        %add3A_1180 = arith.addf %get3A_1173, %get3A_1179 : vector<16xf32>
        %add3A_1181 = arith.addf %add3A_1167, %add3A_1180 : vector<16xf32>
        %get3A_1182 = arith.index_cast %add3A_1152 : i32 to index
        %get3A_1183 = arith.constant 0 : index
        %get3A_1184 = tpu.vector_load %arg11[%get3A_1182, %get3A_1183] {strides = array<i32>} : memref<128x32xf32, #tpu.memory_space<vmem>>, vector<1x16xf32>,
        %get3A_1185 = vector.shape_cast %get3A_1184 : vector<1x16xf32> to vector<16xf32>
        %mul3A_1186 = vector.broadcast %squeeze3A_1154 : f32 to vector<16xf32>
        %mul3A_1187 = arith.mulf %add3A_1181, %mul3A_1186 : vector<16xf32>
        %add3A_1188 = arith.addf %get3A_1185, %mul3A_1187 : vector<16xf32>
        %swap3A_1189 = arith.index_cast %add3A_1152 : i32 to index
        %swap3A_1190 = arith.constant 0 : index
        %swap3A_1191 = tpu.vector_load %arg17[%swap3A_1189, %swap3A_1190] {strides = array<i32>} : memref<128x32xf32, #tpu.memory_space<vmem>>, vector<1x16xf32>,
        %swap3A_1192 = vector.shape_cast %swap3A_1191 : vector<1x16xf32> to vector<16xf32>
        %swap3A_1193 = vector.shape_cast %add3A_1188 : vector<16xf32> to vector<1x16xf32>
        tpu.vector_store %arg17[%swap3A_1189, %swap3A_1190], %swap3A_1193 {strides = array<i32>} : memref<128x32xf32, #tpu.memory_space<vmem>>, vector<1x16xf32>,
        %get3A_1194 = arith.index_cast %mul3A_1156 : i32 to index
        %get3A_1195 = arith.constant 16 : index
        %get3A_1196 = tpu.vector_load %arg13[%get3A_1194, %get3A_1195] {strides = array<i32>} : memref<512x32xf32, #tpu.memory_space<vmem>>, vector<1x16xf32>,
        %get3A_1197 = vector.shape_cast %get3A_1196 : vector<1x16xf32> to vector<16xf32>
        %add3A_1198 = arith.constant 1 : i32
        %add3A_1199 = arith.addi %mul3A_1156, %add3A_1198 : i32
        %get3A_1200 = arith.index_cast %add3A_1199 : i32 to index
        %get3A_1201 = arith.constant 16 : index
        %get3A_1202 = tpu.vector_load %arg13[%get3A_1200, %get3A_1201] {strides = array<i32>} : memref<512x32xf32, #tpu.memory_space<vmem>>, vector<1x16xf32>,
        %get3A_1203 = vector.shape_cast %get3A_1202 : vector<1x16xf32> to vector<16xf32>
        %add3A_1204 = arith.addf %get3A_1197, %get3A_1203 : vector<16xf32>
        %add3A_1205 = arith.constant 2 : i32
        %add3A_1206 = arith.addi %mul3A_1156, %add3A_1205 : i32
        %get3A_1207 = arith.index_cast %add3A_1206 : i32 to index
        %get3A_1208 = arith.constant 16 : index
        %get3A_1209 = tpu.vector_load %arg13[%get3A_1207, %get3A_1208] {strides = array<i32>} : memref<512x32xf32, #tpu.memory_space<vmem>>, vector<1x16xf32>,
        %get3A_1210 = vector.shape_cast %get3A_1209 : vector<1x16xf32> to vector<16xf32>
        %add3A_1211 = arith.constant 3 : i32
        %add3A_1212 = arith.addi %mul3A_1156, %add3A_1211 : i32
        %get3A_1213 = arith.index_cast %add3A_1212 : i32 to index
        %get3A_1214 = arith.constant 16 : index
        %get3A_1215 = tpu.vector_load %arg13[%get3A_1213, %get3A_1214] {strides = array<i32>} : memref<512x32xf32, #tpu.memory_space<vmem>>, vector<1x16xf32>,
        %get3A_1216 = vector.shape_cast %get3A_1215 : vector<1x16xf32> to vector<16xf32>
        %add3A_1217 = arith.addf %get3A_1210, %get3A_1216 : vector<16xf32>
        %add3A_1218 = arith.addf %add3A_1204, %add3A_1217 : vector<16xf32>
        %get3A_1219 = arith.index_cast %add3A_1152 : i32 to index
        %get3A_1220 = arith.constant 16 : index
        %get3A_1221 = tpu.vector_load %arg11[%get3A_1219, %get3A_1220] {strides = array<i32>} : memref<128x32xf32, #tpu.memory_space<vmem>>, vector<1x16xf32>,
        %get3A_1222 = vector.shape_cast %get3A_1221 : vector<1x16xf32> to vector<16xf32>
        %mul3A_1223 = vector.broadcast %squeeze3A_1154 : f32 to vector<16xf32>
        %mul3A_1224 = arith.mulf %add3A_1218, %mul3A_1223 : vector<16xf32>
        %add3A_1225 = arith.addf %get3A_1222, %mul3A_1224 : vector<16xf32>
        %swap3A_1226 = arith.index_cast %add3A_1152 : i32 to index
        %swap3A_1227 = arith.constant 16 : index
        %swap3A_1228 = tpu.vector_load %arg17[%swap3A_1226, %swap3A_1227] {strides = array<i32>} : memref<128x32xf32, #tpu.memory_space<vmem>>, vector<1x16xf32>,
        %swap3A_1229 = vector.shape_cast %swap3A_1228 : vector<1x16xf32> to vector<16xf32>
        %swap3A_1230 = vector.shape_cast %add3A_1225 : vector<16xf32> to vector<1x16xf32>
        tpu.vector_store %arg17[%swap3A_1226, %swap3A_1227], %swap3A_1230 {strides = array<i32>} : memref<128x32xf32, #tpu.memory_space<vmem>>, vector<1x16xf32>,
        %add3A_1231 = arith.constant 7 : i32
        %add3A_1232 = arith.addi %mul3A_669, %add3A_1231 : i32
        %slice3A_1233 = vector.extract_strided_slice %get3A_672 {offsets = [7], sizes = [1], strides = [1]} : vector<16xf32> to vector<1xf32>
        %squeeze3A_1234 = vector.extract %slice3A_1233[0] : f32 from vector<1xf32>
        %mul3A_1235 = arith.constant 4 : i32
        %mul3A_1236 = arith.muli %mul3A_1235, %add3A_1232 : i32
        %get3A_1237 = arith.index_cast %mul3A_1236 : i32 to index
        %get3A_1238 = arith.constant 0 : index
        %get3A_1239 = tpu.vector_load %arg13[%get3A_1237, %get3A_1238] {strides = array<i32>} : memref<512x32xf32, #tpu.memory_space<vmem>>, vector<1x16xf32>,
        %get3A_1240 = vector.shape_cast %get3A_1239 : vector<1x16xf32> to vector<16xf32>
        %add3A_1241 = arith.constant 1 : i32
        %add3A_1242 = arith.addi %mul3A_1236, %add3A_1241 : i32
        %get3A_1243 = arith.index_cast %add3A_1242 : i32 to index
        %get3A_1244 = arith.constant 0 : index
        %get3A_1245 = tpu.vector_load %arg13[%get3A_1243, %get3A_1244] {strides = array<i32>} : memref<512x32xf32, #tpu.memory_space<vmem>>, vector<1x16xf32>,
        %get3A_1246 = vector.shape_cast %get3A_1245 : vector<1x16xf32> to vector<16xf32>
        %add3A_1247 = arith.addf %get3A_1240, %get3A_1246 : vector<16xf32>
        %add3A_1248 = arith.constant 2 : i32
        %add3A_1249 = arith.addi %mul3A_1236, %add3A_1248 : i32
        %get3A_1250 = arith.index_cast %add3A_1249 : i32 to index
        %get3A_1251 = arith.constant 0 : index
        %get3A_1252 = tpu.vector_load %arg13[%get3A_1250, %get3A_1251] {strides = array<i32>} : memref<512x32xf32, #tpu.memory_space<vmem>>, vector<1x16xf32>,
        %get3A_1253 = vector.shape_cast %get3A_1252 : vector<1x16xf32> to vector<16xf32>
        %add3A_1254 = arith.constant 3 : i32
        %add3A_1255 = arith.addi %mul3A_1236, %add3A_1254 : i32
        %get3A_1256 = arith.index_cast %add3A_1255 : i32 to index
        %get3A_1257 = arith.constant 0 : index
        %get3A_1258 = tpu.vector_load %arg13[%get3A_1256, %get3A_1257] {strides = array<i32>} : memref<512x32xf32, #tpu.memory_space<vmem>>, vector<1x16xf32>,
        %get3A_1259 = vector.shape_cast %get3A_1258 : vector<1x16xf32> to vector<16xf32>
        %add3A_1260 = arith.addf %get3A_1253, %get3A_1259 : vector<16xf32>
        %add3A_1261 = arith.addf %add3A_1247, %add3A_1260 : vector<16xf32>
        %get3A_1262 = arith.index_cast %add3A_1232 : i32 to index
        %get3A_1263 = arith.constant 0 : index
        %get3A_1264 = tpu.vector_load %arg11[%get3A_1262, %get3A_1263] {strides = array<i32>} : memref<128x32xf32, #tpu.memory_space<vmem>>, vector<1x16xf32>,
        %get3A_1265 = vector.shape_cast %get3A_1264 : vector<1x16xf32> to vector<16xf32>
        %mul3A_1266 = vector.broadcast %squeeze3A_1234 : f32 to vector<16xf32>
        %mul3A_1267 = arith.mulf %add3A_1261, %mul3A_1266 : vector<16xf32>
        %add3A_1268 = arith.addf %get3A_1265, %mul3A_1267 : vector<16xf32>
        %swap3A_1269 = arith.index_cast %add3A_1232 : i32 to index
        %swap3A_1270 = arith.constant 0 : index
        %swap3A_1271 = tpu.vector_load %arg17[%swap3A_1269, %swap3A_1270] {strides = array<i32>} : memref<128x32xf32, #tpu.memory_space<vmem>>, vector<1x16xf32>,
        %swap3A_1272 = vector.shape_cast %swap3A_1271 : vector<1x16xf32> to vector<16xf32>
        %swap3A_1273 = vector.shape_cast %add3A_1268 : vector<16xf32> to vector<1x16xf32>
        tpu.vector_store %arg17[%swap3A_1269, %swap3A_1270], %swap3A_1273 {strides = array<i32>} : memref<128x32xf32, #tpu.memory_space<vmem>>, vector<1x16xf32>,
        %get3A_1274 = arith.index_cast %mul3A_1236 : i32 to index
        %get3A_1275 = arith.constant 16 : index
        %get3A_1276 = tpu.vector_load %arg13[%get3A_1274, %get3A_1275] {strides = array<i32>} : memref<512x32xf32, #tpu.memory_space<vmem>>, vector<1x16xf32>,
        %get3A_1277 = vector.shape_cast %get3A_1276 : vector<1x16xf32> to vector<16xf32>
        %add3A_1278 = arith.constant 1 : i32
        %add3A_1279 = arith.addi %mul3A_1236, %add3A_1278 : i32
        %get3A_1280 = arith.index_cast %add3A_1279 : i32 to index
        %get3A_1281 = arith.constant 16 : index
        %get3A_1282 = tpu.vector_load %arg13[%get3A_1280, %get3A_1281] {strides = array<i32>} : memref<512x32xf32, #tpu.memory_space<vmem>>, vector<1x16xf32>,
        %get3A_1283 = vector.shape_cast %get3A_1282 : vector<1x16xf32> to vector<16xf32>
        %add3A_1284 = arith.addf %get3A_1277, %get3A_1283 : vector<16xf32>
        %add3A_1285 = arith.constant 2 : i32
        %add3A_1286 = arith.addi %mul3A_1236, %add3A_1285 : i32
        %get3A_1287 = arith.index_cast %add3A_1286 : i32 to index
        %get3A_1288 = arith.constant 16 : index
        %get3A_1289 = tpu.vector_load %arg13[%get3A_1287, %get3A_1288] {strides = array<i32>} : memref<512x32xf32, #tpu.memory_space<vmem>>, vector<1x16xf32>,
        %get3A_1290 = vector.shape_cast %get3A_1289 : vector<1x16xf32> to vector<16xf32>
        %add3A_1291 = arith.constant 3 : i32
        %add3A_1292 = arith.addi %mul3A_1236, %add3A_1291 : i32
        %get3A_1293 = arith.index_cast %add3A_1292 : i32 to index
        %get3A_1294 = arith.constant 16 : index
        %get3A_1295 = tpu.vector_load %arg13[%get3A_1293, %get3A_1294] {strides = array<i32>} : memref<512x32xf32, #tpu.memory_space<vmem>>, vector<1x16xf32>,
        %get3A_1296 = vector.shape_cast %get3A_1295 : vector<1x16xf32> to vector<16xf32>
        %add3A_1297 = arith.addf %get3A_1290, %get3A_1296 : vector<16xf32>
        %add3A_1298 = arith.addf %add3A_1284, %add3A_1297 : vector<16xf32>
        %get3A_1299 = arith.index_cast %add3A_1232 : i32 to index
        %get3A_1300 = arith.constant 16 : index
        %get3A_1301 = tpu.vector_load %arg11[%get3A_1299, %get3A_1300] {strides = array<i32>} : memref<128x32xf32, #tpu.memory_space<vmem>>, vector<1x16xf32>,
        %get3A_1302 = vector.shape_cast %get3A_1301 : vector<1x16xf32> to vector<16xf32>
        %mul3A_1303 = vector.broadcast %squeeze3A_1234 : f32 to vector<16xf32>
        %mul3A_1304 = arith.mulf %add3A_1298, %mul3A_1303 : vector<16xf32>
        %add3A_1305 = arith.addf %get3A_1302, %mul3A_1304 : vector<16xf32>
        %swap3A_1306 = arith.index_cast %add3A_1232 : i32 to index
        %swap3A_1307 = arith.constant 16 : index
        %swap3A_1308 = tpu.vector_load %arg17[%swap3A_1306, %swap3A_1307] {strides = array<i32>} : memref<128x32xf32, #tpu.memory_space<vmem>>, vector<1x16xf32>,
        %swap3A_1309 = vector.shape_cast %swap3A_1308 : vector<1x16xf32> to vector<16xf32>
        %swap3A_1310 = vector.shape_cast %add3A_1305 : vector<16xf32> to vector<1x16xf32>
        tpu.vector_store %arg17[%swap3A_1306, %swap3A_1307], %swap3A_1310 {strides = array<i32>} : memref<128x32xf32, #tpu.memory_space<vmem>>, vector<1x16xf32>,
        %add3A_1311 = arith.constant 8 : i32
        %add3A_1312 = arith.addi %mul3A_669, %add3A_1311 : i32
        %slice3A_1313 = vector.extract_strided_slice %get3A_672 {offsets = [8], sizes = [1], strides = [1]} : vector<16xf32> to vector<1xf32>
        %squeeze3A_1314 = vector.extract %slice3A_1313[0] : f32 from vector<1xf32>
        %mul3A_1315 = arith.constant 4 : i32
        %mul3A_1316 = arith.muli %mul3A_1315, %add3A_1312 : i32
        %get3A_1317 = arith.index_cast %mul3A_1316 : i32 to index
        %get3A_1318 = arith.constant 0 : index
        %get3A_1319 = tpu.vector_load %arg13[%get3A_1317, %get3A_1318] {strides = array<i32>} : memref<512x32xf32, #tpu.memory_space<vmem>>, vector<1x16xf32>,
        %get3A_1320 = vector.shape_cast %get3A_1319 : vector<1x16xf32> to vector<16xf32>
        %add3A_1321 = arith.constant 1 : i32
        %add3A_1322 = arith.addi %mul3A_1316, %add3A_1321 : i32
        %get3A_1323 = arith.index_cast %add3A_1322 : i32 to index
        %get3A_1324 = arith.constant 0 : index
        %get3A_1325 = tpu.vector_load %arg13[%get3A_1323, %get3A_1324] {strides = array<i32>} : memref<512x32xf32, #tpu.memory_space<vmem>>, vector<1x16xf32>,
        %get3A_1326 = vector.shape_cast %get3A_1325 : vector<1x16xf32> to vector<16xf32>
        %add3A_1327 = arith.addf %get3A_1320, %get3A_1326 : vector<16xf32>
        %add3A_1328 = arith.constant 2 : i32
        %add3A_1329 = arith.addi %mul3A_1316, %add3A_1328 : i32
        %get3A_1330 = arith.index_cast %add3A_1329 : i32 to index
        %get3A_1331 = arith.constant 0 : index
        %get3A_1332 = tpu.vector_load %arg13[%get3A_1330, %get3A_1331] {strides = array<i32>} : memref<512x32xf32, #tpu.memory_space<vmem>>, vector<1x16xf32>,
        %get3A_1333 = vector.shape_cast %get3A_1332 : vector<1x16xf32> to vector<16xf32>
        %add3A_1334 = arith.constant 3 : i32
        %add3A_1335 = arith.addi %mul3A_1316, %add3A_1334 : i32
        %get3A_1336 = arith.index_cast %add3A_1335 : i32 to index
        %get3A_1337 = arith.constant 0 : index
        %get3A_1338 = tpu.vector_load %arg13[%get3A_1336, %get3A_1337] {strides = array<i32>} : memref<512x32xf32, #tpu.memory_space<vmem>>, vector<1x16xf32>,
        %get3A_1339 = vector.shape_cast %get3A_1338 : vector<1x16xf32> to vector<16xf32>
        %add3A_1340 = arith.addf %get3A_1333, %get3A_1339 : vector<16xf32>
        %add3A_1341 = arith.addf %add3A_1327, %add3A_1340 : vector<16xf32>
        %get3A_1342 = arith.index_cast %add3A_1312 : i32 to index
        %get3A_1343 = arith.constant 0 : index
        %get3A_1344 = tpu.vector_load %arg11[%get3A_1342, %get3A_1343] {strides = array<i32>} : memref<128x32xf32, #tpu.memory_space<vmem>>, vector<1x16xf32>,
        %get3A_1345 = vector.shape_cast %get3A_1344 : vector<1x16xf32> to vector<16xf32>
        %mul3A_1346 = vector.broadcast %squeeze3A_1314 : f32 to vector<16xf32>
        %mul3A_1347 = arith.mulf %add3A_1341, %mul3A_1346 : vector<16xf32>
        %add3A_1348 = arith.addf %get3A_1345, %mul3A_1347 : vector<16xf32>
        %swap3A_1349 = arith.index_cast %add3A_1312 : i32 to index
        %swap3A_1350 = arith.constant 0 : index
        %swap3A_1351 = tpu.vector_load %arg17[%swap3A_1349, %swap3A_1350] {strides = array<i32>} : memref<128x32xf32, #tpu.memory_space<vmem>>, vector<1x16xf32>,
        %swap3A_1352 = vector.shape_cast %swap3A_1351 : vector<1x16xf32> to vector<16xf32>
        %swap3A_1353 = vector.shape_cast %add3A_1348 : vector<16xf32> to vector<1x16xf32>
        tpu.vector_store %arg17[%swap3A_1349, %swap3A_1350], %swap3A_1353 {strides = array<i32>} : memref<128x32xf32, #tpu.memory_space<vmem>>, vector<1x16xf32>,
        %get3A_1354 = arith.index_cast %mul3A_1316 : i32 to index
        %get3A_1355 = arith.constant 16 : index
        %get3A_1356 = tpu.vector_load %arg13[%get3A_1354, %get3A_1355] {strides = array<i32>} : memref<512x32xf32, #tpu.memory_space<vmem>>, vector<1x16xf32>,
        %get3A_1357 = vector.shape_cast %get3A_1356 : vector<1x16xf32> to vector<16xf32>
        %add3A_1358 = arith.constant 1 : i32
        %add3A_1359 = arith.addi %mul3A_1316, %add3A_1358 : i32
        %get3A_1360 = arith.index_cast %add3A_1359 : i32 to index
        %get3A_1361 = arith.constant 16 : index
        %get3A_1362 = tpu.vector_load %arg13[%get3A_1360, %get3A_1361] {strides = array<i32>} : memref<512x32xf32, #tpu.memory_space<vmem>>, vector<1x16xf32>,
        %get3A_1363 = vector.shape_cast %get3A_1362 : vector<1x16xf32> to vector<16xf32>
        %add3A_1364 = arith.addf %get3A_1357, %get3A_1363 : vector<16xf32>
        %add3A_1365 = arith.constant 2 : i32
        %add3A_1366 = arith.addi %mul3A_1316, %add3A_1365 : i32
        %get3A_1367 = arith.index_cast %add3A_1366 : i32 to index
        %get3A_1368 = arith.constant 16 : index
        %get3A_1369 = tpu.vector_load %arg13[%get3A_1367, %get3A_1368] {strides = array<i32>} : memref<512x32xf32, #tpu.memory_space<vmem>>, vector<1x16xf32>,
        %get3A_1370 = vector.shape_cast %get3A_1369 : vector<1x16xf32> to vector<16xf32>
        %add3A_1371 = arith.constant 3 : i32
        %add3A_1372 = arith.addi %mul3A_1316, %add3A_1371 : i32
        %get3A_1373 = arith.index_cast %add3A_1372 : i32 to index
        %get3A_1374 = arith.constant 16 : index
        %get3A_1375 = tpu.vector_load %arg13[%get3A_1373, %get3A_1374] {strides = array<i32>} : memref<512x32xf32, #tpu.memory_space<vmem>>, vector<1x16xf32>,
        %get3A_1376 = vector.shape_cast %get3A_1375 : vector<1x16xf32> to vector<16xf32>
        %add3A_1377 = arith.addf %get3A_1370, %get3A_1376 : vector<16xf32>
        %add3A_1378 = arith.addf %add3A_1364, %add3A_1377 : vector<16xf32>
        %get3A_1379 = arith.index_cast %add3A_1312 : i32 to index
        %get3A_1380 = arith.constant 16 : index
        %get3A_1381 = tpu.vector_load %arg11[%get3A_1379, %get3A_1380] {strides = array<i32>} : memref<128x32xf32, #tpu.memory_space<vmem>>, vector<1x16xf32>,
        %get3A_1382 = vector.shape_cast %get3A_1381 : vector<1x16xf32> to vector<16xf32>
        %mul3A_1383 = vector.broadcast %squeeze3A_1314 : f32 to vector<16xf32>
        %mul3A_1384 = arith.mulf %add3A_1378, %mul3A_1383 : vector<16xf32>
        %add3A_1385 = arith.addf %get3A_1382, %mul3A_1384 : vector<16xf32>
        %swap3A_1386 = arith.index_cast %add3A_1312 : i32 to index
        %swap3A_1387 = arith.constant 16 : index
        %swap3A_1388 = tpu.vector_load %arg17[%swap3A_1386, %swap3A_1387] {strides = array<i32>} : memref<128x32xf32, #tpu.memory_space<vmem>>, vector<1x16xf32>,
        %swap3A_1389 = vector.shape_cast %swap3A_1388 : vector<1x16xf32> to vector<16xf32>
        %swap3A_1390 = vector.shape_cast %add3A_1385 : vector<16xf32> to vector<1x16xf32>
        tpu.vector_store %arg17[%swap3A_1386, %swap3A_1387], %swap3A_1390 {strides = array<i32>} : memref<128x32xf32, #tpu.memory_space<vmem>>, vector<1x16xf32>,
        %add3A_1391 = arith.constant 9 : i32
        %add3A_1392 = arith.addi %mul3A_669, %add3A_1391 : i32
        %slice3A_1393 = vector.extract_strided_slice %get3A_672 {offsets = [9], sizes = [1], strides = [1]} : vector<16xf32> to vector<1xf32>
        %squeeze3A_1394 = vector.extract %slice3A_1393[0] : f32 from vector<1xf32>
        %mul3A_1395 = arith.constant 4 : i32
        %mul3A_1396 = arith.muli %mul3A_1395, %add3A_1392 : i32
        %get3A_1397 = arith.index_cast %mul3A_1396 : i32 to index
        %get3A_1398 = arith.constant 0 : index
        %get3A_1399 = tpu.vector_load %arg13[%get3A_1397, %get3A_1398] {strides = array<i32>} : memref<512x32xf32, #tpu.memory_space<vmem>>, vector<1x16xf32>,
        %get3A_1400 = vector.shape_cast %get3A_1399 : vector<1x16xf32> to vector<16xf32>
        %add3A_1401 = arith.constant 1 : i32
        %add3A_1402 = arith.addi %mul3A_1396, %add3A_1401 : i32
        %get3A_1403 = arith.index_cast %add3A_1402 : i32 to index
        %get3A_1404 = arith.constant 0 : index
        %get3A_1405 = tpu.vector_load %arg13[%get3A_1403, %get3A_1404] {strides = array<i32>} : memref<512x32xf32, #tpu.memory_space<vmem>>, vector<1x16xf32>,
        %get3A_1406 = vector.shape_cast %get3A_1405 : vector<1x16xf32> to vector<16xf32>
        %add3A_1407 = arith.addf %get3A_1400, %get3A_1406 : vector<16xf32>
        %add3A_1408 = arith.constant 2 : i32
        %add3A_1409 = arith.addi %mul3A_1396, %add3A_1408 : i32
        %get3A_1410 = arith.index_cast %add3A_1409 : i32 to index
        %get3A_1411 = arith.constant 0 : index
        %get3A_1412 = tpu.vector_load %arg13[%get3A_1410, %get3A_1411] {strides = array<i32>} : memref<512x32xf32, #tpu.memory_space<vmem>>, vector<1x16xf32>,
        %get3A_1413 = vector.shape_cast %get3A_1412 : vector<1x16xf32> to vector<16xf32>
        %add3A_1414 = arith.constant 3 : i32
        %add3A_1415 = arith.addi %mul3A_1396, %add3A_1414 : i32
        %get3A_1416 = arith.index_cast %add3A_1415 : i32 to index
        %get3A_1417 = arith.constant 0 : index
        %get3A_1418 = tpu.vector_load %arg13[%get3A_1416, %get3A_1417] {strides = array<i32>} : memref<512x32xf32, #tpu.memory_space<vmem>>, vector<1x16xf32>,
        %get3A_1419 = vector.shape_cast %get3A_1418 : vector<1x16xf32> to vector<16xf32>
        %add3A_1420 = arith.addf %get3A_1413, %get3A_1419 : vector<16xf32>
        %add3A_1421 = arith.addf %add3A_1407, %add3A_1420 : vector<16xf32>
        %get3A_1422 = arith.index_cast %add3A_1392 : i32 to index
        %get3A_1423 = arith.constant 0 : index
        %get3A_1424 = tpu.vector_load %arg11[%get3A_1422, %get3A_1423] {strides = array<i32>} : memref<128x32xf32, #tpu.memory_space<vmem>>, vector<1x16xf32>,
        %get3A_1425 = vector.shape_cast %get3A_1424 : vector<1x16xf32> to vector<16xf32>
        %mul3A_1426 = vector.broadcast %squeeze3A_1394 : f32 to vector<16xf32>
        %mul3A_1427 = arith.mulf %add3A_1421, %mul3A_1426 : vector<16xf32>
        %add3A_1428 = arith.addf %get3A_1425, %mul3A_1427 : vector<16xf32>
        %swap3A_1429 = arith.index_cast %add3A_1392 : i32 to index
        %swap3A_1430 = arith.constant 0 : index
        %swap3A_1431 = tpu.vector_load %arg17[%swap3A_1429, %swap3A_1430] {strides = array<i32>} : memref<128x32xf32, #tpu.memory_space<vmem>>, vector<1x16xf32>,
        %swap3A_1432 = vector.shape_cast %swap3A_1431 : vector<1x16xf32> to vector<16xf32>
        %swap3A_1433 = vector.shape_cast %add3A_1428 : vector<16xf32> to vector<1x16xf32>
        tpu.vector_store %arg17[%swap3A_1429, %swap3A_1430], %swap3A_1433 {strides = array<i32>} : memref<128x32xf32, #tpu.memory_space<vmem>>, vector<1x16xf32>,
        %get3A_1434 = arith.index_cast %mul3A_1396 : i32 to index
        %get3A_1435 = arith.constant 16 : index
        %get3A_1436 = tpu.vector_load %arg13[%get3A_1434, %get3A_1435] {strides = array<i32>} : memref<512x32xf32, #tpu.memory_space<vmem>>, vector<1x16xf32>,
        %get3A_1437 = vector.shape_cast %get3A_1436 : vector<1x16xf32> to vector<16xf32>
        %add3A_1438 = arith.constant 1 : i32
        %add3A_1439 = arith.addi %mul3A_1396, %add3A_1438 : i32
        %get3A_1440 = arith.index_cast %add3A_1439 : i32 to index
        %get3A_1441 = arith.constant 16 : index
        %get3A_1442 = tpu.vector_load %arg13[%get3A_1440, %get3A_1441] {strides = array<i32>} : memref<512x32xf32, #tpu.memory_space<vmem>>, vector<1x16xf32>,
        %get3A_1443 = vector.shape_cast %get3A_1442 : vector<1x16xf32> to vector<16xf32>
        %add3A_1444 = arith.addf %get3A_1437, %get3A_1443 : vector<16xf32>
        %add3A_1445 = arith.constant 2 : i32
        %add3A_1446 = arith.addi %mul3A_1396, %add3A_1445 : i32
        %get3A_1447 = arith.index_cast %add3A_1446 : i32 to index
        %get3A_1448 = arith.constant 16 : index
        %get3A_1449 = tpu.vector_load %arg13[%get3A_1447, %get3A_1448] {strides = array<i32>} : memref<512x32xf32, #tpu.memory_space<vmem>>, vector<1x16xf32>,
        %get3A_1450 = vector.shape_cast %get3A_1449 : vector<1x16xf32> to vector<16xf32>
        %add3A_1451 = arith.constant 3 : i32
        %add3A_1452 = arith.addi %mul3A_1396, %add3A_1451 : i32
        %get3A_1453 = arith.index_cast %add3A_1452 : i32 to index
        %get3A_1454 = arith.constant 16 : index
        %get3A_1455 = tpu.vector_load %arg13[%get3A_1453, %get3A_1454] {strides = array<i32>} : memref<512x32xf32, #tpu.memory_space<vmem>>, vector<1x16xf32>,
        %get3A_1456 = vector.shape_cast %get3A_1455 : vector<1x16xf32> to vector<16xf32>
        %add3A_1457 = arith.addf %get3A_1450, %get3A_1456 : vector<16xf32>
        %add3A_1458 = arith.addf %add3A_1444, %add3A_1457 : vector<16xf32>
        %get3A_1459 = arith.index_cast %add3A_1392 : i32 to index
        %get3A_1460 = arith.constant 16 : index
        %get3A_1461 = tpu.vector_load %arg11[%get3A_1459, %get3A_1460] {strides = array<i32>} : memref<128x32xf32, #tpu.memory_space<vmem>>, vector<1x16xf32>,
        %get3A_1462 = vector.shape_cast %get3A_1461 : vector<1x16xf32> to vector<16xf32>
        %mul3A_1463 = vector.broadcast %squeeze3A_1394 : f32 to vector<16xf32>
        %mul3A_1464 = arith.mulf %add3A_1458, %mul3A_1463 : vector<16xf32>
        %add3A_1465 = arith.addf %get3A_1462, %mul3A_1464 : vector<16xf32>
        %swap3A_1466 = arith.index_cast %add3A_1392 : i32 to index
        %swap3A_1467 = arith.constant 16 : index
        %swap3A_1468 = tpu.vector_load %arg17[%swap3A_1466, %swap3A_1467] {strides = array<i32>} : memref<128x32xf32, #tpu.memory_space<vmem>>, vector<1x16xf32>,
        %swap3A_1469 = vector.shape_cast %swap3A_1468 : vector<1x16xf32> to vector<16xf32>
        %swap3A_1470 = vector.shape_cast %add3A_1465 : vector<16xf32> to vector<1x16xf32>
        tpu.vector_store %arg17[%swap3A_1466, %swap3A_1467], %swap3A_1470 {strides = array<i32>} : memref<128x32xf32, #tpu.memory_space<vmem>>, vector<1x16xf32>,
        %add3A_1471 = arith.constant 10 : i32
        %add3A_1472 = arith.addi %mul3A_669, %add3A_1471 : i32
        %slice3A_1473 = vector.extract_strided_slice %get3A_672 {offsets = [10], sizes = [1], strides = [1]} : vector<16xf32> to vector<1xf32>
        %squeeze3A_1474 = vector.extract %slice3A_1473[0] : f32 from vector<1xf32>
        %mul3A_1475 = arith.constant 4 : i32
        %mul3A_1476 = arith.muli %mul3A_1475, %add3A_1472 : i32
        %get3A_1477 = arith.index_cast %mul3A_1476 : i32 to index
        %get3A_1478 = arith.constant 0 : index
        %get3A_1479 = tpu.vector_load %arg13[%get3A_1477, %get3A_1478] {strides = array<i32>} : memref<512x32xf32, #tpu.memory_space<vmem>>, vector<1x16xf32>,
        %get3A_1480 = vector.shape_cast %get3A_1479 : vector<1x16xf32> to vector<16xf32>
        %add3A_1481 = arith.constant 1 : i32
        %add3A_1482 = arith.addi %mul3A_1476, %add3A_1481 : i32
        %get3A_1483 = arith.index_cast %add3A_1482 : i32 to index
        %get3A_1484 = arith.constant 0 : index
        %get3A_1485 = tpu.vector_load %arg13[%get3A_1483, %get3A_1484] {strides = array<i32>} : memref<512x32xf32, #tpu.memory_space<vmem>>, vector<1x16xf32>,
        %get3A_1486 = vector.shape_cast %get3A_1485 : vector<1x16xf32> to vector<16xf32>
        %add3A_1487 = arith.addf %get3A_1480, %get3A_1486 : vector<16xf32>
        %add3A_1488 = arith.constant 2 : i32
        %add3A_1489 = arith.addi %mul3A_1476, %add3A_1488 : i32
        %get3A_1490 = arith.index_cast %add3A_1489 : i32 to index
        %get3A_1491 = arith.constant 0 : index
        %get3A_1492 = tpu.vector_load %arg13[%get3A_1490, %get3A_1491] {strides = array<i32>} : memref<512x32xf32, #tpu.memory_space<vmem>>, vector<1x16xf32>,
        %get3A_1493 = vector.shape_cast %get3A_1492 : vector<1x16xf32> to vector<16xf32>
        %add3A_1494 = arith.constant 3 : i32
        %add3A_1495 = arith.addi %mul3A_1476, %add3A_1494 : i32
        %get3A_1496 = arith.index_cast %add3A_1495 : i32 to index
        %get3A_1497 = arith.constant 0 : index
        %get3A_1498 = tpu.vector_load %arg13[%get3A_1496, %get3A_1497] {strides = array<i32>} : memref<512x32xf32, #tpu.memory_space<vmem>>, vector<1x16xf32>,
        %get3A_1499 = vector.shape_cast %get3A_1498 : vector<1x16xf32> to vector<16xf32>
        %add3A_1500 = arith.addf %get3A_1493, %get3A_1499 : vector<16xf32>
        %add3A_1501 = arith.addf %add3A_1487, %add3A_1500 : vector<16xf32>
        %get3A_1502 = arith.index_cast %add3A_1472 : i32 to index
        %get3A_1503 = arith.constant 0 : index
        %get3A_1504 = tpu.vector_load %arg11[%get3A_1502, %get3A_1503] {strides = array<i32>} : memref<128x32xf32, #tpu.memory_space<vmem>>, vector<1x16xf32>,
        %get3A_1505 = vector.shape_cast %get3A_1504 : vector<1x16xf32> to vector<16xf32>
        %mul3A_1506 = vector.broadcast %squeeze3A_1474 : f32 to vector<16xf32>
        %mul3A_1507 = arith.mulf %add3A_1501, %mul3A_1506 : vector<16xf32>
        %add3A_1508 = arith.addf %get3A_1505, %mul3A_1507 : vector<16xf32>
        %swap3A_1509 = arith.index_cast %add3A_1472 : i32 to index
        %swap3A_1510 = arith.constant 0 : index
        %swap3A_1511 = tpu.vector_load %arg17[%swap3A_1509, %swap3A_1510] {strides = array<i32>} : memref<128x32xf32, #tpu.memory_space<vmem>>, vector<1x16xf32>,
        %swap3A_1512 = vector.shape_cast %swap3A_1511 : vector<1x16xf32> to vector<16xf32>
        %swap3A_1513 = vector.shape_cast %add3A_1508 : vector<16xf32> to vector<1x16xf32>
        tpu.vector_store %arg17[%swap3A_1509, %swap3A_1510], %swap3A_1513 {strides = array<i32>} : memref<128x32xf32, #tpu.memory_space<vmem>>, vector<1x16xf32>,
        %get3A_1514 = arith.index_cast %mul3A_1476 : i32 to index
        %get3A_1515 = arith.constant 16 : index
        %get3A_1516 = tpu.vector_load %arg13[%get3A_1514, %get3A_1515] {strides = array<i32>} : memref<512x32xf32, #tpu.memory_space<vmem>>, vector<1x16xf32>,
        %get3A_1517 = vector.shape_cast %get3A_1516 : vector<1x16xf32> to vector<16xf32>
        %add3A_1518 = arith.constant 1 : i32
        %add3A_1519 = arith.addi %mul3A_1476, %add3A_1518 : i32
        %get3A_1520 = arith.index_cast %add3A_1519 : i32 to index
        %get3A_1521 = arith.constant 16 : index
        %get3A_1522 = tpu.vector_load %arg13[%get3A_1520, %get3A_1521] {strides = array<i32>} : memref<512x32xf32, #tpu.memory_space<vmem>>, vector<1x16xf32>,
        %get3A_1523 = vector.shape_cast %get3A_1522 : vector<1x16xf32> to vector<16xf32>
        %add3A_1524 = arith.addf %get3A_1517, %get3A_1523 : vector<16xf32>
        %add3A_1525 = arith.constant 2 : i32
        %add3A_1526 = arith.addi %mul3A_1476, %add3A_1525 : i32
        %get3A_1527 = arith.index_cast %add3A_1526 : i32 to index
        %get3A_1528 = arith.constant 16 : index
        %get3A_1529 = tpu.vector_load %arg13[%get3A_1527, %get3A_1528] {strides = array<i32>} : memref<512x32xf32, #tpu.memory_space<vmem>>, vector<1x16xf32>,
        %get3A_1530 = vector.shape_cast %get3A_1529 : vector<1x16xf32> to vector<16xf32>
        %add3A_1531 = arith.constant 3 : i32
        %add3A_1532 = arith.addi %mul3A_1476, %add3A_1531 : i32
        %get3A_1533 = arith.index_cast %add3A_1532 : i32 to index
        %get3A_1534 = arith.constant 16 : index
        %get3A_1535 = tpu.vector_load %arg13[%get3A_1533, %get3A_1534] {strides = array<i32>} : memref<512x32xf32, #tpu.memory_space<vmem>>, vector<1x16xf32>,
        %get3A_1536 = vector.shape_cast %get3A_1535 : vector<1x16xf32> to vector<16xf32>
        %add3A_1537 = arith.addf %get3A_1530, %get3A_1536 : vector<16xf32>
        %add3A_1538 = arith.addf %add3A_1524, %add3A_1537 : vector<16xf32>
        %get3A_1539 = arith.index_cast %add3A_1472 : i32 to index
        %get3A_1540 = arith.constant 16 : index
        %get3A_1541 = tpu.vector_load %arg11[%get3A_1539, %get3A_1540] {strides = array<i32>} : memref<128x32xf32, #tpu.memory_space<vmem>>, vector<1x16xf32>,
        %get3A_1542 = vector.shape_cast %get3A_1541 : vector<1x16xf32> to vector<16xf32>
        %mul3A_1543 = vector.broadcast %squeeze3A_1474 : f32 to vector<16xf32>
        %mul3A_1544 = arith.mulf %add3A_1538, %mul3A_1543 : vector<16xf32>
        %add3A_1545 = arith.addf %get3A_1542, %mul3A_1544 : vector<16xf32>
        %swap3A_1546 = arith.index_cast %add3A_1472 : i32 to index
        %swap3A_1547 = arith.constant 16 : index
        %swap3A_1548 = tpu.vector_load %arg17[%swap3A_1546, %swap3A_1547] {strides = array<i32>} : memref<128x32xf32, #tpu.memory_space<vmem>>, vector<1x16xf32>,
        %swap3A_1549 = vector.shape_cast %swap3A_1548 : vector<1x16xf32> to vector<16xf32>
        %swap3A_1550 = vector.shape_cast %add3A_1545 : vector<16xf32> to vector<1x16xf32>
        tpu.vector_store %arg17[%swap3A_1546, %swap3A_1547], %swap3A_1550 {strides = array<i32>} : memref<128x32xf32, #tpu.memory_space<vmem>>, vector<1x16xf32>,
        %add3A_1551 = arith.constant 11 : i32
        %add3A_1552 = arith.addi %mul3A_669, %add3A_1551 : i32
        %slice3A_1553 = vector.extract_strided_slice %get3A_672 {offsets = [11], sizes = [1], strides = [1]} : vector<16xf32> to vector<1xf32>
        %squeeze3A_1554 = vector.extract %slice3A_1553[0] : f32 from vector<1xf32>
        %mul3A_1555 = arith.constant 4 : i32
        %mul3A_1556 = arith.muli %mul3A_1555, %add3A_1552 : i32
        %get3A_1557 = arith.index_cast %mul3A_1556 : i32 to index
        %get3A_1558 = arith.constant 0 : index
        %get3A_1559 = tpu.vector_load %arg13[%get3A_1557, %get3A_1558] {strides = array<i32>} : memref<512x32xf32, #tpu.memory_space<vmem>>, vector<1x16xf32>,
        %get3A_1560 = vector.shape_cast %get3A_1559 : vector<1x16xf32> to vector<16xf32>
        %add3A_1561 = arith.constant 1 : i32
        %add3A_1562 = arith.addi %mul3A_1556, %add3A_1561 : i32
        %get3A_1563 = arith.index_cast %add3A_1562 : i32 to index
        %get3A_1564 = arith.constant 0 : index
        %get3A_1565 = tpu.vector_load %arg13[%get3A_1563, %get3A_1564] {strides = array<i32>} : memref<512x32xf32, #tpu.memory_space<vmem>>, vector<1x16xf32>,
        %get3A_1566 = vector.shape_cast %get3A_1565 : vector<1x16xf32> to vector<16xf32>
        %add3A_1567 = arith.addf %get3A_1560, %get3A_1566 : vector<16xf32>
        %add3A_1568 = arith.constant 2 : i32
        %add3A_1569 = arith.addi %mul3A_1556, %add3A_1568 : i32
        %get3A_1570 = arith.index_cast %add3A_1569 : i32 to index
        %get3A_1571 = arith.constant 0 : index
        %get3A_1572 = tpu.vector_load %arg13[%get3A_1570, %get3A_1571] {strides = array<i32>} : memref<512x32xf32, #tpu.memory_space<vmem>>, vector<1x16xf32>,
        %get3A_1573 = vector.shape_cast %get3A_1572 : vector<1x16xf32> to vector<16xf32>
        %add3A_1574 = arith.constant 3 : i32
        %add3A_1575 = arith.addi %mul3A_1556, %add3A_1574 : i32
        %get3A_1576 = arith.index_cast %add3A_1575 : i32 to index
        %get3A_1577 = arith.constant 0 : index
        %get3A_1578 = tpu.vector_load %arg13[%get3A_1576, %get3A_1577] {strides = array<i32>} : memref<512x32xf32, #tpu.memory_space<vmem>>, vector<1x16xf32>,
        %get3A_1579 = vector.shape_cast %get3A_1578 : vector<1x16xf32> to vector<16xf32>
        %add3A_1580 = arith.addf %get3A_1573, %get3A_1579 : vector<16xf32>
        %add3A_1581 = arith.addf %add3A_1567, %add3A_1580 : vector<16xf32>
        %get3A_1582 = arith.index_cast %add3A_1552 : i32 to index
        %get3A_1583 = arith.constant 0 : index
        %get3A_1584 = tpu.vector_load %arg11[%get3A_1582, %get3A_1583] {strides = array<i32>} : memref<128x32xf32, #tpu.memory_space<vmem>>, vector<1x16xf32>,
        %get3A_1585 = vector.shape_cast %get3A_1584 : vector<1x16xf32> to vector<16xf32>
        %mul3A_1586 = vector.broadcast %squeeze3A_1554 : f32 to vector<16xf32>
        %mul3A_1587 = arith.mulf %add3A_1581, %mul3A_1586 : vector<16xf32>
        %add3A_1588 = arith.addf %get3A_1585, %mul3A_1587 : vector<16xf32>
        %swap3A_1589 = arith.index_cast %add3A_1552 : i32 to index
        %swap3A_1590 = arith.constant 0 : index
        %swap3A_1591 = tpu.vector_load %arg17[%swap3A_1589, %swap3A_1590] {strides = array<i32>} : memref<128x32xf32, #tpu.memory_space<vmem>>, vector<1x16xf32>,
        %swap3A_1592 = vector.shape_cast %swap3A_1591 : vector<1x16xf32> to vector<16xf32>
        %swap3A_1593 = vector.shape_cast %add3A_1588 : vector<16xf32> to vector<1x16xf32>
        tpu.vector_store %arg17[%swap3A_1589, %swap3A_1590], %swap3A_1593 {strides = array<i32>} : memref<128x32xf32, #tpu.memory_space<vmem>>, vector<1x16xf32>,
        %get3A_1594 = arith.index_cast %mul3A_1556 : i32 to index
        %get3A_1595 = arith.constant 16 : index
        %get3A_1596 = tpu.vector_load %arg13[%get3A_1594, %get3A_1595] {strides = array<i32>} : memref<512x32xf32, #tpu.memory_space<vmem>>, vector<1x16xf32>,
        %get3A_1597 = vector.shape_cast %get3A_1596 : vector<1x16xf32> to vector<16xf32>
        %add3A_1598 = arith.constant 1 : i32
        %add3A_1599 = arith.addi %mul3A_1556, %add3A_1598 : i32
        %get3A_1600 = arith.index_cast %add3A_1599 : i32 to index
        %get3A_1601 = arith.constant 16 : index
        %get3A_1602 = tpu.vector_load %arg13[%get3A_1600, %get3A_1601] {strides = array<i32>} : memref<512x32xf32, #tpu.memory_space<vmem>>, vector<1x16xf32>,
        %get3A_1603 = vector.shape_cast %get3A_1602 : vector<1x16xf32> to vector<16xf32>
        %add3A_1604 = arith.addf %get3A_1597, %get3A_1603 : vector<16xf32>
        %add3A_1605 = arith.constant 2 : i32
        %add3A_1606 = arith.addi %mul3A_1556, %add3A_1605 : i32
        %get3A_1607 = arith.index_cast %add3A_1606 : i32 to index
        %get3A_1608 = arith.constant 16 : index
        %get3A_1609 = tpu.vector_load %arg13[%get3A_1607, %get3A_1608] {strides = array<i32>} : memref<512x32xf32, #tpu.memory_space<vmem>>, vector<1x16xf32>,
        %get3A_1610 = vector.shape_cast %get3A_1609 : vector<1x16xf32> to vector<16xf32>
        %add3A_1611 = arith.constant 3 : i32
        %add3A_1612 = arith.addi %mul3A_1556, %add3A_1611 : i32
        %get3A_1613 = arith.index_cast %add3A_1612 : i32 to index
        %get3A_1614 = arith.constant 16 : index
        %get3A_1615 = tpu.vector_load %arg13[%get3A_1613, %get3A_1614] {strides = array<i32>} : memref<512x32xf32, #tpu.memory_space<vmem>>, vector<1x16xf32>,
        %get3A_1616 = vector.shape_cast %get3A_1615 : vector<1x16xf32> to vector<16xf32>
        %add3A_1617 = arith.addf %get3A_1610, %get3A_1616 : vector<16xf32>
        %add3A_1618 = arith.addf %add3A_1604, %add3A_1617 : vector<16xf32>
        %get3A_1619 = arith.index_cast %add3A_1552 : i32 to index
        %get3A_1620 = arith.constant 16 : index
        %get3A_1621 = tpu.vector_load %arg11[%get3A_1619, %get3A_1620] {strides = array<i32>} : memref<128x32xf32, #tpu.memory_space<vmem>>, vector<1x16xf32>,
        %get3A_1622 = vector.shape_cast %get3A_1621 : vector<1x16xf32> to vector<16xf32>
        %mul3A_1623 = vector.broadcast %squeeze3A_1554 : f32 to vector<16xf32>
        %mul3A_1624 = arith.mulf %add3A_1618, %mul3A_1623 : vector<16xf32>
        %add3A_1625 = arith.addf %get3A_1622, %mul3A_1624 : vector<16xf32>
        %swap3A_1626 = arith.index_cast %add3A_1552 : i32 to index
        %swap3A_1627 = arith.constant 16 : index
        %swap3A_1628 = tpu.vector_load %arg17[%swap3A_1626, %swap3A_1627] {strides = array<i32>} : memref<128x32xf32, #tpu.memory_space<vmem>>, vector<1x16xf32>,
        %swap3A_1629 = vector.shape_cast %swap3A_1628 : vector<1x16xf32> to vector<16xf32>
        %swap3A_1630 = vector.shape_cast %add3A_1625 : vector<16xf32> to vector<1x16xf32>
        tpu.vector_store %arg17[%swap3A_1626, %swap3A_1627], %swap3A_1630 {strides = array<i32>} : memref<128x32xf32, #tpu.memory_space<vmem>>, vector<1x16xf32>,
        %add3A_1631 = arith.constant 12 : i32
        %add3A_1632 = arith.addi %mul3A_669, %add3A_1631 : i32
        %slice3A_1633 = vector.extract_strided_slice %get3A_672 {offsets = [12], sizes = [1], strides = [1]} : vector<16xf32> to vector<1xf32>
        %squeeze3A_1634 = vector.extract %slice3A_1633[0] : f32 from vector<1xf32>
        %mul3A_1635 = arith.constant 4 : i32
        %mul3A_1636 = arith.muli %mul3A_1635, %add3A_1632 : i32
        %get3A_1637 = arith.index_cast %mul3A_1636 : i32 to index
        %get3A_1638 = arith.constant 0 : index
        %get3A_1639 = tpu.vector_load %arg13[%get3A_1637, %get3A_1638] {strides = array<i32>} : memref<512x32xf32, #tpu.memory_space<vmem>>, vector<1x16xf32>,
        %get3A_1640 = vector.shape_cast %get3A_1639 : vector<1x16xf32> to vector<16xf32>
        %add3A_1641 = arith.constant 1 : i32
        %add3A_1642 = arith.addi %mul3A_1636, %add3A_1641 : i32
        %get3A_1643 = arith.index_cast %add3A_1642 : i32 to index
        %get3A_1644 = arith.constant 0 : index
        %get3A_1645 = tpu.vector_load %arg13[%get3A_1643, %get3A_1644] {strides = array<i32>} : memref<512x32xf32, #tpu.memory_space<vmem>>, vector<1x16xf32>,
        %get3A_1646 = vector.shape_cast %get3A_1645 : vector<1x16xf32> to vector<16xf32>
        %add3A_1647 = arith.addf %get3A_1640, %get3A_1646 : vector<16xf32>
        %add3A_1648 = arith.constant 2 : i32
        %add3A_1649 = arith.addi %mul3A_1636, %add3A_1648 : i32
        %get3A_1650 = arith.index_cast %add3A_1649 : i32 to index
        %get3A_1651 = arith.constant 0 : index
        %get3A_1652 = tpu.vector_load %arg13[%get3A_1650, %get3A_1651] {strides = array<i32>} : memref<512x32xf32, #tpu.memory_space<vmem>>, vector<1x16xf32>,
        %get3A_1653 = vector.shape_cast %get3A_1652 : vector<1x16xf32> to vector<16xf32>
        %add3A_1654 = arith.constant 3 : i32
        %add3A_1655 = arith.addi %mul3A_1636, %add3A_1654 : i32
        %get3A_1656 = arith.index_cast %add3A_1655 : i32 to index
        %get3A_1657 = arith.constant 0 : index
        %get3A_1658 = tpu.vector_load %arg13[%get3A_1656, %get3A_1657] {strides = array<i32>} : memref<512x32xf32, #tpu.memory_space<vmem>>, vector<1x16xf32>,
        %get3A_1659 = vector.shape_cast %get3A_1658 : vector<1x16xf32> to vector<16xf32>
        %add3A_1660 = arith.addf %get3A_1653, %get3A_1659 : vector<16xf32>
        %add3A_1661 = arith.addf %add3A_1647, %add3A_1660 : vector<16xf32>
        %get3A_1662 = arith.index_cast %add3A_1632 : i32 to index
        %get3A_1663 = arith.constant 0 : index
        %get3A_1664 = tpu.vector_load %arg11[%get3A_1662, %get3A_1663] {strides = array<i32>} : memref<128x32xf32, #tpu.memory_space<vmem>>, vector<1x16xf32>,
        %get3A_1665 = vector.shape_cast %get3A_1664 : vector<1x16xf32> to vector<16xf32>
        %mul3A_1666 = vector.broadcast %squeeze3A_1634 : f32 to vector<16xf32>
        %mul3A_1667 = arith.mulf %add3A_1661, %mul3A_1666 : vector<16xf32>
        %add3A_1668 = arith.addf %get3A_1665, %mul3A_1667 : vector<16xf32>
        %swap3A_1669 = arith.index_cast %add3A_1632 : i32 to index
        %swap3A_1670 = arith.constant 0 : index
        %swap3A_1671 = tpu.vector_load %arg17[%swap3A_1669, %swap3A_1670] {strides = array<i32>} : memref<128x32xf32, #tpu.memory_space<vmem>>, vector<1x16xf32>,
        %swap3A_1672 = vector.shape_cast %swap3A_1671 : vector<1x16xf32> to vector<16xf32>
        %swap3A_1673 = vector.shape_cast %add3A_1668 : vector<16xf32> to vector<1x16xf32>
        tpu.vector_store %arg17[%swap3A_1669, %swap3A_1670], %swap3A_1673 {strides = array<i32>} : memref<128x32xf32, #tpu.memory_space<vmem>>, vector<1x16xf32>,
        %get3A_1674 = arith.index_cast %mul3A_1636 : i32 to index
        %get3A_1675 = arith.constant 16 : index
        %get3A_1676 = tpu.vector_load %arg13[%get3A_1674, %get3A_1675] {strides = array<i32>} : memref<512x32xf32, #tpu.memory_space<vmem>>, vector<1x16xf32>,
        %get3A_1677 = vector.shape_cast %get3A_1676 : vector<1x16xf32> to vector<16xf32>
        %add3A_1678 = arith.constant 1 : i32
        %add3A_1679 = arith.addi %mul3A_1636, %add3A_1678 : i32
        %get3A_1680 = arith.index_cast %add3A_1679 : i32 to index
        %get3A_1681 = arith.constant 16 : index
        %get3A_1682 = tpu.vector_load %arg13[%get3A_1680, %get3A_1681] {strides = array<i32>} : memref<512x32xf32, #tpu.memory_space<vmem>>, vector<1x16xf32>,
        %get3A_1683 = vector.shape_cast %get3A_1682 : vector<1x16xf32> to vector<16xf32>
        %add3A_1684 = arith.addf %get3A_1677, %get3A_1683 : vector<16xf32>
        %add3A_1685 = arith.constant 2 : i32
        %add3A_1686 = arith.addi %mul3A_1636, %add3A_1685 : i32
        %get3A_1687 = arith.index_cast %add3A_1686 : i32 to index
        %get3A_1688 = arith.constant 16 : index
        %get3A_1689 = tpu.vector_load %arg13[%get3A_1687, %get3A_1688] {strides = array<i32>} : memref<512x32xf32, #tpu.memory_space<vmem>>, vector<1x16xf32>,
        %get3A_1690 = vector.shape_cast %get3A_1689 : vector<1x16xf32> to vector<16xf32>
        %add3A_1691 = arith.constant 3 : i32
        %add3A_1692 = arith.addi %mul3A_1636, %add3A_1691 : i32
        %get3A_1693 = arith.index_cast %add3A_1692 : i32 to index
        %get3A_1694 = arith.constant 16 : index
        %get3A_1695 = tpu.vector_load %arg13[%get3A_1693, %get3A_1694] {strides = array<i32>} : memref<512x32xf32, #tpu.memory_space<vmem>>, vector<1x16xf32>,
        %get3A_1696 = vector.shape_cast %get3A_1695 : vector<1x16xf32> to vector<16xf32>
        %add3A_1697 = arith.addf %get3A_1690, %get3A_1696 : vector<16xf32>
        %add3A_1698 = arith.addf %add3A_1684, %add3A_1697 : vector<16xf32>
        %get3A_1699 = arith.index_cast %add3A_1632 : i32 to index
        %get3A_1700 = arith.constant 16 : index
        %get3A_1701 = tpu.vector_load %arg11[%get3A_1699, %get3A_1700] {strides = array<i32>} : memref<128x32xf32, #tpu.memory_space<vmem>>, vector<1x16xf32>,
        %get3A_1702 = vector.shape_cast %get3A_1701 : vector<1x16xf32> to vector<16xf32>
        %mul3A_1703 = vector.broadcast %squeeze3A_1634 : f32 to vector<16xf32>
        %mul3A_1704 = arith.mulf %add3A_1698, %mul3A_1703 : vector<16xf32>
        %add3A_1705 = arith.addf %get3A_1702, %mul3A_1704 : vector<16xf32>
        %swap3A_1706 = arith.index_cast %add3A_1632 : i32 to index
        %swap3A_1707 = arith.constant 16 : index
        %swap3A_1708 = tpu.vector_load %arg17[%swap3A_1706, %swap3A_1707] {strides = array<i32>} : memref<128x32xf32, #tpu.memory_space<vmem>>, vector<1x16xf32>,
        %swap3A_1709 = vector.shape_cast %swap3A_1708 : vector<1x16xf32> to vector<16xf32>
        %swap3A_1710 = vector.shape_cast %add3A_1705 : vector<16xf32> to vector<1x16xf32>
        tpu.vector_store %arg17[%swap3A_1706, %swap3A_1707], %swap3A_1710 {strides = array<i32>} : memref<128x32xf32, #tpu.memory_space<vmem>>, vector<1x16xf32>,
        %add3A_1711 = arith.constant 13 : i32
        %add3A_1712 = arith.addi %mul3A_669, %add3A_1711 : i32
        %slice3A_1713 = vector.extract_strided_slice %get3A_672 {offsets = [13], sizes = [1], strides = [1]} : vector<16xf32> to vector<1xf32>
        %squeeze3A_1714 = vector.extract %slice3A_1713[0] : f32 from vector<1xf32>
        %mul3A_1715 = arith.constant 4 : i32
        %mul3A_1716 = arith.muli %mul3A_1715, %add3A_1712 : i32
        %get3A_1717 = arith.index_cast %mul3A_1716 : i32 to index
        %get3A_1718 = arith.constant 0 : index
        %get3A_1719 = tpu.vector_load %arg13[%get3A_1717, %get3A_1718] {strides = array<i32>} : memref<512x32xf32, #tpu.memory_space<vmem>>, vector<1x16xf32>,
        %get3A_1720 = vector.shape_cast %get3A_1719 : vector<1x16xf32> to vector<16xf32>
        %add3A_1721 = arith.constant 1 : i32
        %add3A_1722 = arith.addi %mul3A_1716, %add3A_1721 : i32
        %get3A_1723 = arith.index_cast %add3A_1722 : i32 to index
        %get3A_1724 = arith.constant 0 : index
        %get3A_1725 = tpu.vector_load %arg13[%get3A_1723, %get3A_1724] {strides = array<i32>} : memref<512x32xf32, #tpu.memory_space<vmem>>, vector<1x16xf32>,
        %get3A_1726 = vector.shape_cast %get3A_1725 : vector<1x16xf32> to vector<16xf32>
        %add3A_1727 = arith.addf %get3A_1720, %get3A_1726 : vector<16xf32>
        %add3A_1728 = arith.constant 2 : i32
        %add3A_1729 = arith.addi %mul3A_1716, %add3A_1728 : i32
        %get3A_1730 = arith.index_cast %add3A_1729 : i32 to index
        %get3A_1731 = arith.constant 0 : index
        %get3A_1732 = tpu.vector_load %arg13[%get3A_1730, %get3A_1731] {strides = array<i32>} : memref<512x32xf32, #tpu.memory_space<vmem>>, vector<1x16xf32>,
        %get3A_1733 = vector.shape_cast %get3A_1732 : vector<1x16xf32> to vector<16xf32>
        %add3A_1734 = arith.constant 3 : i32
        %add3A_1735 = arith.addi %mul3A_1716, %add3A_1734 : i32
        %get3A_1736 = arith.index_cast %add3A_1735 : i32 to index
        %get3A_1737 = arith.constant 0 : index
        %get3A_1738 = tpu.vector_load %arg13[%get3A_1736, %get3A_1737] {strides = array<i32>} : memref<512x32xf32, #tpu.memory_space<vmem>>, vector<1x16xf32>,
        %get3A_1739 = vector.shape_cast %get3A_1738 : vector<1x16xf32> to vector<16xf32>
        %add3A_1740 = arith.addf %get3A_1733, %get3A_1739 : vector<16xf32>
        %add3A_1741 = arith.addf %add3A_1727, %add3A_1740 : vector<16xf32>
        %get3A_1742 = arith.index_cast %add3A_1712 : i32 to index
        %get3A_1743 = arith.constant 0 : index
        %get3A_1744 = tpu.vector_load %arg11[%get3A_1742, %get3A_1743] {strides = array<i32>} : memref<128x32xf32, #tpu.memory_space<vmem>>, vector<1x16xf32>,
        %get3A_1745 = vector.shape_cast %get3A_1744 : vector<1x16xf32> to vector<16xf32>
        %mul3A_1746 = vector.broadcast %squeeze3A_1714 : f32 to vector<16xf32>
        %mul3A_1747 = arith.mulf %add3A_1741, %mul3A_1746 : vector<16xf32>
        %add3A_1748 = arith.addf %get3A_1745, %mul3A_1747 : vector<16xf32>
        %swap3A_1749 = arith.index_cast %add3A_1712 : i32 to index
        %swap3A_1750 = arith.constant 0 : index
        %swap3A_1751 = tpu.vector_load %arg17[%swap3A_1749, %swap3A_1750] {strides = array<i32>} : memref<128x32xf32, #tpu.memory_space<vmem>>, vector<1x16xf32>,
        %swap3A_1752 = vector.shape_cast %swap3A_1751 : vector<1x16xf32> to vector<16xf32>
        %swap3A_1753 = vector.shape_cast %add3A_1748 : vector<16xf32> to vector<1x16xf32>
        tpu.vector_store %arg17[%swap3A_1749, %swap3A_1750], %swap3A_1753 {strides = array<i32>} : memref<128x32xf32, #tpu.memory_space<vmem>>, vector<1x16xf32>,
        %get3A_1754 = arith.index_cast %mul3A_1716 : i32 to index
        %get3A_1755 = arith.constant 16 : index
        %get3A_1756 = tpu.vector_load %arg13[%get3A_1754, %get3A_1755] {strides = array<i32>} : memref<512x32xf32, #tpu.memory_space<vmem>>, vector<1x16xf32>,
        %get3A_1757 = vector.shape_cast %get3A_1756 : vector<1x16xf32> to vector<16xf32>
        %add3A_1758 = arith.constant 1 : i32
        %add3A_1759 = arith.addi %mul3A_1716, %add3A_1758 : i32
        %get3A_1760 = arith.index_cast %add3A_1759 : i32 to index
        %get3A_1761 = arith.constant 16 : index
        %get3A_1762 = tpu.vector_load %arg13[%get3A_1760, %get3A_1761] {strides = array<i32>} : memref<512x32xf32, #tpu.memory_space<vmem>>, vector<1x16xf32>,
        %get3A_1763 = vector.shape_cast %get3A_1762 : vector<1x16xf32> to vector<16xf32>
        %add3A_1764 = arith.addf %get3A_1757, %get3A_1763 : vector<16xf32>
        %add3A_1765 = arith.constant 2 : i32
        %add3A_1766 = arith.addi %mul3A_1716, %add3A_1765 : i32
        %get3A_1767 = arith.index_cast %add3A_1766 : i32 to index
        %get3A_1768 = arith.constant 16 : index
        %get3A_1769 = tpu.vector_load %arg13[%get3A_1767, %get3A_1768] {strides = array<i32>} : memref<512x32xf32, #tpu.memory_space<vmem>>, vector<1x16xf32>,
        %get3A_1770 = vector.shape_cast %get3A_1769 : vector<1x16xf32> to vector<16xf32>
        %add3A_1771 = arith.constant 3 : i32
        %add3A_1772 = arith.addi %mul3A_1716, %add3A_1771 : i32
        %get3A_1773 = arith.index_cast %add3A_1772 : i32 to index
        %get3A_1774 = arith.constant 16 : index
        %get3A_1775 = tpu.vector_load %arg13[%get3A_1773, %get3A_1774] {strides = array<i32>} : memref<512x32xf32, #tpu.memory_space<vmem>>, vector<1x16xf32>,
        %get3A_1776 = vector.shape_cast %get3A_1775 : vector<1x16xf32> to vector<16xf32>
        %add3A_1777 = arith.addf %get3A_1770, %get3A_1776 : vector<16xf32>
        %add3A_1778 = arith.addf %add3A_1764, %add3A_1777 : vector<16xf32>
        %get3A_1779 = arith.index_cast %add3A_1712 : i32 to index
        %get3A_1780 = arith.constant 16 : index
        %get3A_1781 = tpu.vector_load %arg11[%get3A_1779, %get3A_1780] {strides = array<i32>} : memref<128x32xf32, #tpu.memory_space<vmem>>, vector<1x16xf32>,
        %get3A_1782 = vector.shape_cast %get3A_1781 : vector<1x16xf32> to vector<16xf32>
        %mul3A_1783 = vector.broadcast %squeeze3A_1714 : f32 to vector<16xf32>
        %mul3A_1784 = arith.mulf %add3A_1778, %mul3A_1783 : vector<16xf32>
        %add3A_1785 = arith.addf %get3A_1782, %mul3A_1784 : vector<16xf32>
        %swap3A_1786 = arith.index_cast %add3A_1712 : i32 to index
        %swap3A_1787 = arith.constant 16 : index
        %swap3A_1788 = tpu.vector_load %arg17[%swap3A_1786, %swap3A_1787] {strides = array<i32>} : memref<128x32xf32, #tpu.memory_space<vmem>>, vector<1x16xf32>,
        %swap3A_1789 = vector.shape_cast %swap3A_1788 : vector<1x16xf32> to vector<16xf32>
        %swap3A_1790 = vector.shape_cast %add3A_1785 : vector<16xf32> to vector<1x16xf32>
        tpu.vector_store %arg17[%swap3A_1786, %swap3A_1787], %swap3A_1790 {strides = array<i32>} : memref<128x32xf32, #tpu.memory_space<vmem>>, vector<1x16xf32>,
        %add3A_1791 = arith.constant 14 : i32
        %add3A_1792 = arith.addi %mul3A_669, %add3A_1791 : i32
        %slice3A_1793 = vector.extract_strided_slice %get3A_672 {offsets = [14], sizes = [1], strides = [1]} : vector<16xf32> to vector<1xf32>
        %squeeze3A_1794 = vector.extract %slice3A_1793[0] : f32 from vector<1xf32>
        %mul3A_1795 = arith.constant 4 : i32
        %mul3A_1796 = arith.muli %mul3A_1795, %add3A_1792 : i32
        %get3A_1797 = arith.index_cast %mul3A_1796 : i32 to index
        %get3A_1798 = arith.constant 0 : index
        %get3A_1799 = tpu.vector_load %arg13[%get3A_1797, %get3A_1798] {strides = array<i32>} : memref<512x32xf32, #tpu.memory_space<vmem>>, vector<1x16xf32>,
        %get3A_1800 = vector.shape_cast %get3A_1799 : vector<1x16xf32> to vector<16xf32>
        %add3A_1801 = arith.constant 1 : i32
        %add3A_1802 = arith.addi %mul3A_1796, %add3A_1801 : i32
        %get3A_1803 = arith.index_cast %add3A_1802 : i32 to index
        %get3A_1804 = arith.constant 0 : index
        %get3A_1805 = tpu.vector_load %arg13[%get3A_1803, %get3A_1804] {strides = array<i32>} : memref<512x32xf32, #tpu.memory_space<vmem>>, vector<1x16xf32>,
        %get3A_1806 = vector.shape_cast %get3A_1805 : vector<1x16xf32> to vector<16xf32>
        %add3A_1807 = arith.addf %get3A_1800, %get3A_1806 : vector<16xf32>
        %add3A_1808 = arith.constant 2 : i32
        %add3A_1809 = arith.addi %mul3A_1796, %add3A_1808 : i32
        %get3A_1810 = arith.index_cast %add3A_1809 : i32 to index
        %get3A_1811 = arith.constant 0 : index
        %get3A_1812 = tpu.vector_load %arg13[%get3A_1810, %get3A_1811] {strides = array<i32>} : memref<512x32xf32, #tpu.memory_space<vmem>>, vector<1x16xf32>,
        %get3A_1813 = vector.shape_cast %get3A_1812 : vector<1x16xf32> to vector<16xf32>
        %add3A_1814 = arith.constant 3 : i32
        %add3A_1815 = arith.addi %mul3A_1796, %add3A_1814 : i32
        %get3A_1816 = arith.index_cast %add3A_1815 : i32 to index
        %get3A_1817 = arith.constant 0 : index
        %get3A_1818 = tpu.vector_load %arg13[%get3A_1816, %get3A_1817] {strides = array<i32>} : memref<512x32xf32, #tpu.memory_space<vmem>>, vector<1x16xf32>,
        %get3A_1819 = vector.shape_cast %get3A_1818 : vector<1x16xf32> to vector<16xf32>
        %add3A_1820 = arith.addf %get3A_1813, %get3A_1819 : vector<16xf32>
        %add3A_1821 = arith.addf %add3A_1807, %add3A_1820 : vector<16xf32>
        %get3A_1822 = arith.index_cast %add3A_1792 : i32 to index
        %get3A_1823 = arith.constant 0 : index
        %get3A_1824 = tpu.vector_load %arg11[%get3A_1822, %get3A_1823] {strides = array<i32>} : memref<128x32xf32, #tpu.memory_space<vmem>>, vector<1x16xf32>,
        %get3A_1825 = vector.shape_cast %get3A_1824 : vector<1x16xf32> to vector<16xf32>
        %mul3A_1826 = vector.broadcast %squeeze3A_1794 : f32 to vector<16xf32>
        %mul3A_1827 = arith.mulf %add3A_1821, %mul3A_1826 : vector<16xf32>
        %add3A_1828 = arith.addf %get3A_1825, %mul3A_1827 : vector<16xf32>
        %swap3A_1829 = arith.index_cast %add3A_1792 : i32 to index
        %swap3A_1830 = arith.constant 0 : index
        %swap3A_1831 = tpu.vector_load %arg17[%swap3A_1829, %swap3A_1830] {strides = array<i32>} : memref<128x32xf32, #tpu.memory_space<vmem>>, vector<1x16xf32>,
        %swap3A_1832 = vector.shape_cast %swap3A_1831 : vector<1x16xf32> to vector<16xf32>
        %swap3A_1833 = vector.shape_cast %add3A_1828 : vector<16xf32> to vector<1x16xf32>
        tpu.vector_store %arg17[%swap3A_1829, %swap3A_1830], %swap3A_1833 {strides = array<i32>} : memref<128x32xf32, #tpu.memory_space<vmem>>, vector<1x16xf32>,
        %get3A_1834 = arith.index_cast %mul3A_1796 : i32 to index
        %get3A_1835 = arith.constant 16 : index
        %get3A_1836 = tpu.vector_load %arg13[%get3A_1834, %get3A_1835] {strides = array<i32>} : memref<512x32xf32, #tpu.memory_space<vmem>>, vector<1x16xf32>,
        %get3A_1837 = vector.shape_cast %get3A_1836 : vector<1x16xf32> to vector<16xf32>
        %add3A_1838 = arith.constant 1 : i32
        %add3A_1839 = arith.addi %mul3A_1796, %add3A_1838 : i32
        %get3A_1840 = arith.index_cast %add3A_1839 : i32 to index
        %get3A_1841 = arith.constant 16 : index
        %get3A_1842 = tpu.vector_load %arg13[%get3A_1840, %get3A_1841] {strides = array<i32>} : memref<512x32xf32, #tpu.memory_space<vmem>>, vector<1x16xf32>,
        %get3A_1843 = vector.shape_cast %get3A_1842 : vector<1x16xf32> to vector<16xf32>
        %add3A_1844 = arith.addf %get3A_1837, %get3A_1843 : vector<16xf32>
        %add3A_1845 = arith.constant 2 : i32
        %add3A_1846 = arith.addi %mul3A_1796, %add3A_1845 : i32
        %get3A_1847 = arith.index_cast %add3A_1846 : i32 to index
        %get3A_1848 = arith.constant 16 : index
        %get3A_1849 = tpu.vector_load %arg13[%get3A_1847, %get3A_1848] {strides = array<i32>} : memref<512x32xf32, #tpu.memory_space<vmem>>, vector<1x16xf32>,
        %get3A_1850 = vector.shape_cast %get3A_1849 : vector<1x16xf32> to vector<16xf32>
        %add3A_1851 = arith.constant 3 : i32
        %add3A_1852 = arith.addi %mul3A_1796, %add3A_1851 : i32
        %get3A_1853 = arith.index_cast %add3A_1852 : i32 to index
        %get3A_1854 = arith.constant 16 : index
        %get3A_1855 = tpu.vector_load %arg13[%get3A_1853, %get3A_1854] {strides = array<i32>} : memref<512x32xf32, #tpu.memory_space<vmem>>, vector<1x16xf32>,
        %get3A_1856 = vector.shape_cast %get3A_1855 : vector<1x16xf32> to vector<16xf32>
        %add3A_1857 = arith.addf %get3A_1850, %get3A_1856 : vector<16xf32>
        %add3A_1858 = arith.addf %add3A_1844, %add3A_1857 : vector<16xf32>
        %get3A_1859 = arith.index_cast %add3A_1792 : i32 to index
        %get3A_1860 = arith.constant 16 : index
        %get3A_1861 = tpu.vector_load %arg11[%get3A_1859, %get3A_1860] {strides = array<i32>} : memref<128x32xf32, #tpu.memory_space<vmem>>, vector<1x16xf32>,
        %get3A_1862 = vector.shape_cast %get3A_1861 : vector<1x16xf32> to vector<16xf32>
        %mul3A_1863 = vector.broadcast %squeeze3A_1794 : f32 to vector<16xf32>
        %mul3A_1864 = arith.mulf %add3A_1858, %mul3A_1863 : vector<16xf32>
        %add3A_1865 = arith.addf %get3A_1862, %mul3A_1864 : vector<16xf32>
        %swap3A_1866 = arith.index_cast %add3A_1792 : i32 to index
        %swap3A_1867 = arith.constant 16 : index
        %swap3A_1868 = tpu.vector_load %arg17[%swap3A_1866, %swap3A_1867] {strides = array<i32>} : memref<128x32xf32, #tpu.memory_space<vmem>>, vector<1x16xf32>,
        %swap3A_1869 = vector.shape_cast %swap3A_1868 : vector<1x16xf32> to vector<16xf32>
        %swap3A_1870 = vector.shape_cast %add3A_1865 : vector<16xf32> to vector<1x16xf32>
        tpu.vector_store %arg17[%swap3A_1866, %swap3A_1867], %swap3A_1870 {strides = array<i32>} : memref<128x32xf32, #tpu.memory_space<vmem>>, vector<1x16xf32>,
        %add3A_1871 = arith.constant 15 : i32
        %add3A_1872 = arith.addi %mul3A_669, %add3A_1871 : i32
        %slice3A_1873 = vector.extract_strided_slice %get3A_672 {offsets = [15], sizes = [1], strides = [1]} : vector<16xf32> to vector<1xf32>
        %squeeze3A_1874 = vector.extract %slice3A_1873[0] : f32 from vector<1xf32>
        %mul3A_1875 = arith.constant 4 : i32
        %mul3A_1876 = arith.muli %mul3A_1875, %add3A_1872 : i32
        %get3A_1877 = arith.index_cast %mul3A_1876 : i32 to index
        %get3A_1878 = arith.constant 0 : index
        %get3A_1879 = tpu.vector_load %arg13[%get3A_1877, %get3A_1878] {strides = array<i32>} : memref<512x32xf32, #tpu.memory_space<vmem>>, vector<1x16xf32>,
        %get3A_1880 = vector.shape_cast %get3A_1879 : vector<1x16xf32> to vector<16xf32>
        %add3A_1881 = arith.constant 1 : i32
        %add3A_1882 = arith.addi %mul3A_1876, %add3A_1881 : i32
        %get3A_1883 = arith.index_cast %add3A_1882 : i32 to index
        %get3A_1884 = arith.constant 0 : index
        %get3A_1885 = tpu.vector_load %arg13[%get3A_1883, %get3A_1884] {strides = array<i32>} : memref<512x32xf32, #tpu.memory_space<vmem>>, vector<1x16xf32>,
        %get3A_1886 = vector.shape_cast %get3A_1885 : vector<1x16xf32> to vector<16xf32>
        %add3A_1887 = arith.addf %get3A_1880, %get3A_1886 : vector<16xf32>
        %add3A_1888 = arith.constant 2 : i32
        %add3A_1889 = arith.addi %mul3A_1876, %add3A_1888 : i32
        %get3A_1890 = arith.index_cast %add3A_1889 : i32 to index
        %get3A_1891 = arith.constant 0 : index
        %get3A_1892 = tpu.vector_load %arg13[%get3A_1890, %get3A_1891] {strides = array<i32>} : memref<512x32xf32, #tpu.memory_space<vmem>>, vector<1x16xf32>,
        %get3A_1893 = vector.shape_cast %get3A_1892 : vector<1x16xf32> to vector<16xf32>
        %add3A_1894 = arith.constant 3 : i32
        %add3A_1895 = arith.addi %mul3A_1876, %add3A_1894 : i32
        %get3A_1896 = arith.index_cast %add3A_1895 : i32 to index
        %get3A_1897 = arith.constant 0 : index
        %get3A_1898 = tpu.vector_load %arg13[%get3A_1896, %get3A_1897] {strides = array<i32>} : memref<512x32xf32, #tpu.memory_space<vmem>>, vector<1x16xf32>,
        %get3A_1899 = vector.shape_cast %get3A_1898 : vector<1x16xf32> to vector<16xf32>
        %add3A_1900 = arith.addf %get3A_1893, %get3A_1899 : vector<16xf32>
        %add3A_1901 = arith.addf %add3A_1887, %add3A_1900 : vector<16xf32>
        %get3A_1902 = arith.index_cast %add3A_1872 : i32 to index
        %get3A_1903 = arith.constant 0 : index
        %get3A_1904 = tpu.vector_load %arg11[%get3A_1902, %get3A_1903] {strides = array<i32>} : memref<128x32xf32, #tpu.memory_space<vmem>>, vector<1x16xf32>,
        %get3A_1905 = vector.shape_cast %get3A_1904 : vector<1x16xf32> to vector<16xf32>
        %mul3A_1906 = vector.broadcast %squeeze3A_1874 : f32 to vector<16xf32>
        %mul3A_1907 = arith.mulf %add3A_1901, %mul3A_1906 : vector<16xf32>
        %add3A_1908 = arith.addf %get3A_1905, %mul3A_1907 : vector<16xf32>
        %swap3A_1909 = arith.index_cast %add3A_1872 : i32 to index
        %swap3A_1910 = arith.constant 0 : index
        %swap3A_1911 = tpu.vector_load %arg17[%swap3A_1909, %swap3A_1910] {strides = array<i32>} : memref<128x32xf32, #tpu.memory_space<vmem>>, vector<1x16xf32>,
        %swap3A_1912 = vector.shape_cast %swap3A_1911 : vector<1x16xf32> to vector<16xf32>
        %swap3A_1913 = vector.shape_cast %add3A_1908 : vector<16xf32> to vector<1x16xf32>
        tpu.vector_store %arg17[%swap3A_1909, %swap3A_1910], %swap3A_1913 {strides = array<i32>} : memref<128x32xf32, #tpu.memory_space<vmem>>, vector<1x16xf32>,
        %get3A_1914 = arith.index_cast %mul3A_1876 : i32 to index
        %get3A_1915 = arith.constant 16 : index
        %get3A_1916 = tpu.vector_load %arg13[%get3A_1914, %get3A_1915] {strides = array<i32>} : memref<512x32xf32, #tpu.memory_space<vmem>>, vector<1x16xf32>,
        %get3A_1917 = vector.shape_cast %get3A_1916 : vector<1x16xf32> to vector<16xf32>
        %add3A_1918 = arith.constant 1 : i32
        %add3A_1919 = arith.addi %mul3A_1876, %add3A_1918 : i32
        %get3A_1920 = arith.index_cast %add3A_1919 : i32 to index
        %get3A_1921 = arith.constant 16 : index
        %get3A_1922 = tpu.vector_load %arg13[%get3A_1920, %get3A_1921] {strides = array<i32>} : memref<512x32xf32, #tpu.memory_space<vmem>>, vector<1x16xf32>,
        %get3A_1923 = vector.shape_cast %get3A_1922 : vector<1x16xf32> to vector<16xf32>
        %add3A_1924 = arith.addf %get3A_1917, %get3A_1923 : vector<16xf32>
        %add3A_1925 = arith.constant 2 : i32
        %add3A_1926 = arith.addi %mul3A_1876, %add3A_1925 : i32
        %get3A_1927 = arith.index_cast %add3A_1926 : i32 to index
        %get3A_1928 = arith.constant 16 : index
        %get3A_1929 = tpu.vector_load %arg13[%get3A_1927, %get3A_1928] {strides = array<i32>} : memref<512x32xf32, #tpu.memory_space<vmem>>, vector<1x16xf32>,
        %get3A_1930 = vector.shape_cast %get3A_1929 : vector<1x16xf32> to vector<16xf32>
        %add3A_1931 = arith.constant 3 : i32
        %add3A_1932 = arith.addi %mul3A_1876, %add3A_1931 : i32
        %get3A_1933 = arith.index_cast %add3A_1932 : i32 to index
        %get3A_1934 = arith.constant 16 : index
        %get3A_1935 = tpu.vector_load %arg13[%get3A_1933, %get3A_1934] {strides = array<i32>} : memref<512x32xf32, #tpu.memory_space<vmem>>, vector<1x16xf32>,
        %get3A_1936 = vector.shape_cast %get3A_1935 : vector<1x16xf32> to vector<16xf32>
        %add3A_1937 = arith.addf %get3A_1930, %get3A_1936 : vector<16xf32>
        %add3A_1938 = arith.addf %add3A_1924, %add3A_1937 : vector<16xf32>
        %get3A_1939 = arith.index_cast %add3A_1872 : i32 to index
        %get3A_1940 = arith.constant 16 : index
        %get3A_1941 = tpu.vector_load %arg11[%get3A_1939, %get3A_1940] {strides = array<i32>} : memref<128x32xf32, #tpu.memory_space<vmem>>, vector<1x16xf32>,
        %get3A_1942 = vector.shape_cast %get3A_1941 : vector<1x16xf32> to vector<16xf32>
        %mul3A_1943 = vector.broadcast %squeeze3A_1874 : f32 to vector<16xf32>
        %mul3A_1944 = arith.mulf %add3A_1938, %mul3A_1943 : vector<16xf32>
        %add3A_1945 = arith.addf %get3A_1942, %mul3A_1944 : vector<16xf32>
        %swap3A_1946 = arith.index_cast %add3A_1872 : i32 to index
        %swap3A_1947 = arith.constant 16 : index
        %swap3A_1948 = tpu.vector_load %arg17[%swap3A_1946, %swap3A_1947] {strides = array<i32>} : memref<128x32xf32, #tpu.memory_space<vmem>>, vector<1x16xf32>,
        %swap3A_1949 = vector.shape_cast %swap3A_1948 : vector<1x16xf32> to vector<16xf32>
        %swap3A_1950 = vector.shape_cast %add3A_1945 : vector<16xf32> to vector<1x16xf32>
        tpu.vector_store %arg17[%swap3A_1946, %swap3A_1947], %swap3A_1950 {strides = array<i32>} : memref<128x32xf32, #tpu.memory_space<vmem>>, vector<1x16xf32>,
      }
      %scan3A_658 = arith.constant 8 : i32
      %dma_start3A_659 = arith.constant 0 : i32
      %dma_start3A_660 = arith.constant 0 : i32
      %dma_start3A_661 = tpu.memref_slice %arg5[%add3A_278, %dma_start3A_659, %dma_start3A_660] : memref<2048x128x32xf32, #tpu.memory_space<hbm>> -> memref<1x128x32xf32, #tpu.memory_space<hbm>>
      %dma_start3A_662 = tpu.memref_squeeze %dma_start3A_661 : memref<1x128x32xf32, #tpu.memory_space<hbm>> -> memref<128x32xf32, #tpu.memory_space<hbm>>
      %dma_start3A_663 = arith.constant 0 : i32
      %dma_start3A_664 = arith.constant 0 : i32
      %dma_start3A_665 = tpu.memref_slice %arg5[%add3A_278, %dma_start3A_663, %dma_start3A_664] : memref<2048x128x32xf32, #tpu.memory_space<hbm>> -> memref<1x128x32xf32, #tpu.memory_space<hbm>>
      %dma_start3A_666 = tpu.memref_squeeze %dma_start3A_665 : memref<1x128x32xf32, #tpu.memory_space<hbm>> -> memref<128x32xf32, #tpu.memory_space<hbm>>
      tpu.enqueue_dma source(%arg17 : memref<128x32xf32, #tpu.memory_space<vmem>>) target(%dma_start3A_666 : memref<128x32xf32, #tpu.memory_space<hbm>>) target_semaphore(%arg21 : memref<!tpu.dma_semaphore, #tpu.memory_space<semaphore_mem>>)
    }
    %scan3A_257 = arith.constant 32 : i32
    %dma_wait3A = arith.constant 0 : i32
    %dma_wait3A_258 = arith.constant 0 : i32
    %dma_wait3A_259 = tpu.memref_slice %arg5[%mul3A_2, %dma_wait3A, %dma_wait3A_258] : memref<2048x128x32xf32, #tpu.memory_space<hbm>> -> memref<1x128x32xf32, #tpu.memory_space<hbm>>
    %dma_wait3A_260 = tpu.memref_squeeze %dma_wait3A_259 : memref<1x128x32xf32, #tpu.memory_space<hbm>> -> memref<128x32xf32, #tpu.memory_space<hbm>>
    %dma_wait3A_261 = arith.constant 0 : i32
    %dma_wait3A_262 = arith.constant 0 : i32
    %dma_wait3A_263 = tpu.memref_slice %arg5[%mul3A_2, %dma_wait3A_261, %dma_wait3A_262] : memref<2048x128x32xf32, #tpu.memory_space<hbm>> -> memref<1x128x32xf32, #tpu.memory_space<hbm>>
    %dma_wait3A_264 = tpu.memref_squeeze %dma_wait3A_263 : memref<1x128x32xf32, #tpu.memory_space<hbm>> -> memref<128x32xf32, #tpu.memory_space<hbm>>
    tpu.wait_dma2 semaphore(%arg20 : memref<!tpu.dma_semaphore, #tpu.memory_space<semaphore_mem>>) src(%arg16 : memref<128x32xf32, #tpu.memory_space<vmem>>) dst(%dma_wait3A_264 : memref<128x32xf32, #tpu.memory_space<hbm>>)
    %dma_wait3A_265 = arith.constant 0 : i32
    %dma_wait3A_266 = arith.constant 0 : i32
    %dma_wait3A_267 = tpu.memref_slice %arg5[%mul3A_2, %dma_wait3A_265, %dma_wait3A_266] : memref<2048x128x32xf32, #tpu.memory_space<hbm>> -> memref<1x128x32xf32, #tpu.memory_space<hbm>>
    %dma_wait3A_268 = tpu.memref_squeeze %dma_wait3A_267 : memref<1x128x32xf32, #tpu.memory_space<hbm>> -> memref<128x32xf32, #tpu.memory_space<hbm>>
    %dma_wait3A_269 = arith.constant 0 : i32
    %dma_wait3A_270 = arith.constant 0 : i32
    %dma_wait3A_271 = tpu.memref_slice %arg5[%mul3A_2, %dma_wait3A_269, %dma_wait3A_270] : memref<2048x128x32xf32, #tpu.memory_space<hbm>> -> memref<1x128x32xf32, #tpu.memory_space<hbm>>
    %dma_wait3A_272 = tpu.memref_squeeze %dma_wait3A_271 : memref<1x128x32xf32, #tpu.memory_space<hbm>> -> memref<128x32xf32, #tpu.memory_space<hbm>>
    tpu.wait_dma2 semaphore(%arg21 : memref<!tpu.dma_semaphore, #tpu.memory_space<semaphore_mem>>) src(%arg17 : memref<128x32xf32, #tpu.memory_space<vmem>>) dst(%dma_wait3A_272 : memref<128x32xf32, #tpu.memory_space<hbm>>)
    return
  }
}

module attributes {stable_mosaic.version = 14 : i64} {
  func.func @_prep_body(%arg0: memref<512x32xf32, #tpu.memory_space<vmem>>, %arg1: memref<1032x32xf32, #tpu.memory_space<vmem>>, %arg2: memref<4x32x32xf32, #tpu.memory_space<vmem>>, %arg3: memref<4640x32xf32, #tpu.memory_space<vmem>>) attributes {dimension_semantics = [], scalar_prefetch = 0 : i64, scratch_operands = 0 : i64, tpu.core_type = #tpu.core_type<tc>} {
    %iota3A = tpu.iota {dimensions = array<i32: 0>} : vector<512x32xi32>
    %eq3A = arith.constant 0 : i32
    %eq3A_0 = vector.broadcast %eq3A : i32 to vector<512x32xi32>
    %eq3A_1 = arith.cmpi eq, %iota3A, %eq3A_0 : vector<512x32xi32>
    %get3A = arith.constant 0 : index
    %get3A_2 = arith.constant 0 : index
    %get3A_3 = vector.load %arg0[%get3A, %get3A_2] : memref<512x32xf32, #tpu.memory_space<vmem>>, vector<512x32xf32>
    %jit3A = arith.constant 0.000000e+00 : f32
    %broadcast_in_dim3A = vector.broadcast %jit3A : f32 to vector<512x32xf32>
    %select_n3A = arith.select %eq3A_1, %broadcast_in_dim3A, %get3A_3 : vector<512x32xi1>, vector<512x32xf32>
    %iota3A_4 = tpu.iota {dimensions = array<i32: 0>} : vector<1032x32xi32>
    %eq3A_5 = arith.constant 0 : i32
    %eq3A_6 = vector.broadcast %eq3A_5 : i32 to vector<1032x32xi32>
    %eq3A_7 = arith.cmpi eq, %iota3A_4, %eq3A_6 : vector<1032x32xi32>
    %get3A_8 = arith.constant 0 : index
    %get3A_9 = arith.constant 0 : index
    %get3A_10 = vector.load %arg1[%get3A_8, %get3A_9] : memref<1032x32xf32, #tpu.memory_space<vmem>>, vector<1032x32xf32>
    %jit3A_11 = arith.constant 0.000000e+00 : f32
    %broadcast_in_dim3A_12 = vector.broadcast %jit3A_11 : f32 to vector<1032x32xf32>
    %select_n3A_13 = arith.select %eq3A_7, %broadcast_in_dim3A_12, %get3A_10 : vector<1032x32xi1>, vector<1032x32xf32>
    %swap3A = arith.constant 0 : index
    %swap3A_14 = arith.constant 0 : index
    %swap3A_15 = vector.load %arg3[%swap3A, %swap3A_14] : memref<4640x32xf32, #tpu.memory_space<vmem>>, vector<512x32xf32>
    tpu.vector_store %arg3[%swap3A, %swap3A_14], %select_n3A {strides = array<i32>} : memref<4640x32xf32, #tpu.memory_space<vmem>>, vector<512x32xf32>,
    %get3A_16 = arith.constant 0 : index
    %get3A_17 = arith.constant 0 : index
    %get3A_18 = arith.constant 0 : index
    %get3A_19 = vector.load %arg2[%get3A_16, %get3A_17, %get3A_18] : memref<4x32x32xf32, #tpu.memory_space<vmem>>, vector<1x32x32xf32>
    %get3A_20 = vector.shape_cast %get3A_19 : vector<1x32x32xf32> to vector<32x32xf32>
    %dot_general3A = arith.constant dense<0.000000e+00> : vector<1032x32xf32>
    %dot_general3A_21 = tpu.matmul %select_n3A_13, %get3A_20, %dot_general3A {dimension_numbers = #tpu.dot_dimension_numbers<[1], [0], [0], [1], [0, 0, 1, 1], [], []>, transpose_lhs_hint = false} : vector<1032x32xf32>, vector<32x32xf32>, vector<1032x32xf32> -> vector<1032x32xf32>
    %swap3A_22 = arith.constant 512 : index
    %swap3A_23 = arith.constant 0 : index
    %swap3A_24 = vector.load %arg3[%swap3A_22, %swap3A_23] : memref<4640x32xf32, #tpu.memory_space<vmem>>, vector<1032x32xf32>
    tpu.vector_store %arg3[%swap3A_22, %swap3A_23], %dot_general3A_21 {strides = array<i32>} : memref<4640x32xf32, #tpu.memory_space<vmem>>, vector<1032x32xf32>,
    %get3A_25 = arith.constant 1 : index
    %get3A_26 = arith.constant 0 : index
    %get3A_27 = arith.constant 0 : index
    %get3A_28 = vector.load %arg2[%get3A_25, %get3A_26, %get3A_27] : memref<4x32x32xf32, #tpu.memory_space<vmem>>, vector<1x32x32xf32>
    %get3A_29 = vector.shape_cast %get3A_28 : vector<1x32x32xf32> to vector<32x32xf32>
    %dot_general3A_30 = arith.constant dense<0.000000e+00> : vector<1032x32xf32>
    %dot_general3A_31 = tpu.matmul %select_n3A_13, %get3A_29, %dot_general3A_30 {dimension_numbers = #tpu.dot_dimension_numbers<[1], [0], [0], [1], [0, 0, 1, 1], [], []>, transpose_lhs_hint = false} : vector<1032x32xf32>, vector<32x32xf32>, vector<1032x32xf32> -> vector<1032x32xf32>
    %swap3A_32 = arith.constant 1544 : index
    %swap3A_33 = arith.constant 0 : index
    %swap3A_34 = vector.load %arg3[%swap3A_32, %swap3A_33] : memref<4640x32xf32, #tpu.memory_space<vmem>>, vector<1032x32xf32>
    tpu.vector_store %arg3[%swap3A_32, %swap3A_33], %dot_general3A_31 {strides = array<i32>} : memref<4640x32xf32, #tpu.memory_space<vmem>>, vector<1032x32xf32>,
    %get3A_35 = arith.constant 2 : index
    %get3A_36 = arith.constant 0 : index
    %get3A_37 = arith.constant 0 : index
    %get3A_38 = vector.load %arg2[%get3A_35, %get3A_36, %get3A_37] : memref<4x32x32xf32, #tpu.memory_space<vmem>>, vector<1x32x32xf32>
    %get3A_39 = vector.shape_cast %get3A_38 : vector<1x32x32xf32> to vector<32x32xf32>
    %dot_general3A_40 = arith.constant dense<0.000000e+00> : vector<1032x32xf32>
    %dot_general3A_41 = tpu.matmul %select_n3A_13, %get3A_39, %dot_general3A_40 {dimension_numbers = #tpu.dot_dimension_numbers<[1], [0], [0], [1], [0, 0, 1, 1], [], []>, transpose_lhs_hint = false} : vector<1032x32xf32>, vector<32x32xf32>, vector<1032x32xf32> -> vector<1032x32xf32>
    %swap3A_42 = arith.constant 2576 : index
    %swap3A_43 = arith.constant 0 : index
    %swap3A_44 = vector.load %arg3[%swap3A_42, %swap3A_43] : memref<4640x32xf32, #tpu.memory_space<vmem>>, vector<1032x32xf32>
    tpu.vector_store %arg3[%swap3A_42, %swap3A_43], %dot_general3A_41 {strides = array<i32>} : memref<4640x32xf32, #tpu.memory_space<vmem>>, vector<1032x32xf32>,
    %get3A_45 = arith.constant 3 : index
    %get3A_46 = arith.constant 0 : index
    %get3A_47 = arith.constant 0 : index
    %get3A_48 = vector.load %arg2[%get3A_45, %get3A_46, %get3A_47] : memref<4x32x32xf32, #tpu.memory_space<vmem>>, vector<1x32x32xf32>
    %get3A_49 = vector.shape_cast %get3A_48 : vector<1x32x32xf32> to vector<32x32xf32>
    %dot_general3A_50 = arith.constant dense<0.000000e+00> : vector<1032x32xf32>
    %dot_general3A_51 = tpu.matmul %select_n3A_13, %get3A_49, %dot_general3A_50 {dimension_numbers = #tpu.dot_dimension_numbers<[1], [0], [0], [1], [0, 0, 1, 1], [], []>, transpose_lhs_hint = false} : vector<1032x32xf32>, vector<32x32xf32>, vector<1032x32xf32> -> vector<1032x32xf32>
    %swap3A_52 = arith.constant 3608 : index
    %swap3A_53 = arith.constant 0 : index
    %swap3A_54 = vector.load %arg3[%swap3A_52, %swap3A_53] : memref<4640x32xf32, #tpu.memory_space<vmem>>, vector<1032x32xf32>
    tpu.vector_store %arg3[%swap3A_52, %swap3A_53], %dot_general3A_51 {strides = array<i32>} : memref<4640x32xf32, #tpu.memory_space<vmem>>, vector<1032x32xf32>,
    return
  }
}

module attributes {stable_mosaic.version = 14 : i64} {
  func.func @_assemble_body(%arg0: i32, %arg1: i32, %arg2: memref<1x128x32xf32, #tpu.memory_space<vmem>>, %arg3: memref<1x32xf32, #tpu.memory_space<vmem>>, %arg4: memref<1x32x129x129xf32, #tpu.memory_space<vmem>>) attributes {dimension_semantics = [#tpu.dimension_semantics<arbitrary>, #tpu.dimension_semantics<arbitrary>], iteration_bounds = array<i64: 16, 128>, scalar_prefetch = 0 : i64, scratch_operands = 0 : i64, tpu.core_type = #tpu.core_type<tc>, window_params = [{transform_indices = @transform_0, window_bounds = array<i64: 1, 128, 32>}, {pipeline_mode = #tpu.pipeline_mode<synchronous>, transform_indices = @transform_1, window_bounds = array<i64: 1, 32>}, {transform_indices = @transform_2, window_bounds = array<i64: 1, 32, 129, 129>}]} {
    %get3A = arith.constant 0 : index
    %get3A_0 = arith.constant 0 : index
    %get3A_1 = vector.load %arg3[%get3A, %get3A_0] : memref<1x32xf32, #tpu.memory_space<vmem>>, vector<1x32xf32>
    %reshape3A = vector.shape_cast %get3A_1 : vector<1x32xf32> to vector<32x1xf32>
    %get3A_2 = arith.constant 0 : index
    %get3A_3 = arith.constant 0 : index
    %get3A_4 = arith.constant 0 : index
    %get3A_5 = vector.load %arg2[%get3A_2, %get3A_3, %get3A_4] : memref<1x128x32xf32, #tpu.memory_space<vmem>>, vector<1x128x32xf32>
    %get3A_6 = vector.shape_cast %get3A_5 : vector<1x128x32xf32> to vector<128x32xf32>
    %transpose3A = tpu.transpose %get3A_6, [1, 0] : vector<128x32xf32> -> vector<32x128xf32>
    %concatenate3A = tpu.concatenate %reshape3A, %transpose3A in 1 : vector<32x1xf32>, vector<32x128xf32> -> vector<32x129xf32>
    %add3A = arith.constant 1 : i32
    %add3A_7 = arith.addi %arg1, %add3A : i32
    %swap3A = arith.constant 0 : index
    %swap3A_8 = arith.constant 0 : index
    %swap3A_9 = arith.index_cast %add3A_7 : i32 to index
    %swap3A_10 = arith.constant 0 : index
    %swap3A_11 = vector.load %arg4[%swap3A, %swap3A_8, %swap3A_9, %swap3A_10] : memref<1x32x129x129xf32, #tpu.memory_space<vmem>>, vector<1x32x1x129xf32>
    %swap3A_12 = vector.shape_cast %swap3A_11 : vector<1x32x1x129xf32> to vector<32x129xf32>
    %swap3A_13 = vector.shape_cast %concatenate3A : vector<32x129xf32> to vector<1x32x1x129xf32>
    tpu.vector_store %arg4[%swap3A, %swap3A_8, %swap3A_9, %swap3A_10], %swap3A_13 {strides = array<i32>} : memref<1x32x129x129xf32, #tpu.memory_space<vmem>>, vector<1x32x1x129xf32>,
    %eq3A = arith.constant 0 : i32
    %eq3A_14 = arith.cmpi eq, %arg1, %eq3A : i32
    %convert_element_type3A = arith.extui %eq3A_14 : i1 to i32
    %cond3A = arith.constant 0 : i32
    %cond3A_15 = arith.cmpi ne, %convert_element_type3A, %cond3A : i32
    scf.if %cond3A_15 {
      %iota3A = tpu.iota {dimensions = array<i32: 1>} : vector<32x129xi32>
      %eq3A_16 = arith.constant 0 : i32
      %eq3A_17 = vector.broadcast %eq3A_16 : i32 to vector<32x129xi32>
      %eq3A_18 = arith.cmpi eq, %iota3A, %eq3A_17 : vector<32x129xi32>
      %broadcast_in_dim3A = vector.shape_cast %reshape3A : vector<32x1xf32> to vector<32x1xf32>
      %broadcast_in_dim3A_19 = vector.broadcast %broadcast_in_dim3A : vector<32x1xf32> to vector<32x129xf32>
      %jit3A = arith.constant 0.000000e+00 : f32
      %broadcast_in_dim3A_20 = vector.broadcast %jit3A : f32 to vector<32x129xf32>
      %select_n3A = arith.select %eq3A_18, %broadcast_in_dim3A_20, %broadcast_in_dim3A_19 : vector<32x129xi1>, vector<32x129xf32>
      %swap3A_21 = arith.constant 0 : index
      %swap3A_22 = arith.constant 0 : index
      %swap3A_23 = arith.constant 0 : index
      %swap3A_24 = arith.constant 0 : index
      %swap3A_25 = vector.load %arg4[%swap3A_21, %swap3A_22, %swap3A_23, %swap3A_24] : memref<1x32x129x129xf32, #tpu.memory_space<vmem>>, vector<1x32x1x129xf32>
      %swap3A_26 = vector.shape_cast %swap3A_25 : vector<1x32x1x129xf32> to vector<32x129xf32>
      %swap3A_27 = vector.shape_cast %select_n3A : vector<32x129xf32> to vector<1x32x1x129xf32>
      tpu.vector_store %arg4[%swap3A_21, %swap3A_22, %swap3A_23, %swap3A_24], %swap3A_27 {strides = array<i32>} : memref<1x32x129x129xf32, #tpu.memory_space<vmem>>, vector<1x32x1x129xf32>,
    } else {
    }
    return
  }
  func.func @transform_0(%arg0: i32, %arg1: i32) -> (i32, i32, i32) {
    %mul3A = arith.constant 128 : i32
    %mul3A_0 = arith.muli %arg0, %mul3A : i32
    %add3A = arith.addi %mul3A_0, %arg1 : i32
    %c0_i32 = arith.constant 0 : i32
    %c0_i32_1 = arith.constant 0 : i32
    %c0_i32_2 = arith.constant 0 : i32
    return %add3A, %c0_i32, %c0_i32_1 : i32, i32, i32
  }
  func.func @transform_1(%arg0: i32, %arg1: i32) -> (i32, i32) {
    %c0_i32 = arith.constant 0 : i32
    %c0_i32_0 = arith.constant 0 : i32
    %c0_i32_1 = arith.constant 0 : i32
    return %c0_i32, %c0_i32_0 : i32, i32
  }
  func.func @transform_2(%arg0: i32, %arg1: i32) -> (i32, i32, i32, i32) {
    %c0_i32 = arith.constant 0 : i32
    %c0_i32_0 = arith.constant 0 : i32
    %c0_i32_1 = arith.constant 0 : i32
    %c0_i32_2 = arith.constant 0 : i32
    return %arg0, %c0_i32, %c0_i32_0, %c0_i32_1 : i32, i32, i32, i32
  }
}

</mosaic_0001>

<sc_bundles>
// kernel: kernel.5.cloned.1.call-start
scs
__scs_entry_jumppad:
0x0: {  	(pc) =	sbr.rel $0x88, $3  }
0x1: {  	(tag) =	ssettag $0x0;
	lr =	simm.s32 $0x1  }
0x2: {  	[smem:$0x3F9B] =	sst lr;
	_ =	strace $0xD0000000  }
0x3: {  	_ = 	snop  }
0x4: {  	_ = 	snop  }
0x5: {  	_ = 	snop  }
0x6: {  	_ = 	snop  }
0x7: {  	_ = 	snop  }
__scs_overlays_trampoline_lowered:
0x8: {  	[smem:$0x3FAA] =	sst s0  }
0x9: {  	[smem:$0x3FAB] =	sst s1  }
0xa: {  	[smem:$0x3FAC] =	sst s2  }
0xb: {  	[smem:$0x3FAD] =	sst s3  }
0xc: {  	[smem:$0x3FAE] =	sst s4  }
0xd: {  	[smem:$0x3FAF] =	sst s5  }
0xe: {  	[smem:$0x3FB0] =	sst s6  }
0xf: {  	[smem:$0x3FB1] =	sst s7  }
0x10: {  	[smem:$0x3FB2] =	sst s8  }
0x11: {  	[smem:$0x3FB3] =	sst s9;
	s0 =	simm.s32 @!p0 $0x0  }
0x12: {  	s1 =	sld [smem:$0x3F99];
	s0 =	simm.s32 @p0 $0x1  }
0x13: {  	[smem:$0x3FB4] =	sst s0;
	s0 =	simm.s32 @!p1 $0x0  }
0x14: {  	s2 =	sld [smem:$0x3F98];
	s0 =	simm.s32 @p1 $0x1  }
0x15: {  	[smem:$0x3FB5] =	sst s0;
	s0 =	simm.s32 @!p2 $0x0  }
0x16: {  	s3 =	sld [smem:$0x3FDB];
	s0 =	simm.s32 @p2 $0x1  }
0x17: {  	s4 =	simm.s32 $0x1BF5;
	[smem:$0x3FB7] =	sst s0  }
0x18: {  	s0 =	sld [smem:$0x3F9A];
	_ =	swait.ge [sflag:s4], $0x0  }
0x19: {  	s7 =	sld [smem:$0x3F9B]  }
0x1a: {  	s8 =	sadd.s32 $0xFFFFE003, lr  }
0x1b: {  	s9 =	sadd.s32 $0xFFFFFEF7, lr;
	s5 =	simm.s32 $0xFFFFFFFF;
	p2 =	slt.u32 s8, $0xFFFFF086  }
0x1c: {  	p1 =	slt.u32 s9, $0xF7A;
	s5 =	simm.s32 @!p2 $0x0  }
0x1d: {  	s5 =	simm.s32 @p1 $0x1;
	p0 =	seq.s32 s7, s2  }
0x1e: {  	s7 =	smul.u32 @!p0 $0xF7A, s2;
	p2 =	seq.s32 @!p0 s5, $0x0  }
0x1f: {  	s9 =	smul.u32 $0xF7A, s1;
	s8 =	simm.s32 @!p0 $0x1BF5;
	p2 =	por !p2, p0  }
0x20: {  	[sflag:s8] =	ssyncset.s32 @!p0 $0xFFFFF086;
	s6 =	sadd.s32 @!p0 s3, s7;
	s7 =	simm.s32 @!p0 $0x108  }
0x21: {  	s3 =	sadd.s32 s3, s9;
	s6 =	sadd.s32 @!p0 $0x88, s6;
	s7 =	simm.s32 @p2 $0x1082  }
0x22: {  	[simem:s7], [sflag:s8] =	dma.local @!p0 [hbm:s6], $0xF7A  }
0x23: {  	s9 =	sor.u32 $0xD0000000, s2;
	s6 =	simm.s32 $0x108;
	_ =	swait.ge @!p0 [sflag:s8], $0x0  }
0x24: {  	s3 =	sadd.s32 $0x88, s3;
	s6 =	simm.s32 @!p1 $0x1082;
	[sflag:s4] =	ssyncset.s32 $0xFFFFF086  }
0x25: {  	[simem:s6], [sflag:s4] =	dma.local [hbm:s3], $0xF7A  }
0x26: {  	[smem:$0x3F9B] =	sst s1;
	(tag) =	ssettag s2;
	_ =	strace s9  }
0x27: {  	s1 =	sld [smem:$0x3FAB]  }
0x28: {  	s2 =	sld [smem:$0x3FAC]  }
0x29: {  	s4 =	sld [smem:$0x3FAE]  }
0x2a: {  	p0 =	seq.s32 s5, $0x0;
	s5 =	sld [smem:$0x3FAF]  }
0x2b: {  	s6 =	sld [smem:$0x3FB0]  }
0x2c: {  	s7 =	sld [smem:$0x3FB1]  }
0x2d: {  	s3 =	simm.s32 $0x108;
	s8 =	sld [smem:$0x3FB2]  }
0x2e: {  	s3 =	simm.s32 @!p0 $0x1082;
	s9 =	sld [smem:$0x3FB3]  }
0x2f: {  	lr =	sadd.s32 s0, s3;
	s0 =	sld [smem:$0x3FAA]  }
0x30: {  	s3 =	sld [smem:$0x3FAD]  }
0x31: {  	[smem:$0x3FB6] =	sst s10  }
0x32: {  	s10 =	sld [smem:$0x3FB4];
	_ =	sdelay $0x3  }
0x33: {  	p0 =	seq.s32 s10, $0x1;
	s10 =	sld [smem:$0x3FB6];
	_ =	sdelay $0x3  }
0x34: {  	[smem:$0x3FB6] =	sst s10  }
0x35: {  	s10 =	sld [smem:$0x3FB5];
	_ =	sdelay $0x3  }
0x36: {  	p1 =	seq.s32 s10, $0x1;
	s10 =	sld [smem:$0x3FB6];
	_ =	sdelay $0x3  }
0x37: {  	[smem:$0x3FB6] =	sst s10  }
0x38: {  	s10 =	sld [smem:$0x3FB7]  }
0x39: {  	_ = 	snop;
	(pc) =	sbr.ind lr, $3  }
0x3a: {  	_ = 	snop  }
0x3b: {  	_ = 	snop  }
0x3c: {  	p2 =	seq.s32 s10, $0x1;
	s10 =	sld [smem:$0x3FB6]  }
0x3d: {  	_ =	shalt  }
0x3e: {  	_ =	shalt  }
0x3f: {  	_ =	shalt  }
0x40: {  	_ =	shalt  }
0x41: {  	_ =	shalt  }
0x42: {  	_ =	shalt  }
0x43: {  	_ =	shalt  }
0x44: {  	_ =	shalt  }
0x45: {  	_ =	shalt  }
0x46: {  	_ =	shalt  }
0x47: {  	_ =	shalt  }
0x48: {  	_ =	shalt  }
0x49: {  	_ =	shalt  }
0x4a: {  	_ =	shalt  }
0x4b: {  	_ =	shalt  }
0x4c: {  	_ =	shalt  }
0x4d: {  	_ =	shalt  }
0x4e: {  	_ =	shalt  }
0x4f: {  	_ =	shalt  }
0x50: {  	_ =	shalt  }
0x51: {  	_ =	shalt  }
0x52: {  	_ =	shalt  }
0x53: {  	_ =	shalt  }
0x54: {  	_ =	shalt  }
0x55: {  	_ =	shalt  }
0x56: {  	_ =	shalt  }
0x57: {  	_ =	shalt  }
0x58: {  	_ =	shalt  }
0x59: {  	_ =	shalt  }
0x5a: {  	_ =	shalt  }
0x5b: {  	_ =	shalt  }
0x5c: {  	_ =	shalt  }
0x5d: {  	_ =	shalt  }
0x5e: {  	_ =	shalt  }
0x5f: {  	_ =	shalt  }
0x60: {  	_ =	shalt  }
0x61: {  	_ =	shalt  }
0x62: {  	_ =	shalt  }
0x63: {  	_ =	shalt  }
0x64: {  	_ =	shalt  }
0x65: {  	_ =	shalt  }
0x66: {  	_ =	shalt  }
0x67: {  	_ =	shalt  }
0x68: {  	_ =	shalt  }
0x69: {  	_ =	shalt  }
0x6a: {  	_ =	shalt  }
0x6b: {  	_ =	shalt  }
0x6c: {  	_ =	shalt  }
0x6d: {  	_ =	shalt  }
0x6e: {  	_ =	shalt  }
0x6f: {  	_ =	shalt  }
0x70: {  	_ =	shalt  }
0x71: {  	_ =	shalt  }
0x72: {  	_ =	shalt  }
0x73: {  	_ =	shalt  }
0x74: {  	_ =	shalt  }
0x75: {  	_ =	shalt  }
0x76: {  	_ =	shalt  }
0x77: {  	_ =	shalt  }
0x78: {  	_ =	shalt  }
0x79: {  	_ =	shalt  }
0x7a: {  	_ =	shalt  }
0x7b: {  	_ =	shalt  }
0x7c: {  	_ =	shalt  }
0x7d: {  	_ =	shalt  }
0x7e: {  	_ =	shalt  }
0x7f: {  	_ =	shalt  }
0x80: {  	_ =	shalt  }
0x81: {  	_ =	shalt  }
0x82: {  	_ =	shalt  }
0x83: {  	_ =	shalt  }
0x84: {  	_ =	shalt  }
0x85: {  	_ =	shalt  }
0x86: {  	_ =	shalt  }
0x87: {  	_ =	shalt  }
.Lfunc_end0:
.L_simem_size_0:
called_computation_lowered:
.L_overlay_start_0:
0x88: {  	s2 =	sld [smem:$0x3FD9]  }
0x89: {  	s3 =	sld [smem:$0x3FFE];
	_ =	sdelay $0x1  }
0x8a: {  	s1 =	srdreg.scid  }
0x8b: {  	s0 =	sand.u32 $0x1, s1  }
0x8c: {  	s17 =	sshll.u32 s0, $0xA;
	s2 =	sadd.s32 s3, s2  }
0x8d: {  	s2 =	sadd.s32 s2, s17  }
0x8e: {  	[smem:$0x3FC2] =	sst s2  }
0x8f: {  	_ = 	snop  }
0x90: {  	s2 =	sld [smem:$0x3FC9]  }
0x91: {  	s18 =	sld [smem:$0x3FD0];
	(tm) =	ssettm $0x1  }
0x92: {  	s4 =	sld [smem:$0x3FFB];
	_ =	sdelay $0x3  }
0x93: {  	_ =	strace s4  }
0x94: {  	s4 =	sld [smem:$0x3FFC];
	_ =	sdelay $0x3  }
0x95: {  	_ =	strace s4  }
0x96: {  	s4 =	sld [smem:$0x3FFD];
	_ =	sdelay $0x3  }
0x97: {  	_ =	strace s4  }
0x98: {  	_ =	strace $0x8FFFFFFF  }
0x99: {  	s19 =	sld [smem:$0x3FDB];
	_ =	sdelay $0x1  }
0x9a: {  	s5 =	simm.s32 $_scs_section_size  }
0x9b: {  	s6 =	simm.s32 $_size__tile_overlayer_lowered;
	s7 =	simm.s32 $_tile_overlayer_lowered  }
0x9c: {  	s22 =	simm.s32 $0x1BFF;
	s21 =	sshll.u32 s7, $0x1;
	s4 =	sadd.s32 s5, s19  }
0x9d: {  	s8 =	simm.s32 $0x0;
	s20 =	sshll.u32 s6, $0x1;
	s6 =	sadd.s32 s21, s4  }
0x9e: {  	[timem:s8], [sflag:s22] =	dma.local [hbm:s6], s20  }
0x9f: {  	_ =	swait.ge [sflag:s22], s20  }
0xa0: {  	s5 =	ssub.s32 $0x0, s20;
	[sflag:s22] =	ssyncset.done $0x0  }
0xa1: {  	[sflag:s22] =	ssyncadd.s32 s5;
	_ =	sdelay $0x1  }
0xa2: {  	s23 =	simm.s32 $0x1B8B  }
0xa3: {  	_ =	swait.ge [sflag:s23], $0x1  }
0xa4: {  	[sflag:s23] =	ssyncset.done $0x0  }
0xa5: {  	s25 =	simm.s32 $0x1B8E;
	s24 =	sld [smem:$0x3FFE];
	[sflag:s23] =	ssyncadd.s32 $0xFFFFFFFF  }
0xa6: {  	s26 =	simm.s32 $execute0_lowered;
	[smem:$0x3FD2] =	sst s25  }
0xa7: {  	s6 =	sshll.u32 s26, $0x1;
	_ =	strace $0x80000046;
	[dreg:$0x1] =	wrdreg $0xFFFFFFFF  }
0xa8: {  	s28 =	simm.s32 $_size_execute0_lowered;
	s4 =	sadd.s32 s4, s6;
	[dreg:$0x0] =	wrdreg $0x0  }
0xa9: {  	s6 =	sshll.u32 s28, $0x1;
	[dreg:$0x2] =	wrdreg s4  }
0xaa: {  	[dreg:$0x3] =	wrdreg s6  }
0xab: {  	[dreg:$0x4] =	wrdreg $0xC0  }
0xac: {  	_ =	task [dreg:s8], $0x5FFFF  }
0xad: {  	[dreg:$0x1] =	wrdreg $0xFFFFFFFF  }
0xae: {  	[dreg:$0x0] =	wrdreg $0x60  }
0xaf: {  	[dreg:$0x2] =	wrdreg s24  }
0xb0: {  	[dreg:$0x3] =	wrdreg s2  }
0xb1: {  	[dreg:$0x4] =	wrdreg s18  }
0xb2: {  	[dreg:$0x5] =	wrdreg $0x9  }
0xb3: {  	_ =	task.clear_ibuf [dreg:s8], $0x6FFFF;
	_ =	strace $0x90000046  }
0xb4: {  	s29 =	simm.s32 $0x9;
	_ =	strace $0x80000048  }
0xb5: {  	_ =	swait.ge [sflag:s29], $0x1  }
0xb6: {  	[sflag:s29] =	ssyncadd.s32 $0xFFFFFFFF  }
0xb7: {  	_ =	strace $0x90000048  }
0xb8: {  	_ =	sfence  }
0xb9: {  	s30 =	sld [smem:$0x0];
	_ =	sdelay $0x2  }
0xba: {  	s31 =	sshll.u32 s1, $0xD;
	s1 =	sshrl.u32 s1, $0x2  }
0xbb: {  	s3 =	sand.u32 $0x4000, s31;
	s1 =	sadd.s32 s1, s30  }
0xbc: {  	s0 =	sor.u32 s3, s0;
	s1 =	sshll.u32 s1, $0x11  }
0xbd: {  	s0 =	sor.u32 s1, s0  }
0xbe: {  	s0 =	sadd.s32 $0x8F2B, s0  }
0xbf: {  	[sflag:s0] =	ssyncadd.remote.s32 $0x1  }
0xc0: {  	_ =	sfence.sel $0xFFFF  }
0xc1: {  	[dreg:$0x0] =	wrdreg $0xFFFFFFFF;
	(pc) =	sbr.abs _section_cstart, $3  }
0xc2: {  	[dreg:$0x1] =	wrdreg $0xFFFFFFFF  }
0xc3: {  	_ =	task.clear_ibuf [dreg:s8], $0x2FFFF;
	_ =	strace $0x9FFFFFFF  }
0xc4: {  	(tm) =	ssettm $0x7FFFFFFF  }
0xc5: {  	_ =	shalt  }
tec
execute0_lowered:
.L_overlay_start_1:
0x0: {  	(tag) =	ssettag $0x1  }
0x1: {  	s0 =	rddreg [dreg:$0x0]  }
0x2: {  	s1 =	rddreg [dreg:$0x1]  }
0x3: {  	s2 =	rddreg [dreg:$0x2];
	s3 =	simm.s32 $0x0;
	s4 =	srdreg.scid  }
0x4: {  	s9 =	stileid.u32;
	s11 =	simm.s32 $0x5;
	s12 =	simm.s32 $0x100  }
0x5: {  	s13 =	simm.s32 $0x80;
	s20 =	simm.s32 $0x280;
	s21 =	simm.s32 $0x5500  }
0x6: {  	s22 =	simm.s32 $0x300;
	s23 =	simm.s32 $0x1500;
	s24 =	simm.s32 $0x6500  }
0x7: {  	s28 =	simm.s32 $0x400;
	s29 =	simm.s32 $0x8500;
	s30 =	simm.s32 $0x480  }
0x8: {  	s31 =	simm.s32 $0x9500;
	s15 =	simm.s32 $0x0;
	s4 =	sand.u32 $0x1, s4  }
0x9: {  	[smem:$0x7FF] =	sst s3;
	s7 =	ssub.s32 $0x2, s4;
	s4 =	sshll.u32 s4, $0x4  }
0xa: {  	s5 =	sadd.s32 $0x400, s0;
	s8 =	sshrl.u32 s7, $0x1;
	s4 =	sor.u32 s9, s4  }
0xb: {  	s6 =	sadd.s32 $0x4E00, s0;
	s25 =	ssub.s32 s7, s8;
	s26 =	sshll.u32 s4, $0xA  }
0xc: {  	s7 =	sshll.u32 s4, $0x6;
	s4 =	sshll.u32 s4, $0xC;
	s8 =	sadd.s32 s1, s26  }
0xd: {  	_ =	strace $0x80000047;
	s4 =	sadd.s32 s6, s4;
	[dreg:$0x4] =	wrdreg s8  }
0xe: {  	s9 =	simm.s32 $0xB600;
	s0 =	smax.u32 s25, $0x1;
	[dreg:$0x5] =	wrdreg s4  }
0xf: {  	s25 =	simm.s32 $0x380;
	s26 =	simm.s32 $0x7500;
	[dreg:$0x6] =	wrdreg s0  }
0x10: {  	v0 =	vimm.s32 $0x0;
	s0 =	simm.s32 $0x1;
	s4 =	simm.s32 $0xA600;
	s8 =	simm.s32 $0x2  }
.LBB2_1:
0x11: {  	[dreg:$0x7] =	wrdreg s15  }
0x12: {  	s10 =	rddreg [dreg:$0x4]  }
0x13: {  	[tilespmem:s3], [sflag:$0x5] =	stream.linear.gather [hbm4b:s10+s3], $0x80, $0x38;
	[tilespmem:$0xC600] =	vst v63  }
0x14: {  	_ =	swait.ge [sflag:s11], $0x80  }
0x15: {  	[sflag:s11] =	ssyncset.done $0x0  }
0x16: {  	s14 =	rddreg [dreg:$0x5];
	[sflag:s11] =	ssyncadd.s32 $0xFFFFFF80  }
0x17: {  	[tilespmem:s12], [sflag:$0x5] =	stream.linear.gather [hbm4b:s14+s3], $0x200, $0x38;
	[tilespmem:$0xC600] =	vst v63  }
0x18: {  	_ =	swait.ge [sflag:s11], $0x200  }
0x19: {  	[sflag:s11] =	ssyncset.done $0x0  }
0x1a: {  	[sflag:s11] =	ssyncadd.s32 $0xFFFFFE00  }
0x1b: {  	v1 =	vld [tilespmem:$0x0];
	_ =	sdelay $0x1  }
0x1c: {  	v2 =	vld [tilespmem:$0x10];
	_ =	sdelay $0x1  }
0x1d: {  	v3 =	vld [tilespmem:$0x20]  }
0x1e: {  	v1 =	vmax.u32 v1, $0x1  }
0x1f: {  	v5 =	vld [tilespmem:$0x40];
	vm0 =	vgt.s32 v1, $0x1  }
0x20: {  	v7 =	vld [tilespmem:$0x50];
	v2 =	vmax.u32 v2, $0x1;
	v4 =	vsel vm0, $0xFFFFFFFF, v0  }
0x21: {  	vm9 =	vgt.s32 v2, $0x1;
	v1 =	vadd.s32 v4, v1  }
0x22: {  	v57 =	vld [tilespmem:$0x70];
	v3 =	vmax.u32 v3, $0x1;
	v54 =	vsel vm9, $0xFFFFFFFF, v0;
	v1 =	vcvt.s32.f32 v1  }
0x23: {  	v55 =	vld [tilespmem:$0x30];
	vm10 =	vgt.s32 v3, $0x1;
	v2 =	vadd.s32 v54, v2  }
0x24: {  	v6 =	vsel vm10, $0xFFFFFFFF, v0;
	v2 =	vcvt.s32.f32 v2;
	v1 =	vadd.f32 $9.999999710e-10, v1  }
0x25: {  	v56 =	vmax.u32 v5, $0x1;
	v7 =	vmax.u32 v7, $0x1;
	v3 =	vadd.s32 v6, v3  }
0x26: {  	v2 =	vadd.f32 $9.999999710e-10, v2;
	(erf) = vrcp.f32 v1;
	v1 =	vcvt.s32.f32 v3;
	v3 =	vld [tilespmem:$0x60]  }
0x27: {  	v5 =	vmax.u32 v57, $0x1;
	vm12 =	vgt.s32 v56, $0x1;
	vm13 =	vgt.s32 v7, $0x1  }
0x28: {  	(erf) = vrcp.f32 v2;
	v2 =	vmax.u32 v55, $0x1;
	v1 =	vadd.f32 $9.999999710e-10, v1  }
0x29: {  	vm15 =	vgt.s32 v5, $0x1;
	v59 =	vsel vm13, $0xFFFFFFFF, v0;
	vm11 =	vgt.s32 v2, $0x1  }
0x2a: {  	v62 =	vsel vm15, $0xFFFFFFFF, v0;
	v58 =	vsel vm11, $0xFFFFFFFF, v0;
	(erf) = vrcp.f32 v1  }
0x2b: {  	v1 =	vsel vm12, $0xFFFFFFFF, v0;
	v2 =	vadd.s32 v58, v2;
	v3 =	vmax.u32 v3, $0x1  }
0x2c: {  	v1 =	vadd.s32 v1, v56;
	v2 =	vcvt.s32.f32 v2;
	vm14 =	vgt.s32 v3, $0x1  }
0x2d: {  	v60 =	vadd.s32 v59, v7;
	v1 =	vcvt.s32.f32 v1;
	v61 =	vsel vm14, $0xFFFFFFFF, v0  }
0x2e: {  	v4 =	vcvt.s32.f32 v60;
	v2 =	vadd.f32 $9.999999710e-10, v2;
	v3 =	vadd.s32 v61, v3  }
0x2f: {  	v5 =	vadd.s32 v62, v5;
	v1 =	vadd.f32 $9.999999710e-10, v1;
	v3 =	vcvt.s32.f32 v3  }
0x30: {  	v63 =	vcvt.s32.f32 v5;
	(erf) = vrcp.f32 v2;
	v2 =	vadd.f32 $9.999999710e-10, v4  }
0x31: {  	(erf) = vrcp.f32 v1;
	v1 =	vadd.f32 $9.999999710e-10, v3  }
0x32: {  	(erf) = vrcp.f32 v2;
	v2 =	vadd.f32 $9.999999710e-10, v63  }
0x33: {  	(erf) = vrcp.f32 v1  }
0x34: {  	(erf) = vrcp.f32 v2;
	_ =	sdelay $0x1  }
0x35: {  	v1 =	vpop (erf)  }
0x36: {  	v2 =	vpop (erf);
	[tilespmem:$0xA500] =	vst v1  }
0x37: {  	v1 =	vpop (erf);
	[tilespmem:$0xA510] =	vst v2  }
0x38: {  	v2 =	vpop (erf);
	[tilespmem:$0xA520] =	vst v1  }
0x39: {  	v1 =	vpop (erf);
	[tilespmem:$0xA530] =	vst v2  }
0x3a: {  	v2 =	vpop (erf);
	[tilespmem:$0xA540] =	vst v1  }
0x3b: {  	[tilespmem:$0xA550] =	vst v2;
	v1 =	vpop (erf)  }
0x3c: {  	[tilespmem:$0xA560] =	vst v1;
	v1 =	vpop (erf)  }
0x3d: {  	s15 =	simm.s32 $0x500;
	[tilespmem:$0xA570] =	vst v1  }
0x3e: {  	[tilespmem:s15], [sflag:$0x1] =	stream.indirect.gather [hbm4b:s5+s13], $0x20, s3, s13, $0xb8;
	[tilespmem:$0xC600] =	vst v63  }
0x3f: {  	s16 =	simm.s32 $0x2500  }
0x40: {  	[tilespmem:s16], [sflag:$0x1] =	stream.indirect.gather [hbm4b:s5+s13], $0x20, s12, s13, $0xb8;
	[tilespmem:$0xC600] =	vst v63  }
0x41: {  	s17 =	simm.s32 $0x180;
	s14 =	simm.s32 $0x3500  }
0x42: {  	[tilespmem:s14], [sflag:$0x1] =	stream.indirect.gather [hbm4b:s5+s13], $0x20, s17, s13, $0xb8;
	[tilespmem:$0xC600] =	vst v63  }
0x43: {  	s18 =	simm.s32 $0x200;
	s19 =	simm.s32 $0x4500  }
0x44: {  	[tilespmem:s19], [sflag:$0x1] =	stream.indirect.gather [hbm4b:s5+s13], $0x20, s18, s13, $0xb8;
	[tilespmem:$0xC600] =	vst v63  }
0x45: {  	s10 =	simm.s32 $0x0  }
0x46: {  	[tilespmem:s21], [sflag:$0x1] =	stream.indirect.gather [hbm4b:s5+s13], $0x20, s20, s13, $0xb8;
	[tilespmem:$0xC600] =	vst v63  }
.LBB2_2:
0x47: {  	s14 =	sshll.u32 s10, $0x1  }
0x48: {  	s15 =	sadd.s32 s7, s14  }
0x49: {  	s14 =	sor.u32 $0x1, s15  }
0x4a: {  	s16 =	sshll.u32 s14, $0x4  }
0x4b: {  	s16 =	sand.u32 $0x1FFFFFF0, s16  }
0x4c: {  	s16 =	sadd.s32 s1, s16  }
0x4d: {  	[tilespmem:s13], [sflag:$0x5] =	stream.linear.gather [hbm4b:s16+s3], $0x80, $0x38;
	[tilespmem:$0xC600] =	vst v63  }
0x4e: {  	s19 =	sshll.u32 s14, $0x6;
	_ =	swait.ge [sflag:s11], $0x80  }
0x4f: {  	s16 =	sand.u32 $0x1FFFFFC0, s19;
	[sflag:s11] =	ssyncset.done $0x0  }
0x50: {  	s16 =	sadd.s32 s6, s16;
	[sflag:s11] =	ssyncadd.s32 $0xFFFFFF80  }
0x51: {  	[tilespmem:s22], [sflag:$0x5] =	stream.linear.gather [hbm4b:s16+s3], $0x200, $0x38;
	[tilespmem:$0xC600] =	vst v63  }
0x52: {  	_ =	swait.ge [sflag:s11], $0x200  }
0x53: {  	[sflag:s11] =	ssyncset.done $0x0  }
0x54: {  	[sflag:s11] =	ssyncadd.s32 $0xFFFFFE00  }
0x55: {  	v1 =	vld [tilespmem:$0x80];
	_ =	sdelay $0x1  }
0x56: {  	v2 =	vld [tilespmem:$0x90];
	_ =	sdelay $0x1  }
0x57: {  	v3 =	vld [tilespmem:$0xA0]  }
0x58: {  	v1 =	vmax.u32 v1, $0x1  }
0x59: {  	v5 =	vld [tilespmem:$0xC0];
	vm0 =	vgt.s32 v1, $0x1  }
0x5a: {  	v7 =	vld [tilespmem:$0xD0];
	v2 =	vmax.u32 v2, $0x1;
	v4 =	vsel vm0, $0xFFFFFFFF, v0  }
0x5b: {  	vm9 =	vgt.s32 v2, $0x1;
	v1 =	vadd.s32 v4, v1  }
0x5c: {  	v57 =	vld [tilespmem:$0xF0];
	v3 =	vmax.u32 v3, $0x1;
	v54 =	vsel vm9, $0xFFFFFFFF, v0;
	v1 =	vcvt.s32.f32 v1  }
0x5d: {  	v55 =	vld [tilespmem:$0xB0];
	vm10 =	vgt.s32 v3, $0x1;
	v2 =	vadd.s32 v54, v2  }
0x5e: {  	v6 =	vsel vm10, $0xFFFFFFFF, v0;
	v2 =	vcvt.s32.f32 v2;
	v1 =	vadd.f32 $9.999999710e-10, v1  }
0x5f: {  	v56 =	vmax.u32 v5, $0x1;
	v7 =	vmax.u32 v7, $0x1;
	v3 =	vadd.s32 v6, v3  }
0x60: {  	v2 =	vadd.f32 $9.999999710e-10, v2;
	(erf) = vrcp.f32 v1;
	v1 =	vcvt.s32.f32 v3;
	v3 =	vld [tilespmem:$0xE0]  }
0x61: {  	v5 =	vmax.u32 v57, $0x1;
	vm12 =	vgt.s32 v56, $0x1;
	vm13 =	vgt.s32 v7, $0x1  }
0x62: {  	(erf) = vrcp.f32 v2;
	v2 =	vmax.u32 v55, $0x1;
	v1 =	vadd.f32 $9.999999710e-10, v1  }
0x63: {  	vm15 =	vgt.s32 v5, $0x1;
	v59 =	vsel vm13, $0xFFFFFFFF, v0;
	vm11 =	vgt.s32 v2, $0x1  }
0x64: {  	v62 =	vsel vm15, $0xFFFFFFFF, v0;
	v58 =	vsel vm11, $0xFFFFFFFF, v0;
	(erf) = vrcp.f32 v1  }
0x65: {  	v1 =	vsel vm12, $0xFFFFFFFF, v0;
	v2 =	vadd.s32 v58, v2;
	v3 =	vmax.u32 v3, $0x1  }
0x66: {  	v1 =	vadd.s32 v1, v56;
	v2 =	vcvt.s32.f32 v2;
	vm14 =	vgt.s32 v3, $0x1  }
0x67: {  	v60 =	vadd.s32 v59, v7;
	v1 =	vcvt.s32.f32 v1;
	v61 =	vsel vm14, $0xFFFFFFFF, v0  }
0x68: {  	v4 =	vcvt.s32.f32 v60;
	v2 =	vadd.f32 $9.999999710e-10, v2;
	v3 =	vadd.s32 v61, v3  }
0x69: {  	v5 =	vadd.s32 v62, v5;
	v1 =	vadd.f32 $9.999999710e-10, v1;
	v3 =	vcvt.s32.f32 v3  }
0x6a: {  	v63 =	vcvt.s32.f32 v5;
	(erf) = vrcp.f32 v2;
	v2 =	vadd.f32 $9.999999710e-10, v4  }
0x6b: {  	(erf) = vrcp.f32 v1;
	v1 =	vadd.f32 $9.999999710e-10, v3  }
0x6c: {  	(erf) = vrcp.f32 v2;
	v2 =	vadd.f32 $9.999999710e-10, v63  }
0x6d: {  	(erf) = vrcp.f32 v1  }
0x6e: {  	(erf) = vrcp.f32 v2;
	_ =	sdelay $0x1  }
0x6f: {  	v1 =	vpop (erf)  }
0x70: {  	v2 =	vpop (erf);
	[tilespmem:$0xA580] =	vst v1  }
0x71: {  	v1 =	vpop (erf);
	[tilespmem:$0xA590] =	vst v2  }
0x72: {  	v2 =	vpop (erf);
	[tilespmem:$0xA5A0] =	vst v1  }
0x73: {  	v1 =	vpop (erf);
	[tilespmem:$0xA5B0] =	vst v2  }
0x74: {  	v2 =	vpop (erf);
	[tilespmem:$0xA5C0] =	vst v1  }
0x75: {  	[tilespmem:$0xA5D0] =	vst v2;
	v1 =	vpop (erf)  }
0x76: {  	[tilespmem:$0xA5E0] =	vst v1;
	v1 =	vpop (erf)  }
0x77: {  	[tilespmem:$0xA5F0] =	vst v1  }
0x78: {  	[tilespmem:s23], [sflag:$0x2] =	stream.indirect.gather [hbm4b:s5+s13], $0x20, s13, s13, $0xb8;
	[tilespmem:$0xC600] =	vst v63  }
0x79: {  	_ = 	snop  }
0x7a: {  	[tilespmem:s24], [sflag:$0x2] =	stream.indirect.gather [hbm4b:s5+s13], $0x20, s22, s13, $0xb8;
	[tilespmem:$0xC600] =	vst v63  }
0x7b: {  	_ = 	snop  }
0x7c: {  	[tilespmem:s26], [sflag:$0x2] =	stream.indirect.gather [hbm4b:s5+s13], $0x20, s25, s13, $0xb8;
	[tilespmem:$0xC600] =	vst v63  }
0x7d: {  	_ = 	snop  }
0x7e: {  	[tilespmem:s29], [sflag:$0x2] =	stream.indirect.gather [hbm4b:s5+s13], $0x20, s28, s13, $0xb8;
	[tilespmem:$0xC600] =	vst v63  }
0x7f: {  	_ = 	snop  }
0x80: {  	[tilespmem:s31], [sflag:$0x2] =	stream.indirect.gather [hbm4b:s5+s13], $0x20, s30, s13, $0xb8;
	[tilespmem:$0xC600] =	vst v63  }
0x81: {  	_ =	swait.ge [sflag:s0], $0x1000  }
0x82: {  	[sflag:s0] =	ssyncset.done $0x0  }
0x83: {  	[sflag:s0] =	ssyncadd.s32 $0xFFFFF000  }
0x84: {  	_ =	swait.ge [sflag:s0], $0x1000  }
0x85: {  	[sflag:s0] =	ssyncset.done $0x0  }
0x86: {  	[sflag:s0] =	ssyncadd.s32 $0xFFFFF000  }
0x87: {  	_ =	swait.ge [sflag:s0], $0x1000  }
0x88: {  	[sflag:s0] =	ssyncset.done $0x0  }
0x89: {  	[sflag:s0] =	ssyncadd.s32 $0xFFFFF000  }
0x8a: {  	_ =	swait.ge [sflag:s0], $0x1000  }
0x8b: {  	[sflag:s0] =	ssyncset.done $0x0  }
0x8c: {  	[sflag:s0] =	ssyncadd.s32 $0xFFFFF000  }
0x8d: {  	_ =	swait.ge [sflag:s0], $0x1000  }
0x8e: {  	p0 =	seq.s32 s10, $0x0;
	[sflag:s0] =	ssyncset.done $0x0  }
0x8f: {  	s16 =	simm.s32 @!p0 $0x3;
	[sflag:s0] =	ssyncadd.s32 $0xFFFFF000  }
0x90: {  	_ =	swait.ge @!p0 [sflag:s16], $0x1000  }
0x91: {  	s17 =	simm.s32 $0xA500;
	[sflag:s16] =	ssyncset.done @!p0 $0x0  }
0x92: {  	s18 =	simm.s32 $0x2900;
	[sflag:s16] =	ssyncadd.s32 @!p0 $0xFFFFF000;
	s16 =	simm.s32 $0x0  }
.LBB2_3:
0x93: {  	v2 =	vld [tilespmem:s18+$0xFFFFFC00]  }
0x94: {  	v3 =	vld [tilespmem:s18+$0xFFFFFC20]  }
0x95: {  	v4 =	vld [tilespmem:s18+$0xFFFFFC40]  }
0x96: {  	v5 =	vld [tilespmem:s18+$0xFFFFFC60];
	_ =	sdelay $0x1  }
0x97: {  	v1 =	vld [tilespmem:s17+$0x0];
	_ =	sdelay $0x2  }
0x98: {  	s19 =	sshra.s32 s16, $0x2;
	v2 =	vadd.f32 v3, v2;
	v3 =	vadd.f32 v5, v4  }
0x99: {  	v53 =	vld [tilespmem:s19+$0x500]  }
0x9a: {  	v2 =	vadd.f32 v3, v2;
	v3 =	vbroadcast v1, $0x0;
	_ =	sdelay $0x1  }
0x9b: {  	v2 =	vmul.f32 v2, v3;
	_ =	sdelay $0x1  }
0x9c: {  	v2 =	vadd.f32 v2, v53;
	_ =	sdelay $0x1  }
0x9d: {  	[tilespmem:s19+$0xA600] =	vst v2  }
0x9e: {  	v2 =	vld [tilespmem:s18+$0xFFFFFC10]  }
0x9f: {  	v54 =	vld [tilespmem:s18+$0xFFFFFC30]  }
0xa0: {  	v55 =	vld [tilespmem:s18+$0xFFFFFC50]  }
0xa1: {  	v6 =	vld [tilespmem:s18+$0xFFFFFC70];
	_ =	sdelay $0x4  }
0xa2: {  	v2 =	vadd.f32 v54, v2;
	v56 =	vadd.f32 v6, v55  }
0xa3: {  	v57 =	vld [tilespmem:s19+$0x510]  }
0xa4: {  	v2 =	vadd.f32 v56, v2;
	_ =	sdelay $0x1  }
0xa5: {  	v2 =	vmul.f32 v2, v3;
	_ =	sdelay $0x1  }
0xa6: {  	v2 =	vadd.f32 v2, v57;
	_ =	sdelay $0x1  }
0xa7: {  	[tilespmem:s19+$0xA610] =	vst v2  }
0xa8: {  	v2 =	vld [tilespmem:s18+$0xFFFFFC80]  }
0xa9: {  	v3 =	vld [tilespmem:s18+$0xFFFFFCA0]  }
0xaa: {  	v58 =	vld [tilespmem:s18+$0xFFFFFCC0]  }
0xab: {  	v59 =	vld [tilespmem:s18+$0xFFFFFCE0];
	_ =	sdelay $0x4  }
0xac: {  	v2 =	vadd.f32 v3, v2;
	v3 =	vadd.f32 v59, v58  }
0xad: {  	v60 =	vld [tilespmem:s19+$0x520]  }
0xae: {  	v2 =	vadd.f32 v3, v2;
	v3 =	vbroadcast v1, $0x1;
	_ =	sdelay $0x1  }
0xaf: {  	v2 =	vmul.f32 v2, v3;
	_ =	sdelay $0x1  }
0xb0: {  	v2 =	vadd.f32 v2, v60;
	_ =	sdelay $0x1  }
0xb1: {  	[tilespmem:s19+$0xA620] =	vst v2  }
0xb2: {  	v2 =	vld [tilespmem:s18+$0xFFFFFC90]  }
0xb3: {  	v61 =	vld [tilespmem:s18+$0xFFFFFCB0]  }
0xb4: {  	v62 =	vld [tilespmem:s18+$0xFFFFFCD0]  }
0xb5: {  	v63 =	vld [tilespmem:s18+$0xFFFFFCF0];
	_ =	sdelay $0x4  }
0xb6: {  	v2 =	vadd.f32 v61, v2;
	v8 =	vadd.f32 v63, v62  }
0xb7: {  	v9 =	vld [tilespmem:s19+$0x530]  }
0xb8: {  	v2 =	vadd.f32 v8, v2;
	_ =	sdelay $0x1  }
0xb9: {  	v2 =	vmul.f32 v2, v3;
	_ =	sdelay $0x1  }
0xba: {  	v2 =	vadd.f32 v2, v9;
	_ =	sdelay $0x1  }
0xbb: {  	[tilespmem:s19+$0xA630] =	vst v2  }
0xbc: {  	v2 =	vld [tilespmem:s18+$0xFFFFFD00]  }
0xbd: {  	v3 =	vld [tilespmem:s18+$0xFFFFFD20]  }
0xbe: {  	v10 =	vld [tilespmem:s18+$0xFFFFFD40]  }
0xbf: {  	v11 =	vld [tilespmem:s18+$0xFFFFFD60];
	_ =	sdelay $0x4  }
0xc0: {  	v2 =	vadd.f32 v3, v2;
	v3 =	vadd.f32 v11, v10  }
0xc1: {  	v12 =	vld [tilespmem:s19+$0x540]  }
0xc2: {  	v2 =	vadd.f32 v3, v2;
	v3 =	vbroadcast v1, $0x2;
	_ =	sdelay $0x1  }
0xc3: {  	v2 =	vmul.f32 v2, v3;
	_ =	sdelay $0x1  }
0xc4: {  	v2 =	vadd.f32 v2, v12;
	_ =	sdelay $0x1  }
0xc5: {  	[tilespmem:s19+$0xA640] =	vst v2  }
0xc6: {  	v2 =	vld [tilespmem:s18+$0xFFFFFD10]  }
0xc7: {  	v13 =	vld [tilespmem:s18+$0xFFFFFD30]  }
0xc8: {  	v14 =	vld [tilespmem:s18+$0xFFFFFD50]  }
0xc9: {  	v15 =	vld [tilespmem:s18+$0xFFFFFD70];
	_ =	sdelay $0x4  }
0xca: {  	v2 =	vadd.f32 v13, v2;
	v16 =	vadd.f32 v15, v14  }
0xcb: {  	v17 =	vld [tilespmem:s19+$0x550]  }
0xcc: {  	v2 =	vadd.f32 v16, v2;
	_ =	sdelay $0x1  }
0xcd: {  	v2 =	vmul.f32 v2, v3;
	_ =	sdelay $0x1  }
0xce: {  	v2 =	vadd.f32 v2, v17;
	_ =	sdelay $0x1  }
0xcf: {  	[tilespmem:s19+$0xA650] =	vst v2  }
0xd0: {  	v2 =	vld [tilespmem:s18+$0xFFFFFD80]  }
0xd1: {  	v3 =	vld [tilespmem:s18+$0xFFFFFDA0]  }
0xd2: {  	v18 =	vld [tilespmem:s18+$0xFFFFFDC0]  }
0xd3: {  	v19 =	vld [tilespmem:s18+$0xFFFFFDE0];
	_ =	sdelay $0x4  }
0xd4: {  	v2 =	vadd.f32 v3, v2;
	v3 =	vadd.f32 v19, v18  }
0xd5: {  	v20 =	vld [tilespmem:s19+$0x560]  }
0xd6: {  	v2 =	vadd.f32 v3, v2;
	v3 =	vbroadcast v1, $0x3;
	_ =	sdelay $0x1  }
0xd7: {  	v2 =	vmul.f32 v2, v3;
	_ =	sdelay $0x1  }
0xd8: {  	v2 =	vadd.f32 v2, v20;
	_ =	sdelay $0x1  }
0xd9: {  	[tilespmem:s19+$0xA660] =	vst v2  }
0xda: {  	v2 =	vld [tilespmem:s18+$0xFFFFFD90]  }
0xdb: {  	v21 =	vld [tilespmem:s18+$0xFFFFFDB0]  }
0xdc: {  	v22 =	vld [tilespmem:s18+$0xFFFFFDD0]  }
0xdd: {  	v23 =	vld [tilespmem:s18+$0xFFFFFDF0];
	_ =	sdelay $0x4  }
0xde: {  	v2 =	vadd.f32 v21, v2;
	v24 =	vadd.f32 v23, v22  }
0xdf: {  	v25 =	vld [tilespmem:s19+$0x570]  }
0xe0: {  	v2 =	vadd.f32 v24, v2;
	_ =	sdelay $0x1  }
0xe1: {  	v2 =	vmul.f32 v2, v3;
	_ =	sdelay $0x1  }
0xe2: {  	v2 =	vadd.f32 v2, v25;
	_ =	sdelay $0x1  }
0xe3: {  	[tilespmem:s19+$0xA670] =	vst v2  }
0xe4: {  	v2 =	vld [tilespmem:s18+$0xFFFFFE00]  }
0xe5: {  	v3 =	vld [tilespmem:s18+$0xFFFFFE20]  }
0xe6: {  	v26 =	vld [tilespmem:s18+$0xFFFFFE40]  }
0xe7: {  	v27 =	vld [tilespmem:s18+$0xFFFFFE60];
	_ =	sdelay $0x4  }
0xe8: {  	v2 =	vadd.f32 v3, v2;
	v3 =	vadd.f32 v27, v26  }
0xe9: {  	v28 =	vld [tilespmem:s19+$0x580]  }
0xea: {  	v2 =	vadd.f32 v3, v2;
	v3 =	vbroadcast v1, $0x4;
	_ =	sdelay $0x1  }
0xeb: {  	v2 =	vmul.f32 v2, v3;
	_ =	sdelay $0x1  }
0xec: {  	v2 =	vadd.f32 v2, v28;
	_ =	sdelay $0x1  }
0xed: {  	[tilespmem:s19+$0xA680] =	vst v2  }
0xee: {  	v2 =	vld [tilespmem:s18+$0xFFFFFE10]  }
0xef: {  	v29 =	vld [tilespmem:s18+$0xFFFFFE30]  }
0xf0: {  	v30 =	vld [tilespmem:s18+$0xFFFFFE50]  }
0xf1: {  	v31 =	vld [tilespmem:s18+$0xFFFFFE70];
	_ =	sdelay $0x4  }
0xf2: {  	v2 =	vadd.f32 v29, v2;
	v32 =	vadd.f32 v31, v30  }
0xf3: {  	v33 =	vld [tilespmem:s19+$0x590]  }
0xf4: {  	v2 =	vadd.f32 v32, v2;
	_ =	sdelay $0x1  }
0xf5: {  	v2 =	vmul.f32 v2, v3;
	_ =	sdelay $0x1  }
0xf6: {  	v2 =	vadd.f32 v2, v33;
	_ =	sdelay $0x1  }
0xf7: {  	[tilespmem:s19+$0xA690] =	vst v2  }
0xf8: {  	v2 =	vld [tilespmem:s18+$0xFFFFFE80]  }
0xf9: {  	v3 =	vld [tilespmem:s18+$0xFFFFFEA0]  }
0xfa: {  	v34 =	vld [tilespmem:s18+$0xFFFFFEC0]  }
0xfb: {  	v35 =	vld [tilespmem:s18+$0xFFFFFEE0];
	_ =	sdelay $0x4  }
0xfc: {  	v2 =	vadd.f32 v3, v2;
	v3 =	vadd.f32 v35, v34  }
0xfd: {  	v36 =	vld [tilespmem:s19+$0x5A0]  }
0xfe: {  	v2 =	vadd.f32 v3, v2;
	v3 =	vbroadcast v1, $0x5;
	_ =	sdelay $0x1  }
0xff: {  	v2 =	vmul.f32 v2, v3;
	_ =	sdelay $0x1  }
0x100: {  	v2 =	vadd.f32 v2, v36;
	_ =	sdelay $0x1  }
0x101: {  	[tilespmem:s19+$0xA6A0] =	vst v2  }
0x102: {  	v2 =	vld [tilespmem:s18+$0xFFFFFE90]  }
0x103: {  	v37 =	vld [tilespmem:s18+$0xFFFFFEB0]  }
0x104: {  	v38 =	vld [tilespmem:s18+$0xFFFFFED0]  }
0x105: {  	v39 =	vld [tilespmem:s18+$0xFFFFFEF0];
	_ =	sdelay $0x4  }
0x106: {  	v2 =	vadd.f32 v37, v2;
	v40 =	vadd.f32 v39, v38  }
0x107: {  	v41 =	vld [tilespmem:s19+$0x5B0]  }
0x108: {  	v2 =	vadd.f32 v40, v2;
	_ =	sdelay $0x1  }
0x109: {  	v2 =	vmul.f32 v2, v3;
	_ =	sdelay $0x1  }
0x10a: {  	v2 =	vadd.f32 v2, v41;
	_ =	sdelay $0x1  }
0x10b: {  	[tilespmem:s19+$0xA6B0] =	vst v2  }
0x10c: {  	v2 =	vld [tilespmem:s18+$0xFFFFFF00]  }
0x10d: {  	v3 =	vld [tilespmem:s18+$0xFFFFFF20]  }
0x10e: {  	v42 =	vld [tilespmem:s18+$0xFFFFFF40]  }
0x10f: {  	v43 =	vld [tilespmem:s18+$0xFFFFFF60];
	_ =	sdelay $0x4  }
0x110: {  	v2 =	vadd.f32 v3, v2;
	v3 =	vadd.f32 v43, v42  }
0x111: {  	v44 =	vld [tilespmem:s19+$0x5C0]  }
0x112: {  	v2 =	vadd.f32 v3, v2;
	v3 =	vbroadcast v1, $0x6;
	_ =	sdelay $0x1  }
0x113: {  	v2 =	vmul.f32 v2, v3;
	_ =	sdelay $0x1  }
0x114: {  	v2 =	vadd.f32 v2, v44;
	_ =	sdelay $0x1  }
0x115: {  	[tilespmem:s19+$0xA6C0] =	vst v2  }
0x116: {  	v2 =	vld [tilespmem:s18+$0xFFFFFF10]  }
0x117: {  	v45 =	vld [tilespmem:s18+$0xFFFFFF30]  }
0x118: {  	v46 =	vld [tilespmem:s18+$0xFFFFFF50]  }
0x119: {  	v47 =	vld [tilespmem:s18+$0xFFFFFF70];
	_ =	sdelay $0x4  }
0x11a: {  	v2 =	vadd.f32 v45, v2;
	v48 =	vadd.f32 v47, v46  }
0x11b: {  	v49 =	vld [tilespmem:s19+$0x5D0]  }
0x11c: {  	v2 =	vadd.f32 v48, v2;
	_ =	sdelay $0x1  }
0x11d: {  	v2 =	vmul.f32 v2, v3;
	_ =	sdelay $0x1  }
0x11e: {  	v2 =	vadd.f32 v2, v49;
	_ =	sdelay $0x1  }
0x11f: {  	[tilespmem:s19+$0xA6D0] =	vst v2  }
0x120: {  	v2 =	vld [tilespmem:s18+$0xFFFFFF80]  }
0x121: {  	v3 =	vld [tilespmem:s18+$0xFFFFFFA0]  }
0x122: {  	v50 =	vld [tilespmem:s18+$0xFFFFFFC0]  }
0x123: {  	v51 =	vld [tilespmem:s18+$0xFFFFFFE0];
	_ =	sdelay $0x4  }
0x124: {  	v2 =	vadd.f32 v3, v2;
	v3 =	vadd.f32 v51, v50  }
0x125: {  	v52 =	vld [tilespmem:s19+$0x5E0]  }
0x126: {  	v2 =	vadd.f32 v3, v2;
	v3 =	vbroadcast v1, $0x7;
	_ =	sdelay $0x1  }
0x127: {  	v2 =	vmul.f32 v2, v3;
	_ =	sdelay $0x1  }
0x128: {  	v2 =	vadd.f32 v2, v52;
	_ =	sdelay $0x1  }
0x129: {  	[tilespmem:s19+$0xA6E0] =	vst v2  }
0x12a: {  	v2 =	vld [tilespmem:s18+$0xFFFFFF90]  }
0x12b: {  	v53 =	vld [tilespmem:s18+$0xFFFFFFB0]  }
0x12c: {  	v54 =	vld [tilespmem:s18+$0xFFFFFFD0]  }
0x12d: {  	v55 =	vld [tilespmem:s18+$0xFFFFFFF0];
	_ =	sdelay $0x4  }
0x12e: {  	v2 =	vadd.f32 v53, v2;
	v56 =	vadd.f32 v55, v54  }
0x12f: {  	v57 =	vld [tilespmem:s19+$0x5F0]  }
0x130: {  	v2 =	vadd.f32 v56, v2;
	_ =	sdelay $0x1  }
0x131: {  	v2 =	vmul.f32 v2, v3;
	_ =	sdelay $0x1  }
0x132: {  	v2 =	vadd.f32 v2, v57;
	_ =	sdelay $0x1  }
0x133: {  	[tilespmem:s19+$0xA6F0] =	vst v2  }
0x134: {  	v2 =	vld [tilespmem:s18+$0x0]  }
0x135: {  	v3 =	vld [tilespmem:s18+$0x20]  }
0x136: {  	v58 =	vld [tilespmem:s18+$0x40]  }
0x137: {  	v59 =	vld [tilespmem:s18+$0x60];
	_ =	sdelay $0x4  }
0x138: {  	v2 =	vadd.f32 v3, v2;
	v3 =	vadd.f32 v59, v58  }
0x139: {  	v60 =	vld [tilespmem:s19+$0x600]  }
0x13a: {  	v2 =	vadd.f32 v3, v2;
	v3 =	vbroadcast v1, $0x8;
	_ =	sdelay $0x1  }
0x13b: {  	v2 =	vmul.f32 v2, v3;
	_ =	sdelay $0x1  }
0x13c: {  	v2 =	vadd.f32 v2, v60;
	_ =	sdelay $0x1  }
0x13d: {  	[tilespmem:s19+$0xA700] =	vst v2  }
0x13e: {  	v2 =	vld [tilespmem:s18+$0x10]  }
0x13f: {  	v61 =	vld [tilespmem:s18+$0x30]  }
0x140: {  	v62 =	vld [tilespmem:s18+$0x50]  }
0x141: {  	v63 =	vld [tilespmem:s18+$0x70];
	_ =	sdelay $0x4  }
0x142: {  	v2 =	vadd.f32 v61, v2;
	v8 =	vadd.f32 v63, v62  }
0x143: {  	v9 =	vld [tilespmem:s19+$0x610]  }
0x144: {  	v2 =	vadd.f32 v8, v2;
	_ =	sdelay $0x1  }
0x145: {  	v2 =	vmul.f32 v2, v3;
	_ =	sdelay $0x1  }
0x146: {  	v2 =	vadd.f32 v2, v9;
	_ =	sdelay $0x1  }
0x147: {  	[tilespmem:s19+$0xA710] =	vst v2  }
0x148: {  	v2 =	vld [tilespmem:s18+$0x80]  }
0x149: {  	v3 =	vld [tilespmem:s18+$0xA0]  }
0x14a: {  	v10 =	vld [tilespmem:s18+$0xC0]  }
0x14b: {  	v11 =	vld [tilespmem:s18+$0xE0];
	_ =	sdelay $0x4  }
0x14c: {  	v2 =	vadd.f32 v3, v2;
	v3 =	vadd.f32 v11, v10  }
0x14d: {  	v12 =	vld [tilespmem:s19+$0x620]  }
0x14e: {  	v2 =	vadd.f32 v3, v2;
	v3 =	vbroadcast v1, $0x9;
	_ =	sdelay $0x1  }
0x14f: {  	v2 =	vmul.f32 v2, v3;
	_ =	sdelay $0x1  }
0x150: {  	v2 =	vadd.f32 v2, v12;
	_ =	sdelay $0x1  }
0x151: {  	[tilespmem:s19+$0xA720] =	vst v2  }
0x152: {  	v2 =	vld [tilespmem:s18+$0x90]  }
0x153: {  	v13 =	vld [tilespmem:s18+$0xB0]  }
0x154: {  	v14 =	vld [tilespmem:s18+$0xD0]  }
0x155: {  	v15 =	vld [tilespmem:s18+$0xF0];
	_ =	sdelay $0x4  }
0x156: {  	v2 =	vadd.f32 v13, v2;
	v16 =	vadd.f32 v15, v14  }
0x157: {  	v17 =	vld [tilespmem:s19+$0x630]  }
0x158: {  	v2 =	vadd.f32 v16, v2;
	_ =	sdelay $0x1  }
0x159: {  	v2 =	vmul.f32 v2, v3;
	_ =	sdelay $0x1  }
0x15a: {  	v2 =	vadd.f32 v2, v17;
	_ =	sdelay $0x1  }
0x15b: {  	[tilespmem:s19+$0xA730] =	vst v2  }
0x15c: {  	v2 =	vld [tilespmem:s18+$0x100]  }
0x15d: {  	v3 =	vld [tilespmem:s18+$0x120]  }
0x15e: {  	v18 =	vld [tilespmem:s18+$0x140]  }
0x15f: {  	v19 =	vld [tilespmem:s18+$0x160];
	_ =	sdelay $0x4  }
0x160: {  	v2 =	vadd.f32 v3, v2;
	v3 =	vadd.f32 v19, v18  }
0x161: {  	v20 =	vld [tilespmem:s19+$0x640]  }
0x162: {  	v2 =	vadd.f32 v3, v2;
	v3 =	vbroadcast v1, $0xA;
	_ =	sdelay $0x1  }
0x163: {  	v2 =	vmul.f32 v2, v3;
	_ =	sdelay $0x1  }
0x164: {  	v2 =	vadd.f32 v2, v20;
	_ =	sdelay $0x1  }
0x165: {  	[tilespmem:s19+$0xA740] =	vst v2  }
0x166: {  	v2 =	vld [tilespmem:s18+$0x110]  }
0x167: {  	v21 =	vld [tilespmem:s18+$0x130]  }
0x168: {  	v22 =	vld [tilespmem:s18+$0x150]  }
0x169: {  	v23 =	vld [tilespmem:s18+$0x170];
	_ =	sdelay $0x4  }
0x16a: {  	v2 =	vadd.f32 v21, v2;
	v24 =	vadd.f32 v23, v22  }
0x16b: {  	v25 =	vld [tilespmem:s19+$0x650]  }
0x16c: {  	v2 =	vadd.f32 v24, v2;
	_ =	sdelay $0x1  }
0x16d: {  	v2 =	vmul.f32 v2, v3;
	_ =	sdelay $0x1  }
0x16e: {  	v2 =	vadd.f32 v2, v25;
	_ =	sdelay $0x1  }
0x16f: {  	[tilespmem:s19+$0xA750] =	vst v2  }
0x170: {  	v2 =	vld [tilespmem:s18+$0x180]  }
0x171: {  	v3 =	vld [tilespmem:s18+$0x1A0]  }
0x172: {  	v26 =	vld [tilespmem:s18+$0x1C0]  }
0x173: {  	v27 =	vld [tilespmem:s18+$0x1E0];
	_ =	sdelay $0x4  }
0x174: {  	v2 =	vadd.f32 v3, v2;
	v3 =	vadd.f32 v27, v26  }
0x175: {  	v28 =	vld [tilespmem:s19+$0x660]  }
0x176: {  	v2 =	vadd.f32 v3, v2;
	v3 =	vbroadcast v1, $0xB;
	_ =	sdelay $0x1  }
0x177: {  	v2 =	vmul.f32 v2, v3;
	_ =	sdelay $0x1  }
0x178: {  	v2 =	vadd.f32 v2, v28;
	_ =	sdelay $0x1  }
0x179: {  	[tilespmem:s19+$0xA760] =	vst v2  }
0x17a: {  	v2 =	vld [tilespmem:s18+$0x190]  }
0x17b: {  	v29 =	vld [tilespmem:s18+$0x1B0]  }
0x17c: {  	v30 =	vld [tilespmem:s18+$0x1D0]  }
0x17d: {  	v31 =	vld [tilespmem:s18+$0x1F0];
	_ =	sdelay $0x4  }
0x17e: {  	v2 =	vadd.f32 v29, v2;
	v32 =	vadd.f32 v31, v30  }
0x17f: {  	v33 =	vld [tilespmem:s19+$0x670]  }
0x180: {  	v2 =	vadd.f32 v32, v2;
	_ =	sdelay $0x1  }
0x181: {  	v2 =	vmul.f32 v2, v3;
	_ =	sdelay $0x1  }
0x182: {  	v2 =	vadd.f32 v2, v33;
	_ =	sdelay $0x1  }
0x183: {  	[tilespmem:s19+$0xA770] =	vst v2  }
0x184: {  	v2 =	vld [tilespmem:s18+$0x200]  }
0x185: {  	v3 =	vld [tilespmem:s18+$0x220]  }
0x186: {  	v34 =	vld [tilespmem:s18+$0x240]  }
0x187: {  	v35 =	vld [tilespmem:s18+$0x260];
	_ =	sdelay $0x4  }
0x188: {  	v2 =	vadd.f32 v3, v2;
	v3 =	vadd.f32 v35, v34  }
0x189: {  	v36 =	vld [tilespmem:s19+$0x680]  }
0x18a: {  	v2 =	vadd.f32 v3, v2;
	v3 =	vbroadcast v1, $0xC;
	_ =	sdelay $0x1  }
0x18b: {  	v2 =	vmul.f32 v2, v3;
	_ =	sdelay $0x1  }
0x18c: {  	v2 =	vadd.f32 v2, v36;
	_ =	sdelay $0x1  }
0x18d: {  	[tilespmem:s19+$0xA780] =	vst v2  }
0x18e: {  	v2 =	vld [tilespmem:s18+$0x210]  }
0x18f: {  	v37 =	vld [tilespmem:s18+$0x230]  }
0x190: {  	v38 =	vld [tilespmem:s18+$0x250]  }
0x191: {  	v39 =	vld [tilespmem:s18+$0x270];
	_ =	sdelay $0x4  }
0x192: {  	v2 =	vadd.f32 v37, v2;
	v40 =	vadd.f32 v39, v38  }
0x193: {  	v41 =	vld [tilespmem:s19+$0x690]  }
0x194: {  	v2 =	vadd.f32 v40, v2;
	_ =	sdelay $0x1  }
0x195: {  	v2 =	vmul.f32 v2, v3;
	_ =	sdelay $0x1  }
0x196: {  	v2 =	vadd.f32 v2, v41;
	_ =	sdelay $0x1  }
0x197: {  	[tilespmem:s19+$0xA790] =	vst v2  }
0x198: {  	v2 =	vld [tilespmem:s18+$0x280]  }
0x199: {  	v3 =	vld [tilespmem:s18+$0x2A0]  }
0x19a: {  	v42 =	vld [tilespmem:s18+$0x2C0]  }
0x19b: {  	v43 =	vld [tilespmem:s18+$0x2E0];
	_ =	sdelay $0x4  }
0x19c: {  	v2 =	vadd.f32 v3, v2;
	v3 =	vadd.f32 v43, v42  }
0x19d: {  	v44 =	vld [tilespmem:s19+$0x6A0]  }
0x19e: {  	v2 =	vadd.f32 v3, v2;
	v3 =	vbroadcast v1, $0xD;
	_ =	sdelay $0x1  }
0x19f: {  	v2 =	vmul.f32 v2, v3;
	_ =	sdelay $0x1  }
0x1a0: {  	v2 =	vadd.f32 v2, v44;
	_ =	sdelay $0x1  }
0x1a1: {  	[tilespmem:s19+$0xA7A0] =	vst v2  }
0x1a2: {  	v2 =	vld [tilespmem:s18+$0x290]  }
0x1a3: {  	v45 =	vld [tilespmem:s18+$0x2B0]  }
0x1a4: {  	v46 =	vld [tilespmem:s18+$0x2D0]  }
0x1a5: {  	v47 =	vld [tilespmem:s18+$0x2F0];
	_ =	sdelay $0x4  }
0x1a6: {  	v2 =	vadd.f32 v45, v2;
	v48 =	vadd.f32 v47, v46  }
0x1a7: {  	v49 =	vld [tilespmem:s19+$0x6B0]  }
0x1a8: {  	v2 =	vadd.f32 v48, v2;
	_ =	sdelay $0x1  }
0x1a9: {  	v2 =	vmul.f32 v2, v3;
	_ =	sdelay $0x1  }
0x1aa: {  	v2 =	vadd.f32 v2, v49;
	_ =	sdelay $0x1  }
0x1ab: {  	[tilespmem:s19+$0xA7B0] =	vst v2  }
0x1ac: {  	v2 =	vld [tilespmem:s18+$0x300]  }
0x1ad: {  	v3 =	vld [tilespmem:s18+$0x320]  }
0x1ae: {  	v50 =	vld [tilespmem:s18+$0x340]  }
0x1af: {  	v51 =	vld [tilespmem:s18+$0x360];
	_ =	sdelay $0x4  }
0x1b0: {  	v2 =	vadd.f32 v3, v2;
	v3 =	vadd.f32 v51, v50  }
0x1b1: {  	v52 =	vld [tilespmem:s19+$0x6C0]  }
0x1b2: {  	v2 =	vadd.f32 v3, v2;
	v3 =	vbroadcast v1, $0xE;
	_ =	sdelay $0x1  }
0x1b3: {  	v2 =	vmul.f32 v2, v3;
	_ =	sdelay $0x1  }
0x1b4: {  	v2 =	vadd.f32 v2, v52;
	_ =	sdelay $0x1  }
0x1b5: {  	[tilespmem:s19+$0xA7C0] =	vst v2  }
0x1b6: {  	v2 =	vld [tilespmem:s18+$0x310]  }
0x1b7: {  	v53 =	vld [tilespmem:s18+$0x330]  }
0x1b8: {  	v54 =	vld [tilespmem:s18+$0x350]  }
0x1b9: {  	v55 =	vld [tilespmem:s18+$0x370];
	_ =	sdelay $0x4  }
0x1ba: {  	v2 =	vadd.f32 v53, v2;
	v56 =	vadd.f32 v55, v54  }
0x1bb: {  	v57 =	vld [tilespmem:s19+$0x6D0]  }
0x1bc: {  	v2 =	vadd.f32 v56, v2;
	_ =	sdelay $0x1  }
0x1bd: {  	v2 =	vmul.f32 v2, v3;
	_ =	sdelay $0x1  }
0x1be: {  	v2 =	vadd.f32 v2, v57;
	_ =	sdelay $0x1  }
0x1bf: {  	[tilespmem:s19+$0xA7D0] =	vst v2  }
0x1c0: {  	v2 =	vld [tilespmem:s18+$0x380]  }
0x1c1: {  	v3 =	vld [tilespmem:s18+$0x3A0]  }
0x1c2: {  	v58 =	vld [tilespmem:s18+$0x3C0]  }
0x1c3: {  	v59 =	vld [tilespmem:s18+$0x3E0];
	_ =	sdelay $0x4  }
0x1c4: {  	v2 =	vadd.f32 v3, v2;
	v3 =	vadd.f32 v59, v58  }
0x1c5: {  	v60 =	vld [tilespmem:s19+$0x6E0]  }
0x1c6: {  	v1 =	vbroadcast v1, $0xF;
	v2 =	vadd.f32 v3, v2;
	_ =	sdelay $0x1  }
0x1c7: {  	v2 =	vmul.f32 v2, v1;
	_ =	sdelay $0x1  }
0x1c8: {  	v2 =	vadd.f32 v2, v60;
	_ =	sdelay $0x1  }
0x1c9: {  	[tilespmem:s19+$0xA7E0] =	vst v2  }
0x1ca: {  	v2 =	vld [tilespmem:s18+$0x390]  }
0x1cb: {  	v3 =	vld [tilespmem:s18+$0x3B0]  }
0x1cc: {  	v61 =	vld [tilespmem:s18+$0x3D0]  }
0x1cd: {  	v62 =	vld [tilespmem:s18+$0x3F0];
	_ =	sdelay $0x4  }
0x1ce: {  	v2 =	vadd.f32 v3, v2;
	v3 =	vadd.f32 v62, v61  }
0x1cf: {  	v63 =	vld [tilespmem:s19+$0x6F0]  }
0x1d0: {  	v2 =	vadd.f32 v3, v2  }
0x1d1: {  	p1 =	sne.s32 s16, $0x3800  }
.Ltmp0:
0x1d2: {  	v1 =	vmul.f32 v2, v1;
	(pc) =	sbr.rel @p1 .LBB2_3-.Ltmp0, $3  }
0x1d3: {  	_ = 	snop  }
0x1d4: {  	v1 =	vadd.f32 v1, v63;
	_ =	sdelay $0x1  }
0x1d5: {  	s17 =	sadd.s32 $0x10, s17;
	s16 =	sadd.s32 $0x800, s16;
	s18 =	sadd.s32 $0x800, s18;
	[tilespmem:s19+$0xA7F0] =	vst v1  }
0x1d6: {  	p1 =	seq.s32 s10, $0x1F  }
.Ltmp1:
0x1d7: {  	_ = 	snop;
	(pc) =	sbr.rel @p1 .LBB2_6-.Ltmp1, $4  }
0x1d8: {  	_ = 	snop  }
0x1d9: {  	s16 =	sshll.u32 s15, $0x9  }
0x1da: {  	s16 =	sadd.s32 s2, s16  }
0x1db: {  	[hbm4b:s16+s3] =	stream.linear.scatter [tilespmem:s4], [sflag:$0x3], $0x1000, $0x38;
	[tilespmem:$0xC600] =	vst v63  }
0x1dc: {  	s15 =	sadd.s32 $0x2, s15  }
0x1dd: {  	s16 =	sshll.u32 s15, $0x4  }
0x1de: {  	s16 =	sand.u32 $0x1FFFFFE0, s16  }
0x1df: {  	s16 =	sadd.s32 s1, s16  }
0x1e0: {  	[tilespmem:s3], [sflag:$0x5] =	stream.linear.gather [hbm4b:s16+s3], $0x80, $0x38;
	[tilespmem:$0xC600] =	vst v63  }
0x1e1: {  	s15 =	sshll.u32 s15, $0x6;
	_ =	swait.ge [sflag:s11], $0x80  }
0x1e2: {  	s15 =	sand.u32 $0x1FFFFF80, s15;
	[sflag:s11] =	ssyncset.done $0x0  }
0x1e3: {  	s15 =	sadd.s32 s6, s15;
	[sflag:s11] =	ssyncadd.s32 $0xFFFFFF80  }
0x1e4: {  	[tilespmem:s12], [sflag:$0x5] =	stream.linear.gather [hbm4b:s15+s3], $0x200, $0x38;
	[tilespmem:$0xC600] =	vst v63  }
0x1e5: {  	_ =	swait.ge [sflag:s11], $0x200  }
0x1e6: {  	[sflag:s11] =	ssyncset.done $0x0  }
0x1e7: {  	[sflag:s11] =	ssyncadd.s32 $0xFFFFFE00  }
0x1e8: {  	v1 =	vld [tilespmem:$0x0];
	_ =	sdelay $0x1  }
0x1e9: {  	v2 =	vld [tilespmem:$0x10];
	_ =	sdelay $0x1  }
0x1ea: {  	v3 =	vld [tilespmem:$0x20]  }
0x1eb: {  	v1 =	vmax.u32 v1, $0x1  }
0x1ec: {  	v5 =	vld [tilespmem:$0x40];
	vm0 =	vgt.s32 v1, $0x1  }
0x1ed: {  	v7 =	vld [tilespmem:$0x50];
	v2 =	vmax.u32 v2, $0x1;
	v4 =	vsel vm0, $0xFFFFFFFF, v0  }
0x1ee: {  	vm9 =	vgt.s32 v2, $0x1;
	v1 =	vadd.s32 v4, v1  }
0x1ef: {  	v57 =	vld [tilespmem:$0x70];
	v3 =	vmax.u32 v3, $0x1;
	v54 =	vsel vm9, $0xFFFFFFFF, v0;
	v1 =	vcvt.s32.f32 v1  }
0x1f0: {  	v55 =	vld [tilespmem:$0x30];
	vm10 =	vgt.s32 v3, $0x1;
	v2 =	vadd.s32 v54, v2  }
0x1f1: {  	v6 =	vsel vm10, $0xFFFFFFFF, v0;
	v2 =	vcvt.s32.f32 v2;
	v1 =	vadd.f32 $9.999999710e-10, v1  }
0x1f2: {  	v56 =	vmax.u32 v5, $0x1;
	v7 =	vmax.u32 v7, $0x1;
	v3 =	vadd.s32 v6, v3  }
0x1f3: {  	v2 =	vadd.f32 $9.999999710e-10, v2;
	(erf) = vrcp.f32 v1;
	v1 =	vcvt.s32.f32 v3;
	v3 =	vld [tilespmem:$0x60]  }
0x1f4: {  	v5 =	vmax.u32 v57, $0x1;
	vm12 =	vgt.s32 v56, $0x1;
	vm13 =	vgt.s32 v7, $0x1  }
0x1f5: {  	(erf) = vrcp.f32 v2;
	v2 =	vmax.u32 v55, $0x1;
	v1 =	vadd.f32 $9.999999710e-10, v1  }
0x1f6: {  	vm15 =	vgt.s32 v5, $0x1;
	v59 =	vsel vm13, $0xFFFFFFFF, v0;
	vm11 =	vgt.s32 v2, $0x1  }
0x1f7: {  	v62 =	vsel vm15, $0xFFFFFFFF, v0;
	v58 =	vsel vm11, $0xFFFFFFFF, v0;
	(erf) = vrcp.f32 v1  }
0x1f8: {  	v1 =	vsel vm12, $0xFFFFFFFF, v0;
	v2 =	vadd.s32 v58, v2;
	v3 =	vmax.u32 v3, $0x1  }
0x1f9: {  	v1 =	vadd.s32 v1, v56;
	v2 =	vcvt.s32.f32 v2;
	vm14 =	vgt.s32 v3, $0x1  }
0x1fa: {  	v60 =	vadd.s32 v59, v7;
	v1 =	vcvt.s32.f32 v1;
	v61 =	vsel vm14, $0xFFFFFFFF, v0  }
0x1fb: {  	v4 =	vcvt.s32.f32 v60;
	v2 =	vadd.f32 $9.999999710e-10, v2;
	v3 =	vadd.s32 v61, v3  }
0x1fc: {  	v5 =	vadd.s32 v62, v5;
	v1 =	vadd.f32 $9.999999710e-10, v1;
	v3 =	vcvt.s32.f32 v3  }
0x1fd: {  	v63 =	vcvt.s32.f32 v5;
	(erf) = vrcp.f32 v2;
	v2 =	vadd.f32 $9.999999710e-10, v4  }
0x1fe: {  	(erf) = vrcp.f32 v1;
	v1 =	vadd.f32 $9.999999710e-10, v3  }
0x1ff: {  	(erf) = vrcp.f32 v2;
	v2 =	vadd.f32 $9.999999710e-10, v63  }
0x200: {  	(erf) = vrcp.f32 v1  }
0x201: {  	(erf) = vrcp.f32 v2;
	_ =	sdelay $0x1  }
0x202: {  	v1 =	vpop (erf)  }
0x203: {  	v2 =	vpop (erf);
	[tilespmem:$0xA500] =	vst v1  }
0x204: {  	v1 =	vpop (erf);
	[tilespmem:$0xA510] =	vst v2  }
0x205: {  	v2 =	vpop (erf);
	[tilespmem:$0xA520] =	vst v1  }
0x206: {  	v1 =	vpop (erf);
	[tilespmem:$0xA530] =	vst v2  }
0x207: {  	v2 =	vpop (erf);
	[tilespmem:$0xA540] =	vst v1  }
0x208: {  	[tilespmem:$0xA550] =	vst v2;
	v1 =	vpop (erf)  }
0x209: {  	[tilespmem:$0xA560] =	vst v1;
	v1 =	vpop (erf)  }
0x20a: {  	s18 =	simm.s32 $0x500;
	[tilespmem:$0xA570] =	vst v1  }
0x20b: {  	[tilespmem:s18], [sflag:$0x1] =	stream.indirect.gather [hbm4b:s5+s13], $0x20, s3, s13, $0xb8;
	[tilespmem:$0xC600] =	vst v63  }
0x20c: {  	s19 =	simm.s32 $0x2500  }
0x20d: {  	[tilespmem:s19], [sflag:$0x1] =	stream.indirect.gather [hbm4b:s5+s13], $0x20, s12, s13, $0xb8;
	[tilespmem:$0xC600] =	vst v63  }
0x20e: {  	s17 =	simm.s32 $0x3500;
	s16 =	simm.s32 $0x180  }
0x20f: {  	[tilespmem:s17], [sflag:$0x1] =	stream.indirect.gather [hbm4b:s5+s13], $0x20, s16, s13, $0xb8;
	[tilespmem:$0xC600] =	vst v63  }
0x210: {  	s18 =	simm.s32 $0x200;
	s19 =	simm.s32 $0x4500  }
0x211: {  	[tilespmem:s19], [sflag:$0x1] =	stream.indirect.gather [hbm4b:s5+s13], $0x20, s18, s13, $0xb8;
	[tilespmem:$0xC600] =	vst v63  }
0x212: {  	_ = 	snop  }
0x213: {  	[tilespmem:s21], [sflag:$0x1] =	stream.indirect.gather [hbm4b:s5+s13], $0x20, s20, s13, $0xb8;
	[tilespmem:$0xC600] =	vst v63  }
.LBB2_6:
0x214: {  	_ =	swait.ge [sflag:s8], $0x1000  }
0x215: {  	[sflag:s8] =	ssyncset.done $0x0  }
0x216: {  	[sflag:s8] =	ssyncadd.s32 $0xFFFFF000  }
0x217: {  	_ =	swait.ge [sflag:s8], $0x1000  }
0x218: {  	[sflag:s8] =	ssyncset.done $0x0  }
0x219: {  	[sflag:s8] =	ssyncadd.s32 $0xFFFFF000  }
0x21a: {  	_ =	swait.ge [sflag:s8], $0x1000  }
0x21b: {  	[sflag:s8] =	ssyncset.done $0x0  }
0x21c: {  	[sflag:s8] =	ssyncadd.s32 $0xFFFFF000  }
0x21d: {  	_ =	swait.ge [sflag:s8], $0x1000  }
0x21e: {  	[sflag:s8] =	ssyncset.done $0x0  }
0x21f: {  	[sflag:s8] =	ssyncadd.s32 $0xFFFFF000  }
0x220: {  	_ =	swait.ge [sflag:s8], $0x1000  }
0x221: {  	[sflag:s8] =	ssyncset.done $0x0  }
0x222: {  	s15 =	simm.s32 @!p0 $0x4;
	[sflag:s8] =	ssyncadd.s32 $0xFFFFF000  }
0x223: {  	_ =	swait.ge @!p0 [sflag:s15], $0x1000  }
0x224: {  	s16 =	simm.s32 $0xA580;
	[sflag:s15] =	ssyncset.done @!p0 $0x0  }
0x225: {  	s17 =	simm.s32 $0x6900;
	[sflag:s15] =	ssyncadd.s32 @!p0 $0xFFFFF000;
	s15 =	simm.s32 $0x0  }
.LBB2_7:
0x226: {  	v2 =	vld [tilespmem:s17+$0xFFFFFC00]  }
0x227: {  	v3 =	vld [tilespmem:s17+$0xFFFFFC20]  }
0x228: {  	v4 =	vld [tilespmem:s17+$0xFFFFFC40]  }
0x229: {  	v5 =	vld [tilespmem:s17+$0xFFFFFC60];
	_ =	sdelay $0x1  }
0x22a: {  	v1 =	vld [tilespmem:s16+$0x0];
	_ =	sdelay $0x2  }
0x22b: {  	s18 =	sshra.s32 s15, $0x2;
	v2 =	vadd.f32 v3, v2;
	v3 =	vadd.f32 v5, v4  }
0x22c: {  	v53 =	vld [tilespmem:s18+$0x1500]  }
0x22d: {  	v2 =	vadd.f32 v3, v2;
	v3 =	vbroadcast v1, $0x0;
	_ =	sdelay $0x1  }
0x22e: {  	v2 =	vmul.f32 v2, v3;
	_ =	sdelay $0x1  }
0x22f: {  	v2 =	vadd.f32 v2, v53;
	_ =	sdelay $0x1  }
0x230: {  	[tilespmem:s18+$0xB600] =	vst v2  }
0x231: {  	v2 =	vld [tilespmem:s17+$0xFFFFFC10]  }
0x232: {  	v54 =	vld [tilespmem:s17+$0xFFFFFC30]  }
0x233: {  	v55 =	vld [tilespmem:s17+$0xFFFFFC50]  }
0x234: {  	v6 =	vld [tilespmem:s17+$0xFFFFFC70];
	_ =	sdelay $0x4  }
0x235: {  	v2 =	vadd.f32 v54, v2;
	v56 =	vadd.f32 v6, v55  }
0x236: {  	v57 =	vld [tilespmem:s18+$0x1510]  }
0x237: {  	v2 =	vadd.f32 v56, v2;
	_ =	sdelay $0x1  }
0x238: {  	v2 =	vmul.f32 v2, v3;
	_ =	sdelay $0x1  }
0x239: {  	v2 =	vadd.f32 v2, v57;
	_ =	sdelay $0x1  }
0x23a: {  	[tilespmem:s18+$0xB610] =	vst v2  }
0x23b: {  	v2 =	vld [tilespmem:s17+$0xFFFFFC80]  }
0x23c: {  	v3 =	vld [tilespmem:s17+$0xFFFFFCA0]  }
0x23d: {  	v58 =	vld [tilespmem:s17+$0xFFFFFCC0]  }
0x23e: {  	v59 =	vld [tilespmem:s17+$0xFFFFFCE0];
	_ =	sdelay $0x4  }
0x23f: {  	v2 =	vadd.f32 v3, v2;
	v3 =	vadd.f32 v59, v58  }
0x240: {  	v60 =	vld [tilespmem:s18+$0x1520]  }
0x241: {  	v2 =	vadd.f32 v3, v2;
	v3 =	vbroadcast v1, $0x1;
	_ =	sdelay $0x1  }
0x242: {  	v2 =	vmul.f32 v2, v3;
	_ =	sdelay $0x1  }
0x243: {  	v2 =	vadd.f32 v2, v60;
	_ =	sdelay $0x1  }
0x244: {  	[tilespmem:s18+$0xB620] =	vst v2  }
0x245: {  	v2 =	vld [tilespmem:s17+$0xFFFFFC90]  }
0x246: {  	v61 =	vld [tilespmem:s17+$0xFFFFFCB0]  }
0x247: {  	v62 =	vld [tilespmem:s17+$0xFFFFFCD0]  }
0x248: {  	v63 =	vld [tilespmem:s17+$0xFFFFFCF0];
	_ =	sdelay $0x4  }
0x249: {  	v2 =	vadd.f32 v61, v2;
	v8 =	vadd.f32 v63, v62  }
0x24a: {  	v9 =	vld [tilespmem:s18+$0x1530]  }
0x24b: {  	v2 =	vadd.f32 v8, v2;
	_ =	sdelay $0x1  }
0x24c: {  	v2 =	vmul.f32 v2, v3;
	_ =	sdelay $0x1  }
0x24d: {  	v2 =	vadd.f32 v2, v9;
	_ =	sdelay $0x1  }
0x24e: {  	[tilespmem:s18+$0xB630] =	vst v2  }
0x24f: {  	v2 =	vld [tilespmem:s17+$0xFFFFFD00]  }
0x250: {  	v3 =	vld [tilespmem:s17+$0xFFFFFD20]  }
0x251: {  	v10 =	vld [tilespmem:s17+$0xFFFFFD40]  }
0x252: {  	v11 =	vld [tilespmem:s17+$0xFFFFFD60];
	_ =	sdelay $0x4  }
0x253: {  	v2 =	vadd.f32 v3, v2;
	v3 =	vadd.f32 v11, v10  }
0x254: {  	v12 =	vld [tilespmem:s18+$0x1540]  }
0x255: {  	v2 =	vadd.f32 v3, v2;
	v3 =	vbroadcast v1, $0x2;
	_ =	sdelay $0x1  }
0x256: {  	v2 =	vmul.f32 v2, v3;
	_ =	sdelay $0x1  }
0x257: {  	v2 =	vadd.f32 v2, v12;
	_ =	sdelay $0x1  }
0x258: {  	[tilespmem:s18+$0xB640] =	vst v2  }
0x259: {  	v2 =	vld [tilespmem:s17+$0xFFFFFD10]  }
0x25a: {  	v13 =	vld [tilespmem:s17+$0xFFFFFD30]  }
0x25b: {  	v14 =	vld [tilespmem:s17+$0xFFFFFD50]  }
0x25c: {  	v15 =	vld [tilespmem:s17+$0xFFFFFD70];
	_ =	sdelay $0x4  }
0x25d: {  	v2 =	vadd.f32 v13, v2;
	v16 =	vadd.f32 v15, v14  }
0x25e: {  	v17 =	vld [tilespmem:s18+$0x1550]  }
0x25f: {  	v2 =	vadd.f32 v16, v2;
	_ =	sdelay $0x1  }
0x260: {  	v2 =	vmul.f32 v2, v3;
	_ =	sdelay $0x1  }
0x261: {  	v2 =	vadd.f32 v2, v17;
	_ =	sdelay $0x1  }
0x262: {  	[tilespmem:s18+$0xB650] =	vst v2  }
0x263: {  	v2 =	vld [tilespmem:s17+$0xFFFFFD80]  }
0x264: {  	v3 =	vld [tilespmem:s17+$0xFFFFFDA0]  }
0x265: {  	v18 =	vld [tilespmem:s17+$0xFFFFFDC0]  }
0x266: {  	v19 =	vld [tilespmem:s17+$0xFFFFFDE0];
	_ =	sdelay $0x4  }
0x267: {  	v2 =	vadd.f32 v3, v2;
	v3 =	vadd.f32 v19, v18  }
0x268: {  	v20 =	vld [tilespmem:s18+$0x1560]  }
0x269: {  	v2 =	vadd.f32 v3, v2;
	v3 =	vbroadcast v1, $0x3;
	_ =	sdelay $0x1  }
0x26a: {  	v2 =	vmul.f32 v2, v3;
	_ =	sdelay $0x1  }
0x26b: {  	v2 =	vadd.f32 v2, v20;
	_ =	sdelay $0x1  }
0x26c: {  	[tilespmem:s18+$0xB660] =	vst v2  }
0x26d: {  	v2 =	vld [tilespmem:s17+$0xFFFFFD90]  }
0x26e: {  	v21 =	vld [tilespmem:s17+$0xFFFFFDB0]  }
0x26f: {  	v22 =	vld [tilespmem:s17+$0xFFFFFDD0]  }
0x270: {  	v23 =	vld [tilespmem:s17+$0xFFFFFDF0];
	_ =	sdelay $0x4  }
0x271: {  	v2 =	vadd.f32 v21, v2;
	v24 =	vadd.f32 v23, v22  }
0x272: {  	v25 =	vld [tilespmem:s18+$0x1570]  }
0x273: {  	v2 =	vadd.f32 v24, v2;
	_ =	sdelay $0x1  }
0x274: {  	v2 =	vmul.f32 v2, v3;
	_ =	sdelay $0x1  }
0x275: {  	v2 =	vadd.f32 v2, v25;
	_ =	sdelay $0x1  }
0x276: {  	[tilespmem:s18+$0xB670] =	vst v2  }
0x277: {  	v2 =	vld [tilespmem:s17+$0xFFFFFE00]  }
0x278: {  	v3 =	vld [tilespmem:s17+$0xFFFFFE20]  }
0x279: {  	v26 =	vld [tilespmem:s17+$0xFFFFFE40]  }
0x27a: {  	v27 =	vld [tilespmem:s17+$0xFFFFFE60];
	_ =	sdelay $0x4  }
0x27b: {  	v2 =	vadd.f32 v3, v2;
	v3 =	vadd.f32 v27, v26  }
0x27c: {  	v28 =	vld [tilespmem:s18+$0x1580]  }
0x27d: {  	v2 =	vadd.f32 v3, v2;
	v3 =	vbroadcast v1, $0x4;
	_ =	sdelay $0x1  }
0x27e: {  	v2 =	vmul.f32 v2, v3;
	_ =	sdelay $0x1  }
0x27f: {  	v2 =	vadd.f32 v2, v28;
	_ =	sdelay $0x1  }
0x280: {  	[tilespmem:s18+$0xB680] =	vst v2  }
0x281: {  	v2 =	vld [tilespmem:s17+$0xFFFFFE10]  }
0x282: {  	v29 =	vld [tilespmem:s17+$0xFFFFFE30]  }
0x283: {  	v30 =	vld [tilespmem:s17+$0xFFFFFE50]  }
0x284: {  	v31 =	vld [tilespmem:s17+$0xFFFFFE70];
	_ =	sdelay $0x4  }
0x285: {  	v2 =	vadd.f32 v29, v2;
	v32 =	vadd.f32 v31, v30  }
0x286: {  	v33 =	vld [tilespmem:s18+$0x1590]  }
0x287: {  	v2 =	vadd.f32 v32, v2;
	_ =	sdelay $0x1  }
0x288: {  	v2 =	vmul.f32 v2, v3;
	_ =	sdelay $0x1  }
0x289: {  	v2 =	vadd.f32 v2, v33;
	_ =	sdelay $0x1  }
0x28a: {  	[tilespmem:s18+$0xB690] =	vst v2  }
0x28b: {  	v2 =	vld [tilespmem:s17+$0xFFFFFE80]  }
0x28c: {  	v3 =	vld [tilespmem:s17+$0xFFFFFEA0]  }
0x28d: {  	v34 =	vld [tilespmem:s17+$0xFFFFFEC0]  }
0x28e: {  	v35 =	vld [tilespmem:s17+$0xFFFFFEE0];
	_ =	sdelay $0x4  }
0x28f: {  	v2 =	vadd.f32 v3, v2;
	v3 =	vadd.f32 v35, v34  }
0x290: {  	v36 =	vld [tilespmem:s18+$0x15A0]  }
0x291: {  	v2 =	vadd.f32 v3, v2;
	v3 =	vbroadcast v1, $0x5;
	_ =	sdelay $0x1  }
0x292: {  	v2 =	vmul.f32 v2, v3;
	_ =	sdelay $0x1  }
0x293: {  	v2 =	vadd.f32 v2, v36;
	_ =	sdelay $0x1  }
0x294: {  	[tilespmem:s18+$0xB6A0] =	vst v2  }
0x295: {  	v2 =	vld [tilespmem:s17+$0xFFFFFE90]  }
0x296: {  	v37 =	vld [tilespmem:s17+$0xFFFFFEB0]  }
0x297: {  	v38 =	vld [tilespmem:s17+$0xFFFFFED0]  }
0x298: {  	v39 =	vld [tilespmem:s17+$0xFFFFFEF0];
	_ =	sdelay $0x4  }
0x299: {  	v2 =	vadd.f32 v37, v2;
	v40 =	vadd.f32 v39, v38  }
0x29a: {  	v41 =	vld [tilespmem:s18+$0x15B0]  }
0x29b: {  	v2 =	vadd.f32 v40, v2;
	_ =	sdelay $0x1  }
0x29c: {  	v2 =	vmul.f32 v2, v3;
	_ =	sdelay $0x1  }
0x29d: {  	v2 =	vadd.f32 v2, v41;
	_ =	sdelay $0x1  }
0x29e: {  	[tilespmem:s18+$0xB6B0] =	vst v2  }
0x29f: {  	v2 =	vld [tilespmem:s17+$0xFFFFFF00]  }
0x2a0: {  	v3 =	vld [tilespmem:s17+$0xFFFFFF20]  }
0x2a1: {  	v42 =	vld [tilespmem:s17+$0xFFFFFF40]  }
0x2a2: {  	v43 =	vld [tilespmem:s17+$0xFFFFFF60];
	_ =	sdelay $0x4  }
0x2a3: {  	v2 =	vadd.f32 v3, v2;
	v3 =	vadd.f32 v43, v42  }
0x2a4: {  	v44 =	vld [tilespmem:s18+$0x15C0]  }
0x2a5: {  	v2 =	vadd.f32 v3, v2;
	v3 =	vbroadcast v1, $0x6;
	_ =	sdelay $0x1  }
0x2a6: {  	v2 =	vmul.f32 v2, v3;
	_ =	sdelay $0x1  }
0x2a7: {  	v2 =	vadd.f32 v2, v44;
	_ =	sdelay $0x1  }
0x2a8: {  	[tilespmem:s18+$0xB6C0] =	vst v2  }
0x2a9: {  	v2 =	vld [tilespmem:s17+$0xFFFFFF10]  }
0x2aa: {  	v45 =	vld [tilespmem:s17+$0xFFFFFF30]  }
0x2ab: {  	v46 =	vld [tilespmem:s17+$0xFFFFFF50]  }
0x2ac: {  	v47 =	vld [tilespmem:s17+$0xFFFFFF70];
	_ =	sdelay $0x4  }
0x2ad: {  	v2 =	vadd.f32 v45, v2;
	v48 =	vadd.f32 v47, v46  }
0x2ae: {  	v49 =	vld [tilespmem:s18+$0x15D0]  }
0x2af: {  	v2 =	vadd.f32 v48, v2;
	_ =	sdelay $0x1  }
0x2b0: {  	v2 =	vmul.f32 v2, v3;
	_ =	sdelay $0x1  }
0x2b1: {  	v2 =	vadd.f32 v2, v49;
	_ =	sdelay $0x1  }
0x2b2: {  	[tilespmem:s18+$0xB6D0] =	vst v2  }
0x2b3: {  	v2 =	vld [tilespmem:s17+$0xFFFFFF80]  }
0x2b4: {  	v3 =	vld [tilespmem:s17+$0xFFFFFFA0]  }
0x2b5: {  	v50 =	vld [tilespmem:s17+$0xFFFFFFC0]  }
0x2b6: {  	v51 =	vld [tilespmem:s17+$0xFFFFFFE0];
	_ =	sdelay $0x4  }
0x2b7: {  	v2 =	vadd.f32 v3, v2;
	v3 =	vadd.f32 v51, v50  }
0x2b8: {  	v52 =	vld [tilespmem:s18+$0x15E0]  }
0x2b9: {  	v2 =	vadd.f32 v3, v2;
	v3 =	vbroadcast v1, $0x7;
	_ =	sdelay $0x1  }
0x2ba: {  	v2 =	vmul.f32 v2, v3;
	_ =	sdelay $0x1  }
0x2bb: {  	v2 =	vadd.f32 v2, v52;
	_ =	sdelay $0x1  }
0x2bc: {  	[tilespmem:s18+$0xB6E0] =	vst v2  }
0x2bd: {  	v2 =	vld [tilespmem:s17+$0xFFFFFF90]  }
0x2be: {  	v53 =	vld [tilespmem:s17+$0xFFFFFFB0]  }
0x2bf: {  	v54 =	vld [tilespmem:s17+$0xFFFFFFD0]  }
0x2c0: {  	v55 =	vld [tilespmem:s17+$0xFFFFFFF0];
	_ =	sdelay $0x4  }
0x2c1: {  	v2 =	vadd.f32 v53, v2;
	v56 =	vadd.f32 v55, v54  }
0x2c2: {  	v57 =	vld [tilespmem:s18+$0x15F0]  }
0x2c3: {  	v2 =	vadd.f32 v56, v2;
	_ =	sdelay $0x1  }
0x2c4: {  	v2 =	vmul.f32 v2, v3;
	_ =	sdelay $0x1  }
0x2c5: {  	v2 =	vadd.f32 v2, v57;
	_ =	sdelay $0x1  }
0x2c6: {  	[tilespmem:s18+$0xB6F0] =	vst v2  }
0x2c7: {  	v2 =	vld [tilespmem:s17+$0x0]  }
0x2c8: {  	v3 =	vld [tilespmem:s17+$0x20]  }
0x2c9: {  	v58 =	vld [tilespmem:s17+$0x40]  }
0x2ca: {  	v59 =	vld [tilespmem:s17+$0x60];
	_ =	sdelay $0x4  }
0x2cb: {  	v2 =	vadd.f32 v3, v2;
	v3 =	vadd.f32 v59, v58  }
0x2cc: {  	v60 =	vld [tilespmem:s18+$0x1600]  }
0x2cd: {  	v2 =	vadd.f32 v3, v2;
	v3 =	vbroadcast v1, $0x8;
	_ =	sdelay $0x1  }
0x2ce: {  	v2 =	vmul.f32 v2, v3;
	_ =	sdelay $0x1  }
0x2cf: {  	v2 =	vadd.f32 v2, v60;
	_ =	sdelay $0x1  }
0x2d0: {  	[tilespmem:s18+$0xB700] =	vst v2  }
0x2d1: {  	v2 =	vld [tilespmem:s17+$0x10]  }
0x2d2: {  	v61 =	vld [tilespmem:s17+$0x30]  }
0x2d3: {  	v62 =	vld [tilespmem:s17+$0x50]  }
0x2d4: {  	v63 =	vld [tilespmem:s17+$0x70];
	_ =	sdelay $0x4  }
0x2d5: {  	v2 =	vadd.f32 v61, v2;
	v8 =	vadd.f32 v63, v62  }
0x2d6: {  	v9 =	vld [tilespmem:s18+$0x1610]  }
0x2d7: {  	v2 =	vadd.f32 v8, v2;
	_ =	sdelay $0x1  }
0x2d8: {  	v2 =	vmul.f32 v2, v3;
	_ =	sdelay $0x1  }
0x2d9: {  	v2 =	vadd.f32 v2, v9;
	_ =	sdelay $0x1  }
0x2da: {  	[tilespmem:s18+$0xB710] =	vst v2  }
0x2db: {  	v2 =	vld [tilespmem:s17+$0x80]  }
0x2dc: {  	v3 =	vld [tilespmem:s17+$0xA0]  }
0x2dd: {  	v10 =	vld [tilespmem:s17+$0xC0]  }
0x2de: {  	v11 =	vld [tilespmem:s17+$0xE0];
	_ =	sdelay $0x4  }
0x2df: {  	v2 =	vadd.f32 v3, v2;
	v3 =	vadd.f32 v11, v10  }
0x2e0: {  	v12 =	vld [tilespmem:s18+$0x1620]  }
0x2e1: {  	v2 =	vadd.f32 v3, v2;
	v3 =	vbroadcast v1, $0x9;
	_ =	sdelay $0x1  }
0x2e2: {  	v2 =	vmul.f32 v2, v3;
	_ =	sdelay $0x1  }
0x2e3: {  	v2 =	vadd.f32 v2, v12;
	_ =	sdelay $0x1  }
0x2e4: {  	[tilespmem:s18+$0xB720] =	vst v2  }
0x2e5: {  	v2 =	vld [tilespmem:s17+$0x90]  }
0x2e6: {  	v13 =	vld [tilespmem:s17+$0xB0]  }
0x2e7: {  	v14 =	vld [tilespmem:s17+$0xD0]  }
0x2e8: {  	v15 =	vld [tilespmem:s17+$0xF0];
	_ =	sdelay $0x4  }
0x2e9: {  	v2 =	vadd.f32 v13, v2;
	v16 =	vadd.f32 v15, v14  }
0x2ea: {  	v17 =	vld [tilespmem:s18+$0x1630]  }
0x2eb: {  	v2 =	vadd.f32 v16, v2;
	_ =	sdelay $0x1  }
0x2ec: {  	v2 =	vmul.f32 v2, v3;
	_ =	sdelay $0x1  }
0x2ed: {  	v2 =	vadd.f32 v2, v17;
	_ =	sdelay $0x1  }
0x2ee: {  	[tilespmem:s18+$0xB730] =	vst v2  }
0x2ef: {  	v2 =	vld [tilespmem:s17+$0x100]  }
0x2f0: {  	v3 =	vld [tilespmem:s17+$0x120]  }
0x2f1: {  	v18 =	vld [tilespmem:s17+$0x140]  }
0x2f2: {  	v19 =	vld [tilespmem:s17+$0x160];
	_ =	sdelay $0x4  }
0x2f3: {  	v2 =	vadd.f32 v3, v2;
	v3 =	vadd.f32 v19, v18  }
0x2f4: {  	v20 =	vld [tilespmem:s18+$0x1640]  }
0x2f5: {  	v2 =	vadd.f32 v3, v2;
	v3 =	vbroadcast v1, $0xA;
	_ =	sdelay $0x1  }
0x2f6: {  	v2 =	vmul.f32 v2, v3;
	_ =	sdelay $0x1  }
0x2f7: {  	v2 =	vadd.f32 v2, v20;
	_ =	sdelay $0x1  }
0x2f8: {  	[tilespmem:s18+$0xB740] =	vst v2  }
0x2f9: {  	v2 =	vld [tilespmem:s17+$0x110]  }
0x2fa: {  	v21 =	vld [tilespmem:s17+$0x130]  }
0x2fb: {  	v22 =	vld [tilespmem:s17+$0x150]  }
0x2fc: {  	v23 =	vld [tilespmem:s17+$0x170];
	_ =	sdelay $0x4  }
0x2fd: {  	v2 =	vadd.f32 v21, v2;
	v24 =	vadd.f32 v23, v22  }
0x2fe: {  	v25 =	vld [tilespmem:s18+$0x1650]  }
0x2ff: {  	v2 =	vadd.f32 v24, v2;
	_ =	sdelay $0x1  }
0x300: {  	v2 =	vmul.f32 v2, v3;
	_ =	sdelay $0x1  }
0x301: {  	v2 =	vadd.f32 v2, v25;
	_ =	sdelay $0x1  }
0x302: {  	[tilespmem:s18+$0xB750] =	vst v2  }
0x303: {  	v2 =	vld [tilespmem:s17+$0x180]  }
0x304: {  	v3 =	vld [tilespmem:s17+$0x1A0]  }
0x305: {  	v26 =	vld [tilespmem:s17+$0x1C0]  }
0x306: {  	v27 =	vld [tilespmem:s17+$0x1E0];
	_ =	sdelay $0x4  }
0x307: {  	v2 =	vadd.f32 v3, v2;
	v3 =	vadd.f32 v27, v26  }
0x308: {  	v28 =	vld [tilespmem:s18+$0x1660]  }
0x309: {  	v2 =	vadd.f32 v3, v2;
	v3 =	vbroadcast v1, $0xB;
	_ =	sdelay $0x1  }
0x30a: {  	v2 =	vmul.f32 v2, v3;
	_ =	sdelay $0x1  }
0x30b: {  	v2 =	vadd.f32 v2, v28;
	_ =	sdelay $0x1  }
0x30c: {  	[tilespmem:s18+$0xB760] =	vst v2  }
0x30d: {  	v2 =	vld [tilespmem:s17+$0x190]  }
0x30e: {  	v29 =	vld [tilespmem:s17+$0x1B0]  }
0x30f: {  	v30 =	vld [tilespmem:s17+$0x1D0]  }
0x310: {  	v31 =	vld [tilespmem:s17+$0x1F0];
	_ =	sdelay $0x4  }
0x311: {  	v2 =	vadd.f32 v29, v2;
	v32 =	vadd.f32 v31, v30  }
0x312: {  	v33 =	vld [tilespmem:s18+$0x1670]  }
0x313: {  	v2 =	vadd.f32 v32, v2;
	_ =	sdelay $0x1  }
0x314: {  	v2 =	vmul.f32 v2, v3;
	_ =	sdelay $0x1  }
0x315: {  	v2 =	vadd.f32 v2, v33;
	_ =	sdelay $0x1  }
0x316: {  	[tilespmem:s18+$0xB770] =	vst v2  }
0x317: {  	v2 =	vld [tilespmem:s17+$0x200]  }
0x318: {  	v3 =	vld [tilespmem:s17+$0x220]  }
0x319: {  	v34 =	vld [tilespmem:s17+$0x240]  }
0x31a: {  	v35 =	vld [tilespmem:s17+$0x260];
	_ =	sdelay $0x4  }
0x31b: {  	v2 =	vadd.f32 v3, v2;
	v3 =	vadd.f32 v35, v34  }
0x31c: {  	v36 =	vld [tilespmem:s18+$0x1680]  }
0x31d: {  	v2 =	vadd.f32 v3, v2;
	v3 =	vbroadcast v1, $0xC;
	_ =	sdelay $0x1  }
0x31e: {  	v2 =	vmul.f32 v2, v3;
	_ =	sdelay $0x1  }
0x31f: {  	v2 =	vadd.f32 v2, v36;
	_ =	sdelay $0x1  }
0x320: {  	[tilespmem:s18+$0xB780] =	vst v2  }
0x321: {  	v2 =	vld [tilespmem:s17+$0x210]  }
0x322: {  	v37 =	vld [tilespmem:s17+$0x230]  }
0x323: {  	v38 =	vld [tilespmem:s17+$0x250]  }
0x324: {  	v39 =	vld [tilespmem:s17+$0x270];
	_ =	sdelay $0x4  }
0x325: {  	v2 =	vadd.f32 v37, v2;
	v40 =	vadd.f32 v39, v38  }
0x326: {  	v41 =	vld [tilespmem:s18+$0x1690]  }
0x327: {  	v2 =	vadd.f32 v40, v2;
	_ =	sdelay $0x1  }
0x328: {  	v2 =	vmul.f32 v2, v3;
	_ =	sdelay $0x1  }
0x329: {  	v2 =	vadd.f32 v2, v41;
	_ =	sdelay $0x1  }
0x32a: {  	[tilespmem:s18+$0xB790] =	vst v2  }
0x32b: {  	v2 =	vld [tilespmem:s17+$0x280]  }
0x32c: {  	v3 =	vld [tilespmem:s17+$0x2A0]  }
0x32d: {  	v42 =	vld [tilespmem:s17+$0x2C0]  }
0x32e: {  	v43 =	vld [tilespmem:s17+$0x2E0];
	_ =	sdelay $0x4  }
0x32f: {  	v2 =	vadd.f32 v3, v2;
	v3 =	vadd.f32 v43, v42  }
0x330: {  	v44 =	vld [tilespmem:s18+$0x16A0]  }
0x331: {  	v2 =	vadd.f32 v3, v2;
	v3 =	vbroadcast v1, $0xD;
	_ =	sdelay $0x1  }
0x332: {  	v2 =	vmul.f32 v2, v3;
	_ =	sdelay $0x1  }
0x333: {  	v2 =	vadd.f32 v2, v44;
	_ =	sdelay $0x1  }
0x334: {  	[tilespmem:s18+$0xB7A0] =	vst v2  }
0x335: {  	v2 =	vld [tilespmem:s17+$0x290]  }
0x336: {  	v45 =	vld [tilespmem:s17+$0x2B0]  }
0x337: {  	v46 =	vld [tilespmem:s17+$0x2D0]  }
0x338: {  	v47 =	vld [tilespmem:s17+$0x2F0];
	_ =	sdelay $0x4  }
0x339: {  	v2 =	vadd.f32 v45, v2;
	v48 =	vadd.f32 v47, v46  }
0x33a: {  	v49 =	vld [tilespmem:s18+$0x16B0]  }
0x33b: {  	v2 =	vadd.f32 v48, v2;
	_ =	sdelay $0x1  }
0x33c: {  	v2 =	vmul.f32 v2, v3;
	_ =	sdelay $0x1  }
0x33d: {  	v2 =	vadd.f32 v2, v49;
	_ =	sdelay $0x1  }
0x33e: {  	[tilespmem:s18+$0xB7B0] =	vst v2  }
0x33f: {  	v2 =	vld [tilespmem:s17+$0x300]  }
0x340: {  	v3 =	vld [tilespmem:s17+$0x320]  }
0x341: {  	v50 =	vld [tilespmem:s17+$0x340]  }
0x342: {  	v51 =	vld [tilespmem:s17+$0x360];
	_ =	sdelay $0x4  }
0x343: {  	v2 =	vadd.f32 v3, v2;
	v3 =	vadd.f32 v51, v50  }
0x344: {  	v52 =	vld [tilespmem:s18+$0x16C0]  }
0x345: {  	v2 =	vadd.f32 v3, v2;
	v3 =	vbroadcast v1, $0xE;
	_ =	sdelay $0x1  }
0x346: {  	v2 =	vmul.f32 v2, v3;
	_ =	sdelay $0x1  }
0x347: {  	v2 =	vadd.f32 v2, v52;
	_ =	sdelay $0x1  }
0x348: {  	[tilespmem:s18+$0xB7C0] =	vst v2  }
0x349: {  	v2 =	vld [tilespmem:s17+$0x310]  }
0x34a: {  	v53 =	vld [tilespmem:s17+$0x330]  }
0x34b: {  	v54 =	vld [tilespmem:s17+$0x350]  }
0x34c: {  	v55 =	vld [tilespmem:s17+$0x370];
	_ =	sdelay $0x4  }
0x34d: {  	v2 =	vadd.f32 v53, v2;
	v56 =	vadd.f32 v55, v54  }
0x34e: {  	v57 =	vld [tilespmem:s18+$0x16D0]  }
0x34f: {  	v2 =	vadd.f32 v56, v2;
	_ =	sdelay $0x1  }
0x350: {  	v2 =	vmul.f32 v2, v3;
	_ =	sdelay $0x1  }
0x351: {  	v2 =	vadd.f32 v2, v57;
	_ =	sdelay $0x1  }
0x352: {  	[tilespmem:s18+$0xB7D0] =	vst v2  }
0x353: {  	v2 =	vld [tilespmem:s17+$0x380]  }
0x354: {  	v3 =	vld [tilespmem:s17+$0x3A0]  }
0x355: {  	v58 =	vld [tilespmem:s17+$0x3C0]  }
0x356: {  	v59 =	vld [tilespmem:s17+$0x3E0];
	_ =	sdelay $0x4  }
0x357: {  	v2 =	vadd.f32 v3, v2;
	v3 =	vadd.f32 v59, v58  }
0x358: {  	v60 =	vld [tilespmem:s18+$0x16E0]  }
0x359: {  	v1 =	vbroadcast v1, $0xF;
	v2 =	vadd.f32 v3, v2;
	_ =	sdelay $0x1  }
0x35a: {  	v2 =	vmul.f32 v2, v1;
	_ =	sdelay $0x1  }
0x35b: {  	v2 =	vadd.f32 v2, v60;
	_ =	sdelay $0x1  }
0x35c: {  	[tilespmem:s18+$0xB7E0] =	vst v2  }
0x35d: {  	v2 =	vld [tilespmem:s17+$0x390]  }
0x35e: {  	v3 =	vld [tilespmem:s17+$0x3B0]  }
0x35f: {  	v61 =	vld [tilespmem:s17+$0x3D0]  }
0x360: {  	v62 =	vld [tilespmem:s17+$0x3F0];
	_ =	sdelay $0x4  }
0x361: {  	v2 =	vadd.f32 v3, v2;
	v3 =	vadd.f32 v62, v61  }
0x362: {  	v63 =	vld [tilespmem:s18+$0x16F0]  }
0x363: {  	v2 =	vadd.f32 v3, v2  }
0x364: {  	p0 =	sne.s32 s15, $0x3800  }
.Ltmp2:
0x365: {  	v1 =	vmul.f32 v2, v1;
	(pc) =	sbr.rel @p0 .LBB2_7-.Ltmp2, $3  }
0x366: {  	_ = 	snop  }
0x367: {  	v1 =	vadd.f32 v1, v63;
	_ =	sdelay $0x1  }
0x368: {  	s16 =	sadd.s32 $0x10, s16;
	s15 =	sadd.s32 $0x800, s15;
	s17 =	sadd.s32 $0x800, s17;
	[tilespmem:s18+$0xB7F0] =	vst v1  }
0x369: {  	s10 =	sadd.s32 $0x1, s10  }
0x36a: {  	p0 =	sne.s32 s10, $0x20  }
.Ltmp3:
0x36b: {  	_ = 	snop;
	(pc) =	sbr.rel @p0 .LBB2_2-.Ltmp3, $4  }
0x36c: {  	s14 =	sshll.u32 s14, $0x9  }
0x36d: {  	s14 =	sand.u32 $0x1FFFFE00, s14  }
0x36e: {  	s14 =	sadd.s32 s2, s14  }
0x36f: {  	[hbm4b:s14+s3] =	stream.linear.scatter [tilespmem:s9], [sflag:$0x4], $0x1000, $0x38;
	[tilespmem:$0xC600] =	vst v63  }
0x370: {  	s10 =	simm.s32 $0x3  }
0x371: {  	_ =	swait.ge [sflag:s10], $0x1000  }
0x372: {  	[sflag:s10] =	ssyncset.done $0x0  }
0x373: {  	s14 =	simm.s32 $0x4;
	[sflag:s10] =	ssyncadd.s32 $0xFFFFF000  }
0x374: {  	_ =	swait.ge [sflag:s14], $0x1000  }
0x375: {  	s15 =	rddreg [dreg:$0x7]  }
0x376: {  	s19 =	rddreg [dreg:$0x6];
	s15 =	sadd.s32 $0x1, s15  }
0x377: {  	p0 =	sne.s32 s15, s19  }
.Ltmp4:
0x378: {  	_ = 	snop;
	(pc) =	sbr.rel @p0 .LBB2_1-.Ltmp4, $3  }
0x379: {  	_ =	sdelay $0x1  }
0x37a: {  	[sflag:s14] =	ssyncset.done $0x0  }
0x37b: {  	[sflag:s14] =	ssyncadd.s32 $0xFFFFF000  }
0x37c: {  	_ =	sfence.sel $0x180000  }
0x37d: {  	[bflag:$0x0] =	sbarrier.arrive $0xFFFF  }
0x37e: {  	_ =	strace $0x90000047  }
0x37f: {  	s0 =	stileid.u32;
	[bflag:$0x2] =	sbarrier.arrive $0xFFFF  }
0x380: {  	p0 =	sne.s32 s0, $0x0;
	s0 =	rddreg [dreg:$0x3]  }
0x381: {  	s0 =	sadd.s32 @!p0 $0x100000, s0  }
0x382: {  	[sflag:s0] =	ssyncadd.tile.s32 @!p0 $0x1;
	_ =	shalt  }
.Lfunc_end2:
_tile_overlayer_lowered:
.L_overlay_start_2:
0x383: {  	(tag) =	ssettag $0x2  }
0x384: {  	s0 =	rddreg [dreg:$0x0];
	s2 =	stileid.u32  }
0x385: {  	s1 =	rddreg [dreg:$0x1];
	p0 =	sne.s32 s2, $0x0  }
0x386: {  	s3 =	rddreg [dreg:$0x2];
	[bflag:$0x3] =	sbarrier.arrive $0xFFFF;
	s2 =	simm.s32 @!p0 $0x1C05  }
0x387: {  	[timem:s3], [sflag:s2] =	dma.local @!p0 [hbm:s0], s1  }
0x388: {  	s0 =	simm.s32 @!p0 $0x5  }
0x389: {  	_ =	swait.ge @!p0 [sflag:s0], s1  }
0x38a: {  	s1 =	ssub.s32 @!p0 $0x0, s1;
	[sflag:s0] =	ssyncset.done @!p0 $0x0  }
0x38b: {  	[sflag:s0] =	ssyncadd.s32 @!p0 s1  }
0x38c: {  	[bflag:$0x3] =	sbarrier.arrive $0xFFFF  }
0x38d: {  	_ =	shalt  }

</sc_bundles>
